<compile_context>
chip_gen: v7x
topology: tpu7x:2x2x1
jax: 0.10.2.dev20260603
libtpu: 0.0.44.dev20260713+nightly
codegen_flags: <defaults>
</compile_context>

<pallas_src>
import functools

import numpy as np
import jax
import jax.numpy as jnp
from jax import lax
from jax.experimental import pallas as pl
from jax.experimental.pallas import tpu as pltpu
from jax.experimental.pallas import tpu_sc as plsc

_N, _H, _W, _C = 4, 384, 384, 96
_OH = _OW = 224
_CH = _C // 2
_NTASK = _N * _OH * 2
_NWORK = 32
_TPW = _NTASK // _NWORK
_NJC = _OW // 16


def _axis_tables():
    scale = np.float32(_W / _OW)
    i = np.arange(_OW, dtype=np.float32)
    src = (i + np.float32(0.5)) * scale - np.float32(0.5)
    src = np.maximum(src, np.float32(0.0))
    lo = np.floor(src).astype(np.int32)
    frac = (src - lo.astype(np.float32)).astype(np.float32)
    return lo, frac


def _tables():
    lo, frac = _axis_tables()
    x0_t = lo.copy()
    fx_t = frac.copy()
    t = np.arange(_NTASK, dtype=np.int32)
    i_out = (t // 2) % _OH
    fy_t = np.broadcast_to(frac[i_out][:, None], (_NTASK, 16)).astype(np.float32).reshape(-1).copy()
    return x0_t, fx_t, fy_t


_X0, _FX, _FY = _tables()


def _sc_resize(img3):
    mesh = plsc.VectorSubcoreMesh(core_axis_name="c", subcore_axis_name="s")

    @functools.partial(
        pl.kernel,
        out_type=jax.ShapeDtypeStruct((_NTASK, _CH, _OW), jnp.float32),
        mesh=mesh,
        scratch_types=[
            pltpu.VMEM((_OW,), jnp.int32),
            pltpu.VMEM((_OW,), jnp.float32),
            pltpu.VMEM((_TPW * 16,), jnp.float32),
            pltpu.VMEM((4 * _CH, _W), jnp.float32),
            pltpu.VMEM((2 * _CH, _OW), jnp.float32),
            pltpu.SemaphoreType.DMA,
            pltpu.SemaphoreType.DMA,
            pltpu.SemaphoreType.DMA,
            pltpu.SemaphoreType.DMA,
        ],
        compiler_params=pltpu.CompilerParams(needs_layout_passes=False),
    )
    def run(img_hbm, x0_hbm, fx_hbm, fy_hbm, out_hbm,
            x0_v, fx_v, fy_v, rows_v, out_v, rsem0, rsem1, osem0, osem1):
        wid = lax.axis_index("s") * 2 + lax.axis_index("c")
        base = wid * _TPW
        pltpu.sync_copy(x0_hbm, x0_v)
        pltpu.sync_copy(fx_hbm, fx_v)
        pltpu.sync_copy(fy_hbm.at[pl.ds(base * 16, _TPW * 16)], fy_v)

        rsems = (rsem0, rsem1)
        osems = (osem0, osem1)
        zlane = lax.iota(jnp.int32, 16) * 0

        def out_copy(k, slot):
            return pltpu.make_async_copy(
                out_v.at[pl.ds(slot * _CH, _CH)],
                out_hbm.at[base + k], osems[slot])

        def row_copies(k, slot):
            t = base + k
            ch = lax.rem(t, 2)
            i = lax.rem(lax.div(t, 2), _OH)
            n = lax.div(t, 2 * _OH)
            y0 = lax.div(24 * i + 5, 14)
            s0 = (n * _H + y0) * 2 + ch
            sem = rsems[slot]
            off = slot * 2 * _CH
            return (
                pltpu.make_async_copy(
                    img_hbm.at[s0], rows_v.at[pl.ds(off, _CH)], sem),
                pltpu.make_async_copy(
                    img_hbm.at[s0 + 2],
                    rows_v.at[pl.ds(off + _CH, _CH)], sem),
            )

        def start_rows(k, slot):
            c0, c1 = row_copies(k, slot)
            c0.start()
            c1.start()

        def wait_rows(k, slot):
            c0, c1 = row_copies(k, slot)
            c0.wait()
            c1.wait()

        start_rows(0, 0)

        def task(k2, k, slot):
            @pl.when(k + 1 < _TPW)
            def _():
                start_rows(k + 1, slot ^ 1)
            wait_rows(k, slot)

            @pl.when(k2 >= 1)
            def _():
                out_copy(k - 2, slot).wait()

            rowbase = slot * 2 * _CH
            obase = slot * _CH
            fyv = fy_v[pl.ds(k * 16, 16)]
            colvs = [x0_v[pl.ds(16 * jc, 16)] for jc in range(_NJC)]
            fxvs = [fx_v[pl.ds(16 * jc, 16)] for jc in range(_NJC)]

            @plsc.parallel_loop(0, _CH, unroll=2)
            def cloop(c):
                rowv0 = zlane + (c + rowbase)
                rowv1 = rowv0 + _CH
                for jc in range(_NJC):
                    colv = colvs[jc]
                    colb = colv + 1
                    a0 = plsc.load_gather(rows_v, [rowv0, colv])
                    b0 = plsc.load_gather(rows_v, [rowv0, colb])
                    a1 = plsc.load_gather(rows_v, [rowv1, colv])
                    b1 = plsc.load_gather(rows_v, [rowv1, colb])
                    fxv = fxvs[jc]
                    t0 = a0 + fxv * (b0 - a0)
                    t1 = a1 + fxv * (b1 - a1)
                    out_v[obase + c, pl.ds(16 * jc, 16)] = t0 + fyv * (t1 - t0)

            out_copy(k, slot).start()

        def pair(k2, carry):
            task(k2, 2 * k2, 0)
            task(k2, 2 * k2 + 1, 1)
            return carry

        lax.fori_loop(0, _TPW // 2, pair, 0)
        out_copy(_TPW - 2, 0).wait()
        out_copy(_TPW - 1, 1).wait()

    return run(img3, _X0, _FX, _FY)


def kernel(img):
    img_t = jnp.transpose(img, (0, 1, 3, 2))
    img3 = img_t.reshape(_N * _H, 2, _CH, _W).reshape(_N * _H * 2, _CH, _W)
    out = _sc_resize(img3)
    out_t = out.reshape(_N, _OH, 2, _CH, _OW).reshape(_N, _OH, _C, _OW)
    return jnp.transpose(out_t, (0, 1, 3, 2))

# --- scband reference (transcript-rebuilt; emitter-appended) ---
"""Pipeline reference for scband-bilinear-interpolate-71897752535331 (READ-ONLY COPY).

The authoritative reference and input builder live on the scoring server;
editing this copy changes nothing except your own understanding.
"""

import jax, jax.numpy as jnp
import numpy as np

SIZE = (224, 224)

def setup_inputs(seed: int = 0) -> dict:
    key = jax.random.key(seed)
    img = jax.random.normal(key, (4, 384, 384, 96), dtype=jnp.float32)
    return {"img": img}

def _bilinear(img, size):
    N, H, W, C = img.shape
    x_scale = jnp.float32(W / size[1])
    y_scale = jnp.float32(H / size[0])
    # tf.meshgrid default 'xy' indexing: X,Y each (size[0], size[1]); [::-1] -> [Y, X]
    X, Y = jnp.meshgrid(jnp.arange(size[1]), jnp.arange(size[0]))
    grid = jnp.stack([Y, X], axis=-1).astype(jnp.float32)  # (Ho, Wo, 2), ch0=y, ch1=x
    grid_shape = (size[1], size[0], 2)  # faithful to original (square sizes only)
    flat_grid = grid.reshape(-1, 2)
    flat_grid = jnp.stack([(flat_grid[:, 0] + 0.5) * y_scale - 0.5,
                           (flat_grid[:, 1] + 0.5) * x_scale - 0.5], axis=0)
    flat_grid = jnp.transpose(flat_grid, (1, 0))
    flat_grid = jnp.maximum(flat_grid, 0.0)
    grid = flat_grid.reshape(grid_shape)
    grid_int = jnp.floor(grid).astype(jnp.int32)
    zeros = jnp.zeros((size[0], size[1]), dtype=jnp.int32)
    ymask = (grid_int[..., 0] < W - 1).astype(jnp.int32)
    xmask = (grid_int[..., 1] < H - 1).astype(jnp.int32)
    yoff = jnp.transpose(jnp.stack([ymask, zeros]), (1, 2, 0))
    xoff = jnp.transpose(jnp.stack([zeros, xmask]), (1, 2, 0))
    grid00 = grid_int
    grid01 = grid00 + xoff
    grid10 = grid00 + yoff
    grid11 = grid00 + yoff + xoff
    def gather(g):
        # equivalent of tf.gather_nd with batch index prepended
        return img[:, g[..., 0], g[..., 1], :]
    val00 = gather(grid00)
    val01 = gather(grid01)
    val10 = gather(grid10)
    val11 = gather(grid11)
    l = grid - grid_int.astype(jnp.float32)
    w0 = l[..., 1][..., None]
    w1 = 1.0 - w0
    h0 = l[..., 0][..., None]
    h1 = 1.0 - h0
    return h1 * (w1 * val00 + w0 * val01) + h0 * (w1 * val10 + w0 * val11)

def reference(img):
    return _bilinear(img, SIZE)

if __name__ == "__main__":
    import jax
    _d = setup_inputs()
    print(jax.jit(kernel)(*tuple(_d.values())))

</pallas_src>

<mosaic_0001>
#map = affine_map<(d0, d1) -> (0, 0, 0)>
#map1 = affine_map<(d0, d1) -> (0)>
module attributes {stable_mosaic.version = 14 : i64} {
  func.func @run(%arg0: i32, %arg1: i32, %arg2: memref<3072x48x384xf32, #tpu.memory_space<hbm>>, %arg3: memref<224xi32, #tpu.memory_space<hbm>>, %arg4: memref<224xf32, #tpu.memory_space<hbm>>, %arg5: memref<28672xf32, #tpu.memory_space<hbm>>, %arg6: memref<1792x48x224xf32, #tpu.memory_space<hbm>>, %arg7: memref<224xi32, #tpu.memory_space<vmem>>, %arg8: memref<224xf32, #tpu.memory_space<vmem>>, %arg9: memref<896xf32, #tpu.memory_space<vmem>>, %arg10: memref<192x384xf32, #tpu.memory_space<vmem>>, %arg11: memref<96x224xf32, #tpu.memory_space<vmem>>, %arg12: memref<!tpu.dma_semaphore, #tpu.memory_space<semaphore_mem>>, %arg13: memref<!tpu.dma_semaphore, #tpu.memory_space<semaphore_mem>>, %arg14: memref<!tpu.dma_semaphore, #tpu.memory_space<semaphore_mem>>, %arg15: memref<!tpu.dma_semaphore, #tpu.memory_space<semaphore_mem>>) attributes {dimension_semantics = [#tpu.dimension_semantics<core_parallel>, #tpu.dimension_semantics<subcore_parallel>], iteration_bounds = array<i64: 2, 16>, scalar_prefetch = 0 : i64, scratch_operands = 9 : i64, tpu.core_type = #tpu.core_type<sc_vector_subcore>, window_params = [{transform_indices = #map}, {transform_indices = #map1}, {transform_indices = #map1}, {transform_indices = #map1}, {transform_indices = #map}]} {
    %mul3A = arith.constant 2 : i32
    %mul3A_0 = arith.muli %arg1, %mul3A : i32
    %add3A = arith.addi %mul3A_0, %arg0 : i32
    %mul3A_1 = arith.constant 56 : i32
    %mul3A_2 = arith.muli %add3A, %mul3A_1 : i32
    "tpu.region"() ({
      %run_scoped3A = tpu.sem_alloc : memref<!tpu.dma_semaphore, #tpu.memory_space<semaphore_mem>>
      tpu.enqueue_dma source(%arg3 : memref<224xi32, #tpu.memory_space<hbm>>) target(%arg7 : memref<224xi32, #tpu.memory_space<vmem>>) target_semaphore(%run_scoped3A : memref<!tpu.dma_semaphore, #tpu.memory_space<semaphore_mem>>)
      tpu.wait_dma2 semaphore(%run_scoped3A : memref<!tpu.dma_semaphore, #tpu.memory_space<semaphore_mem>>) src(%arg3 : memref<224xi32, #tpu.memory_space<hbm>>) dst(%arg7 : memref<224xi32, #tpu.memory_space<vmem>>)
      tpu.yield
    }) : () -> ()
    "tpu.region"() ({
      %run_scoped3A = tpu.sem_alloc : memref<!tpu.dma_semaphore, #tpu.memory_space<semaphore_mem>>
      tpu.enqueue_dma source(%arg4 : memref<224xf32, #tpu.memory_space<hbm>>) target(%arg8 : memref<224xf32, #tpu.memory_space<vmem>>) target_semaphore(%run_scoped3A : memref<!tpu.dma_semaphore, #tpu.memory_space<semaphore_mem>>)
      tpu.wait_dma2 semaphore(%run_scoped3A : memref<!tpu.dma_semaphore, #tpu.memory_space<semaphore_mem>>) src(%arg4 : memref<224xf32, #tpu.memory_space<hbm>>) dst(%arg8 : memref<224xf32, #tpu.memory_space<vmem>>)
      tpu.yield
    }) : () -> ()
    %mul3A_3 = arith.constant 16 : i32
    %mul3A_4 = arith.muli %mul3A_2, %mul3A_3 : i32
    "tpu.region"() ({
      %run_scoped3A = tpu.sem_alloc : memref<!tpu.dma_semaphore, #tpu.memory_space<semaphore_mem>>
      %dma_start3A_93 = tpu.memref_slice %arg5[%mul3A_4] : memref<28672xf32, #tpu.memory_space<hbm>> -> memref<896xf32, #tpu.memory_space<hbm>>
      %dma_start3A_94 = tpu.memref_slice %arg5[%mul3A_4] : memref<28672xf32, #tpu.memory_space<hbm>> -> memref<896xf32, #tpu.memory_space<hbm>>
      tpu.enqueue_dma source(%dma_start3A_94 : memref<896xf32, #tpu.memory_space<hbm>>) target(%arg9 : memref<896xf32, #tpu.memory_space<vmem>>) target_semaphore(%run_scoped3A : memref<!tpu.dma_semaphore, #tpu.memory_space<semaphore_mem>>)
      %dma_wait3A_95 = tpu.memref_slice %arg5[%mul3A_4] : memref<28672xf32, #tpu.memory_space<hbm>> -> memref<896xf32, #tpu.memory_space<hbm>>
      %dma_wait3A_96 = tpu.memref_slice %arg5[%mul3A_4] : memref<28672xf32, #tpu.memory_space<hbm>> -> memref<896xf32, #tpu.memory_space<hbm>>
      tpu.wait_dma2 semaphore(%run_scoped3A : memref<!tpu.dma_semaphore, #tpu.memory_space<semaphore_mem>>) src(%dma_wait3A_96 : memref<896xf32, #tpu.memory_space<hbm>>) dst(%arg9 : memref<896xf32, #tpu.memory_space<vmem>>)
      tpu.yield
    }) : () -> ()
    %iota3A = tpu.iota {dimensions = array<i32: 0>} : vector<16xi32>
    %mul3A_5 = arith.constant 0 : i32
    %mul3A_6 = vector.broadcast %mul3A_5 : i32 to vector<16xi32>
    %mul3A_7 = arith.muli %iota3A, %mul3A_6 : vector<16xi32>
    %add3A_8 = arith.constant 0 : i32
    %add3A_9 = arith.addi %mul3A_2, %add3A_8 : i32
    %rem3A = arith.constant 2 : i32
    %rem3A_10 = arith.remsi %add3A_9, %rem3A : i32
    %div3A = arith.constant 2 : i32
    %div3A_11 = arith.divsi %add3A_9, %div3A : i32
    %rem3A_12 = arith.constant 224 : i32
    %rem3A_13 = arith.remsi %div3A_11, %rem3A_12 : i32
    %div3A_14 = arith.constant 448 : i32
    %div3A_15 = arith.divsi %add3A_9, %div3A_14 : i32
    %mul3A_16 = arith.constant 24 : i32
    %mul3A_17 = arith.muli %mul3A_16, %rem3A_13 : i32
    %add3A_18 = arith.constant 5 : i32
    %add3A_19 = arith.addi %mul3A_17, %add3A_18 : i32
    %div3A_20 = arith.constant 14 : i32
    %div3A_21 = arith.divsi %add3A_19, %div3A_20 : i32
    %mul3A_22 = arith.constant 384 : i32
    %mul3A_23 = arith.muli %div3A_15, %mul3A_22 : i32
    %add3A_24 = arith.addi %mul3A_23, %div3A_21 : i32
    %mul3A_25 = arith.constant 2 : i32
    %mul3A_26 = arith.muli %add3A_24, %mul3A_25 : i32
    %add3A_27 = arith.addi %mul3A_26, %rem3A_10 : i32
    %add3A_28 = arith.constant 2 : i32
    %add3A_29 = arith.addi %add3A_27, %add3A_28 : i32
    %dma_start3A = arith.constant 0 : i32
    %dma_start3A_30 = arith.constant 0 : i32
    %dma_start3A_31 = tpu.memref_slice %arg10[%dma_start3A, %dma_start3A_30] : memref<192x384xf32, #tpu.memory_space<vmem>> -> memref<48x384xf32, #tpu.memory_space<vmem>>
    %dma_start3A_32 = arith.constant 0 : i32
    %dma_start3A_33 = arith.constant 0 : i32
    %dma_start3A_34 = tpu.memref_slice %arg2[%add3A_27, %dma_start3A_32, %dma_start3A_33] : memref<3072x48x384xf32, #tpu.memory_space<hbm>> -> memref<1x48x384xf32, #tpu.memory_space<hbm>>
    %dma_start3A_35 = tpu.memref_squeeze %dma_start3A_34 : memref<1x48x384xf32, #tpu.memory_space<hbm>> -> memref<48x384xf32, #tpu.memory_space<hbm>>
    %dma_start3A_36 = arith.constant 0 : i32
    %dma_start3A_37 = arith.constant 0 : i32
    %dma_start3A_38 = tpu.memref_slice %arg10[%dma_start3A_36, %dma_start3A_37] : memref<192x384xf32, #tpu.memory_space<vmem>> -> memref<48x384xf32, #tpu.memory_space<vmem>>
    %dma_start3A_39 = arith.constant 0 : i32
    %dma_start3A_40 = arith.constant 0 : i32
    %dma_start3A_41 = tpu.memref_slice %arg2[%add3A_27, %dma_start3A_39, %dma_start3A_40] : memref<3072x48x384xf32, #tpu.memory_space<hbm>> -> memref<1x48x384xf32, #tpu.memory_space<hbm>>
    %dma_start3A_42 = tpu.memref_squeeze %dma_start3A_41 : memref<1x48x384xf32, #tpu.memory_space<hbm>> -> memref<48x384xf32, #tpu.memory_space<hbm>>
    tpu.enqueue_dma source(%dma_start3A_42 : memref<48x384xf32, #tpu.memory_space<hbm>>) target(%dma_start3A_38 : memref<48x384xf32, #tpu.memory_space<vmem>>) target_semaphore(%arg12 : memref<!tpu.dma_semaphore, #tpu.memory_space<semaphore_mem>>)
    %dma_start3A_43 = arith.constant 48 : i32
    %dma_start3A_44 = arith.constant 0 : i32
    %dma_start3A_45 = tpu.memref_slice %arg10[%dma_start3A_43, %dma_start3A_44] : memref<192x384xf32, #tpu.memory_space<vmem>> -> memref<48x384xf32, #tpu.memory_space<vmem>>
    %dma_start3A_46 = arith.constant 0 : i32
    %dma_start3A_47 = arith.constant 0 : i32
    %dma_start3A_48 = tpu.memref_slice %arg2[%add3A_29, %dma_start3A_46, %dma_start3A_47] : memref<3072x48x384xf32, #tpu.memory_space<hbm>> -> memref<1x48x384xf32, #tpu.memory_space<hbm>>
    %dma_start3A_49 = tpu.memref_squeeze %dma_start3A_48 : memref<1x48x384xf32, #tpu.memory_space<hbm>> -> memref<48x384xf32, #tpu.memory_space<hbm>>
    %dma_start3A_50 = arith.constant 48 : i32
    %dma_start3A_51 = arith.constant 0 : i32
    %dma_start3A_52 = tpu.memref_slice %arg10[%dma_start3A_50, %dma_start3A_51] : memref<192x384xf32, #tpu.memory_space<vmem>> -> memref<48x384xf32, #tpu.memory_space<vmem>>
    %dma_start3A_53 = arith.constant 0 : i32
    %dma_start3A_54 = arith.constant 0 : i32
    %dma_start3A_55 = tpu.memref_slice %arg2[%add3A_29, %dma_start3A_53, %dma_start3A_54] : memref<3072x48x384xf32, #tpu.memory_space<hbm>> -> memref<1x48x384xf32, #tpu.memory_space<hbm>>
    %dma_start3A_56 = tpu.memref_squeeze %dma_start3A_55 : memref<1x48x384xf32, #tpu.memory_space<hbm>> -> memref<48x384xf32, #tpu.memory_space<hbm>>
    tpu.enqueue_dma source(%dma_start3A_56 : memref<48x384xf32, #tpu.memory_space<hbm>>) target(%dma_start3A_52 : memref<48x384xf32, #tpu.memory_space<vmem>>) target_semaphore(%arg12 : memref<!tpu.dma_semaphore, #tpu.memory_space<semaphore_mem>>)
    %scan3A = arith.constant 0 : i32
    %scan3A_57 = arith.constant 0 : i32
    %scan3A_58 = arith.constant 28 : i32
    %scan3A_59 = arith.addi %scan3A_57, %scan3A_58 : i32
    %scan3A_60 = arith.constant 1 : i32
    scf.for %scan3A_93 = %scan3A_57 to %scan3A_59 step %scan3A_60  : i32 {
      %mul3A_94 = arith.constant 2 : i32
      %mul3A_95 = arith.muli %mul3A_94, %scan3A_93 : i32
      %add3A_96 = arith.constant 1 : i32
      %add3A_97 = arith.addi %mul3A_95, %add3A_96 : i32
      %lt3A = arith.constant 56 : i32
      %lt3A_98 = arith.cmpi slt, %add3A_97, %lt3A : i32
      %convert_element_type3A = arith.extui %lt3A_98 : i1 to i32
      %cond3A = arith.constant 0 : i32
      %cond3A_99 = arith.cmpi ne, %convert_element_type3A, %cond3A : i32
      scf.if %cond3A_99 {
        %add3A_376 = arith.constant 1 : i32
        %add3A_377 = arith.addi %mul3A_95, %add3A_376 : i32
        %add3A_378 = arith.addi %mul3A_2, %add3A_377 : i32
        %rem3A_379 = arith.constant 2 : i32
        %rem3A_380 = arith.remsi %add3A_378, %rem3A_379 : i32
        %div3A_381 = arith.constant 2 : i32
        %div3A_382 = arith.divsi %add3A_378, %div3A_381 : i32
        %rem3A_383 = arith.constant 224 : i32
        %rem3A_384 = arith.remsi %div3A_382, %rem3A_383 : i32
        %div3A_385 = arith.constant 448 : i32
        %div3A_386 = arith.divsi %add3A_378, %div3A_385 : i32
        %mul3A_387 = arith.constant 24 : i32
        %mul3A_388 = arith.muli %mul3A_387, %rem3A_384 : i32
        %add3A_389 = arith.constant 5 : i32
        %add3A_390 = arith.addi %mul3A_388, %add3A_389 : i32
        %div3A_391 = arith.constant 14 : i32
        %div3A_392 = arith.divsi %add3A_390, %div3A_391 : i32
        %mul3A_393 = arith.constant 384 : i32
        %mul3A_394 = arith.muli %div3A_386, %mul3A_393 : i32
        %add3A_395 = arith.addi %mul3A_394, %div3A_392 : i32
        %mul3A_396 = arith.constant 2 : i32
        %mul3A_397 = arith.muli %add3A_395, %mul3A_396 : i32
        %add3A_398 = arith.addi %mul3A_397, %rem3A_380 : i32
        %add3A_399 = arith.constant 2 : i32
        %add3A_400 = arith.addi %add3A_398, %add3A_399 : i32
        %dma_start3A_401 = arith.constant 96 : i32
        %dma_start3A_402 = arith.constant 0 : i32
        %dma_start3A_403 = tpu.memref_slice %arg10[%dma_start3A_401, %dma_start3A_402] : memref<192x384xf32, #tpu.memory_space<vmem>> -> memref<48x384xf32, #tpu.memory_space<vmem>>
        %dma_start3A_404 = arith.constant 0 : i32
        %dma_start3A_405 = arith.constant 0 : i32
        %dma_start3A_406 = tpu.memref_slice %arg2[%add3A_398, %dma_start3A_404, %dma_start3A_405] : memref<3072x48x384xf32, #tpu.memory_space<hbm>> -> memref<1x48x384xf32, #tpu.memory_space<hbm>>
        %dma_start3A_407 = tpu.memref_squeeze %dma_start3A_406 : memref<1x48x384xf32, #tpu.memory_space<hbm>> -> memref<48x384xf32, #tpu.memory_space<hbm>>
        %dma_start3A_408 = arith.constant 96 : i32
        %dma_start3A_409 = arith.constant 0 : i32
        %dma_start3A_410 = tpu.memref_slice %arg10[%dma_start3A_408, %dma_start3A_409] : memref<192x384xf32, #tpu.memory_space<vmem>> -> memref<48x384xf32, #tpu.memory_space<vmem>>
        %dma_start3A_411 = arith.constant 0 : i32
        %dma_start3A_412 = arith.constant 0 : i32
        %dma_start3A_413 = tpu.memref_slice %arg2[%add3A_398, %dma_start3A_411, %dma_start3A_412] : memref<3072x48x384xf32, #tpu.memory_space<hbm>> -> memref<1x48x384xf32, #tpu.memory_space<hbm>>
        %dma_start3A_414 = tpu.memref_squeeze %dma_start3A_413 : memref<1x48x384xf32, #tpu.memory_space<hbm>> -> memref<48x384xf32, #tpu.memory_space<hbm>>
        tpu.enqueue_dma source(%dma_start3A_414 : memref<48x384xf32, #tpu.memory_space<hbm>>) target(%dma_start3A_410 : memref<48x384xf32, #tpu.memory_space<vmem>>) target_semaphore(%arg13 : memref<!tpu.dma_semaphore, #tpu.memory_space<semaphore_mem>>)
        %dma_start3A_415 = arith.constant 144 : i32
        %dma_start3A_416 = arith.constant 0 : i32
        %dma_start3A_417 = tpu.memref_slice %arg10[%dma_start3A_415, %dma_start3A_416] : memref<192x384xf32, #tpu.memory_space<vmem>> -> memref<48x384xf32, #tpu.memory_space<vmem>>
        %dma_start3A_418 = arith.constant 0 : i32
        %dma_start3A_419 = arith.constant 0 : i32
        %dma_start3A_420 = tpu.memref_slice %arg2[%add3A_400, %dma_start3A_418, %dma_start3A_419] : memref<3072x48x384xf32, #tpu.memory_space<hbm>> -> memref<1x48x384xf32, #tpu.memory_space<hbm>>
        %dma_start3A_421 = tpu.memref_squeeze %dma_start3A_420 : memref<1x48x384xf32, #tpu.memory_space<hbm>> -> memref<48x384xf32, #tpu.memory_space<hbm>>
        %dma_start3A_422 = arith.constant 144 : i32
        %dma_start3A_423 = arith.constant 0 : i32
        %dma_start3A_424 = tpu.memref_slice %arg10[%dma_start3A_422, %dma_start3A_423] : memref<192x384xf32, #tpu.memory_space<vmem>> -> memref<48x384xf32, #tpu.memory_space<vmem>>
        %dma_start3A_425 = arith.constant 0 : i32
        %dma_start3A_426 = arith.constant 0 : i32
        %dma_start3A_427 = tpu.memref_slice %arg2[%add3A_400, %dma_start3A_425, %dma_start3A_426] : memref<3072x48x384xf32, #tpu.memory_space<hbm>> -> memref<1x48x384xf32, #tpu.memory_space<hbm>>
        %dma_start3A_428 = tpu.memref_squeeze %dma_start3A_427 : memref<1x48x384xf32, #tpu.memory_space<hbm>> -> memref<48x384xf32, #tpu.memory_space<hbm>>
        tpu.enqueue_dma source(%dma_start3A_428 : memref<48x384xf32, #tpu.memory_space<hbm>>) target(%dma_start3A_424 : memref<48x384xf32, #tpu.memory_space<vmem>>) target_semaphore(%arg13 : memref<!tpu.dma_semaphore, #tpu.memory_space<semaphore_mem>>)
      } else {
      }
      %add3A_100 = arith.addi %mul3A_2, %mul3A_95 : i32
      %rem3A_101 = arith.constant 2 : i32
      %rem3A_102 = arith.remsi %add3A_100, %rem3A_101 : i32
      %div3A_103 = arith.constant 2 : i32
      %div3A_104 = arith.divsi %add3A_100, %div3A_103 : i32
      %rem3A_105 = arith.constant 224 : i32
      %rem3A_106 = arith.remsi %div3A_104, %rem3A_105 : i32
      %div3A_107 = arith.constant 448 : i32
      %div3A_108 = arith.divsi %add3A_100, %div3A_107 : i32
      %mul3A_109 = arith.constant 24 : i32
      %mul3A_110 = arith.muli %mul3A_109, %rem3A_106 : i32
      %add3A_111 = arith.constant 5 : i32
      %add3A_112 = arith.addi %mul3A_110, %add3A_111 : i32
      %div3A_113 = arith.constant 14 : i32
      %div3A_114 = arith.divsi %add3A_112, %div3A_113 : i32
      %mul3A_115 = arith.constant 384 : i32
      %mul3A_116 = arith.muli %div3A_108, %mul3A_115 : i32
      %add3A_117 = arith.addi %mul3A_116, %div3A_114 : i32
      %mul3A_118 = arith.constant 2 : i32
      %mul3A_119 = arith.muli %add3A_117, %mul3A_118 : i32
      %add3A_120 = arith.addi %mul3A_119, %rem3A_102 : i32
      %add3A_121 = arith.constant 2 : i32
      %add3A_122 = arith.addi %add3A_120, %add3A_121 : i32
      %dma_wait3A_123 = arith.constant 0 : i32
      %dma_wait3A_124 = arith.constant 0 : i32
      %dma_wait3A_125 = tpu.memref_slice %arg10[%dma_wait3A_123, %dma_wait3A_124] : memref<192x384xf32, #tpu.memory_space<vmem>> -> memref<48x384xf32, #tpu.memory_space<vmem>>
      %dma_wait3A_126 = arith.constant 0 : i32
      %dma_wait3A_127 = arith.constant 0 : i32
      %dma_wait3A_128 = tpu.memref_slice %arg2[%add3A_120, %dma_wait3A_126, %dma_wait3A_127] : memref<3072x48x384xf32, #tpu.memory_space<hbm>> -> memref<1x48x384xf32, #tpu.memory_space<hbm>>
      %dma_wait3A_129 = tpu.memref_squeeze %dma_wait3A_128 : memref<1x48x384xf32, #tpu.memory_space<hbm>> -> memref<48x384xf32, #tpu.memory_space<hbm>>
      %dma_wait3A_130 = arith.constant 0 : i32
      %dma_wait3A_131 = arith.constant 0 : i32
      %dma_wait3A_132 = tpu.memref_slice %arg10[%dma_wait3A_130, %dma_wait3A_131] : memref<192x384xf32, #tpu.memory_space<vmem>> -> memref<48x384xf32, #tpu.memory_space<vmem>>
      %dma_wait3A_133 = arith.constant 0 : i32
      %dma_wait3A_134 = arith.constant 0 : i32
      %dma_wait3A_135 = tpu.memref_slice %arg2[%add3A_120, %dma_wait3A_133, %dma_wait3A_134] : memref<3072x48x384xf32, #tpu.memory_space<hbm>> -> memref<1x48x384xf32, #tpu.memory_space<hbm>>
      %dma_wait3A_136 = tpu.memref_squeeze %dma_wait3A_135 : memref<1x48x384xf32, #tpu.memory_space<hbm>> -> memref<48x384xf32, #tpu.memory_space<hbm>>
      tpu.wait_dma2 semaphore(%arg12 : memref<!tpu.dma_semaphore, #tpu.memory_space<semaphore_mem>>) src(%dma_wait3A_136 : memref<48x384xf32, #tpu.memory_space<hbm>>) dst(%dma_wait3A_132 : memref<48x384xf32, #tpu.memory_space<vmem>>)
      %dma_wait3A_137 = arith.constant 48 : i32
      %dma_wait3A_138 = arith.constant 0 : i32
      %dma_wait3A_139 = tpu.memref_slice %arg10[%dma_wait3A_137, %dma_wait3A_138] : memref<192x384xf32, #tpu.memory_space<vmem>> -> memref<48x384xf32, #tpu.memory_space<vmem>>
      %dma_wait3A_140 = arith.constant 0 : i32
      %dma_wait3A_141 = arith.constant 0 : i32
      %dma_wait3A_142 = tpu.memref_slice %arg2[%add3A_122, %dma_wait3A_140, %dma_wait3A_141] : memref<3072x48x384xf32, #tpu.memory_space<hbm>> -> memref<1x48x384xf32, #tpu.memory_space<hbm>>
      %dma_wait3A_143 = tpu.memref_squeeze %dma_wait3A_142 : memref<1x48x384xf32, #tpu.memory_space<hbm>> -> memref<48x384xf32, #tpu.memory_space<hbm>>
      %dma_wait3A_144 = arith.constant 48 : i32
      %dma_wait3A_145 = arith.constant 0 : i32
      %dma_wait3A_146 = tpu.memref_slice %arg10[%dma_wait3A_144, %dma_wait3A_145] : memref<192x384xf32, #tpu.memory_space<vmem>> -> memref<48x384xf32, #tpu.memory_space<vmem>>
      %dma_wait3A_147 = arith.constant 0 : i32
      %dma_wait3A_148 = arith.constant 0 : i32
      %dma_wait3A_149 = tpu.memref_slice %arg2[%add3A_122, %dma_wait3A_147, %dma_wait3A_148] : memref<3072x48x384xf32, #tpu.memory_space<hbm>> -> memref<1x48x384xf32, #tpu.memory_space<hbm>>
      %dma_wait3A_150 = tpu.memref_squeeze %dma_wait3A_149 : memref<1x48x384xf32, #tpu.memory_space<hbm>> -> memref<48x384xf32, #tpu.memory_space<hbm>>
      tpu.wait_dma2 semaphore(%arg12 : memref<!tpu.dma_semaphore, #tpu.memory_space<semaphore_mem>>) src(%dma_wait3A_150 : memref<48x384xf32, #tpu.memory_space<hbm>>) dst(%dma_wait3A_146 : memref<48x384xf32, #tpu.memory_space<vmem>>)
      %ge3A = arith.constant 1 : i32
      %ge3A_151 = arith.cmpi sge, %scan3A_93, %ge3A : i32
      %convert_element_type3A_152 = arith.extui %ge3A_151 : i1 to i32
      %cond3A_153 = arith.constant 0 : i32
      %cond3A_154 = arith.cmpi ne, %convert_element_type3A_152, %cond3A_153 : i32
      scf.if %cond3A_154 {
        %sub3A = arith.constant 2 : i32
        %sub3A_376 = arith.subi %mul3A_95, %sub3A : i32
        %add3A_377 = arith.addi %mul3A_2, %sub3A_376 : i32
        %dma_wait3A_378 = arith.constant 0 : i32
        %dma_wait3A_379 = arith.constant 0 : i32
        %dma_wait3A_380 = tpu.memref_slice %arg11[%dma_wait3A_378, %dma_wait3A_379] : memref<96x224xf32, #tpu.memory_space<vmem>> -> memref<48x224xf32, #tpu.memory_space<vmem>>
        %dma_wait3A_381 = arith.constant 0 : i32
        %dma_wait3A_382 = arith.constant 0 : i32
        %dma_wait3A_383 = tpu.memref_slice %arg6[%add3A_377, %dma_wait3A_381, %dma_wait3A_382] : memref<1792x48x224xf32, #tpu.memory_space<hbm>> -> memref<1x48x224xf32, #tpu.memory_space<hbm>>
        %dma_wait3A_384 = tpu.memref_squeeze %dma_wait3A_383 : memref<1x48x224xf32, #tpu.memory_space<hbm>> -> memref<48x224xf32, #tpu.memory_space<hbm>>
        %dma_wait3A_385 = arith.constant 0 : i32
        %dma_wait3A_386 = arith.constant 0 : i32
        %dma_wait3A_387 = tpu.memref_slice %arg6[%add3A_377, %dma_wait3A_385, %dma_wait3A_386] : memref<1792x48x224xf32, #tpu.memory_space<hbm>> -> memref<1x48x224xf32, #tpu.memory_space<hbm>>
        %dma_wait3A_388 = tpu.memref_squeeze %dma_wait3A_387 : memref<1x48x224xf32, #tpu.memory_space<hbm>> -> memref<48x224xf32, #tpu.memory_space<hbm>>
        %dma_wait3A_389 = arith.constant 0 : i32
        %dma_wait3A_390 = arith.constant 0 : i32
        %dma_wait3A_391 = tpu.memref_slice %arg11[%dma_wait3A_389, %dma_wait3A_390] : memref<96x224xf32, #tpu.memory_space<vmem>> -> memref<48x224xf32, #tpu.memory_space<vmem>>
        tpu.wait_dma2 semaphore(%arg14 : memref<!tpu.dma_semaphore, #tpu.memory_space<semaphore_mem>>) src(%dma_wait3A_391 : memref<48x224xf32, #tpu.memory_space<vmem>>) dst(%dma_wait3A_388 : memref<48x224xf32, #tpu.memory_space<hbm>>)
      } else {
      }
      %mul3A_155 = arith.constant 16 : i32
      %mul3A_156 = arith.muli %mul3A_95, %mul3A_155 : i32
      %get3A = arith.index_cast %mul3A_156 : i32 to index
      %get3A_157 = tpu.vector_load %arg9[%get3A] {strides = array<i32>} : memref<896xf32, #tpu.memory_space<vmem>>, vector<16xf32>,
      %get3A_158 = arith.constant 0 : index
      %get3A_159 = tpu.vector_load %arg7[%get3A_158] {strides = array<i32>} : memref<224xi32, #tpu.memory_space<vmem>>, vector<16xi32>,
      %get3A_160 = arith.constant 16 : index
      %get3A_161 = tpu.vector_load %arg7[%get3A_160] {strides = array<i32>} : memref<224xi32, #tpu.memory_space<vmem>>, vector<16xi32>,
      %get3A_162 = arith.constant 32 : index
      %get3A_163 = tpu.vector_load %arg7[%get3A_162] {strides = array<i32>} : memref<224xi32, #tpu.memory_space<vmem>>, vector<16xi32>,
      %get3A_164 = arith.constant 48 : index
      %get3A_165 = tpu.vector_load %arg7[%get3A_164] {strides = array<i32>} : memref<224xi32, #tpu.memory_space<vmem>>, vector<16xi32>,
      %get3A_166 = arith.constant 64 : index
      %get3A_167 = tpu.vector_load %arg7[%get3A_166] {strides = array<i32>} : memref<224xi32, #tpu.memory_space<vmem>>, vector<16xi32>,
      %get3A_168 = arith.constant 80 : index
      %get3A_169 = tpu.vector_load %arg7[%get3A_168] {strides = array<i32>} : memref<224xi32, #tpu.memory_space<vmem>>, vector<16xi32>,
      %get3A_170 = arith.constant 96 : index
      %get3A_171 = tpu.vector_load %arg7[%get3A_170] {strides = array<i32>} : memref<224xi32, #tpu.memory_space<vmem>>, vector<16xi32>,
      %get3A_172 = arith.constant 112 : index
      %get3A_173 = tpu.vector_load %arg7[%get3A_172] {strides = array<i32>} : memref<224xi32, #tpu.memory_space<vmem>>, vector<16xi32>,
      %get3A_174 = arith.constant 128 : index
      %get3A_175 = tpu.vector_load %arg7[%get3A_174] {strides = array<i32>} : memref<224xi32, #tpu.memory_space<vmem>>, vector<16xi32>,
      %get3A_176 = arith.constant 144 : index
      %get3A_177 = tpu.vector_load %arg7[%get3A_176] {strides = array<i32>} : memref<224xi32, #tpu.memory_space<vmem>>, vector<16xi32>,
      %get3A_178 = arith.constant 160 : index
      %get3A_179 = tpu.vector_load %arg7[%get3A_178] {strides = array<i32>} : memref<224xi32, #tpu.memory_space<vmem>>, vector<16xi32>,
      %get3A_180 = arith.constant 176 : index
      %get3A_181 = tpu.vector_load %arg7[%get3A_180] {strides = array<i32>} : memref<224xi32, #tpu.memory_space<vmem>>, vector<16xi32>,
      %get3A_182 = arith.constant 192 : index
      %get3A_183 = tpu.vector_load %arg7[%get3A_182] {strides = array<i32>} : memref<224xi32, #tpu.memory_space<vmem>>, vector<16xi32>,
      %get3A_184 = arith.constant 208 : index
      %get3A_185 = tpu.vector_load %arg7[%get3A_184] {strides = array<i32>} : memref<224xi32, #tpu.memory_space<vmem>>, vector<16xi32>,
      %get3A_186 = arith.constant 0 : index
      %get3A_187 = tpu.vector_load %arg8[%get3A_186] {strides = array<i32>} : memref<224xf32, #tpu.memory_space<vmem>>, vector<16xf32>,
      %get3A_188 = arith.constant 16 : index
      %get3A_189 = tpu.vector_load %arg8[%get3A_188] {strides = array<i32>} : memref<224xf32, #tpu.memory_space<vmem>>, vector<16xf32>,
      %get3A_190 = arith.constant 32 : index
      %get3A_191 = tpu.vector_load %arg8[%get3A_190] {strides = array<i32>} : memref<224xf32, #tpu.memory_space<vmem>>, vector<16xf32>,
      %get3A_192 = arith.constant 48 : index
      %get3A_193 = tpu.vector_load %arg8[%get3A_192] {strides = array<i32>} : memref<224xf32, #tpu.memory_space<vmem>>, vector<16xf32>,
      %get3A_194 = arith.constant 64 : index
      %get3A_195 = tpu.vector_load %arg8[%get3A_194] {strides = array<i32>} : memref<224xf32, #tpu.memory_space<vmem>>, vector<16xf32>,
      %get3A_196 = arith.constant 80 : index
      %get3A_197 = tpu.vector_load %arg8[%get3A_196] {strides = array<i32>} : memref<224xf32, #tpu.memory_space<vmem>>, vector<16xf32>,
      %get3A_198 = arith.constant 96 : index
      %get3A_199 = tpu.vector_load %arg8[%get3A_198] {strides = array<i32>} : memref<224xf32, #tpu.memory_space<vmem>>, vector<16xf32>,
      %get3A_200 = arith.constant 112 : index
      %get3A_201 = tpu.vector_load %arg8[%get3A_200] {strides = array<i32>} : memref<224xf32, #tpu.memory_space<vmem>>, vector<16xf32>,
      %get3A_202 = arith.constant 128 : index
      %get3A_203 = tpu.vector_load %arg8[%get3A_202] {strides = array<i32>} : memref<224xf32, #tpu.memory_space<vmem>>, vector<16xf32>,
      %get3A_204 = arith.constant 144 : index
      %get3A_205 = tpu.vector_load %arg8[%get3A_204] {strides = array<i32>} : memref<224xf32, #tpu.memory_space<vmem>>, vector<16xf32>,
      %get3A_206 = arith.constant 160 : index
      %get3A_207 = tpu.vector_load %arg8[%get3A_206] {strides = array<i32>} : memref<224xf32, #tpu.memory_space<vmem>>, vector<16xf32>,
      %get3A_208 = arith.constant 176 : index
      %get3A_209 = tpu.vector_load %arg8[%get3A_208] {strides = array<i32>} : memref<224xf32, #tpu.memory_space<vmem>>, vector<16xf32>,
      %get3A_210 = arith.constant 192 : index
      %get3A_211 = tpu.vector_load %arg8[%get3A_210] {strides = array<i32>} : memref<224xf32, #tpu.memory_space<vmem>>, vector<16xf32>,
      %get3A_212 = arith.constant 208 : index
      %get3A_213 = tpu.vector_load %arg8[%get3A_212] {strides = array<i32>} : memref<224xf32, #tpu.memory_space<vmem>>, vector<16xf32>,
      %parallel_loop3A = arith.constant 0 : i32
      %parallel_loop3A_214 = arith.constant 48 : i32
      %parallel_loop3A_215 = arith.constant 1 : i32
      scf.for %parallel_loop3A_376 = %parallel_loop3A to %parallel_loop3A_214 step %parallel_loop3A_215  : i32 {
        %parallel_loop3A_377 = arith.constant 0 : i32
        %parallel_loop3A_378 = arith.addi %parallel_loop3A_376, %parallel_loop3A_377 : i32
        %parallel_loop3A_379 = vector.broadcast %parallel_loop3A_378 : i32 to vector<16xi32>
        %parallel_loop3A_380 = arith.addi %mul3A_7, %parallel_loop3A_379 : vector<16xi32>
        %parallel_loop3A_381 = arith.constant 48 : i32
        %parallel_loop3A_382 = vector.broadcast %parallel_loop3A_381 : i32 to vector<16xi32>
        %parallel_loop3A_383 = arith.addi %parallel_loop3A_380, %parallel_loop3A_382 : vector<16xi32>
        %parallel_loop3A_384 = arith.constant 1 : i32
        %parallel_loop3A_385 = vector.broadcast %parallel_loop3A_384 : i32 to vector<16xi32>
        %parallel_loop3A_386 = arith.addi %get3A_159, %parallel_loop3A_385 : vector<16xi32>
        %parallel_loop3A_387 = tpu.vector_load_idx %arg10[%parallel_loop3A_380, %get3A_159] : memref<192x384xf32, #tpu.memory_space<vmem>>[vector<16xi32>, vector<16xi32>], vector<16xf32>,
        %parallel_loop3A_388 = tpu.vector_load_idx %arg10[%parallel_loop3A_380, %parallel_loop3A_386] : memref<192x384xf32, #tpu.memory_space<vmem>>[vector<16xi32>, vector<16xi32>], vector<16xf32>,
        %parallel_loop3A_389 = tpu.vector_load_idx %arg10[%parallel_loop3A_383, %get3A_159] : memref<192x384xf32, #tpu.memory_space<vmem>>[vector<16xi32>, vector<16xi32>], vector<16xf32>,
        %parallel_loop3A_390 = tpu.vector_load_idx %arg10[%parallel_loop3A_383, %parallel_loop3A_386] : memref<192x384xf32, #tpu.memory_space<vmem>>[vector<16xi32>, vector<16xi32>], vector<16xf32>,
        %parallel_loop3A_391 = arith.subf %parallel_loop3A_388, %parallel_loop3A_387 : vector<16xf32>
        %parallel_loop3A_392 = arith.mulf %get3A_187, %parallel_loop3A_391 : vector<16xf32>
        %parallel_loop3A_393 = arith.addf %parallel_loop3A_387, %parallel_loop3A_392 : vector<16xf32>
        %parallel_loop3A_394 = arith.subf %parallel_loop3A_390, %parallel_loop3A_389 : vector<16xf32>
        %parallel_loop3A_395 = arith.mulf %get3A_187, %parallel_loop3A_394 : vector<16xf32>
        %parallel_loop3A_396 = arith.addf %parallel_loop3A_389, %parallel_loop3A_395 : vector<16xf32>
        %parallel_loop3A_397 = arith.subf %parallel_loop3A_396, %parallel_loop3A_393 : vector<16xf32>
        %parallel_loop3A_398 = arith.mulf %get3A_157, %parallel_loop3A_397 : vector<16xf32>
        %parallel_loop3A_399 = arith.addf %parallel_loop3A_393, %parallel_loop3A_398 : vector<16xf32>
        %parallel_loop3A_400 = arith.constant 0 : i32
        %parallel_loop3A_401 = arith.addi %parallel_loop3A_400, %parallel_loop3A_376 : i32
        %parallel_loop3A_402 = arith.index_cast %parallel_loop3A_401 : i32 to index
        %parallel_loop3A_403 = arith.constant 0 : index
        %parallel_loop3A_404 = tpu.vector_load %arg11[%parallel_loop3A_402, %parallel_loop3A_403] {strides = array<i32>} : memref<96x224xf32, #tpu.memory_space<vmem>>, vector<16xf32>,
        tpu.vector_store %arg11[%parallel_loop3A_402, %parallel_loop3A_403], %parallel_loop3A_399 {strides = array<i32>} : memref<96x224xf32, #tpu.memory_space<vmem>>, vector<16xf32>,
        %parallel_loop3A_405 = arith.constant 1 : i32
        %parallel_loop3A_406 = vector.broadcast %parallel_loop3A_405 : i32 to vector<16xi32>
        %parallel_loop3A_407 = arith.addi %get3A_161, %parallel_loop3A_406 : vector<16xi32>
        %parallel_loop3A_408 = tpu.vector_load_idx %arg10[%parallel_loop3A_380, %get3A_161] : memref<192x384xf32, #tpu.memory_space<vmem>>[vector<16xi32>, vector<16xi32>], vector<16xf32>,
        %parallel_loop3A_409 = tpu.vector_load_idx %arg10[%parallel_loop3A_380, %parallel_loop3A_407] : memref<192x384xf32, #tpu.memory_space<vmem>>[vector<16xi32>, vector<16xi32>], vector<16xf32>,
        %parallel_loop3A_410 = tpu.vector_load_idx %arg10[%parallel_loop3A_383, %get3A_161] : memref<192x384xf32, #tpu.memory_space<vmem>>[vector<16xi32>, vector<16xi32>], vector<16xf32>,
        %parallel_loop3A_411 = tpu.vector_load_idx %arg10[%parallel_loop3A_383, %parallel_loop3A_407] : memref<192x384xf32, #tpu.memory_space<vmem>>[vector<16xi32>, vector<16xi32>], vector<16xf32>,
        %parallel_loop3A_412 = arith.subf %parallel_loop3A_409, %parallel_loop3A_408 : vector<16xf32>
        %parallel_loop3A_413 = arith.mulf %get3A_189, %parallel_loop3A_412 : vector<16xf32>
        %parallel_loop3A_414 = arith.addf %parallel_loop3A_408, %parallel_loop3A_413 : vector<16xf32>
        %parallel_loop3A_415 = arith.subf %parallel_loop3A_411, %parallel_loop3A_410 : vector<16xf32>
        %parallel_loop3A_416 = arith.mulf %get3A_189, %parallel_loop3A_415 : vector<16xf32>
        %parallel_loop3A_417 = arith.addf %parallel_loop3A_410, %parallel_loop3A_416 : vector<16xf32>
        %parallel_loop3A_418 = arith.subf %parallel_loop3A_417, %parallel_loop3A_414 : vector<16xf32>
        %parallel_loop3A_419 = arith.mulf %get3A_157, %parallel_loop3A_418 : vector<16xf32>
        %parallel_loop3A_420 = arith.addf %parallel_loop3A_414, %parallel_loop3A_419 : vector<16xf32>
        %parallel_loop3A_421 = arith.constant 0 : i32
        %parallel_loop3A_422 = arith.addi %parallel_loop3A_421, %parallel_loop3A_376 : i32
        %parallel_loop3A_423 = arith.index_cast %parallel_loop3A_422 : i32 to index
        %parallel_loop3A_424 = arith.constant 16 : index
        %parallel_loop3A_425 = tpu.vector_load %arg11[%parallel_loop3A_423, %parallel_loop3A_424] {strides = array<i32>} : memref<96x224xf32, #tpu.memory_space<vmem>>, vector<16xf32>,
        tpu.vector_store %arg11[%parallel_loop3A_423, %parallel_loop3A_424], %parallel_loop3A_420 {strides = array<i32>} : memref<96x224xf32, #tpu.memory_space<vmem>>, vector<16xf32>,
        %parallel_loop3A_426 = arith.constant 1 : i32
        %parallel_loop3A_427 = vector.broadcast %parallel_loop3A_426 : i32 to vector<16xi32>
        %parallel_loop3A_428 = arith.addi %get3A_163, %parallel_loop3A_427 : vector<16xi32>
        %parallel_loop3A_429 = tpu.vector_load_idx %arg10[%parallel_loop3A_380, %get3A_163] : memref<192x384xf32, #tpu.memory_space<vmem>>[vector<16xi32>, vector<16xi32>], vector<16xf32>,
        %parallel_loop3A_430 = tpu.vector_load_idx %arg10[%parallel_loop3A_380, %parallel_loop3A_428] : memref<192x384xf32, #tpu.memory_space<vmem>>[vector<16xi32>, vector<16xi32>], vector<16xf32>,
        %parallel_loop3A_431 = tpu.vector_load_idx %arg10[%parallel_loop3A_383, %get3A_163] : memref<192x384xf32, #tpu.memory_space<vmem>>[vector<16xi32>, vector<16xi32>], vector<16xf32>,
        %parallel_loop3A_432 = tpu.vector_load_idx %arg10[%parallel_loop3A_383, %parallel_loop3A_428] : memref<192x384xf32, #tpu.memory_space<vmem>>[vector<16xi32>, vector<16xi32>], vector<16xf32>,
        %parallel_loop3A_433 = arith.subf %parallel_loop3A_430, %parallel_loop3A_429 : vector<16xf32>
        %parallel_loop3A_434 = arith.mulf %get3A_191, %parallel_loop3A_433 : vector<16xf32>
        %parallel_loop3A_435 = arith.addf %parallel_loop3A_429, %parallel_loop3A_434 : vector<16xf32>
        %parallel_loop3A_436 = arith.subf %parallel_loop3A_432, %parallel_loop3A_431 : vector<16xf32>
        %parallel_loop3A_437 = arith.mulf %get3A_191, %parallel_loop3A_436 : vector<16xf32>
        %parallel_loop3A_438 = arith.addf %parallel_loop3A_431, %parallel_loop3A_437 : vector<16xf32>
        %parallel_loop3A_439 = arith.subf %parallel_loop3A_438, %parallel_loop3A_435 : vector<16xf32>
        %parallel_loop3A_440 = arith.mulf %get3A_157, %parallel_loop3A_439 : vector<16xf32>
        %parallel_loop3A_441 = arith.addf %parallel_loop3A_435, %parallel_loop3A_440 : vector<16xf32>
        %parallel_loop3A_442 = arith.constant 0 : i32
        %parallel_loop3A_443 = arith.addi %parallel_loop3A_442, %parallel_loop3A_376 : i32
        %parallel_loop3A_444 = arith.index_cast %parallel_loop3A_443 : i32 to index
        %parallel_loop3A_445 = arith.constant 32 : index
        %parallel_loop3A_446 = tpu.vector_load %arg11[%parallel_loop3A_444, %parallel_loop3A_445] {strides = array<i32>} : memref<96x224xf32, #tpu.memory_space<vmem>>, vector<16xf32>,
        tpu.vector_store %arg11[%parallel_loop3A_444, %parallel_loop3A_445], %parallel_loop3A_441 {strides = array<i32>} : memref<96x224xf32, #tpu.memory_space<vmem>>, vector<16xf32>,
        %parallel_loop3A_447 = arith.constant 1 : i32
        %parallel_loop3A_448 = vector.broadcast %parallel_loop3A_447 : i32 to vector<16xi32>
        %parallel_loop3A_449 = arith.addi %get3A_165, %parallel_loop3A_448 : vector<16xi32>
        %parallel_loop3A_450 = tpu.vector_load_idx %arg10[%parallel_loop3A_380, %get3A_165] : memref<192x384xf32, #tpu.memory_space<vmem>>[vector<16xi32>, vector<16xi32>], vector<16xf32>,
        %parallel_loop3A_451 = tpu.vector_load_idx %arg10[%parallel_loop3A_380, %parallel_loop3A_449] : memref<192x384xf32, #tpu.memory_space<vmem>>[vector<16xi32>, vector<16xi32>], vector<16xf32>,
        %parallel_loop3A_452 = tpu.vector_load_idx %arg10[%parallel_loop3A_383, %get3A_165] : memref<192x384xf32, #tpu.memory_space<vmem>>[vector<16xi32>, vector<16xi32>], vector<16xf32>,
        %parallel_loop3A_453 = tpu.vector_load_idx %arg10[%parallel_loop3A_383, %parallel_loop3A_449] : memref<192x384xf32, #tpu.memory_space<vmem>>[vector<16xi32>, vector<16xi32>], vector<16xf32>,
        %parallel_loop3A_454 = arith.subf %parallel_loop3A_451, %parallel_loop3A_450 : vector<16xf32>
        %parallel_loop3A_455 = arith.mulf %get3A_193, %parallel_loop3A_454 : vector<16xf32>
        %parallel_loop3A_456 = arith.addf %parallel_loop3A_450, %parallel_loop3A_455 : vector<16xf32>
        %parallel_loop3A_457 = arith.subf %parallel_loop3A_453, %parallel_loop3A_452 : vector<16xf32>
        %parallel_loop3A_458 = arith.mulf %get3A_193, %parallel_loop3A_457 : vector<16xf32>
        %parallel_loop3A_459 = arith.addf %parallel_loop3A_452, %parallel_loop3A_458 : vector<16xf32>
        %parallel_loop3A_460 = arith.subf %parallel_loop3A_459, %parallel_loop3A_456 : vector<16xf32>
        %parallel_loop3A_461 = arith.mulf %get3A_157, %parallel_loop3A_460 : vector<16xf32>
        %parallel_loop3A_462 = arith.addf %parallel_loop3A_456, %parallel_loop3A_461 : vector<16xf32>
        %parallel_loop3A_463 = arith.constant 0 : i32
        %parallel_loop3A_464 = arith.addi %parallel_loop3A_463, %parallel_loop3A_376 : i32
        %parallel_loop3A_465 = arith.index_cast %parallel_loop3A_464 : i32 to index
        %parallel_loop3A_466 = arith.constant 48 : index
        %parallel_loop3A_467 = tpu.vector_load %arg11[%parallel_loop3A_465, %parallel_loop3A_466] {strides = array<i32>} : memref<96x224xf32, #tpu.memory_space<vmem>>, vector<16xf32>,
        tpu.vector_store %arg11[%parallel_loop3A_465, %parallel_loop3A_466], %parallel_loop3A_462 {strides = array<i32>} : memref<96x224xf32, #tpu.memory_space<vmem>>, vector<16xf32>,
        %parallel_loop3A_468 = arith.constant 1 : i32
        %parallel_loop3A_469 = vector.broadcast %parallel_loop3A_468 : i32 to vector<16xi32>
        %parallel_loop3A_470 = arith.addi %get3A_167, %parallel_loop3A_469 : vector<16xi32>
        %parallel_loop3A_471 = tpu.vector_load_idx %arg10[%parallel_loop3A_380, %get3A_167] : memref<192x384xf32, #tpu.memory_space<vmem>>[vector<16xi32>, vector<16xi32>], vector<16xf32>,
        %parallel_loop3A_472 = tpu.vector_load_idx %arg10[%parallel_loop3A_380, %parallel_loop3A_470] : memref<192x384xf32, #tpu.memory_space<vmem>>[vector<16xi32>, vector<16xi32>], vector<16xf32>,
        %parallel_loop3A_473 = tpu.vector_load_idx %arg10[%parallel_loop3A_383, %get3A_167] : memref<192x384xf32, #tpu.memory_space<vmem>>[vector<16xi32>, vector<16xi32>], vector<16xf32>,
        %parallel_loop3A_474 = tpu.vector_load_idx %arg10[%parallel_loop3A_383, %parallel_loop3A_470] : memref<192x384xf32, #tpu.memory_space<vmem>>[vector<16xi32>, vector<16xi32>], vector<16xf32>,
        %parallel_loop3A_475 = arith.subf %parallel_loop3A_472, %parallel_loop3A_471 : vector<16xf32>
        %parallel_loop3A_476 = arith.mulf %get3A_195, %parallel_loop3A_475 : vector<16xf32>
        %parallel_loop3A_477 = arith.addf %parallel_loop3A_471, %parallel_loop3A_476 : vector<16xf32>
        %parallel_loop3A_478 = arith.subf %parallel_loop3A_474, %parallel_loop3A_473 : vector<16xf32>
        %parallel_loop3A_479 = arith.mulf %get3A_195, %parallel_loop3A_478 : vector<16xf32>
        %parallel_loop3A_480 = arith.addf %parallel_loop3A_473, %parallel_loop3A_479 : vector<16xf32>
        %parallel_loop3A_481 = arith.subf %parallel_loop3A_480, %parallel_loop3A_477 : vector<16xf32>
        %parallel_loop3A_482 = arith.mulf %get3A_157, %parallel_loop3A_481 : vector<16xf32>
        %parallel_loop3A_483 = arith.addf %parallel_loop3A_477, %parallel_loop3A_482 : vector<16xf32>
        %parallel_loop3A_484 = arith.constant 0 : i32
        %parallel_loop3A_485 = arith.addi %parallel_loop3A_484, %parallel_loop3A_376 : i32
        %parallel_loop3A_486 = arith.index_cast %parallel_loop3A_485 : i32 to index
        %parallel_loop3A_487 = arith.constant 64 : index
        %parallel_loop3A_488 = tpu.vector_load %arg11[%parallel_loop3A_486, %parallel_loop3A_487] {strides = array<i32>} : memref<96x224xf32, #tpu.memory_space<vmem>>, vector<16xf32>,
        tpu.vector_store %arg11[%parallel_loop3A_486, %parallel_loop3A_487], %parallel_loop3A_483 {strides = array<i32>} : memref<96x224xf32, #tpu.memory_space<vmem>>, vector<16xf32>,
        %parallel_loop3A_489 = arith.constant 1 : i32
        %parallel_loop3A_490 = vector.broadcast %parallel_loop3A_489 : i32 to vector<16xi32>
        %parallel_loop3A_491 = arith.addi %get3A_169, %parallel_loop3A_490 : vector<16xi32>
        %parallel_loop3A_492 = tpu.vector_load_idx %arg10[%parallel_loop3A_380, %get3A_169] : memref<192x384xf32, #tpu.memory_space<vmem>>[vector<16xi32>, vector<16xi32>], vector<16xf32>,
        %parallel_loop3A_493 = tpu.vector_load_idx %arg10[%parallel_loop3A_380, %parallel_loop3A_491] : memref<192x384xf32, #tpu.memory_space<vmem>>[vector<16xi32>, vector<16xi32>], vector<16xf32>,
        %parallel_loop3A_494 = tpu.vector_load_idx %arg10[%parallel_loop3A_383, %get3A_169] : memref<192x384xf32, #tpu.memory_space<vmem>>[vector<16xi32>, vector<16xi32>], vector<16xf32>,
        %parallel_loop3A_495 = tpu.vector_load_idx %arg10[%parallel_loop3A_383, %parallel_loop3A_491] : memref<192x384xf32, #tpu.memory_space<vmem>>[vector<16xi32>, vector<16xi32>], vector<16xf32>,
        %parallel_loop3A_496 = arith.subf %parallel_loop3A_493, %parallel_loop3A_492 : vector<16xf32>
        %parallel_loop3A_497 = arith.mulf %get3A_197, %parallel_loop3A_496 : vector<16xf32>
        %parallel_loop3A_498 = arith.addf %parallel_loop3A_492, %parallel_loop3A_497 : vector<16xf32>
        %parallel_loop3A_499 = arith.subf %parallel_loop3A_495, %parallel_loop3A_494 : vector<16xf32>
        %parallel_loop3A_500 = arith.mulf %get3A_197, %parallel_loop3A_499 : vector<16xf32>
        %parallel_loop3A_501 = arith.addf %parallel_loop3A_494, %parallel_loop3A_500 : vector<16xf32>
        %parallel_loop3A_502 = arith.subf %parallel_loop3A_501, %parallel_loop3A_498 : vector<16xf32>
        %parallel_loop3A_503 = arith.mulf %get3A_157, %parallel_loop3A_502 : vector<16xf32>
        %parallel_loop3A_504 = arith.addf %parallel_loop3A_498, %parallel_loop3A_503 : vector<16xf32>
        %parallel_loop3A_505 = arith.constant 0 : i32
        %parallel_loop3A_506 = arith.addi %parallel_loop3A_505, %parallel_loop3A_376 : i32
        %parallel_loop3A_507 = arith.index_cast %parallel_loop3A_506 : i32 to index
        %parallel_loop3A_508 = arith.constant 80 : index
        %parallel_loop3A_509 = tpu.vector_load %arg11[%parallel_loop3A_507, %parallel_loop3A_508] {strides = array<i32>} : memref<96x224xf32, #tpu.memory_space<vmem>>, vector<16xf32>,
        tpu.vector_store %arg11[%parallel_loop3A_507, %parallel_loop3A_508], %parallel_loop3A_504 {strides = array<i32>} : memref<96x224xf32, #tpu.memory_space<vmem>>, vector<16xf32>,
        %parallel_loop3A_510 = arith.constant 1 : i32
        %parallel_loop3A_511 = vector.broadcast %parallel_loop3A_510 : i32 to vector<16xi32>
        %parallel_loop3A_512 = arith.addi %get3A_171, %parallel_loop3A_511 : vector<16xi32>
        %parallel_loop3A_513 = tpu.vector_load_idx %arg10[%parallel_loop3A_380, %get3A_171] : memref<192x384xf32, #tpu.memory_space<vmem>>[vector<16xi32>, vector<16xi32>], vector<16xf32>,
        %parallel_loop3A_514 = tpu.vector_load_idx %arg10[%parallel_loop3A_380, %parallel_loop3A_512] : memref<192x384xf32, #tpu.memory_space<vmem>>[vector<16xi32>, vector<16xi32>], vector<16xf32>,
        %parallel_loop3A_515 = tpu.vector_load_idx %arg10[%parallel_loop3A_383, %get3A_171] : memref<192x384xf32, #tpu.memory_space<vmem>>[vector<16xi32>, vector<16xi32>], vector<16xf32>,
        %parallel_loop3A_516 = tpu.vector_load_idx %arg10[%parallel_loop3A_383, %parallel_loop3A_512] : memref<192x384xf32, #tpu.memory_space<vmem>>[vector<16xi32>, vector<16xi32>], vector<16xf32>,
        %parallel_loop3A_517 = arith.subf %parallel_loop3A_514, %parallel_loop3A_513 : vector<16xf32>
        %parallel_loop3A_518 = arith.mulf %get3A_199, %parallel_loop3A_517 : vector<16xf32>
        %parallel_loop3A_519 = arith.addf %parallel_loop3A_513, %parallel_loop3A_518 : vector<16xf32>
        %parallel_loop3A_520 = arith.subf %parallel_loop3A_516, %parallel_loop3A_515 : vector<16xf32>
        %parallel_loop3A_521 = arith.mulf %get3A_199, %parallel_loop3A_520 : vector<16xf32>
        %parallel_loop3A_522 = arith.addf %parallel_loop3A_515, %parallel_loop3A_521 : vector<16xf32>
        %parallel_loop3A_523 = arith.subf %parallel_loop3A_522, %parallel_loop3A_519 : vector<16xf32>
        %parallel_loop3A_524 = arith.mulf %get3A_157, %parallel_loop3A_523 : vector<16xf32>
        %parallel_loop3A_525 = arith.addf %parallel_loop3A_519, %parallel_loop3A_524 : vector<16xf32>
        %parallel_loop3A_526 = arith.constant 0 : i32
        %parallel_loop3A_527 = arith.addi %parallel_loop3A_526, %parallel_loop3A_376 : i32
        %parallel_loop3A_528 = arith.index_cast %parallel_loop3A_527 : i32 to index
        %parallel_loop3A_529 = arith.constant 96 : index
        %parallel_loop3A_530 = tpu.vector_load %arg11[%parallel_loop3A_528, %parallel_loop3A_529] {strides = array<i32>} : memref<96x224xf32, #tpu.memory_space<vmem>>, vector<16xf32>,
        tpu.vector_store %arg11[%parallel_loop3A_528, %parallel_loop3A_529], %parallel_loop3A_525 {strides = array<i32>} : memref<96x224xf32, #tpu.memory_space<vmem>>, vector<16xf32>,
        %parallel_loop3A_531 = arith.constant 1 : i32
        %parallel_loop3A_532 = vector.broadcast %parallel_loop3A_531 : i32 to vector<16xi32>
        %parallel_loop3A_533 = arith.addi %get3A_173, %parallel_loop3A_532 : vector<16xi32>
        %parallel_loop3A_534 = tpu.vector_load_idx %arg10[%parallel_loop3A_380, %get3A_173] : memref<192x384xf32, #tpu.memory_space<vmem>>[vector<16xi32>, vector<16xi32>], vector<16xf32>,
        %parallel_loop3A_535 = tpu.vector_load_idx %arg10[%parallel_loop3A_380, %parallel_loop3A_533] : memref<192x384xf32, #tpu.memory_space<vmem>>[vector<16xi32>, vector<16xi32>], vector<16xf32>,
        %parallel_loop3A_536 = tpu.vector_load_idx %arg10[%parallel_loop3A_383, %get3A_173] : memref<192x384xf32, #tpu.memory_space<vmem>>[vector<16xi32>, vector<16xi32>], vector<16xf32>,
        %parallel_loop3A_537 = tpu.vector_load_idx %arg10[%parallel_loop3A_383, %parallel_loop3A_533] : memref<192x384xf32, #tpu.memory_space<vmem>>[vector<16xi32>, vector<16xi32>], vector<16xf32>,
        %parallel_loop3A_538 = arith.subf %parallel_loop3A_535, %parallel_loop3A_534 : vector<16xf32>
        %parallel_loop3A_539 = arith.mulf %get3A_201, %parallel_loop3A_538 : vector<16xf32>
        %parallel_loop3A_540 = arith.addf %parallel_loop3A_534, %parallel_loop3A_539 : vector<16xf32>
        %parallel_loop3A_541 = arith.subf %parallel_loop3A_537, %parallel_loop3A_536 : vector<16xf32>
        %parallel_loop3A_542 = arith.mulf %get3A_201, %parallel_loop3A_541 : vector<16xf32>
        %parallel_loop3A_543 = arith.addf %parallel_loop3A_536, %parallel_loop3A_542 : vector<16xf32>
        %parallel_loop3A_544 = arith.subf %parallel_loop3A_543, %parallel_loop3A_540 : vector<16xf32>
        %parallel_loop3A_545 = arith.mulf %get3A_157, %parallel_loop3A_544 : vector<16xf32>
        %parallel_loop3A_546 = arith.addf %parallel_loop3A_540, %parallel_loop3A_545 : vector<16xf32>
        %parallel_loop3A_547 = arith.constant 0 : i32
        %parallel_loop3A_548 = arith.addi %parallel_loop3A_547, %parallel_loop3A_376 : i32
        %parallel_loop3A_549 = arith.index_cast %parallel_loop3A_548 : i32 to index
        %parallel_loop3A_550 = arith.constant 112 : index
        %parallel_loop3A_551 = tpu.vector_load %arg11[%parallel_loop3A_549, %parallel_loop3A_550] {strides = array<i32>} : memref<96x224xf32, #tpu.memory_space<vmem>>, vector<16xf32>,
        tpu.vector_store %arg11[%parallel_loop3A_549, %parallel_loop3A_550], %parallel_loop3A_546 {strides = array<i32>} : memref<96x224xf32, #tpu.memory_space<vmem>>, vector<16xf32>,
        %parallel_loop3A_552 = arith.constant 1 : i32
        %parallel_loop3A_553 = vector.broadcast %parallel_loop3A_552 : i32 to vector<16xi32>
        %parallel_loop3A_554 = arith.addi %get3A_175, %parallel_loop3A_553 : vector<16xi32>
        %parallel_loop3A_555 = tpu.vector_load_idx %arg10[%parallel_loop3A_380, %get3A_175] : memref<192x384xf32, #tpu.memory_space<vmem>>[vector<16xi32>, vector<16xi32>], vector<16xf32>,
        %parallel_loop3A_556 = tpu.vector_load_idx %arg10[%parallel_loop3A_380, %parallel_loop3A_554] : memref<192x384xf32, #tpu.memory_space<vmem>>[vector<16xi32>, vector<16xi32>], vector<16xf32>,
        %parallel_loop3A_557 = tpu.vector_load_idx %arg10[%parallel_loop3A_383, %get3A_175] : memref<192x384xf32, #tpu.memory_space<vmem>>[vector<16xi32>, vector<16xi32>], vector<16xf32>,
        %parallel_loop3A_558 = tpu.vector_load_idx %arg10[%parallel_loop3A_383, %parallel_loop3A_554] : memref<192x384xf32, #tpu.memory_space<vmem>>[vector<16xi32>, vector<16xi32>], vector<16xf32>,
        %parallel_loop3A_559 = arith.subf %parallel_loop3A_556, %parallel_loop3A_555 : vector<16xf32>
        %parallel_loop3A_560 = arith.mulf %get3A_203, %parallel_loop3A_559 : vector<16xf32>
        %parallel_loop3A_561 = arith.addf %parallel_loop3A_555, %parallel_loop3A_560 : vector<16xf32>
        %parallel_loop3A_562 = arith.subf %parallel_loop3A_558, %parallel_loop3A_557 : vector<16xf32>
        %parallel_loop3A_563 = arith.mulf %get3A_203, %parallel_loop3A_562 : vector<16xf32>
        %parallel_loop3A_564 = arith.addf %parallel_loop3A_557, %parallel_loop3A_563 : vector<16xf32>
        %parallel_loop3A_565 = arith.subf %parallel_loop3A_564, %parallel_loop3A_561 : vector<16xf32>
        %parallel_loop3A_566 = arith.mulf %get3A_157, %parallel_loop3A_565 : vector<16xf32>
        %parallel_loop3A_567 = arith.addf %parallel_loop3A_561, %parallel_loop3A_566 : vector<16xf32>
        %parallel_loop3A_568 = arith.constant 0 : i32
        %parallel_loop3A_569 = arith.addi %parallel_loop3A_568, %parallel_loop3A_376 : i32
        %parallel_loop3A_570 = arith.index_cast %parallel_loop3A_569 : i32 to index
        %parallel_loop3A_571 = arith.constant 128 : index
        %parallel_loop3A_572 = tpu.vector_load %arg11[%parallel_loop3A_570, %parallel_loop3A_571] {strides = array<i32>} : memref<96x224xf32, #tpu.memory_space<vmem>>, vector<16xf32>,
        tpu.vector_store %arg11[%parallel_loop3A_570, %parallel_loop3A_571], %parallel_loop3A_567 {strides = array<i32>} : memref<96x224xf32, #tpu.memory_space<vmem>>, vector<16xf32>,
        %parallel_loop3A_573 = arith.constant 1 : i32
        %parallel_loop3A_574 = vector.broadcast %parallel_loop3A_573 : i32 to vector<16xi32>
        %parallel_loop3A_575 = arith.addi %get3A_177, %parallel_loop3A_574 : vector<16xi32>
        %parallel_loop3A_576 = tpu.vector_load_idx %arg10[%parallel_loop3A_380, %get3A_177] : memref<192x384xf32, #tpu.memory_space<vmem>>[vector<16xi32>, vector<16xi32>], vector<16xf32>,
        %parallel_loop3A_577 = tpu.vector_load_idx %arg10[%parallel_loop3A_380, %parallel_loop3A_575] : memref<192x384xf32, #tpu.memory_space<vmem>>[vector<16xi32>, vector<16xi32>], vector<16xf32>,
        %parallel_loop3A_578 = tpu.vector_load_idx %arg10[%parallel_loop3A_383, %get3A_177] : memref<192x384xf32, #tpu.memory_space<vmem>>[vector<16xi32>, vector<16xi32>], vector<16xf32>,
        %parallel_loop3A_579 = tpu.vector_load_idx %arg10[%parallel_loop3A_383, %parallel_loop3A_575] : memref<192x384xf32, #tpu.memory_space<vmem>>[vector<16xi32>, vector<16xi32>], vector<16xf32>,
        %parallel_loop3A_580 = arith.subf %parallel_loop3A_577, %parallel_loop3A_576 : vector<16xf32>
        %parallel_loop3A_581 = arith.mulf %get3A_205, %parallel_loop3A_580 : vector<16xf32>
        %parallel_loop3A_582 = arith.addf %parallel_loop3A_576, %parallel_loop3A_581 : vector<16xf32>
        %parallel_loop3A_583 = arith.subf %parallel_loop3A_579, %parallel_loop3A_578 : vector<16xf32>
        %parallel_loop3A_584 = arith.mulf %get3A_205, %parallel_loop3A_583 : vector<16xf32>
        %parallel_loop3A_585 = arith.addf %parallel_loop3A_578, %parallel_loop3A_584 : vector<16xf32>
        %parallel_loop3A_586 = arith.subf %parallel_loop3A_585, %parallel_loop3A_582 : vector<16xf32>
        %parallel_loop3A_587 = arith.mulf %get3A_157, %parallel_loop3A_586 : vector<16xf32>
        %parallel_loop3A_588 = arith.addf %parallel_loop3A_582, %parallel_loop3A_587 : vector<16xf32>
        %parallel_loop3A_589 = arith.constant 0 : i32
        %parallel_loop3A_590 = arith.addi %parallel_loop3A_589, %parallel_loop3A_376 : i32
        %parallel_loop3A_591 = arith.index_cast %parallel_loop3A_590 : i32 to index
        %parallel_loop3A_592 = arith.constant 144 : index
        %parallel_loop3A_593 = tpu.vector_load %arg11[%parallel_loop3A_591, %parallel_loop3A_592] {strides = array<i32>} : memref<96x224xf32, #tpu.memory_space<vmem>>, vector<16xf32>,
        tpu.vector_store %arg11[%parallel_loop3A_591, %parallel_loop3A_592], %parallel_loop3A_588 {strides = array<i32>} : memref<96x224xf32, #tpu.memory_space<vmem>>, vector<16xf32>,
        %parallel_loop3A_594 = arith.constant 1 : i32
        %parallel_loop3A_595 = vector.broadcast %parallel_loop3A_594 : i32 to vector<16xi32>
        %parallel_loop3A_596 = arith.addi %get3A_179, %parallel_loop3A_595 : vector<16xi32>
        %parallel_loop3A_597 = tpu.vector_load_idx %arg10[%parallel_loop3A_380, %get3A_179] : memref<192x384xf32, #tpu.memory_space<vmem>>[vector<16xi32>, vector<16xi32>], vector<16xf32>,
        %parallel_loop3A_598 = tpu.vector_load_idx %arg10[%parallel_loop3A_380, %parallel_loop3A_596] : memref<192x384xf32, #tpu.memory_space<vmem>>[vector<16xi32>, vector<16xi32>], vector<16xf32>,
        %parallel_loop3A_599 = tpu.vector_load_idx %arg10[%parallel_loop3A_383, %get3A_179] : memref<192x384xf32, #tpu.memory_space<vmem>>[vector<16xi32>, vector<16xi32>], vector<16xf32>,
        %parallel_loop3A_600 = tpu.vector_load_idx %arg10[%parallel_loop3A_383, %parallel_loop3A_596] : memref<192x384xf32, #tpu.memory_space<vmem>>[vector<16xi32>, vector<16xi32>], vector<16xf32>,
        %parallel_loop3A_601 = arith.subf %parallel_loop3A_598, %parallel_loop3A_597 : vector<16xf32>
        %parallel_loop3A_602 = arith.mulf %get3A_207, %parallel_loop3A_601 : vector<16xf32>
        %parallel_loop3A_603 = arith.addf %parallel_loop3A_597, %parallel_loop3A_602 : vector<16xf32>
        %parallel_loop3A_604 = arith.subf %parallel_loop3A_600, %parallel_loop3A_599 : vector<16xf32>
        %parallel_loop3A_605 = arith.mulf %get3A_207, %parallel_loop3A_604 : vector<16xf32>
        %parallel_loop3A_606 = arith.addf %parallel_loop3A_599, %parallel_loop3A_605 : vector<16xf32>
        %parallel_loop3A_607 = arith.subf %parallel_loop3A_606, %parallel_loop3A_603 : vector<16xf32>
        %parallel_loop3A_608 = arith.mulf %get3A_157, %parallel_loop3A_607 : vector<16xf32>
        %parallel_loop3A_609 = arith.addf %parallel_loop3A_603, %parallel_loop3A_608 : vector<16xf32>
        %parallel_loop3A_610 = arith.constant 0 : i32
        %parallel_loop3A_611 = arith.addi %parallel_loop3A_610, %parallel_loop3A_376 : i32
        %parallel_loop3A_612 = arith.index_cast %parallel_loop3A_611 : i32 to index
        %parallel_loop3A_613 = arith.constant 160 : index
        %parallel_loop3A_614 = tpu.vector_load %arg11[%parallel_loop3A_612, %parallel_loop3A_613] {strides = array<i32>} : memref<96x224xf32, #tpu.memory_space<vmem>>, vector<16xf32>,
        tpu.vector_store %arg11[%parallel_loop3A_612, %parallel_loop3A_613], %parallel_loop3A_609 {strides = array<i32>} : memref<96x224xf32, #tpu.memory_space<vmem>>, vector<16xf32>,
        %parallel_loop3A_615 = arith.constant 1 : i32
        %parallel_loop3A_616 = vector.broadcast %parallel_loop3A_615 : i32 to vector<16xi32>
        %parallel_loop3A_617 = arith.addi %get3A_181, %parallel_loop3A_616 : vector<16xi32>
        %parallel_loop3A_618 = tpu.vector_load_idx %arg10[%parallel_loop3A_380, %get3A_181] : memref<192x384xf32, #tpu.memory_space<vmem>>[vector<16xi32>, vector<16xi32>], vector<16xf32>,
        %parallel_loop3A_619 = tpu.vector_load_idx %arg10[%parallel_loop3A_380, %parallel_loop3A_617] : memref<192x384xf32, #tpu.memory_space<vmem>>[vector<16xi32>, vector<16xi32>], vector<16xf32>,
        %parallel_loop3A_620 = tpu.vector_load_idx %arg10[%parallel_loop3A_383, %get3A_181] : memref<192x384xf32, #tpu.memory_space<vmem>>[vector<16xi32>, vector<16xi32>], vector<16xf32>,
        %parallel_loop3A_621 = tpu.vector_load_idx %arg10[%parallel_loop3A_383, %parallel_loop3A_617] : memref<192x384xf32, #tpu.memory_space<vmem>>[vector<16xi32>, vector<16xi32>], vector<16xf32>,
        %parallel_loop3A_622 = arith.subf %parallel_loop3A_619, %parallel_loop3A_618 : vector<16xf32>
        %parallel_loop3A_623 = arith.mulf %get3A_209, %parallel_loop3A_622 : vector<16xf32>
        %parallel_loop3A_624 = arith.addf %parallel_loop3A_618, %parallel_loop3A_623 : vector<16xf32>
        %parallel_loop3A_625 = arith.subf %parallel_loop3A_621, %parallel_loop3A_620 : vector<16xf32>
        %parallel_loop3A_626 = arith.mulf %get3A_209, %parallel_loop3A_625 : vector<16xf32>
        %parallel_loop3A_627 = arith.addf %parallel_loop3A_620, %parallel_loop3A_626 : vector<16xf32>
        %parallel_loop3A_628 = arith.subf %parallel_loop3A_627, %parallel_loop3A_624 : vector<16xf32>
        %parallel_loop3A_629 = arith.mulf %get3A_157, %parallel_loop3A_628 : vector<16xf32>
        %parallel_loop3A_630 = arith.addf %parallel_loop3A_624, %parallel_loop3A_629 : vector<16xf32>
        %parallel_loop3A_631 = arith.constant 0 : i32
        %parallel_loop3A_632 = arith.addi %parallel_loop3A_631, %parallel_loop3A_376 : i32
        %parallel_loop3A_633 = arith.index_cast %parallel_loop3A_632 : i32 to index
        %parallel_loop3A_634 = arith.constant 176 : index
        %parallel_loop3A_635 = tpu.vector_load %arg11[%parallel_loop3A_633, %parallel_loop3A_634] {strides = array<i32>} : memref<96x224xf32, #tpu.memory_space<vmem>>, vector<16xf32>,
        tpu.vector_store %arg11[%parallel_loop3A_633, %parallel_loop3A_634], %parallel_loop3A_630 {strides = array<i32>} : memref<96x224xf32, #tpu.memory_space<vmem>>, vector<16xf32>,
        %parallel_loop3A_636 = arith.constant 1 : i32
        %parallel_loop3A_637 = vector.broadcast %parallel_loop3A_636 : i32 to vector<16xi32>
        %parallel_loop3A_638 = arith.addi %get3A_183, %parallel_loop3A_637 : vector<16xi32>
        %parallel_loop3A_639 = tpu.vector_load_idx %arg10[%parallel_loop3A_380, %get3A_183] : memref<192x384xf32, #tpu.memory_space<vmem>>[vector<16xi32>, vector<16xi32>], vector<16xf32>,
        %parallel_loop3A_640 = tpu.vector_load_idx %arg10[%parallel_loop3A_380, %parallel_loop3A_638] : memref<192x384xf32, #tpu.memory_space<vmem>>[vector<16xi32>, vector<16xi32>], vector<16xf32>,
        %parallel_loop3A_641 = tpu.vector_load_idx %arg10[%parallel_loop3A_383, %get3A_183] : memref<192x384xf32, #tpu.memory_space<vmem>>[vector<16xi32>, vector<16xi32>], vector<16xf32>,
        %parallel_loop3A_642 = tpu.vector_load_idx %arg10[%parallel_loop3A_383, %parallel_loop3A_638] : memref<192x384xf32, #tpu.memory_space<vmem>>[vector<16xi32>, vector<16xi32>], vector<16xf32>,
        %parallel_loop3A_643 = arith.subf %parallel_loop3A_640, %parallel_loop3A_639 : vector<16xf32>
        %parallel_loop3A_644 = arith.mulf %get3A_211, %parallel_loop3A_643 : vector<16xf32>
        %parallel_loop3A_645 = arith.addf %parallel_loop3A_639, %parallel_loop3A_644 : vector<16xf32>
        %parallel_loop3A_646 = arith.subf %parallel_loop3A_642, %parallel_loop3A_641 : vector<16xf32>
        %parallel_loop3A_647 = arith.mulf %get3A_211, %parallel_loop3A_646 : vector<16xf32>
        %parallel_loop3A_648 = arith.addf %parallel_loop3A_641, %parallel_loop3A_647 : vector<16xf32>
        %parallel_loop3A_649 = arith.subf %parallel_loop3A_648, %parallel_loop3A_645 : vector<16xf32>
        %parallel_loop3A_650 = arith.mulf %get3A_157, %parallel_loop3A_649 : vector<16xf32>
        %parallel_loop3A_651 = arith.addf %parallel_loop3A_645, %parallel_loop3A_650 : vector<16xf32>
        %parallel_loop3A_652 = arith.constant 0 : i32
        %parallel_loop3A_653 = arith.addi %parallel_loop3A_652, %parallel_loop3A_376 : i32
        %parallel_loop3A_654 = arith.index_cast %parallel_loop3A_653 : i32 to index
        %parallel_loop3A_655 = arith.constant 192 : index
        %parallel_loop3A_656 = tpu.vector_load %arg11[%parallel_loop3A_654, %parallel_loop3A_655] {strides = array<i32>} : memref<96x224xf32, #tpu.memory_space<vmem>>, vector<16xf32>,
        tpu.vector_store %arg11[%parallel_loop3A_654, %parallel_loop3A_655], %parallel_loop3A_651 {strides = array<i32>} : memref<96x224xf32, #tpu.memory_space<vmem>>, vector<16xf32>,
        %parallel_loop3A_657 = arith.constant 1 : i32
        %parallel_loop3A_658 = vector.broadcast %parallel_loop3A_657 : i32 to vector<16xi32>
        %parallel_loop3A_659 = arith.addi %get3A_185, %parallel_loop3A_658 : vector<16xi32>
        %parallel_loop3A_660 = tpu.vector_load_idx %arg10[%parallel_loop3A_380, %get3A_185] : memref<192x384xf32, #tpu.memory_space<vmem>>[vector<16xi32>, vector<16xi32>], vector<16xf32>,
        %parallel_loop3A_661 = tpu.vector_load_idx %arg10[%parallel_loop3A_380, %parallel_loop3A_659] : memref<192x384xf32, #tpu.memory_space<vmem>>[vector<16xi32>, vector<16xi32>], vector<16xf32>,
        %parallel_loop3A_662 = tpu.vector_load_idx %arg10[%parallel_loop3A_383, %get3A_185] : memref<192x384xf32, #tpu.memory_space<vmem>>[vector<16xi32>, vector<16xi32>], vector<16xf32>,
        %parallel_loop3A_663 = tpu.vector_load_idx %arg10[%parallel_loop3A_383, %parallel_loop3A_659] : memref<192x384xf32, #tpu.memory_space<vmem>>[vector<16xi32>, vector<16xi32>], vector<16xf32>,
        %parallel_loop3A_664 = arith.subf %parallel_loop3A_661, %parallel_loop3A_660 : vector<16xf32>
        %parallel_loop3A_665 = arith.mulf %get3A_213, %parallel_loop3A_664 : vector<16xf32>
        %parallel_loop3A_666 = arith.addf %parallel_loop3A_660, %parallel_loop3A_665 : vector<16xf32>
        %parallel_loop3A_667 = arith.subf %parallel_loop3A_663, %parallel_loop3A_662 : vector<16xf32>
        %parallel_loop3A_668 = arith.mulf %get3A_213, %parallel_loop3A_667 : vector<16xf32>
        %parallel_loop3A_669 = arith.addf %parallel_loop3A_662, %parallel_loop3A_668 : vector<16xf32>
        %parallel_loop3A_670 = arith.subf %parallel_loop3A_669, %parallel_loop3A_666 : vector<16xf32>
        %parallel_loop3A_671 = arith.mulf %get3A_157, %parallel_loop3A_670 : vector<16xf32>
        %parallel_loop3A_672 = arith.addf %parallel_loop3A_666, %parallel_loop3A_671 : vector<16xf32>
        %parallel_loop3A_673 = arith.constant 0 : i32
        %parallel_loop3A_674 = arith.addi %parallel_loop3A_673, %parallel_loop3A_376 : i32
        %parallel_loop3A_675 = arith.index_cast %parallel_loop3A_674 : i32 to index
        %parallel_loop3A_676 = arith.constant 208 : index
        %parallel_loop3A_677 = tpu.vector_load %arg11[%parallel_loop3A_675, %parallel_loop3A_676] {strides = array<i32>} : memref<96x224xf32, #tpu.memory_space<vmem>>, vector<16xf32>,
        tpu.vector_store %arg11[%parallel_loop3A_675, %parallel_loop3A_676], %parallel_loop3A_672 {strides = array<i32>} : memref<96x224xf32, #tpu.memory_space<vmem>>, vector<16xf32>,
      } {sc.loop_unroll_factor = 2 : i64, sc.parallel_access}
      %add3A_216 = arith.addi %mul3A_2, %mul3A_95 : i32
      %dma_start3A_217 = arith.constant 0 : i32
      %dma_start3A_218 = arith.constant 0 : i32
      %dma_start3A_219 = tpu.memref_slice %arg11[%dma_start3A_217, %dma_start3A_218] : memref<96x224xf32, #tpu.memory_space<vmem>> -> memref<48x224xf32, #tpu.memory_space<vmem>>
      %dma_start3A_220 = arith.constant 0 : i32
      %dma_start3A_221 = arith.constant 0 : i32
      %dma_start3A_222 = tpu.memref_slice %arg6[%add3A_216, %dma_start3A_220, %dma_start3A_221] : memref<1792x48x224xf32, #tpu.memory_space<hbm>> -> memref<1x48x224xf32, #tpu.memory_space<hbm>>
      %dma_start3A_223 = tpu.memref_squeeze %dma_start3A_222 : memref<1x48x224xf32, #tpu.memory_space<hbm>> -> memref<48x224xf32, #tpu.memory_space<hbm>>
      %dma_start3A_224 = arith.constant 0 : i32
      %dma_start3A_225 = arith.constant 0 : i32
      %dma_start3A_226 = tpu.memref_slice %arg6[%add3A_216, %dma_start3A_224, %dma_start3A_225] : memref<1792x48x224xf32, #tpu.memory_space<hbm>> -> memref<1x48x224xf32, #tpu.memory_space<hbm>>
      %dma_start3A_227 = tpu.memref_squeeze %dma_start3A_226 : memref<1x48x224xf32, #tpu.memory_space<hbm>> -> memref<48x224xf32, #tpu.memory_space<hbm>>
      %dma_start3A_228 = arith.constant 0 : i32
      %dma_start3A_229 = arith.constant 0 : i32
      %dma_start3A_230 = tpu.memref_slice %arg11[%dma_start3A_228, %dma_start3A_229] : memref<96x224xf32, #tpu.memory_space<vmem>> -> memref<48x224xf32, #tpu.memory_space<vmem>>
      tpu.enqueue_dma source(%dma_start3A_230 : memref<48x224xf32, #tpu.memory_space<vmem>>) target(%dma_start3A_227 : memref<48x224xf32, #tpu.memory_space<hbm>>) target_semaphore(%arg14 : memref<!tpu.dma_semaphore, #tpu.memory_space<semaphore_mem>>)
      %mul3A_231 = arith.constant 2 : i32
      %mul3A_232 = arith.muli %mul3A_231, %scan3A_93 : i32
      %add3A_233 = arith.constant 1 : i32
      %add3A_234 = arith.addi %mul3A_232, %add3A_233 : i32
      %add3A_235 = arith.constant 1 : i32
      %add3A_236 = arith.addi %add3A_234, %add3A_235 : i32
      %lt3A_237 = arith.constant 56 : i32
      %lt3A_238 = arith.cmpi slt, %add3A_236, %lt3A_237 : i32
      %convert_element_type3A_239 = arith.extui %lt3A_238 : i1 to i32
      %cond3A_240 = arith.constant 0 : i32
      %cond3A_241 = arith.cmpi ne, %convert_element_type3A_239, %cond3A_240 : i32
      scf.if %cond3A_241 {
        %add3A_376 = arith.constant 1 : i32
        %add3A_377 = arith.addi %add3A_234, %add3A_376 : i32
        %add3A_378 = arith.addi %mul3A_2, %add3A_377 : i32
        %rem3A_379 = arith.constant 2 : i32
        %rem3A_380 = arith.remsi %add3A_378, %rem3A_379 : i32
        %div3A_381 = arith.constant 2 : i32
        %div3A_382 = arith.divsi %add3A_378, %div3A_381 : i32
        %rem3A_383 = arith.constant 224 : i32
        %rem3A_384 = arith.remsi %div3A_382, %rem3A_383 : i32
        %div3A_385 = arith.constant 448 : i32
        %div3A_386 = arith.divsi %add3A_378, %div3A_385 : i32
        %mul3A_387 = arith.constant 24 : i32
        %mul3A_388 = arith.muli %mul3A_387, %rem3A_384 : i32
        %add3A_389 = arith.constant 5 : i32
        %add3A_390 = arith.addi %mul3A_388, %add3A_389 : i32
        %div3A_391 = arith.constant 14 : i32
        %div3A_392 = arith.divsi %add3A_390, %div3A_391 : i32
        %mul3A_393 = arith.constant 384 : i32
        %mul3A_394 = arith.muli %div3A_386, %mul3A_393 : i32
        %add3A_395 = arith.addi %mul3A_394, %div3A_392 : i32
        %mul3A_396 = arith.constant 2 : i32
        %mul3A_397 = arith.muli %add3A_395, %mul3A_396 : i32
        %add3A_398 = arith.addi %mul3A_397, %rem3A_380 : i32
        %add3A_399 = arith.constant 2 : i32
        %add3A_400 = arith.addi %add3A_398, %add3A_399 : i32
        %dma_start3A_401 = arith.constant 0 : i32
        %dma_start3A_402 = arith.constant 0 : i32
        %dma_start3A_403 = tpu.memref_slice %arg10[%dma_start3A_401, %dma_start3A_402] : memref<192x384xf32, #tpu.memory_space<vmem>> -> memref<48x384xf32, #tpu.memory_space<vmem>>
        %dma_start3A_404 = arith.constant 0 : i32
        %dma_start3A_405 = arith.constant 0 : i32
        %dma_start3A_406 = tpu.memref_slice %arg2[%add3A_398, %dma_start3A_404, %dma_start3A_405] : memref<3072x48x384xf32, #tpu.memory_space<hbm>> -> memref<1x48x384xf32, #tpu.memory_space<hbm>>
        %dma_start3A_407 = tpu.memref_squeeze %dma_start3A_406 : memref<1x48x384xf32, #tpu.memory_space<hbm>> -> memref<48x384xf32, #tpu.memory_space<hbm>>
        %dma_start3A_408 = arith.constant 0 : i32
        %dma_start3A_409 = arith.constant 0 : i32
        %dma_start3A_410 = tpu.memref_slice %arg10[%dma_start3A_408, %dma_start3A_409] : memref<192x384xf32, #tpu.memory_space<vmem>> -> memref<48x384xf32, #tpu.memory_space<vmem>>
        %dma_start3A_411 = arith.constant 0 : i32
        %dma_start3A_412 = arith.constant 0 : i32
        %dma_start3A_413 = tpu.memref_slice %arg2[%add3A_398, %dma_start3A_411, %dma_start3A_412] : memref<3072x48x384xf32, #tpu.memory_space<hbm>> -> memref<1x48x384xf32, #tpu.memory_space<hbm>>
        %dma_start3A_414 = tpu.memref_squeeze %dma_start3A_413 : memref<1x48x384xf32, #tpu.memory_space<hbm>> -> memref<48x384xf32, #tpu.memory_space<hbm>>
        tpu.enqueue_dma source(%dma_start3A_414 : memref<48x384xf32, #tpu.memory_space<hbm>>) target(%dma_start3A_410 : memref<48x384xf32, #tpu.memory_space<vmem>>) target_semaphore(%arg12 : memref<!tpu.dma_semaphore, #tpu.memory_space<semaphore_mem>>)
        %dma_start3A_415 = arith.constant 48 : i32
        %dma_start3A_416 = arith.constant 0 : i32
        %dma_start3A_417 = tpu.memref_slice %arg10[%dma_start3A_415, %dma_start3A_416] : memref<192x384xf32, #tpu.memory_space<vmem>> -> memref<48x384xf32, #tpu.memory_space<vmem>>
        %dma_start3A_418 = arith.constant 0 : i32
        %dma_start3A_419 = arith.constant 0 : i32
        %dma_start3A_420 = tpu.memref_slice %arg2[%add3A_400, %dma_start3A_418, %dma_start3A_419] : memref<3072x48x384xf32, #tpu.memory_space<hbm>> -> memref<1x48x384xf32, #tpu.memory_space<hbm>>
        %dma_start3A_421 = tpu.memref_squeeze %dma_start3A_420 : memref<1x48x384xf32, #tpu.memory_space<hbm>> -> memref<48x384xf32, #tpu.memory_space<hbm>>
        %dma_start3A_422 = arith.constant 48 : i32
        %dma_start3A_423 = arith.constant 0 : i32
        %dma_start3A_424 = tpu.memref_slice %arg10[%dma_start3A_422, %dma_start3A_423] : memref<192x384xf32, #tpu.memory_space<vmem>> -> memref<48x384xf32, #tpu.memory_space<vmem>>
        %dma_start3A_425 = arith.constant 0 : i32
        %dma_start3A_426 = arith.constant 0 : i32
        %dma_start3A_427 = tpu.memref_slice %arg2[%add3A_400, %dma_start3A_425, %dma_start3A_426] : memref<3072x48x384xf32, #tpu.memory_space<hbm>> -> memref<1x48x384xf32, #tpu.memory_space<hbm>>
        %dma_start3A_428 = tpu.memref_squeeze %dma_start3A_427 : memref<1x48x384xf32, #tpu.memory_space<hbm>> -> memref<48x384xf32, #tpu.memory_space<hbm>>
        tpu.enqueue_dma source(%dma_start3A_428 : memref<48x384xf32, #tpu.memory_space<hbm>>) target(%dma_start3A_424 : memref<48x384xf32, #tpu.memory_space<vmem>>) target_semaphore(%arg12 : memref<!tpu.dma_semaphore, #tpu.memory_space<semaphore_mem>>)
      } else {
      }
      %add3A_242 = arith.addi %mul3A_2, %add3A_234 : i32
      %rem3A_243 = arith.constant 2 : i32
      %rem3A_244 = arith.remsi %add3A_242, %rem3A_243 : i32
      %div3A_245 = arith.constant 2 : i32
      %div3A_246 = arith.divsi %add3A_242, %div3A_245 : i32
      %rem3A_247 = arith.constant 224 : i32
      %rem3A_248 = arith.remsi %div3A_246, %rem3A_247 : i32
      %div3A_249 = arith.constant 448 : i32
      %div3A_250 = arith.divsi %add3A_242, %div3A_249 : i32
      %mul3A_251 = arith.constant 24 : i32
      %mul3A_252 = arith.muli %mul3A_251, %rem3A_248 : i32
      %add3A_253 = arith.constant 5 : i32
      %add3A_254 = arith.addi %mul3A_252, %add3A_253 : i32
      %div3A_255 = arith.constant 14 : i32
      %div3A_256 = arith.divsi %add3A_254, %div3A_255 : i32
      %mul3A_257 = arith.constant 384 : i32
      %mul3A_258 = arith.muli %div3A_250, %mul3A_257 : i32
      %add3A_259 = arith.addi %mul3A_258, %div3A_256 : i32
      %mul3A_260 = arith.constant 2 : i32
      %mul3A_261 = arith.muli %add3A_259, %mul3A_260 : i32
      %add3A_262 = arith.addi %mul3A_261, %rem3A_244 : i32
      %add3A_263 = arith.constant 2 : i32
      %add3A_264 = arith.addi %add3A_262, %add3A_263 : i32
      %dma_wait3A_265 = arith.constant 96 : i32
      %dma_wait3A_266 = arith.constant 0 : i32
      %dma_wait3A_267 = tpu.memref_slice %arg10[%dma_wait3A_265, %dma_wait3A_266] : memref<192x384xf32, #tpu.memory_space<vmem>> -> memref<48x384xf32, #tpu.memory_space<vmem>>
      %dma_wait3A_268 = arith.constant 0 : i32
      %dma_wait3A_269 = arith.constant 0 : i32
      %dma_wait3A_270 = tpu.memref_slice %arg2[%add3A_262, %dma_wait3A_268, %dma_wait3A_269] : memref<3072x48x384xf32, #tpu.memory_space<hbm>> -> memref<1x48x384xf32, #tpu.memory_space<hbm>>
      %dma_wait3A_271 = tpu.memref_squeeze %dma_wait3A_270 : memref<1x48x384xf32, #tpu.memory_space<hbm>> -> memref<48x384xf32, #tpu.memory_space<hbm>>
      %dma_wait3A_272 = arith.constant 96 : i32
      %dma_wait3A_273 = arith.constant 0 : i32
      %dma_wait3A_274 = tpu.memref_slice %arg10[%dma_wait3A_272, %dma_wait3A_273] : memref<192x384xf32, #tpu.memory_space<vmem>> -> memref<48x384xf32, #tpu.memory_space<vmem>>
      %dma_wait3A_275 = arith.constant 0 : i32
      %dma_wait3A_276 = arith.constant 0 : i32
      %dma_wait3A_277 = tpu.memref_slice %arg2[%add3A_262, %dma_wait3A_275, %dma_wait3A_276] : memref<3072x48x384xf32, #tpu.memory_space<hbm>> -> memref<1x48x384xf32, #tpu.memory_space<hbm>>
      %dma_wait3A_278 = tpu.memref_squeeze %dma_wait3A_277 : memref<1x48x384xf32, #tpu.memory_space<hbm>> -> memref<48x384xf32, #tpu.memory_space<hbm>>
      tpu.wait_dma2 semaphore(%arg13 : memref<!tpu.dma_semaphore, #tpu.memory_space<semaphore_mem>>) src(%dma_wait3A_278 : memref<48x384xf32, #tpu.memory_space<hbm>>) dst(%dma_wait3A_274 : memref<48x384xf32, #tpu.memory_space<vmem>>)
      %dma_wait3A_279 = arith.constant 144 : i32
      %dma_wait3A_280 = arith.constant 0 : i32
      %dma_wait3A_281 = tpu.memref_slice %arg10[%dma_wait3A_279, %dma_wait3A_280] : memref<192x384xf32, #tpu.memory_space<vmem>> -> memref<48x384xf32, #tpu.memory_space<vmem>>
      %dma_wait3A_282 = arith.constant 0 : i32
      %dma_wait3A_283 = arith.constant 0 : i32
      %dma_wait3A_284 = tpu.memref_slice %arg2[%add3A_264, %dma_wait3A_282, %dma_wait3A_283] : memref<3072x48x384xf32, #tpu.memory_space<hbm>> -> memref<1x48x384xf32, #tpu.memory_space<hbm>>
      %dma_wait3A_285 = tpu.memref_squeeze %dma_wait3A_284 : memref<1x48x384xf32, #tpu.memory_space<hbm>> -> memref<48x384xf32, #tpu.memory_space<hbm>>
      %dma_wait3A_286 = arith.constant 144 : i32
      %dma_wait3A_287 = arith.constant 0 : i32
      %dma_wait3A_288 = tpu.memref_slice %arg10[%dma_wait3A_286, %dma_wait3A_287] : memref<192x384xf32, #tpu.memory_space<vmem>> -> memref<48x384xf32, #tpu.memory_space<vmem>>
      %dma_wait3A_289 = arith.constant 0 : i32
      %dma_wait3A_290 = arith.constant 0 : i32
      %dma_wait3A_291 = tpu.memref_slice %arg2[%add3A_264, %dma_wait3A_289, %dma_wait3A_290] : memref<3072x48x384xf32, #tpu.memory_space<hbm>> -> memref<1x48x384xf32, #tpu.memory_space<hbm>>
      %dma_wait3A_292 = tpu.memref_squeeze %dma_wait3A_291 : memref<1x48x384xf32, #tpu.memory_space<hbm>> -> memref<48x384xf32, #tpu.memory_space<hbm>>
      tpu.wait_dma2 semaphore(%arg13 : memref<!tpu.dma_semaphore, #tpu.memory_space<semaphore_mem>>) src(%dma_wait3A_292 : memref<48x384xf32, #tpu.memory_space<hbm>>) dst(%dma_wait3A_288 : memref<48x384xf32, #tpu.memory_space<vmem>>)
      %ge3A_293 = arith.constant 1 : i32
      %ge3A_294 = arith.cmpi sge, %scan3A_93, %ge3A_293 : i32
      %convert_element_type3A_295 = arith.extui %ge3A_294 : i1 to i32
      %cond3A_296 = arith.constant 0 : i32
      %cond3A_297 = arith.cmpi ne, %convert_element_type3A_295, %cond3A_296 : i32
      scf.if %cond3A_297 {
        %sub3A = arith.constant 2 : i32
        %sub3A_376 = arith.subi %add3A_234, %sub3A : i32
        %add3A_377 = arith.addi %mul3A_2, %sub3A_376 : i32
        %dma_wait3A_378 = arith.constant 48 : i32
        %dma_wait3A_379 = arith.constant 0 : i32
        %dma_wait3A_380 = tpu.memref_slice %arg11[%dma_wait3A_378, %dma_wait3A_379] : memref<96x224xf32, #tpu.memory_space<vmem>> -> memref<48x224xf32, #tpu.memory_space<vmem>>
        %dma_wait3A_381 = arith.constant 0 : i32
        %dma_wait3A_382 = arith.constant 0 : i32
        %dma_wait3A_383 = tpu.memref_slice %arg6[%add3A_377, %dma_wait3A_381, %dma_wait3A_382] : memref<1792x48x224xf32, #tpu.memory_space<hbm>> -> memref<1x48x224xf32, #tpu.memory_space<hbm>>
        %dma_wait3A_384 = tpu.memref_squeeze %dma_wait3A_383 : memref<1x48x224xf32, #tpu.memory_space<hbm>> -> memref<48x224xf32, #tpu.memory_space<hbm>>
        %dma_wait3A_385 = arith.constant 0 : i32
        %dma_wait3A_386 = arith.constant 0 : i32
        %dma_wait3A_387 = tpu.memref_slice %arg6[%add3A_377, %dma_wait3A_385, %dma_wait3A_386] : memref<1792x48x224xf32, #tpu.memory_space<hbm>> -> memref<1x48x224xf32, #tpu.memory_space<hbm>>
        %dma_wait3A_388 = tpu.memref_squeeze %dma_wait3A_387 : memref<1x48x224xf32, #tpu.memory_space<hbm>> -> memref<48x224xf32, #tpu.memory_space<hbm>>
        %dma_wait3A_389 = arith.constant 48 : i32
        %dma_wait3A_390 = arith.constant 0 : i32
        %dma_wait3A_391 = tpu.memref_slice %arg11[%dma_wait3A_389, %dma_wait3A_390] : memref<96x224xf32, #tpu.memory_space<vmem>> -> memref<48x224xf32, #tpu.memory_space<vmem>>
        tpu.wait_dma2 semaphore(%arg15 : memref<!tpu.dma_semaphore, #tpu.memory_space<semaphore_mem>>) src(%dma_wait3A_391 : memref<48x224xf32, #tpu.memory_space<vmem>>) dst(%dma_wait3A_388 : memref<48x224xf32, #tpu.memory_space<hbm>>)
      } else {
      }
      %mul3A_298 = arith.constant 16 : i32
      %mul3A_299 = arith.muli %add3A_234, %mul3A_298 : i32
      %get3A_300 = arith.index_cast %mul3A_299 : i32 to index
      %get3A_301 = tpu.vector_load %arg9[%get3A_300] {strides = array<i32>} : memref<896xf32, #tpu.memory_space<vmem>>, vector<16xf32>,
      %get3A_302 = arith.constant 0 : index
      %get3A_303 = tpu.vector_load %arg7[%get3A_302] {strides = array<i32>} : memref<224xi32, #tpu.memory_space<vmem>>, vector<16xi32>,
      %get3A_304 = arith.constant 16 : index
      %get3A_305 = tpu.vector_load %arg7[%get3A_304] {strides = array<i32>} : memref<224xi32, #tpu.memory_space<vmem>>, vector<16xi32>,
      %get3A_306 = arith.constant 32 : index
      %get3A_307 = tpu.vector_load %arg7[%get3A_306] {strides = array<i32>} : memref<224xi32, #tpu.memory_space<vmem>>, vector<16xi32>,
      %get3A_308 = arith.constant 48 : index
      %get3A_309 = tpu.vector_load %arg7[%get3A_308] {strides = array<i32>} : memref<224xi32, #tpu.memory_space<vmem>>, vector<16xi32>,
      %get3A_310 = arith.constant 64 : index
      %get3A_311 = tpu.vector_load %arg7[%get3A_310] {strides = array<i32>} : memref<224xi32, #tpu.memory_space<vmem>>, vector<16xi32>,
      %get3A_312 = arith.constant 80 : index
      %get3A_313 = tpu.vector_load %arg7[%get3A_312] {strides = array<i32>} : memref<224xi32, #tpu.memory_space<vmem>>, vector<16xi32>,
      %get3A_314 = arith.constant 96 : index
      %get3A_315 = tpu.vector_load %arg7[%get3A_314] {strides = array<i32>} : memref<224xi32, #tpu.memory_space<vmem>>, vector<16xi32>,
      %get3A_316 = arith.constant 112 : index
      %get3A_317 = tpu.vector_load %arg7[%get3A_316] {strides = array<i32>} : memref<224xi32, #tpu.memory_space<vmem>>, vector<16xi32>,
      %get3A_318 = arith.constant 128 : index
      %get3A_319 = tpu.vector_load %arg7[%get3A_318] {strides = array<i32>} : memref<224xi32, #tpu.memory_space<vmem>>, vector<16xi32>,
      %get3A_320 = arith.constant 144 : index
      %get3A_321 = tpu.vector_load %arg7[%get3A_320] {strides = array<i32>} : memref<224xi32, #tpu.memory_space<vmem>>, vector<16xi32>,
      %get3A_322 = arith.constant 160 : index
      %get3A_323 = tpu.vector_load %arg7[%get3A_322] {strides = array<i32>} : memref<224xi32, #tpu.memory_space<vmem>>, vector<16xi32>,
      %get3A_324 = arith.constant 176 : index
      %get3A_325 = tpu.vector_load %arg7[%get3A_324] {strides = array<i32>} : memref<224xi32, #tpu.memory_space<vmem>>, vector<16xi32>,
      %get3A_326 = arith.constant 192 : index
      %get3A_327 = tpu.vector_load %arg7[%get3A_326] {strides = array<i32>} : memref<224xi32, #tpu.memory_space<vmem>>, vector<16xi32>,
      %get3A_328 = arith.constant 208 : index
      %get3A_329 = tpu.vector_load %arg7[%get3A_328] {strides = array<i32>} : memref<224xi32, #tpu.memory_space<vmem>>, vector<16xi32>,
      %get3A_330 = arith.constant 0 : index
      %get3A_331 = tpu.vector_load %arg8[%get3A_330] {strides = array<i32>} : memref<224xf32, #tpu.memory_space<vmem>>, vector<16xf32>,
      %get3A_332 = arith.constant 16 : index
      %get3A_333 = tpu.vector_load %arg8[%get3A_332] {strides = array<i32>} : memref<224xf32, #tpu.memory_space<vmem>>, vector<16xf32>,
      %get3A_334 = arith.constant 32 : index
      %get3A_335 = tpu.vector_load %arg8[%get3A_334] {strides = array<i32>} : memref<224xf32, #tpu.memory_space<vmem>>, vector<16xf32>,
      %get3A_336 = arith.constant 48 : index
      %get3A_337 = tpu.vector_load %arg8[%get3A_336] {strides = array<i32>} : memref<224xf32, #tpu.memory_space<vmem>>, vector<16xf32>,
      %get3A_338 = arith.constant 64 : index
      %get3A_339 = tpu.vector_load %arg8[%get3A_338] {strides = array<i32>} : memref<224xf32, #tpu.memory_space<vmem>>, vector<16xf32>,
      %get3A_340 = arith.constant 80 : index
      %get3A_341 = tpu.vector_load %arg8[%get3A_340] {strides = array<i32>} : memref<224xf32, #tpu.memory_space<vmem>>, vector<16xf32>,
      %get3A_342 = arith.constant 96 : index
      %get3A_343 = tpu.vector_load %arg8[%get3A_342] {strides = array<i32>} : memref<224xf32, #tpu.memory_space<vmem>>, vector<16xf32>,
      %get3A_344 = arith.constant 112 : index
      %get3A_345 = tpu.vector_load %arg8[%get3A_344] {strides = array<i32>} : memref<224xf32, #tpu.memory_space<vmem>>, vector<16xf32>,
      %get3A_346 = arith.constant 128 : index
      %get3A_347 = tpu.vector_load %arg8[%get3A_346] {strides = array<i32>} : memref<224xf32, #tpu.memory_space<vmem>>, vector<16xf32>,
      %get3A_348 = arith.constant 144 : index
      %get3A_349 = tpu.vector_load %arg8[%get3A_348] {strides = array<i32>} : memref<224xf32, #tpu.memory_space<vmem>>, vector<16xf32>,
      %get3A_350 = arith.constant 160 : index
      %get3A_351 = tpu.vector_load %arg8[%get3A_350] {strides = array<i32>} : memref<224xf32, #tpu.memory_space<vmem>>, vector<16xf32>,
      %get3A_352 = arith.constant 176 : index
      %get3A_353 = tpu.vector_load %arg8[%get3A_352] {strides = array<i32>} : memref<224xf32, #tpu.memory_space<vmem>>, vector<16xf32>,
      %get3A_354 = arith.constant 192 : index
      %get3A_355 = tpu.vector_load %arg8[%get3A_354] {strides = array<i32>} : memref<224xf32, #tpu.memory_space<vmem>>, vector<16xf32>,
      %get3A_356 = arith.constant 208 : index
      %get3A_357 = tpu.vector_load %arg8[%get3A_356] {strides = array<i32>} : memref<224xf32, #tpu.memory_space<vmem>>, vector<16xf32>,
      %parallel_loop3A_358 = arith.constant 0 : i32
      %parallel_loop3A_359 = arith.constant 48 : i32
      %parallel_loop3A_360 = arith.constant 1 : i32
      scf.for %parallel_loop3A_376 = %parallel_loop3A_358 to %parallel_loop3A_359 step %parallel_loop3A_360  : i32 {
        %parallel_loop3A_377 = arith.constant 96 : i32
        %parallel_loop3A_378 = arith.addi %parallel_loop3A_376, %parallel_loop3A_377 : i32
        %parallel_loop3A_379 = vector.broadcast %parallel_loop3A_378 : i32 to vector<16xi32>
        %parallel_loop3A_380 = arith.addi %mul3A_7, %parallel_loop3A_379 : vector<16xi32>
        %parallel_loop3A_381 = arith.constant 48 : i32
        %parallel_loop3A_382 = vector.broadcast %parallel_loop3A_381 : i32 to vector<16xi32>
        %parallel_loop3A_383 = arith.addi %parallel_loop3A_380, %parallel_loop3A_382 : vector<16xi32>
        %parallel_loop3A_384 = arith.constant 1 : i32
        %parallel_loop3A_385 = vector.broadcast %parallel_loop3A_384 : i32 to vector<16xi32>
        %parallel_loop3A_386 = arith.addi %get3A_303, %parallel_loop3A_385 : vector<16xi32>
        %parallel_loop3A_387 = tpu.vector_load_idx %arg10[%parallel_loop3A_380, %get3A_303] : memref<192x384xf32, #tpu.memory_space<vmem>>[vector<16xi32>, vector<16xi32>], vector<16xf32>,
        %parallel_loop3A_388 = tpu.vector_load_idx %arg10[%parallel_loop3A_380, %parallel_loop3A_386] : memref<192x384xf32, #tpu.memory_space<vmem>>[vector<16xi32>, vector<16xi32>], vector<16xf32>,
        %parallel_loop3A_389 = tpu.vector_load_idx %arg10[%parallel_loop3A_383, %get3A_303] : memref<192x384xf32, #tpu.memory_space<vmem>>[vector<16xi32>, vector<16xi32>], vector<16xf32>,
        %parallel_loop3A_390 = tpu.vector_load_idx %arg10[%parallel_loop3A_383, %parallel_loop3A_386] : memref<192x384xf32, #tpu.memory_space<vmem>>[vector<16xi32>, vector<16xi32>], vector<16xf32>,
        %parallel_loop3A_391 = arith.subf %parallel_loop3A_388, %parallel_loop3A_387 : vector<16xf32>
        %parallel_loop3A_392 = arith.mulf %get3A_331, %parallel_loop3A_391 : vector<16xf32>
        %parallel_loop3A_393 = arith.addf %parallel_loop3A_387, %parallel_loop3A_392 : vector<16xf32>
        %parallel_loop3A_394 = arith.subf %parallel_loop3A_390, %parallel_loop3A_389 : vector<16xf32>
        %parallel_loop3A_395 = arith.mulf %get3A_331, %parallel_loop3A_394 : vector<16xf32>
        %parallel_loop3A_396 = arith.addf %parallel_loop3A_389, %parallel_loop3A_395 : vector<16xf32>
        %parallel_loop3A_397 = arith.subf %parallel_loop3A_396, %parallel_loop3A_393 : vector<16xf32>
        %parallel_loop3A_398 = arith.mulf %get3A_301, %parallel_loop3A_397 : vector<16xf32>
        %parallel_loop3A_399 = arith.addf %parallel_loop3A_393, %parallel_loop3A_398 : vector<16xf32>
        %parallel_loop3A_400 = arith.constant 48 : i32
        %parallel_loop3A_401 = arith.addi %parallel_loop3A_400, %parallel_loop3A_376 : i32
        %parallel_loop3A_402 = arith.index_cast %parallel_loop3A_401 : i32 to index
        %parallel_loop3A_403 = arith.constant 0 : index
        %parallel_loop3A_404 = tpu.vector_load %arg11[%parallel_loop3A_402, %parallel_loop3A_403] {strides = array<i32>} : memref<96x224xf32, #tpu.memory_space<vmem>>, vector<16xf32>,
        tpu.vector_store %arg11[%parallel_loop3A_402, %parallel_loop3A_403], %parallel_loop3A_399 {strides = array<i32>} : memref<96x224xf32, #tpu.memory_space<vmem>>, vector<16xf32>,
        %parallel_loop3A_405 = arith.constant 1 : i32
        %parallel_loop3A_406 = vector.broadcast %parallel_loop3A_405 : i32 to vector<16xi32>
        %parallel_loop3A_407 = arith.addi %get3A_305, %parallel_loop3A_406 : vector<16xi32>
        %parallel_loop3A_408 = tpu.vector_load_idx %arg10[%parallel_loop3A_380, %get3A_305] : memref<192x384xf32, #tpu.memory_space<vmem>>[vector<16xi32>, vector<16xi32>], vector<16xf32>,
        %parallel_loop3A_409 = tpu.vector_load_idx %arg10[%parallel_loop3A_380, %parallel_loop3A_407] : memref<192x384xf32, #tpu.memory_space<vmem>>[vector<16xi32>, vector<16xi32>], vector<16xf32>,
        %parallel_loop3A_410 = tpu.vector_load_idx %arg10[%parallel_loop3A_383, %get3A_305] : memref<192x384xf32, #tpu.memory_space<vmem>>[vector<16xi32>, vector<16xi32>], vector<16xf32>,
        %parallel_loop3A_411 = tpu.vector_load_idx %arg10[%parallel_loop3A_383, %parallel_loop3A_407] : memref<192x384xf32, #tpu.memory_space<vmem>>[vector<16xi32>, vector<16xi32>], vector<16xf32>,
        %parallel_loop3A_412 = arith.subf %parallel_loop3A_409, %parallel_loop3A_408 : vector<16xf32>
        %parallel_loop3A_413 = arith.mulf %get3A_333, %parallel_loop3A_412 : vector<16xf32>
        %parallel_loop3A_414 = arith.addf %parallel_loop3A_408, %parallel_loop3A_413 : vector<16xf32>
        %parallel_loop3A_415 = arith.subf %parallel_loop3A_411, %parallel_loop3A_410 : vector<16xf32>
        %parallel_loop3A_416 = arith.mulf %get3A_333, %parallel_loop3A_415 : vector<16xf32>
        %parallel_loop3A_417 = arith.addf %parallel_loop3A_410, %parallel_loop3A_416 : vector<16xf32>
        %parallel_loop3A_418 = arith.subf %parallel_loop3A_417, %parallel_loop3A_414 : vector<16xf32>
        %parallel_loop3A_419 = arith.mulf %get3A_301, %parallel_loop3A_418 : vector<16xf32>
        %parallel_loop3A_420 = arith.addf %parallel_loop3A_414, %parallel_loop3A_419 : vector<16xf32>
        %parallel_loop3A_421 = arith.constant 48 : i32
        %parallel_loop3A_422 = arith.addi %parallel_loop3A_421, %parallel_loop3A_376 : i32
        %parallel_loop3A_423 = arith.index_cast %parallel_loop3A_422 : i32 to index
        %parallel_loop3A_424 = arith.constant 16 : index
        %parallel_loop3A_425 = tpu.vector_load %arg11[%parallel_loop3A_423, %parallel_loop3A_424] {strides = array<i32>} : memref<96x224xf32, #tpu.memory_space<vmem>>, vector<16xf32>,
        tpu.vector_store %arg11[%parallel_loop3A_423, %parallel_loop3A_424], %parallel_loop3A_420 {strides = array<i32>} : memref<96x224xf32, #tpu.memory_space<vmem>>, vector<16xf32>,
        %parallel_loop3A_426 = arith.constant 1 : i32
        %parallel_loop3A_427 = vector.broadcast %parallel_loop3A_426 : i32 to vector<16xi32>
        %parallel_loop3A_428 = arith.addi %get3A_307, %parallel_loop3A_427 : vector<16xi32>
        %parallel_loop3A_429 = tpu.vector_load_idx %arg10[%parallel_loop3A_380, %get3A_307] : memref<192x384xf32, #tpu.memory_space<vmem>>[vector<16xi32>, vector<16xi32>], vector<16xf32>,
        %parallel_loop3A_430 = tpu.vector_load_idx %arg10[%parallel_loop3A_380, %parallel_loop3A_428] : memref<192x384xf32, #tpu.memory_space<vmem>>[vector<16xi32>, vector<16xi32>], vector<16xf32>,
        %parallel_loop3A_431 = tpu.vector_load_idx %arg10[%parallel_loop3A_383, %get3A_307] : memref<192x384xf32, #tpu.memory_space<vmem>>[vector<16xi32>, vector<16xi32>], vector<16xf32>,
        %parallel_loop3A_432 = tpu.vector_load_idx %arg10[%parallel_loop3A_383, %parallel_loop3A_428] : memref<192x384xf32, #tpu.memory_space<vmem>>[vector<16xi32>, vector<16xi32>], vector<16xf32>,
        %parallel_loop3A_433 = arith.subf %parallel_loop3A_430, %parallel_loop3A_429 : vector<16xf32>
        %parallel_loop3A_434 = arith.mulf %get3A_335, %parallel_loop3A_433 : vector<16xf32>
        %parallel_loop3A_435 = arith.addf %parallel_loop3A_429, %parallel_loop3A_434 : vector<16xf32>
        %parallel_loop3A_436 = arith.subf %parallel_loop3A_432, %parallel_loop3A_431 : vector<16xf32>
        %parallel_loop3A_437 = arith.mulf %get3A_335, %parallel_loop3A_436 : vector<16xf32>
        %parallel_loop3A_438 = arith.addf %parallel_loop3A_431, %parallel_loop3A_437 : vector<16xf32>
        %parallel_loop3A_439 = arith.subf %parallel_loop3A_438, %parallel_loop3A_435 : vector<16xf32>
        %parallel_loop3A_440 = arith.mulf %get3A_301, %parallel_loop3A_439 : vector<16xf32>
        %parallel_loop3A_441 = arith.addf %parallel_loop3A_435, %parallel_loop3A_440 : vector<16xf32>
        %parallel_loop3A_442 = arith.constant 48 : i32
        %parallel_loop3A_443 = arith.addi %parallel_loop3A_442, %parallel_loop3A_376 : i32
        %parallel_loop3A_444 = arith.index_cast %parallel_loop3A_443 : i32 to index
        %parallel_loop3A_445 = arith.constant 32 : index
        %parallel_loop3A_446 = tpu.vector_load %arg11[%parallel_loop3A_444, %parallel_loop3A_445] {strides = array<i32>} : memref<96x224xf32, #tpu.memory_space<vmem>>, vector<16xf32>,
        tpu.vector_store %arg11[%parallel_loop3A_444, %parallel_loop3A_445], %parallel_loop3A_441 {strides = array<i32>} : memref<96x224xf32, #tpu.memory_space<vmem>>, vector<16xf32>,
        %parallel_loop3A_447 = arith.constant 1 : i32
        %parallel_loop3A_448 = vector.broadcast %parallel_loop3A_447 : i32 to vector<16xi32>
        %parallel_loop3A_449 = arith.addi %get3A_309, %parallel_loop3A_448 : vector<16xi32>
        %parallel_loop3A_450 = tpu.vector_load_idx %arg10[%parallel_loop3A_380, %get3A_309] : memref<192x384xf32, #tpu.memory_space<vmem>>[vector<16xi32>, vector<16xi32>], vector<16xf32>,
        %parallel_loop3A_451 = tpu.vector_load_idx %arg10[%parallel_loop3A_380, %parallel_loop3A_449] : memref<192x384xf32, #tpu.memory_space<vmem>>[vector<16xi32>, vector<16xi32>], vector<16xf32>,
        %parallel_loop3A_452 = tpu.vector_load_idx %arg10[%parallel_loop3A_383, %get3A_309] : memref<192x384xf32, #tpu.memory_space<vmem>>[vector<16xi32>, vector<16xi32>], vector<16xf32>,
        %parallel_loop3A_453 = tpu.vector_load_idx %arg10[%parallel_loop3A_383, %parallel_loop3A_449] : memref<192x384xf32, #tpu.memory_space<vmem>>[vector<16xi32>, vector<16xi32>], vector<16xf32>,
        %parallel_loop3A_454 = arith.subf %parallel_loop3A_451, %parallel_loop3A_450 : vector<16xf32>
        %parallel_loop3A_455 = arith.mulf %get3A_337, %parallel_loop3A_454 : vector<16xf32>
        %parallel_loop3A_456 = arith.addf %parallel_loop3A_450, %parallel_loop3A_455 : vector<16xf32>
        %parallel_loop3A_457 = arith.subf %parallel_loop3A_453, %parallel_loop3A_452 : vector<16xf32>
        %parallel_loop3A_458 = arith.mulf %get3A_337, %parallel_loop3A_457 : vector<16xf32>
        %parallel_loop3A_459 = arith.addf %parallel_loop3A_452, %parallel_loop3A_458 : vector<16xf32>
        %parallel_loop3A_460 = arith.subf %parallel_loop3A_459, %parallel_loop3A_456 : vector<16xf32>
        %parallel_loop3A_461 = arith.mulf %get3A_301, %parallel_loop3A_460 : vector<16xf32>
        %parallel_loop3A_462 = arith.addf %parallel_loop3A_456, %parallel_loop3A_461 : vector<16xf32>
        %parallel_loop3A_463 = arith.constant 48 : i32
        %parallel_loop3A_464 = arith.addi %parallel_loop3A_463, %parallel_loop3A_376 : i32
        %parallel_loop3A_465 = arith.index_cast %parallel_loop3A_464 : i32 to index
        %parallel_loop3A_466 = arith.constant 48 : index
        %parallel_loop3A_467 = tpu.vector_load %arg11[%parallel_loop3A_465, %parallel_loop3A_466] {strides = array<i32>} : memref<96x224xf32, #tpu.memory_space<vmem>>, vector<16xf32>,
        tpu.vector_store %arg11[%parallel_loop3A_465, %parallel_loop3A_466], %parallel_loop3A_462 {strides = array<i32>} : memref<96x224xf32, #tpu.memory_space<vmem>>, vector<16xf32>,
        %parallel_loop3A_468 = arith.constant 1 : i32
        %parallel_loop3A_469 = vector.broadcast %parallel_loop3A_468 : i32 to vector<16xi32>
        %parallel_loop3A_470 = arith.addi %get3A_311, %parallel_loop3A_469 : vector<16xi32>
        %parallel_loop3A_471 = tpu.vector_load_idx %arg10[%parallel_loop3A_380, %get3A_311] : memref<192x384xf32, #tpu.memory_space<vmem>>[vector<16xi32>, vector<16xi32>], vector<16xf32>,
        %parallel_loop3A_472 = tpu.vector_load_idx %arg10[%parallel_loop3A_380, %parallel_loop3A_470] : memref<192x384xf32, #tpu.memory_space<vmem>>[vector<16xi32>, vector<16xi32>], vector<16xf32>,
        %parallel_loop3A_473 = tpu.vector_load_idx %arg10[%parallel_loop3A_383, %get3A_311] : memref<192x384xf32, #tpu.memory_space<vmem>>[vector<16xi32>, vector<16xi32>], vector<16xf32>,
        %parallel_loop3A_474 = tpu.vector_load_idx %arg10[%parallel_loop3A_383, %parallel_loop3A_470] : memref<192x384xf32, #tpu.memory_space<vmem>>[vector<16xi32>, vector<16xi32>], vector<16xf32>,
        %parallel_loop3A_475 = arith.subf %parallel_loop3A_472, %parallel_loop3A_471 : vector<16xf32>
        %parallel_loop3A_476 = arith.mulf %get3A_339, %parallel_loop3A_475 : vector<16xf32>
        %parallel_loop3A_477 = arith.addf %parallel_loop3A_471, %parallel_loop3A_476 : vector<16xf32>
        %parallel_loop3A_478 = arith.subf %parallel_loop3A_474, %parallel_loop3A_473 : vector<16xf32>
        %parallel_loop3A_479 = arith.mulf %get3A_339, %parallel_loop3A_478 : vector<16xf32>
        %parallel_loop3A_480 = arith.addf %parallel_loop3A_473, %parallel_loop3A_479 : vector<16xf32>
        %parallel_loop3A_481 = arith.subf %parallel_loop3A_480, %parallel_loop3A_477 : vector<16xf32>
        %parallel_loop3A_482 = arith.mulf %get3A_301, %parallel_loop3A_481 : vector<16xf32>
        %parallel_loop3A_483 = arith.addf %parallel_loop3A_477, %parallel_loop3A_482 : vector<16xf32>
        %parallel_loop3A_484 = arith.constant 48 : i32
        %parallel_loop3A_485 = arith.addi %parallel_loop3A_484, %parallel_loop3A_376 : i32
        %parallel_loop3A_486 = arith.index_cast %parallel_loop3A_485 : i32 to index
        %parallel_loop3A_487 = arith.constant 64 : index
        %parallel_loop3A_488 = tpu.vector_load %arg11[%parallel_loop3A_486, %parallel_loop3A_487] {strides = array<i32>} : memref<96x224xf32, #tpu.memory_space<vmem>>, vector<16xf32>,
        tpu.vector_store %arg11[%parallel_loop3A_486, %parallel_loop3A_487], %parallel_loop3A_483 {strides = array<i32>} : memref<96x224xf32, #tpu.memory_space<vmem>>, vector<16xf32>,
        %parallel_loop3A_489 = arith.constant 1 : i32
        %parallel_loop3A_490 = vector.broadcast %parallel_loop3A_489 : i32 to vector<16xi32>
        %parallel_loop3A_491 = arith.addi %get3A_313, %parallel_loop3A_490 : vector<16xi32>
        %parallel_loop3A_492 = tpu.vector_load_idx %arg10[%parallel_loop3A_380, %get3A_313] : memref<192x384xf32, #tpu.memory_space<vmem>>[vector<16xi32>, vector<16xi32>], vector<16xf32>,
        %parallel_loop3A_493 = tpu.vector_load_idx %arg10[%parallel_loop3A_380, %parallel_loop3A_491] : memref<192x384xf32, #tpu.memory_space<vmem>>[vector<16xi32>, vector<16xi32>], vector<16xf32>,
        %parallel_loop3A_494 = tpu.vector_load_idx %arg10[%parallel_loop3A_383, %get3A_313] : memref<192x384xf32, #tpu.memory_space<vmem>>[vector<16xi32>, vector<16xi32>], vector<16xf32>,
        %parallel_loop3A_495 = tpu.vector_load_idx %arg10[%parallel_loop3A_383, %parallel_loop3A_491] : memref<192x384xf32, #tpu.memory_space<vmem>>[vector<16xi32>, vector<16xi32>], vector<16xf32>,
        %parallel_loop3A_496 = arith.subf %parallel_loop3A_493, %parallel_loop3A_492 : vector<16xf32>
        %parallel_loop3A_497 = arith.mulf %get3A_341, %parallel_loop3A_496 : vector<16xf32>
        %parallel_loop3A_498 = arith.addf %parallel_loop3A_492, %parallel_loop3A_497 : vector<16xf32>
        %parallel_loop3A_499 = arith.subf %parallel_loop3A_495, %parallel_loop3A_494 : vector<16xf32>
        %parallel_loop3A_500 = arith.mulf %get3A_341, %parallel_loop3A_499 : vector<16xf32>
        %parallel_loop3A_501 = arith.addf %parallel_loop3A_494, %parallel_loop3A_500 : vector<16xf32>
        %parallel_loop3A_502 = arith.subf %parallel_loop3A_501, %parallel_loop3A_498 : vector<16xf32>
        %parallel_loop3A_503 = arith.mulf %get3A_301, %parallel_loop3A_502 : vector<16xf32>
        %parallel_loop3A_504 = arith.addf %parallel_loop3A_498, %parallel_loop3A_503 : vector<16xf32>
        %parallel_loop3A_505 = arith.constant 48 : i32
        %parallel_loop3A_506 = arith.addi %parallel_loop3A_505, %parallel_loop3A_376 : i32
        %parallel_loop3A_507 = arith.index_cast %parallel_loop3A_506 : i32 to index
        %parallel_loop3A_508 = arith.constant 80 : index
        %parallel_loop3A_509 = tpu.vector_load %arg11[%parallel_loop3A_507, %parallel_loop3A_508] {strides = array<i32>} : memref<96x224xf32, #tpu.memory_space<vmem>>, vector<16xf32>,
        tpu.vector_store %arg11[%parallel_loop3A_507, %parallel_loop3A_508], %parallel_loop3A_504 {strides = array<i32>} : memref<96x224xf32, #tpu.memory_space<vmem>>, vector<16xf32>,
        %parallel_loop3A_510 = arith.constant 1 : i32
        %parallel_loop3A_511 = vector.broadcast %parallel_loop3A_510 : i32 to vector<16xi32>
        %parallel_loop3A_512 = arith.addi %get3A_315, %parallel_loop3A_511 : vector<16xi32>
        %parallel_loop3A_513 = tpu.vector_load_idx %arg10[%parallel_loop3A_380, %get3A_315] : memref<192x384xf32, #tpu.memory_space<vmem>>[vector<16xi32>, vector<16xi32>], vector<16xf32>,
        %parallel_loop3A_514 = tpu.vector_load_idx %arg10[%parallel_loop3A_380, %parallel_loop3A_512] : memref<192x384xf32, #tpu.memory_space<vmem>>[vector<16xi32>, vector<16xi32>], vector<16xf32>,
        %parallel_loop3A_515 = tpu.vector_load_idx %arg10[%parallel_loop3A_383, %get3A_315] : memref<192x384xf32, #tpu.memory_space<vmem>>[vector<16xi32>, vector<16xi32>], vector<16xf32>,
        %parallel_loop3A_516 = tpu.vector_load_idx %arg10[%parallel_loop3A_383, %parallel_loop3A_512] : memref<192x384xf32, #tpu.memory_space<vmem>>[vector<16xi32>, vector<16xi32>], vector<16xf32>,
        %parallel_loop3A_517 = arith.subf %parallel_loop3A_514, %parallel_loop3A_513 : vector<16xf32>
        %parallel_loop3A_518 = arith.mulf %get3A_343, %parallel_loop3A_517 : vector<16xf32>
        %parallel_loop3A_519 = arith.addf %parallel_loop3A_513, %parallel_loop3A_518 : vector<16xf32>
        %parallel_loop3A_520 = arith.subf %parallel_loop3A_516, %parallel_loop3A_515 : vector<16xf32>
        %parallel_loop3A_521 = arith.mulf %get3A_343, %parallel_loop3A_520 : vector<16xf32>
        %parallel_loop3A_522 = arith.addf %parallel_loop3A_515, %parallel_loop3A_521 : vector<16xf32>
        %parallel_loop3A_523 = arith.subf %parallel_loop3A_522, %parallel_loop3A_519 : vector<16xf32>
        %parallel_loop3A_524 = arith.mulf %get3A_301, %parallel_loop3A_523 : vector<16xf32>
        %parallel_loop3A_525 = arith.addf %parallel_loop3A_519, %parallel_loop3A_524 : vector<16xf32>
        %parallel_loop3A_526 = arith.constant 48 : i32
        %parallel_loop3A_527 = arith.addi %parallel_loop3A_526, %parallel_loop3A_376 : i32
        %parallel_loop3A_528 = arith.index_cast %parallel_loop3A_527 : i32 to index
        %parallel_loop3A_529 = arith.constant 96 : index
        %parallel_loop3A_530 = tpu.vector_load %arg11[%parallel_loop3A_528, %parallel_loop3A_529] {strides = array<i32>} : memref<96x224xf32, #tpu.memory_space<vmem>>, vector<16xf32>,
        tpu.vector_store %arg11[%parallel_loop3A_528, %parallel_loop3A_529], %parallel_loop3A_525 {strides = array<i32>} : memref<96x224xf32, #tpu.memory_space<vmem>>, vector<16xf32>,
        %parallel_loop3A_531 = arith.constant 1 : i32
        %parallel_loop3A_532 = vector.broadcast %parallel_loop3A_531 : i32 to vector<16xi32>
        %parallel_loop3A_533 = arith.addi %get3A_317, %parallel_loop3A_532 : vector<16xi32>
        %parallel_loop3A_534 = tpu.vector_load_idx %arg10[%parallel_loop3A_380, %get3A_317] : memref<192x384xf32, #tpu.memory_space<vmem>>[vector<16xi32>, vector<16xi32>], vector<16xf32>,
        %parallel_loop3A_535 = tpu.vector_load_idx %arg10[%parallel_loop3A_380, %parallel_loop3A_533] : memref<192x384xf32, #tpu.memory_space<vmem>>[vector<16xi32>, vector<16xi32>], vector<16xf32>,
        %parallel_loop3A_536 = tpu.vector_load_idx %arg10[%parallel_loop3A_383, %get3A_317] : memref<192x384xf32, #tpu.memory_space<vmem>>[vector<16xi32>, vector<16xi32>], vector<16xf32>,
        %parallel_loop3A_537 = tpu.vector_load_idx %arg10[%parallel_loop3A_383, %parallel_loop3A_533] : memref<192x384xf32, #tpu.memory_space<vmem>>[vector<16xi32>, vector<16xi32>], vector<16xf32>,
        %parallel_loop3A_538 = arith.subf %parallel_loop3A_535, %parallel_loop3A_534 : vector<16xf32>
        %parallel_loop3A_539 = arith.mulf %get3A_345, %parallel_loop3A_538 : vector<16xf32>
        %parallel_loop3A_540 = arith.addf %parallel_loop3A_534, %parallel_loop3A_539 : vector<16xf32>
        %parallel_loop3A_541 = arith.subf %parallel_loop3A_537, %parallel_loop3A_536 : vector<16xf32>
        %parallel_loop3A_542 = arith.mulf %get3A_345, %parallel_loop3A_541 : vector<16xf32>
        %parallel_loop3A_543 = arith.addf %parallel_loop3A_536, %parallel_loop3A_542 : vector<16xf32>
        %parallel_loop3A_544 = arith.subf %parallel_loop3A_543, %parallel_loop3A_540 : vector<16xf32>
        %parallel_loop3A_545 = arith.mulf %get3A_301, %parallel_loop3A_544 : vector<16xf32>
        %parallel_loop3A_546 = arith.addf %parallel_loop3A_540, %parallel_loop3A_545 : vector<16xf32>
        %parallel_loop3A_547 = arith.constant 48 : i32
        %parallel_loop3A_548 = arith.addi %parallel_loop3A_547, %parallel_loop3A_376 : i32
        %parallel_loop3A_549 = arith.index_cast %parallel_loop3A_548 : i32 to index
        %parallel_loop3A_550 = arith.constant 112 : index
        %parallel_loop3A_551 = tpu.vector_load %arg11[%parallel_loop3A_549, %parallel_loop3A_550] {strides = array<i32>} : memref<96x224xf32, #tpu.memory_space<vmem>>, vector<16xf32>,
        tpu.vector_store %arg11[%parallel_loop3A_549, %parallel_loop3A_550], %parallel_loop3A_546 {strides = array<i32>} : memref<96x224xf32, #tpu.memory_space<vmem>>, vector<16xf32>,
        %parallel_loop3A_552 = arith.constant 1 : i32
        %parallel_loop3A_553 = vector.broadcast %parallel_loop3A_552 : i32 to vector<16xi32>
        %parallel_loop3A_554 = arith.addi %get3A_319, %parallel_loop3A_553 : vector<16xi32>
        %parallel_loop3A_555 = tpu.vector_load_idx %arg10[%parallel_loop3A_380, %get3A_319] : memref<192x384xf32, #tpu.memory_space<vmem>>[vector<16xi32>, vector<16xi32>], vector<16xf32>,
        %parallel_loop3A_556 = tpu.vector_load_idx %arg10[%parallel_loop3A_380, %parallel_loop3A_554] : memref<192x384xf32, #tpu.memory_space<vmem>>[vector<16xi32>, vector<16xi32>], vector<16xf32>,
        %parallel_loop3A_557 = tpu.vector_load_idx %arg10[%parallel_loop3A_383, %get3A_319] : memref<192x384xf32, #tpu.memory_space<vmem>>[vector<16xi32>, vector<16xi32>], vector<16xf32>,
        %parallel_loop3A_558 = tpu.vector_load_idx %arg10[%parallel_loop3A_383, %parallel_loop3A_554] : memref<192x384xf32, #tpu.memory_space<vmem>>[vector<16xi32>, vector<16xi32>], vector<16xf32>,
        %parallel_loop3A_559 = arith.subf %parallel_loop3A_556, %parallel_loop3A_555 : vector<16xf32>
        %parallel_loop3A_560 = arith.mulf %get3A_347, %parallel_loop3A_559 : vector<16xf32>
        %parallel_loop3A_561 = arith.addf %parallel_loop3A_555, %parallel_loop3A_560 : vector<16xf32>
        %parallel_loop3A_562 = arith.subf %parallel_loop3A_558, %parallel_loop3A_557 : vector<16xf32>
        %parallel_loop3A_563 = arith.mulf %get3A_347, %parallel_loop3A_562 : vector<16xf32>
        %parallel_loop3A_564 = arith.addf %parallel_loop3A_557, %parallel_loop3A_563 : vector<16xf32>
        %parallel_loop3A_565 = arith.subf %parallel_loop3A_564, %parallel_loop3A_561 : vector<16xf32>
        %parallel_loop3A_566 = arith.mulf %get3A_301, %parallel_loop3A_565 : vector<16xf32>
        %parallel_loop3A_567 = arith.addf %parallel_loop3A_561, %parallel_loop3A_566 : vector<16xf32>
        %parallel_loop3A_568 = arith.constant 48 : i32
        %parallel_loop3A_569 = arith.addi %parallel_loop3A_568, %parallel_loop3A_376 : i32
        %parallel_loop3A_570 = arith.index_cast %parallel_loop3A_569 : i32 to index
        %parallel_loop3A_571 = arith.constant 128 : index
        %parallel_loop3A_572 = tpu.vector_load %arg11[%parallel_loop3A_570, %parallel_loop3A_571] {strides = array<i32>} : memref<96x224xf32, #tpu.memory_space<vmem>>, vector<16xf32>,
        tpu.vector_store %arg11[%parallel_loop3A_570, %parallel_loop3A_571], %parallel_loop3A_567 {strides = array<i32>} : memref<96x224xf32, #tpu.memory_space<vmem>>, vector<16xf32>,
        %parallel_loop3A_573 = arith.constant 1 : i32
        %parallel_loop3A_574 = vector.broadcast %parallel_loop3A_573 : i32 to vector<16xi32>
        %parallel_loop3A_575 = arith.addi %get3A_321, %parallel_loop3A_574 : vector<16xi32>
        %parallel_loop3A_576 = tpu.vector_load_idx %arg10[%parallel_loop3A_380, %get3A_321] : memref<192x384xf32, #tpu.memory_space<vmem>>[vector<16xi32>, vector<16xi32>], vector<16xf32>,
        %parallel_loop3A_577 = tpu.vector_load_idx %arg10[%parallel_loop3A_380, %parallel_loop3A_575] : memref<192x384xf32, #tpu.memory_space<vmem>>[vector<16xi32>, vector<16xi32>], vector<16xf32>,
        %parallel_loop3A_578 = tpu.vector_load_idx %arg10[%parallel_loop3A_383, %get3A_321] : memref<192x384xf32, #tpu.memory_space<vmem>>[vector<16xi32>, vector<16xi32>], vector<16xf32>,
        %parallel_loop3A_579 = tpu.vector_load_idx %arg10[%parallel_loop3A_383, %parallel_loop3A_575] : memref<192x384xf32, #tpu.memory_space<vmem>>[vector<16xi32>, vector<16xi32>], vector<16xf32>,
        %parallel_loop3A_580 = arith.subf %parallel_loop3A_577, %parallel_loop3A_576 : vector<16xf32>
        %parallel_loop3A_581 = arith.mulf %get3A_349, %parallel_loop3A_580 : vector<16xf32>
        %parallel_loop3A_582 = arith.addf %parallel_loop3A_576, %parallel_loop3A_581 : vector<16xf32>
        %parallel_loop3A_583 = arith.subf %parallel_loop3A_579, %parallel_loop3A_578 : vector<16xf32>
        %parallel_loop3A_584 = arith.mulf %get3A_349, %parallel_loop3A_583 : vector<16xf32>
        %parallel_loop3A_585 = arith.addf %parallel_loop3A_578, %parallel_loop3A_584 : vector<16xf32>
        %parallel_loop3A_586 = arith.subf %parallel_loop3A_585, %parallel_loop3A_582 : vector<16xf32>
        %parallel_loop3A_587 = arith.mulf %get3A_301, %parallel_loop3A_586 : vector<16xf32>
        %parallel_loop3A_588 = arith.addf %parallel_loop3A_582, %parallel_loop3A_587 : vector<16xf32>
        %parallel_loop3A_589 = arith.constant 48 : i32
        %parallel_loop3A_590 = arith.addi %parallel_loop3A_589, %parallel_loop3A_376 : i32
        %parallel_loop3A_591 = arith.index_cast %parallel_loop3A_590 : i32 to index
        %parallel_loop3A_592 = arith.constant 144 : index
        %parallel_loop3A_593 = tpu.vector_load %arg11[%parallel_loop3A_591, %parallel_loop3A_592] {strides = array<i32>} : memref<96x224xf32, #tpu.memory_space<vmem>>, vector<16xf32>,
        tpu.vector_store %arg11[%parallel_loop3A_591, %parallel_loop3A_592], %parallel_loop3A_588 {strides = array<i32>} : memref<96x224xf32, #tpu.memory_space<vmem>>, vector<16xf32>,
        %parallel_loop3A_594 = arith.constant 1 : i32
        %parallel_loop3A_595 = vector.broadcast %parallel_loop3A_594 : i32 to vector<16xi32>
        %parallel_loop3A_596 = arith.addi %get3A_323, %parallel_loop3A_595 : vector<16xi32>
        %parallel_loop3A_597 = tpu.vector_load_idx %arg10[%parallel_loop3A_380, %get3A_323] : memref<192x384xf32, #tpu.memory_space<vmem>>[vector<16xi32>, vector<16xi32>], vector<16xf32>,
        %parallel_loop3A_598 = tpu.vector_load_idx %arg10[%parallel_loop3A_380, %parallel_loop3A_596] : memref<192x384xf32, #tpu.memory_space<vmem>>[vector<16xi32>, vector<16xi32>], vector<16xf32>,
        %parallel_loop3A_599 = tpu.vector_load_idx %arg10[%parallel_loop3A_383, %get3A_323] : memref<192x384xf32, #tpu.memory_space<vmem>>[vector<16xi32>, vector<16xi32>], vector<16xf32>,
        %parallel_loop3A_600 = tpu.vector_load_idx %arg10[%parallel_loop3A_383, %parallel_loop3A_596] : memref<192x384xf32, #tpu.memory_space<vmem>>[vector<16xi32>, vector<16xi32>], vector<16xf32>,
        %parallel_loop3A_601 = arith.subf %parallel_loop3A_598, %parallel_loop3A_597 : vector<16xf32>
        %parallel_loop3A_602 = arith.mulf %get3A_351, %parallel_loop3A_601 : vector<16xf32>
        %parallel_loop3A_603 = arith.addf %parallel_loop3A_597, %parallel_loop3A_602 : vector<16xf32>
        %parallel_loop3A_604 = arith.subf %parallel_loop3A_600, %parallel_loop3A_599 : vector<16xf32>
        %parallel_loop3A_605 = arith.mulf %get3A_351, %parallel_loop3A_604 : vector<16xf32>
        %parallel_loop3A_606 = arith.addf %parallel_loop3A_599, %parallel_loop3A_605 : vector<16xf32>
        %parallel_loop3A_607 = arith.subf %parallel_loop3A_606, %parallel_loop3A_603 : vector<16xf32>
        %parallel_loop3A_608 = arith.mulf %get3A_301, %parallel_loop3A_607 : vector<16xf32>
        %parallel_loop3A_609 = arith.addf %parallel_loop3A_603, %parallel_loop3A_608 : vector<16xf32>
        %parallel_loop3A_610 = arith.constant 48 : i32
        %parallel_loop3A_611 = arith.addi %parallel_loop3A_610, %parallel_loop3A_376 : i32
        %parallel_loop3A_612 = arith.index_cast %parallel_loop3A_611 : i32 to index
        %parallel_loop3A_613 = arith.constant 160 : index
        %parallel_loop3A_614 = tpu.vector_load %arg11[%parallel_loop3A_612, %parallel_loop3A_613] {strides = array<i32>} : memref<96x224xf32, #tpu.memory_space<vmem>>, vector<16xf32>,
        tpu.vector_store %arg11[%parallel_loop3A_612, %parallel_loop3A_613], %parallel_loop3A_609 {strides = array<i32>} : memref<96x224xf32, #tpu.memory_space<vmem>>, vector<16xf32>,
        %parallel_loop3A_615 = arith.constant 1 : i32
        %parallel_loop3A_616 = vector.broadcast %parallel_loop3A_615 : i32 to vector<16xi32>
        %parallel_loop3A_617 = arith.addi %get3A_325, %parallel_loop3A_616 : vector<16xi32>
        %parallel_loop3A_618 = tpu.vector_load_idx %arg10[%parallel_loop3A_380, %get3A_325] : memref<192x384xf32, #tpu.memory_space<vmem>>[vector<16xi32>, vector<16xi32>], vector<16xf32>,
        %parallel_loop3A_619 = tpu.vector_load_idx %arg10[%parallel_loop3A_380, %parallel_loop3A_617] : memref<192x384xf32, #tpu.memory_space<vmem>>[vector<16xi32>, vector<16xi32>], vector<16xf32>,
        %parallel_loop3A_620 = tpu.vector_load_idx %arg10[%parallel_loop3A_383, %get3A_325] : memref<192x384xf32, #tpu.memory_space<vmem>>[vector<16xi32>, vector<16xi32>], vector<16xf32>,
        %parallel_loop3A_621 = tpu.vector_load_idx %arg10[%parallel_loop3A_383, %parallel_loop3A_617] : memref<192x384xf32, #tpu.memory_space<vmem>>[vector<16xi32>, vector<16xi32>], vector<16xf32>,
        %parallel_loop3A_622 = arith.subf %parallel_loop3A_619, %parallel_loop3A_618 : vector<16xf32>
        %parallel_loop3A_623 = arith.mulf %get3A_353, %parallel_loop3A_622 : vector<16xf32>
        %parallel_loop3A_624 = arith.addf %parallel_loop3A_618, %parallel_loop3A_623 : vector<16xf32>
        %parallel_loop3A_625 = arith.subf %parallel_loop3A_621, %parallel_loop3A_620 : vector<16xf32>
        %parallel_loop3A_626 = arith.mulf %get3A_353, %parallel_loop3A_625 : vector<16xf32>
        %parallel_loop3A_627 = arith.addf %parallel_loop3A_620, %parallel_loop3A_626 : vector<16xf32>
        %parallel_loop3A_628 = arith.subf %parallel_loop3A_627, %parallel_loop3A_624 : vector<16xf32>
        %parallel_loop3A_629 = arith.mulf %get3A_301, %parallel_loop3A_628 : vector<16xf32>
        %parallel_loop3A_630 = arith.addf %parallel_loop3A_624, %parallel_loop3A_629 : vector<16xf32>
        %parallel_loop3A_631 = arith.constant 48 : i32
        %parallel_loop3A_632 = arith.addi %parallel_loop3A_631, %parallel_loop3A_376 : i32
        %parallel_loop3A_633 = arith.index_cast %parallel_loop3A_632 : i32 to index
        %parallel_loop3A_634 = arith.constant 176 : index
        %parallel_loop3A_635 = tpu.vector_load %arg11[%parallel_loop3A_633, %parallel_loop3A_634] {strides = array<i32>} : memref<96x224xf32, #tpu.memory_space<vmem>>, vector<16xf32>,
        tpu.vector_store %arg11[%parallel_loop3A_633, %parallel_loop3A_634], %parallel_loop3A_630 {strides = array<i32>} : memref<96x224xf32, #tpu.memory_space<vmem>>, vector<16xf32>,
        %parallel_loop3A_636 = arith.constant 1 : i32
        %parallel_loop3A_637 = vector.broadcast %parallel_loop3A_636 : i32 to vector<16xi32>
        %parallel_loop3A_638 = arith.addi %get3A_327, %parallel_loop3A_637 : vector<16xi32>
        %parallel_loop3A_639 = tpu.vector_load_idx %arg10[%parallel_loop3A_380, %get3A_327] : memref<192x384xf32, #tpu.memory_space<vmem>>[vector<16xi32>, vector<16xi32>], vector<16xf32>,
        %parallel_loop3A_640 = tpu.vector_load_idx %arg10[%parallel_loop3A_380, %parallel_loop3A_638] : memref<192x384xf32, #tpu.memory_space<vmem>>[vector<16xi32>, vector<16xi32>], vector<16xf32>,
        %parallel_loop3A_641 = tpu.vector_load_idx %arg10[%parallel_loop3A_383, %get3A_327] : memref<192x384xf32, #tpu.memory_space<vmem>>[vector<16xi32>, vector<16xi32>], vector<16xf32>,
        %parallel_loop3A_642 = tpu.vector_load_idx %arg10[%parallel_loop3A_383, %parallel_loop3A_638] : memref<192x384xf32, #tpu.memory_space<vmem>>[vector<16xi32>, vector<16xi32>], vector<16xf32>,
        %parallel_loop3A_643 = arith.subf %parallel_loop3A_640, %parallel_loop3A_639 : vector<16xf32>
        %parallel_loop3A_644 = arith.mulf %get3A_355, %parallel_loop3A_643 : vector<16xf32>
        %parallel_loop3A_645 = arith.addf %parallel_loop3A_639, %parallel_loop3A_644 : vector<16xf32>
        %parallel_loop3A_646 = arith.subf %parallel_loop3A_642, %parallel_loop3A_641 : vector<16xf32>
        %parallel_loop3A_647 = arith.mulf %get3A_355, %parallel_loop3A_646 : vector<16xf32>
        %parallel_loop3A_648 = arith.addf %parallel_loop3A_641, %parallel_loop3A_647 : vector<16xf32>
        %parallel_loop3A_649 = arith.subf %parallel_loop3A_648, %parallel_loop3A_645 : vector<16xf32>
        %parallel_loop3A_650 = arith.mulf %get3A_301, %parallel_loop3A_649 : vector<16xf32>
        %parallel_loop3A_651 = arith.addf %parallel_loop3A_645, %parallel_loop3A_650 : vector<16xf32>
        %parallel_loop3A_652 = arith.constant 48 : i32
        %parallel_loop3A_653 = arith.addi %parallel_loop3A_652, %parallel_loop3A_376 : i32
        %parallel_loop3A_654 = arith.index_cast %parallel_loop3A_653 : i32 to index
        %parallel_loop3A_655 = arith.constant 192 : index
        %parallel_loop3A_656 = tpu.vector_load %arg11[%parallel_loop3A_654, %parallel_loop3A_655] {strides = array<i32>} : memref<96x224xf32, #tpu.memory_space<vmem>>, vector<16xf32>,
        tpu.vector_store %arg11[%parallel_loop3A_654, %parallel_loop3A_655], %parallel_loop3A_651 {strides = array<i32>} : memref<96x224xf32, #tpu.memory_space<vmem>>, vector<16xf32>,
        %parallel_loop3A_657 = arith.constant 1 : i32
        %parallel_loop3A_658 = vector.broadcast %parallel_loop3A_657 : i32 to vector<16xi32>
        %parallel_loop3A_659 = arith.addi %get3A_329, %parallel_loop3A_658 : vector<16xi32>
        %parallel_loop3A_660 = tpu.vector_load_idx %arg10[%parallel_loop3A_380, %get3A_329] : memref<192x384xf32, #tpu.memory_space<vmem>>[vector<16xi32>, vector<16xi32>], vector<16xf32>,
        %parallel_loop3A_661 = tpu.vector_load_idx %arg10[%parallel_loop3A_380, %parallel_loop3A_659] : memref<192x384xf32, #tpu.memory_space<vmem>>[vector<16xi32>, vector<16xi32>], vector<16xf32>,
        %parallel_loop3A_662 = tpu.vector_load_idx %arg10[%parallel_loop3A_383, %get3A_329] : memref<192x384xf32, #tpu.memory_space<vmem>>[vector<16xi32>, vector<16xi32>], vector<16xf32>,
        %parallel_loop3A_663 = tpu.vector_load_idx %arg10[%parallel_loop3A_383, %parallel_loop3A_659] : memref<192x384xf32, #tpu.memory_space<vmem>>[vector<16xi32>, vector<16xi32>], vector<16xf32>,
        %parallel_loop3A_664 = arith.subf %parallel_loop3A_661, %parallel_loop3A_660 : vector<16xf32>
        %parallel_loop3A_665 = arith.mulf %get3A_357, %parallel_loop3A_664 : vector<16xf32>
        %parallel_loop3A_666 = arith.addf %parallel_loop3A_660, %parallel_loop3A_665 : vector<16xf32>
        %parallel_loop3A_667 = arith.subf %parallel_loop3A_663, %parallel_loop3A_662 : vector<16xf32>
        %parallel_loop3A_668 = arith.mulf %get3A_357, %parallel_loop3A_667 : vector<16xf32>
        %parallel_loop3A_669 = arith.addf %parallel_loop3A_662, %parallel_loop3A_668 : vector<16xf32>
        %parallel_loop3A_670 = arith.subf %parallel_loop3A_669, %parallel_loop3A_666 : vector<16xf32>
        %parallel_loop3A_671 = arith.mulf %get3A_301, %parallel_loop3A_670 : vector<16xf32>
        %parallel_loop3A_672 = arith.addf %parallel_loop3A_666, %parallel_loop3A_671 : vector<16xf32>
        %parallel_loop3A_673 = arith.constant 48 : i32
        %parallel_loop3A_674 = arith.addi %parallel_loop3A_673, %parallel_loop3A_376 : i32
        %parallel_loop3A_675 = arith.index_cast %parallel_loop3A_674 : i32 to index
        %parallel_loop3A_676 = arith.constant 208 : index
        %parallel_loop3A_677 = tpu.vector_load %arg11[%parallel_loop3A_675, %parallel_loop3A_676] {strides = array<i32>} : memref<96x224xf32, #tpu.memory_space<vmem>>, vector<16xf32>,
        tpu.vector_store %arg11[%parallel_loop3A_675, %parallel_loop3A_676], %parallel_loop3A_672 {strides = array<i32>} : memref<96x224xf32, #tpu.memory_space<vmem>>, vector<16xf32>,
      } {sc.loop_unroll_factor = 2 : i64, sc.parallel_access}
      %add3A_361 = arith.addi %mul3A_2, %add3A_234 : i32
      %dma_start3A_362 = arith.constant 48 : i32
      %dma_start3A_363 = arith.constant 0 : i32
      %dma_start3A_364 = tpu.memref_slice %arg11[%dma_start3A_362, %dma_start3A_363] : memref<96x224xf32, #tpu.memory_space<vmem>> -> memref<48x224xf32, #tpu.memory_space<vmem>>
      %dma_start3A_365 = arith.constant 0 : i32
      %dma_start3A_366 = arith.constant 0 : i32
      %dma_start3A_367 = tpu.memref_slice %arg6[%add3A_361, %dma_start3A_365, %dma_start3A_366] : memref<1792x48x224xf32, #tpu.memory_space<hbm>> -> memref<1x48x224xf32, #tpu.memory_space<hbm>>
      %dma_start3A_368 = tpu.memref_squeeze %dma_start3A_367 : memref<1x48x224xf32, #tpu.memory_space<hbm>> -> memref<48x224xf32, #tpu.memory_space<hbm>>
      %dma_start3A_369 = arith.constant 0 : i32
      %dma_start3A_370 = arith.constant 0 : i32
      %dma_start3A_371 = tpu.memref_slice %arg6[%add3A_361, %dma_start3A_369, %dma_start3A_370] : memref<1792x48x224xf32, #tpu.memory_space<hbm>> -> memref<1x48x224xf32, #tpu.memory_space<hbm>>
      %dma_start3A_372 = tpu.memref_squeeze %dma_start3A_371 : memref<1x48x224xf32, #tpu.memory_space<hbm>> -> memref<48x224xf32, #tpu.memory_space<hbm>>
      %dma_start3A_373 = arith.constant 48 : i32
      %dma_start3A_374 = arith.constant 0 : i32
      %dma_start3A_375 = tpu.memref_slice %arg11[%dma_start3A_373, %dma_start3A_374] : memref<96x224xf32, #tpu.memory_space<vmem>> -> memref<48x224xf32, #tpu.memory_space<vmem>>
      tpu.enqueue_dma source(%dma_start3A_375 : memref<48x224xf32, #tpu.memory_space<vmem>>) target(%dma_start3A_372 : memref<48x224xf32, #tpu.memory_space<hbm>>) target_semaphore(%arg15 : memref<!tpu.dma_semaphore, #tpu.memory_space<semaphore_mem>>)
    }
    %scan3A_61 = arith.constant 28 : i32
    %add3A_62 = arith.constant 54 : i32
    %add3A_63 = arith.addi %mul3A_2, %add3A_62 : i32
    %dma_wait3A = arith.constant 0 : i32
    %dma_wait3A_64 = arith.constant 0 : i32
    %dma_wait3A_65 = tpu.memref_slice %arg11[%dma_wait3A, %dma_wait3A_64] : memref<96x224xf32, #tpu.memory_space<vmem>> -> memref<48x224xf32, #tpu.memory_space<vmem>>
    %dma_wait3A_66 = arith.constant 0 : i32
    %dma_wait3A_67 = arith.constant 0 : i32
    %dma_wait3A_68 = tpu.memref_slice %arg6[%add3A_63, %dma_wait3A_66, %dma_wait3A_67] : memref<1792x48x224xf32, #tpu.memory_space<hbm>> -> memref<1x48x224xf32, #tpu.memory_space<hbm>>
    %dma_wait3A_69 = tpu.memref_squeeze %dma_wait3A_68 : memref<1x48x224xf32, #tpu.memory_space<hbm>> -> memref<48x224xf32, #tpu.memory_space<hbm>>
    %dma_wait3A_70 = arith.constant 0 : i32
    %dma_wait3A_71 = arith.constant 0 : i32
    %dma_wait3A_72 = tpu.memref_slice %arg6[%add3A_63, %dma_wait3A_70, %dma_wait3A_71] : memref<1792x48x224xf32, #tpu.memory_space<hbm>> -> memref<1x48x224xf32, #tpu.memory_space<hbm>>
    %dma_wait3A_73 = tpu.memref_squeeze %dma_wait3A_72 : memref<1x48x224xf32, #tpu.memory_space<hbm>> -> memref<48x224xf32, #tpu.memory_space<hbm>>
    %dma_wait3A_74 = arith.constant 0 : i32
    %dma_wait3A_75 = arith.constant 0 : i32
    %dma_wait3A_76 = tpu.memref_slice %arg11[%dma_wait3A_74, %dma_wait3A_75] : memref<96x224xf32, #tpu.memory_space<vmem>> -> memref<48x224xf32, #tpu.memory_space<vmem>>
    tpu.wait_dma2 semaphore(%arg14 : memref<!tpu.dma_semaphore, #tpu.memory_space<semaphore_mem>>) src(%dma_wait3A_76 : memref<48x224xf32, #tpu.memory_space<vmem>>) dst(%dma_wait3A_73 : memref<48x224xf32, #tpu.memory_space<hbm>>)
    %add3A_77 = arith.constant 55 : i32
    %add3A_78 = arith.addi %mul3A_2, %add3A_77 : i32
    %dma_wait3A_79 = arith.constant 48 : i32
    %dma_wait3A_80 = arith.constant 0 : i32
    %dma_wait3A_81 = tpu.memref_slice %arg11[%dma_wait3A_79, %dma_wait3A_80] : memref<96x224xf32, #tpu.memory_space<vmem>> -> memref<48x224xf32, #tpu.memory_space<vmem>>
    %dma_wait3A_82 = arith.constant 0 : i32
    %dma_wait3A_83 = arith.constant 0 : i32
    %dma_wait3A_84 = tpu.memref_slice %arg6[%add3A_78, %dma_wait3A_82, %dma_wait3A_83] : memref<1792x48x224xf32, #tpu.memory_space<hbm>> -> memref<1x48x224xf32, #tpu.memory_space<hbm>>
    %dma_wait3A_85 = tpu.memref_squeeze %dma_wait3A_84 : memref<1x48x224xf32, #tpu.memory_space<hbm>> -> memref<48x224xf32, #tpu.memory_space<hbm>>
    %dma_wait3A_86 = arith.constant 0 : i32
    %dma_wait3A_87 = arith.constant 0 : i32
    %dma_wait3A_88 = tpu.memref_slice %arg6[%add3A_78, %dma_wait3A_86, %dma_wait3A_87] : memref<1792x48x224xf32, #tpu.memory_space<hbm>> -> memref<1x48x224xf32, #tpu.memory_space<hbm>>
    %dma_wait3A_89 = tpu.memref_squeeze %dma_wait3A_88 : memref<1x48x224xf32, #tpu.memory_space<hbm>> -> memref<48x224xf32, #tpu.memory_space<hbm>>
    %dma_wait3A_90 = arith.constant 48 : i32
    %dma_wait3A_91 = arith.constant 0 : i32
    %dma_wait3A_92 = tpu.memref_slice %arg11[%dma_wait3A_90, %dma_wait3A_91] : memref<96x224xf32, #tpu.memory_space<vmem>> -> memref<48x224xf32, #tpu.memory_space<vmem>>
    tpu.wait_dma2 semaphore(%arg15 : memref<!tpu.dma_semaphore, #tpu.memory_space<semaphore_mem>>) src(%dma_wait3A_92 : memref<48x224xf32, #tpu.memory_space<vmem>>) dst(%dma_wait3A_89 : memref<48x224xf32, #tpu.memory_space<hbm>>)
    return
  }
}

</mosaic_0001>

<sc_bundles>
// kernel: kernel.3.cloned.1.call-start
scs
__scs_entry_jumppad:
0x0: {  	(pc) =	sbr.rel $0x88, $3  }
0x1: {  	(tag) =	ssettag $0x0;
	lr =	simm.s32 $0x1  }
0x2: {  	[smem:$0x3FA0] =	sst lr;
	_ =	strace $0xD0000000  }
0x3: {  	_ = 	snop  }
0x4: {  	_ = 	snop  }
0x5: {  	_ = 	snop  }
0x6: {  	_ = 	snop  }
0x7: {  	_ = 	snop  }
__scs_overlays_trampoline_lowered:
0x8: {  	[smem:$0x3FAF] =	sst s0  }
0x9: {  	[smem:$0x3FB0] =	sst s1  }
0xa: {  	[smem:$0x3FB1] =	sst s2  }
0xb: {  	[smem:$0x3FB2] =	sst s3  }
0xc: {  	[smem:$0x3FB3] =	sst s4  }
0xd: {  	[smem:$0x3FB4] =	sst s5  }
0xe: {  	[smem:$0x3FB5] =	sst s6  }
0xf: {  	[smem:$0x3FB6] =	sst s7  }
0x10: {  	[smem:$0x3FB7] =	sst s8  }
0x11: {  	[smem:$0x3FB8] =	sst s9;
	s0 =	simm.s32 @!p0 $0x0  }
0x12: {  	s1 =	sld [smem:$0x3F9E];
	s0 =	simm.s32 @p0 $0x1  }
0x13: {  	[smem:$0x3FB9] =	sst s0;
	s0 =	simm.s32 @!p1 $0x0  }
0x14: {  	s2 =	sld [smem:$0x3F9D];
	s0 =	simm.s32 @p1 $0x1  }
0x15: {  	[smem:$0x3FBA] =	sst s0;
	s0 =	simm.s32 @!p2 $0x0  }
0x16: {  	s3 =	sld [smem:$0x3FDB];
	s0 =	simm.s32 @p2 $0x1  }
0x17: {  	s4 =	simm.s32 $0x1BF5;
	[smem:$0x3FBC] =	sst s0  }
0x18: {  	s0 =	sld [smem:$0x3F9F];
	_ =	swait.ge [sflag:s4], $0x0  }
0x19: {  	s7 =	sld [smem:$0x3FA0]  }
0x1a: {  	s8 =	sadd.s32 $0xFFFFE003, lr  }
0x1b: {  	s9 =	sadd.s32 $0xFFFFFEF7, lr;
	s5 =	simm.s32 $0xFFFFFFFF;
	p2 =	slt.u32 s8, $0xFFFFF086  }
0x1c: {  	p1 =	slt.u32 s9, $0xF7A;
	s5 =	simm.s32 @!p2 $0x0  }
0x1d: {  	s5 =	simm.s32 @p1 $0x1;
	p0 =	seq.s32 s7, s2  }
0x1e: {  	s7 =	smul.u32 @!p0 $0xF7A, s2;
	p2 =	seq.s32 @!p0 s5, $0x0  }
0x1f: {  	s9 =	smul.u32 $0xF7A, s1;
	s8 =	simm.s32 @!p0 $0x1BF5;
	p2 =	por !p2, p0  }
0x20: {  	[sflag:s8] =	ssyncset.s32 @!p0 $0xFFFFF086;
	s6 =	sadd.s32 @!p0 s3, s7;
	s7 =	simm.s32 @!p0 $0x108  }
0x21: {  	s3 =	sadd.s32 s3, s9;
	s6 =	sadd.s32 @!p0 $0x88, s6;
	s7 =	simm.s32 @p2 $0x1082  }
0x22: {  	[simem:s7], [sflag:s8] =	dma.local @!p0 [hbm:s6], $0xF7A  }
0x23: {  	s9 =	sor.u32 $0xD0000000, s2;
	s6 =	simm.s32 $0x108;
	_ =	swait.ge @!p0 [sflag:s8], $0x0  }
0x24: {  	s3 =	sadd.s32 $0x88, s3;
	s6 =	simm.s32 @!p1 $0x1082;
	[sflag:s4] =	ssyncset.s32 $0xFFFFF086  }
0x25: {  	[simem:s6], [sflag:s4] =	dma.local [hbm:s3], $0xF7A  }
0x26: {  	[smem:$0x3FA0] =	sst s1;
	(tag) =	ssettag s2;
	_ =	strace s9  }
0x27: {  	s1 =	sld [smem:$0x3FB0]  }
0x28: {  	s2 =	sld [smem:$0x3FB1]  }
0x29: {  	s4 =	sld [smem:$0x3FB3]  }
0x2a: {  	p0 =	seq.s32 s5, $0x0;
	s5 =	sld [smem:$0x3FB4]  }
0x2b: {  	s6 =	sld [smem:$0x3FB5]  }
0x2c: {  	s7 =	sld [smem:$0x3FB6]  }
0x2d: {  	s3 =	simm.s32 $0x108;
	s8 =	sld [smem:$0x3FB7]  }
0x2e: {  	s3 =	simm.s32 @!p0 $0x1082;
	s9 =	sld [smem:$0x3FB8]  }
0x2f: {  	lr =	sadd.s32 s0, s3;
	s0 =	sld [smem:$0x3FAF]  }
0x30: {  	s3 =	sld [smem:$0x3FB2]  }
0x31: {  	[smem:$0x3FBB] =	sst s10  }
0x32: {  	s10 =	sld [smem:$0x3FB9];
	_ =	sdelay $0x3  }
0x33: {  	p0 =	seq.s32 s10, $0x1;
	s10 =	sld [smem:$0x3FBB];
	_ =	sdelay $0x3  }
0x34: {  	[smem:$0x3FBB] =	sst s10  }
0x35: {  	s10 =	sld [smem:$0x3FBA];
	_ =	sdelay $0x3  }
0x36: {  	p1 =	seq.s32 s10, $0x1;
	s10 =	sld [smem:$0x3FBB];
	_ =	sdelay $0x3  }
0x37: {  	[smem:$0x3FBB] =	sst s10  }
0x38: {  	s10 =	sld [smem:$0x3FBC]  }
0x39: {  	_ = 	snop;
	(pc) =	sbr.ind lr, $3  }
0x3a: {  	_ = 	snop  }
0x3b: {  	_ = 	snop  }
0x3c: {  	p2 =	seq.s32 s10, $0x1;
	s10 =	sld [smem:$0x3FBB]  }
0x3d: {  	_ =	shalt  }
0x3e: {  	_ =	shalt  }
0x3f: {  	_ =	shalt  }
0x40: {  	_ =	shalt  }
0x41: {  	_ =	shalt  }
0x42: {  	_ =	shalt  }
0x43: {  	_ =	shalt  }
0x44: {  	_ =	shalt  }
0x45: {  	_ =	shalt  }
0x46: {  	_ =	shalt  }
0x47: {  	_ =	shalt  }
0x48: {  	_ =	shalt  }
0x49: {  	_ =	shalt  }
0x4a: {  	_ =	shalt  }
0x4b: {  	_ =	shalt  }
0x4c: {  	_ =	shalt  }
0x4d: {  	_ =	shalt  }
0x4e: {  	_ =	shalt  }
0x4f: {  	_ =	shalt  }
0x50: {  	_ =	shalt  }
0x51: {  	_ =	shalt  }
0x52: {  	_ =	shalt  }
0x53: {  	_ =	shalt  }
0x54: {  	_ =	shalt  }
0x55: {  	_ =	shalt  }
0x56: {  	_ =	shalt  }
0x57: {  	_ =	shalt  }
0x58: {  	_ =	shalt  }
0x59: {  	_ =	shalt  }
0x5a: {  	_ =	shalt  }
0x5b: {  	_ =	shalt  }
0x5c: {  	_ =	shalt  }
0x5d: {  	_ =	shalt  }
0x5e: {  	_ =	shalt  }
0x5f: {  	_ =	shalt  }
0x60: {  	_ =	shalt  }
0x61: {  	_ =	shalt  }
0x62: {  	_ =	shalt  }
0x63: {  	_ =	shalt  }
0x64: {  	_ =	shalt  }
0x65: {  	_ =	shalt  }
0x66: {  	_ =	shalt  }
0x67: {  	_ =	shalt  }
0x68: {  	_ =	shalt  }
0x69: {  	_ =	shalt  }
0x6a: {  	_ =	shalt  }
0x6b: {  	_ =	shalt  }
0x6c: {  	_ =	shalt  }
0x6d: {  	_ =	shalt  }
0x6e: {  	_ =	shalt  }
0x6f: {  	_ =	shalt  }
0x70: {  	_ =	shalt  }
0x71: {  	_ =	shalt  }
0x72: {  	_ =	shalt  }
0x73: {  	_ =	shalt  }
0x74: {  	_ =	shalt  }
0x75: {  	_ =	shalt  }
0x76: {  	_ =	shalt  }
0x77: {  	_ =	shalt  }
0x78: {  	_ =	shalt  }
0x79: {  	_ =	shalt  }
0x7a: {  	_ =	shalt  }
0x7b: {  	_ =	shalt  }
0x7c: {  	_ =	shalt  }
0x7d: {  	_ =	shalt  }
0x7e: {  	_ =	shalt  }
0x7f: {  	_ =	shalt  }
0x80: {  	_ =	shalt  }
0x81: {  	_ =	shalt  }
0x82: {  	_ =	shalt  }
0x83: {  	_ =	shalt  }
0x84: {  	_ =	shalt  }
0x85: {  	_ =	shalt  }
0x86: {  	_ =	shalt  }
0x87: {  	_ =	shalt  }
.Lfunc_end0:
.L_simem_size_0:
called_computation_lowered:
.L_overlay_start_0:
0x88: {  	s2 =	sld [smem:$0x3FD9]  }
0x89: {  	s3 =	sld [smem:$0x3FFE];
	_ =	sdelay $0x1  }
0x8a: {  	s1 =	srdreg.scid  }
0x8b: {  	s0 =	sand.u32 $0x1, s1  }
0x8c: {  	s17 =	sshll.u32 s0, $0xA;
	s2 =	sadd.s32 s3, s2  }
0x8d: {  	s2 =	sadd.s32 s2, s17  }
0x8e: {  	[smem:$0x3FC7] =	sst s2  }
0x8f: {  	_ = 	snop  }
0x90: {  	s2 =	sld [smem:$0x3FC9]  }
0x91: {  	s18 =	sld [smem:$0x3FD0];
	(tm) =	ssettm $0x1  }
0x92: {  	s4 =	sld [smem:$0x3FFB];
	_ =	sdelay $0x3  }
0x93: {  	_ =	strace s4  }
0x94: {  	s4 =	sld [smem:$0x3FFC];
	_ =	sdelay $0x3  }
0x95: {  	_ =	strace s4  }
0x96: {  	s4 =	sld [smem:$0x3FFD];
	_ =	sdelay $0x3  }
0x97: {  	_ =	strace s4  }
0x98: {  	_ =	strace $0x8FFFFFFF  }
0x99: {  	s19 =	sld [smem:$0x3FDB];
	_ =	sdelay $0x1  }
0x9a: {  	s5 =	simm.s32 $_scs_section_size  }
0x9b: {  	s6 =	simm.s32 $_size__tile_overlayer_lowered;
	s7 =	simm.s32 $_tile_overlayer_lowered  }
0x9c: {  	s22 =	simm.s32 $0x1BFF;
	s21 =	sshll.u32 s7, $0x1;
	s4 =	sadd.s32 s5, s19  }
0x9d: {  	s8 =	simm.s32 $0x0;
	s20 =	sshll.u32 s6, $0x1;
	s6 =	sadd.s32 s21, s4  }
0x9e: {  	[timem:s8], [sflag:s22] =	dma.local [hbm:s6], s20  }
0x9f: {  	_ =	swait.ge [sflag:s22], s20  }
0xa0: {  	s5 =	ssub.s32 $0x0, s20;
	[sflag:s22] =	ssyncset.done $0x0  }
0xa1: {  	[sflag:s22] =	ssyncadd.s32 s5;
	_ =	sdelay $0x1  }
0xa2: {  	s23 =	simm.s32 $0x1B8B  }
0xa3: {  	_ =	swait.ge [sflag:s23], $0x1  }
0xa4: {  	[sflag:s23] =	ssyncset.done $0x0  }
0xa5: {  	s25 =	simm.s32 $0x1B8E;
	s24 =	sld [smem:$0x3FFE];
	[sflag:s23] =	ssyncadd.s32 $0xFFFFFFFF  }
0xa6: {  	s26 =	simm.s32 $execute0_lowered;
	[smem:$0x3FD2] =	sst s25  }
0xa7: {  	s6 =	sshll.u32 s26, $0x1;
	_ =	strace $0x80000046;
	[dreg:$0x1] =	wrdreg $0xFFFFFFFF  }
0xa8: {  	s28 =	simm.s32 $_size_execute0_lowered;
	s4 =	sadd.s32 s4, s6;
	[dreg:$0x0] =	wrdreg $0x0  }
0xa9: {  	s6 =	sshll.u32 s28, $0x1;
	[dreg:$0x2] =	wrdreg s4  }
0xaa: {  	[dreg:$0x3] =	wrdreg s6  }
0xab: {  	[dreg:$0x4] =	wrdreg $0xC0  }
0xac: {  	_ =	task [dreg:s8], $0x5FFFF  }
0xad: {  	[dreg:$0x1] =	wrdreg $0xFFFFFFFF  }
0xae: {  	[dreg:$0x0] =	wrdreg $0x60  }
0xaf: {  	[dreg:$0x2] =	wrdreg s2  }
0xb0: {  	[dreg:$0x3] =	wrdreg s24  }
0xb1: {  	[dreg:$0x4] =	wrdreg s18  }
0xb2: {  	[dreg:$0x5] =	wrdreg $0x9  }
0xb3: {  	_ =	task.clear_ibuf [dreg:s8], $0x6FFFF;
	_ =	strace $0x90000046  }
0xb4: {  	s29 =	simm.s32 $0x9;
	_ =	strace $0x80000048  }
0xb5: {  	_ =	swait.ge [sflag:s29], $0x1  }
0xb6: {  	[sflag:s29] =	ssyncadd.s32 $0xFFFFFFFF  }
0xb7: {  	_ =	strace $0x90000048  }
0xb8: {  	_ =	sfence  }
0xb9: {  	s30 =	sld [smem:$0x0];
	_ =	sdelay $0x2  }
0xba: {  	s31 =	sshll.u32 s1, $0xD;
	s1 =	sshrl.u32 s1, $0x2  }
0xbb: {  	s3 =	sand.u32 $0x4000, s31;
	s1 =	sadd.s32 s1, s30  }
0xbc: {  	s0 =	sor.u32 s3, s0;
	s1 =	sshll.u32 s1, $0x11  }
0xbd: {  	s0 =	sor.u32 s1, s0  }
0xbe: {  	s0 =	sadd.s32 $0x8F2B, s0  }
0xbf: {  	[sflag:s0] =	ssyncadd.remote.s32 $0x1  }
0xc0: {  	_ =	sfence.sel $0xFFFF  }
0xc1: {  	[dreg:$0x0] =	wrdreg $0xFFFFFFFF;
	(pc) =	sbr.abs _section_cstart, $3  }
0xc2: {  	[dreg:$0x1] =	wrdreg $0xFFFFFFFF  }
0xc3: {  	_ =	task.clear_ibuf [dreg:s8], $0x2FFFF;
	_ =	strace $0x9FFFFFFF  }
0xc4: {  	(tm) =	ssettm $0x7FFFFFFF  }
0xc5: {  	_ =	shalt  }
tec
execute0_lowered:
.L_overlay_start_1:
0x0: {  	(tag) =	ssettag $0x1  }
0x1: {  	s0 =	srdreg.scid;
	s5 =	stileid.u32  }
0x2: {  	s0 =	sand.u32 $0x1, s0;
	s1 =	sshll.u32 s5, $0x1  }
0x3: {  	s3 =	sor.u32 s0, s1  }
0x4: {  	s1 =	smul.u32 $0x38, s3;
	_ =	sdelay $0x1  }
0x5: {  	s2 =	sshrl.u32 s1, $0x1  }
0x6: {  	s4 =	smul.u32 $0x493, s2;
	_ =	sdelay $0x1  }
0x7: {  	s4 =	sshrl.u32 s4, $0x12  }
0x8: {  	s4 =	smul.u32 $0xE0, s4  }
0x9: {  	s6 =	rddreg [dreg:$0x1];
	s13 =	simm.s32 $0x5  }
0xa: {  	s16 =	simm.s32 $0x580;
	s18 =	simm.s32 $0x9580;
	s2 =	ssub.s32 s2, s4  }
0xb: {  	s19 =	simm.s32 $0xDD80;
	s20 =	simm.s32 $0x1;
	s2 =	smul.u32 $0x18, s2  }
0xc: {  	s21 =	simm.s32 $0x12580;
	s22 =	simm.s32 $0x2;
	s23 =	simm.s32 $0x15580  }
0xd: {  	s24 =	simm.s32 $0x3;
	s5 =	sshrl.u32 s5, $0x2;
	s25 =	sor.u32 $0x4, s2  }
0xe: {  	s26 =	sadd.s32 $0x1400, s6;
	s8 =	smul.u32 $0x180, s5;
	s4 =	sand.u32 $0xFFE4, s25  }
0xf: {  	s9 =	sadd.s32 $0x1200, s6;
	s0 =	ssub.s32 $0x2, s0;
	s7 =	smul.u32 $0x2493, s4  }
0x10: {  	s5 =	simm.s32 $0x0;
	s3 =	smul.u32 $0x70, s3;
	s29 =	sshrl.u32 s0, $0x1  }
0x11: {  	[smem:$0x7FF] =	sst s5;
	s0 =	ssub.s32 s0, s29;
	s7 =	sshrl.u32 s7, $0x11  }
0x12: {  	s3 =	sadd.s32 s3, s6;
	s2 =	rddreg [dreg:$0x0];
	s7 =	sadd.s32 s7, s8  }
0x13: {  	s11 =	sor.u32 $0x2, s1;
	s4 =	rddreg [dreg:$0x2];
	s28 =	smul.u32 $0x9000, s7  }
0x14: {  	_ =	strace $0x80000047;
	[dreg:$0x4] =	wrdreg s26;
	s7 =	smul.u32 $0x1200, s7  }
0x15: {  	s3 =	sadd.s32 $0x400, s3;
	[dreg:$0x5] =	wrdreg s9;
	s8 =	sshrl.u32 s28, $0x3  }
0x16: {  	[dreg:$0x6] =	wrdreg s3;
	s31 =	sadd.s32 s2, s7;
	s30 =	sadd.s32 s2, s8  }
0x17: {  	s12 =	smax.u32 s0, $0x1;
	[dreg:$0x7] =	wrdreg s31;
	s3 =	sadd.s32 $0x1200, s30  }
0x18: {  	s25 =	simm.s32 $0x4;
	s26 =	simm.s32 $0x0;
	[dreg:$0x8] =	wrdreg s3  }
.LBB2_1:
0x19: {  	s0 =	rddreg [dreg:$0x4]  }
0x1a: {  	[tilespmem:s5], [sflag:$0x5] =	stream.linear.gather [hbm4b:s0+s5], $0x100, $0x38;
	[tilespmem:$0x18580] =	vst v63  }
0x1b: {  	_ =	swait.ge [sflag:s13], $0x100  }
0x1c: {  	[sflag:s13] =	ssyncset.done $0x0  }
0x1d: {  	s3 =	simm.s32 $0x100;
	s14 =	rddreg [dreg:$0x5];
	[sflag:s13] =	ssyncadd.s32 $0xFFFFFF00  }
0x1e: {  	[tilespmem:s3], [sflag:$0x5] =	stream.linear.gather [hbm4b:s14+s5], $0x100, $0x38;
	[tilespmem:$0x18580] =	vst v63  }
0x1f: {  	_ =	swait.ge [sflag:s13], $0x100  }
0x20: {  	[sflag:s13] =	ssyncset.done $0x0  }
0x21: {  	s17 =	simm.s32 $0x200;
	s15 =	rddreg [dreg:$0x6];
	[sflag:s13] =	ssyncadd.s32 $0xFFFFFF00  }
0x22: {  	[tilespmem:s17], [sflag:$0x5] =	stream.linear.gather [hbm4b:s15+s5], $0x380, $0x38;
	[tilespmem:$0x18580] =	vst v63  }
0x23: {  	_ =	swait.ge [sflag:s13], $0x380  }
0x24: {  	[sflag:s13] =	ssyncset.done $0x0  }
0x25: {  	s29 =	rddreg [dreg:$0x7];
	[sflag:s13] =	ssyncadd.s32 $0xFFFFFC80  }
0x26: {  	[tilespmem:s16], [sflag:$0x1] =	stream.linear.gather [hbm4b:s29+s5], $0x4800, $0x38;
	[tilespmem:$0x18580] =	vst v63  }
0x27: {  	s31 =	simm.s32 $0x4D80;
	s28 =	simm.s32 $0x0;
	s30 =	rddreg [dreg:$0x8]  }
0x28: {  	[tilespmem:s31], [sflag:$0x1] =	stream.linear.gather [hbm4b:s30+s5], $0x4800, $0x38;
	[tilespmem:$0x18580] =	vst v63  }
.LBB2_2:
0x29: {  	s3 =	sshll.u32 s28, $0x1  }
0x2a: {  	s31 =	sadd.s32 s1, s3  }
0x2b: {  	s0 =	sadd.s32 $0x1, s31  }
0x2c: {  	s0 =	sshrl.u32 s0, $0x1  }
0x2d: {  	s6 =	smulhi.u32 $0x24924925, s0;
	_ =	sdelay $0x1  }
0x2e: {  	s6 =	sshrl.u32 s6, $0x5  }
0x2f: {  	s6 =	smul.u32 $0xE0, s6;
	_ =	sdelay $0x1  }
0x30: {  	s0 =	ssub.s32 s0, s6  }
0x31: {  	s30 =	sshllo.u32 s28, $0x1;
	s0 =	smul.u32 $0x18, s0  }
0x32: {  	s29 =	sadd.s32 s1, s30  }
0x33: {  	s7 =	smulhi.u32 $0x92492493, s29;
	s0 =	sor.u32 $0x4, s0  }
0x34: {  	s0 =	sand.u32 $0xFFFC, s0  }
0x35: {  	s6 =	sshrl.u32 s7, $0x8;
	s0 =	smul.u32 $0x2493, s0  }
0x36: {  	s6 =	smul.u32 $0x180, s6  }
0x37: {  	s0 =	sshrl.u32 s0, $0x11  }
0x38: {  	s0 =	sadd.s32 s0, s6  }
0x39: {  	s0 =	smul.u32 $0x9000, s0;
	_ =	sdelay $0x1  }
0x3a: {  	s8 =	sadd.s32 $0x4800, s0  }
0x3b: {  	s0 =	sadd.s32 $0xD800, s0;
	s6 =	sshrl.u32 s8, $0x3  }
0x3c: {  	s0 =	sshrl.u32 s0, $0x3;
	s6 =	sadd.s32 s2, s6  }
0x3d: {  	[tilespmem:s18], [sflag:$0x2] =	stream.linear.gather [hbm4b:s6+s5], $0x4800, $0x38;
	[tilespmem:$0x18580] =	vst v63  }
0x3e: {  	s0 =	sadd.s32 s2, s0  }
0x3f: {  	[tilespmem:s19], [sflag:$0x2] =	stream.linear.gather [hbm4b:s0+s5], $0x4800, $0x38;
	[tilespmem:$0x18580] =	vst v63  }
0x40: {  	_ =	swait.ge [sflag:s20], $0x4800  }
0x41: {  	[sflag:s20] =	ssyncset.done $0x0  }
0x42: {  	[sflag:s20] =	ssyncadd.s32 $0xFFFFB800  }
0x43: {  	_ =	swait.ge [sflag:s20], $0x4800  }
0x44: {  	p0 =	seq.s32 s28, $0x0;
	[sflag:s20] =	ssyncset.done $0x0  }
0x45: {  	s0 =	simm.s32 @!p0 $0x3;
	[sflag:s20] =	ssyncadd.s32 $0xFFFFB800  }
0x46: {  	_ =	swait.ge @!p0 [sflag:s0], $0x3000  }
0x47: {  	[sflag:s0] =	ssyncset.done @!p0 $0x0  }
0x48: {  	[sflag:s0] =	ssyncadd.s32 @!p0 $0xFFFFD000  }
0x49: {  	v1 =	vld [tilespmem:$0x0]  }
0x4a: {  	s9 =	sshll.u32 s28, $0x5;
	s10 =	simm.s32 $0x1  }
0x4b: {  	v2 =	vmov s10;
	s0 =	sand.u32 $0x3FFFFFE0, s9  }
0x4c: {  	v4 =	vshrl.u32 v2, $0x3;
	v0 =	vld [tilespmem:s0+$0x200]  }
0x4d: {  	v2 =	vshll.u32 v2, $0x7;
	v5 =	vmul.u32 $0xC00, v4;
	v4 =	vadd.s32 $0x6, v4;
	v6 =	vld [tilespmem:$0x10]  }
0x4e: {  	v12 =	vld [tilespmem:$0x20];
	v3 =	vadd.s32 $0x1, v1;
	v43 =	vand.u32 $0x7F, v1;
	v1 =	vshll.u32 v1, $0x3  }
0x4f: {  	v58 =	vmul.u32 $0xC00, v4;
	v7 =	vld [tilespmem:$0x30];
	v41 =	vand.u32 $0xFFFFFC00, v1;
	v8 =	vshll.u32 v3, $0x3  }
0x50: {  	v2 =	vand.u32 $0x380, v2;
	v11 =	vld [tilespmem:$0x50];
	v44 =	vand.u32 $0xFFFFFC00, v8;
	v8 =	vadd.s32 v41, v5  }
0x51: {  	v9 =	vld [tilespmem:$0x60];
	v48 =	vand.u32 $0x7F, v3;
	v13 =	vadd.s32 v41, v58;
	v8 =	vor.u32 v2, v8  }
0x52: {  	v16 =	vld [tilespmem:$0x80];
	v10 =	vadd.s32 v44, v5;
	v13 =	vor.u32 v2, v13;
	v8 =	vor.u32 v43, v8  }
0x53: {  	v15 =	vld [tilespmem:$0x90];
	v14 =	vadd.s32 v44, v58;
	v10 =	vor.u32 v2, v10;
	v13 =	vor.u32 v43, v13  }
0x54: {  	v23 =	vld [tilespmem:$0xA0];
	v14 =	vor.u32 v2, v14;
	v10 =	vor.u32 v48, v10  }
0x55: {  	v35 =	vld [tilespmem:$0xB0];
	v14 =	vor.u32 v48, v14  }
0x56: {  	v56 =	vld [tilespmem:$0xC0]  }
0x57: {  	v8 =	vld.idx.msk [tilespmem:v8+s16+$0x0], $0xffff  }
0x58: {  	v13 =	vld.idx.msk [tilespmem:v13+s16+$0x0], $0xffff  }
0x59: {  	v10 =	vld.idx.msk [tilespmem:v10+s16+$0x0], $0xffff  }
0x5a: {  	v14 =	vld.idx.msk [tilespmem:v14+s16+$0x0], $0xffff  }
0x5b: {  	v49 =	vld [tilespmem:$0x100]  }
0x5c: {  	v55 =	vld [tilespmem:$0xD0]  }
0x5d: {  	v29 =	vld [tilespmem:$0x110];
	v17 =	vadd.s32 $0x1, v6  }
0x5e: {  	v27 =	vld [tilespmem:$0x120];
	v19 =	vshll.u32 v17, $0x3  }
0x5f: {  	v54 =	vand.u32 $0x7F, v17;
	v17 =	vld [tilespmem:$0x1B0];
	v10 =	vsub.f32 v10, v8;
	v14 =	vsub.f32 v14, v13  }
0x60: {  	v28 =	vld [tilespmem:$0x130]  }
0x61: {  	v31 =	vld [tilespmem:$0x140];
	v10 =	vmul.f32 v10, v49;
	v14 =	vmul.f32 v14, v49  }
0x62: {  	v33 =	vld [tilespmem:$0x150];
	v18 =	vshll.u32 v6, $0x3  }
0x63: {  	v32 =	vld [tilespmem:$0x160];
	v52 =	vand.u32 $0xFFFFFC00, v19;
	v8 =	vadd.f32 v10, v8;
	v10 =	vadd.f32 v14, v13  }
0x64: {  	v50 =	vand.u32 $0x7F, v6;
	v51 =	vand.u32 $0xFFFFFC00, v18;
	v18 =	vld [tilespmem:$0x1C0];
	[tilespmem:$0x1FB90] =	vst v17;
	v17 =	vadd.s32 v52, v58  }
0x65: {  	v6 =	vadd.s32 v51, v5;
	v59 =	vor.u32 v2, v17;
	v17 =	vld [tilespmem:$0x1D0];
	v10 =	vsub.f32 v10, v8  }
0x66: {  	v42 =	vld [tilespmem:$0x170];
	v57 =	vadd.s32 v51, v58;
	v40 =	vadd.s32 v52, v5;
	v6 =	vor.u32 v2, v6  }
0x67: {  	s7 =	simm.s32 $0x0;
	v47 =	vld [tilespmem:$0x180];
	v6 =	vor.u32 v50, v6;
	v13 =	vor.u32 v2, v40;
	v10 =	vmul.f32 v10, v0  }
0x68: {  	s14 =	simm.s32 $0x80;
	s15 =	sand.u32 $0x3800, s7;
	v46 =	vld [tilespmem:$0x190];
	v14 =	vor.u32 v2, v57;
	v13 =	vor.u32 v54, v13  }
0x69: {  	s6 =	sadd.s32 $0x12580, s15;
	v45 =	vld [tilespmem:$0x1A0];
	s0 =	sand.u32 $0x380, s14;
	[tilespmem:$0x1FBA0] =	vst v18;
	v8 =	vadd.f32 v10, v8;
	v10 =	vor.u32 v50, v14  }
0x6a: {  	s0 =	sadd.s32 s0, s6;
	v1 =	vld [tilespmem:$0x40];
	[tilespmem:$0x1FBB0] =	vst v17;
	v14 =	vor.u32 v54, v59  }
0x6b: {  	v3 =	vld [tilespmem:$0x70];
	[tilespmem:s0+$0x0] =	vst v8  }
0x6c: {  	v17 =	vld.idx.msk [tilespmem:v6+s16+$0x0], $0xffff  }
0x6d: {  	v6 =	vmov s7;
	v13 =	vld.idx.msk [tilespmem:v13+s16+$0x0], $0xffff  }
0x6e: {  	v8 =	vshrl.u32 v6, $0x3;
	v18 =	vld.idx.msk [tilespmem:v10+s16+$0x0], $0xffff  }
0x6f: {  	v10 =	vmul.u32 $0xC00, v8;
	v8 =	vadd.s32 $0x6, v8;
	v14 =	vld.idx.msk [tilespmem:v14+s16+$0x0], $0xffff  }
0x70: {  	v6 =	vshll.u32 v6, $0x7;
	v8 =	vmul.u32 $0xC00, v8  }
0x71: {  	v61 =	vand.u32 $0x300, v6;
	v19 =	vadd.s32 v41, v10;
	v20 =	vadd.s32 v44, v10  }
0x72: {  	v19 =	vor.u32 v61, v19;
	v20 =	vor.u32 v61, v20;
	v21 =	vadd.s32 v41, v8  }
0x73: {  	v22 =	vadd.s32 v44, v8;
	v13 =	vsub.f32 v13, v17;
	v19 =	vor.u32 v43, v19  }
0x74: {  	v20 =	vor.u32 v48, v20;
	v21 =	vor.u32 v61, v21;
	v14 =	vsub.f32 v14, v18  }
0x75: {  	v22 =	vor.u32 v61, v22;
	v21 =	vor.u32 v43, v21  }
0x76: {  	v22 =	vor.u32 v48, v22;
	v13 =	vmul.f32 v13, v29;
	v14 =	vmul.f32 v14, v29  }
0x77: {  	v24 =	vadd.s32 $0x1, v12;
	v25 =	vshll.u32 v12, $0x3  }
0x78: {  	v26 =	vshll.u32 v24, $0x3;
	v13 =	vadd.f32 v13, v17;
	v19 =	vld.idx.msk [tilespmem:v19+s16+$0x0], $0xffff;
	v14 =	vadd.f32 v14, v18  }
0x79: {  	v30 =	vand.u32 $0x7F, v12;
	v53 =	vand.u32 $0xFFFFFC00, v25;
	v34 =	vand.u32 $0xFFFFFC00, v26;
	v60 =	vld.idx.msk [tilespmem:v20+s16+$0x0], $0xffff  }
0x7a: {  	v26 =	vand.u32 $0x7F, v24;
	v18 =	vadd.s32 v53, v5;
	v17 =	vld.idx.msk [tilespmem:v21+s16+$0x0], $0xffff;
	v14 =	vsub.f32 v14, v13  }
0x7b: {  	v36 =	vadd.s32 v53, v58;
	v62 =	vadd.s32 v34, v5;
	v63 =	vld.idx.msk [tilespmem:v22+s16+$0x0], $0xffff;
	v18 =	vor.u32 v2, v18  }
0x7c: {  	v20 =	vor.u32 v2, v62;
	v18 =	vor.u32 v30, v18;
	v14 =	vmul.f32 v14, v0  }
0x7d: {  	v24 =	vadd.s32 v34, v58;
	v20 =	vor.u32 v26, v20;
	v22 =	vor.u32 v2, v36  }
0x7e: {  	v38 =	vor.u32 v2, v24;
	v37 =	vor.u32 v30, v22;
	v13 =	vadd.f32 v14, v13  }
0x7f: {  	v22 =	vor.u32 v26, v38  }
0x80: {  	v12 =	vsub.f32 v60, v19;
	v21 =	vsub.f32 v63, v17;
	[tilespmem:s0+$0x10] =	vst v13  }
0x81: {  	v13 =	vld.idx.msk [tilespmem:v18+s16+$0x0], $0xffff  }
0x82: {  	v12 =	vmul.f32 v12, v49;
	v18 =	vmul.f32 v21, v49;
	v20 =	vld.idx.msk [tilespmem:v20+s16+$0x0], $0xffff  }
0x83: {  	v14 =	vld.idx.msk [tilespmem:v37+s16+$0x0], $0xffff  }
0x84: {  	v12 =	vadd.f32 v12, v19;
	v17 =	vadd.f32 v18, v17;
	v18 =	vld.idx.msk [tilespmem:v22+s16+$0x0], $0xffff;
	_ =	sdelay $0x1  }
0x85: {  	v39 =	vadd.s32 v52, v10;
	v19 =	vadd.s32 v51, v10;
	v17 =	vsub.f32 v17, v12  }
0x86: {  	v40 =	vadd.s32 v51, v8;
	v24 =	vadd.s32 v52, v8;
	v19 =	vor.u32 v61, v19  }
0x87: {  	v57 =	vor.u32 v61, v24;
	v19 =	vor.u32 v50, v19;
	v17 =	vmul.f32 v17, v0  }
0x88: {  	v22 =	vor.u32 v61, v40;
	v20 =	vsub.f32 v20, v13;
	v18 =	vsub.f32 v18, v14  }
0x89: {  	s17 =	simm.s32 $0x0;
	v21 =	vor.u32 v61, v39;
	v12 =	vadd.f32 v17, v12;
	v17 =	vor.u32 v50, v22  }
0x8a: {  	s7 =	sand.u32 $0x300, s17;
	v20 =	vmul.f32 v20, v27;
	v22 =	vor.u32 v54, v57;
	v18 =	vmul.f32 v18, v27  }
0x8b: {  	v25 =	vshll.u32 v7, $0x3;
	s14 =	sadd.s32 s7, s6;
	v24 =	vadd.s32 $0x1, v7;
	v21 =	vor.u32 v54, v21  }
0x8c: {  	v59 =	vshll.u32 v24, $0x3;
	v13 =	vadd.f32 v20, v13;
	[tilespmem:s14+$0x0] =	vst v12;
	v14 =	vadd.f32 v18, v14  }
0x8d: {  	v36 =	vand.u32 $0x7F, v7;
	v38 =	vand.u32 $0xFFFFFC00, v59;
	v39 =	vand.u32 $0xFFFFFC00, v25;
	v19 =	vld.idx.msk [tilespmem:v19+s16+$0x0], $0xffff  }
0x8e: {  	v37 =	vand.u32 $0x7F, v24;
	v60 =	vld.idx.msk [tilespmem:v17+s16+$0x0], $0xffff;
	v17 =	vadd.s32 v39, v5;
	v14 =	vsub.f32 v14, v13  }
0x8f: {  	v63 =	vadd.s32 v39, v58;
	v18 =	vadd.s32 v38, v5;
	v62 =	vld.idx.msk [tilespmem:v22+s16+$0x0], $0xffff;
	v17 =	vor.u32 v2, v17  }
0x90: {  	v7 =	vld.idx.msk [tilespmem:v21+s16+$0x0], $0xffff;
	v18 =	vor.u32 v2, v18;
	v14 =	vmul.f32 v14, v0;
	v17 =	vor.u32 v36, v17  }
0x91: {  	v40 =	vadd.s32 v38, v58;
	v21 =	vor.u32 v2, v63;
	v18 =	vor.u32 v37, v18  }
0x92: {  	v59 =	vor.u32 v2, v40;
	v57 =	vor.u32 v36, v21;
	v13 =	vadd.f32 v14, v13  }
0x93: {  	v21 =	vor.u32 v37, v59  }
0x94: {  	v20 =	vsub.f32 v62, v60;
	[tilespmem:s0+$0x20] =	vst v13  }
0x95: {  	v7 =	vsub.f32 v7, v19;
	v13 =	vld.idx.msk [tilespmem:v17+s16+$0x0], $0xffff;
	[tilespmem:$0x1FBC0] =	vst v29  }
0x96: {  	v17 =	vmul.f32 v20, v29;
	v18 =	vld.idx.msk [tilespmem:v18+s16+$0x0], $0xffff  }
0x97: {  	v7 =	vmul.f32 v7, v29;
	v14 =	vld.idx.msk [tilespmem:v57+s16+$0x0], $0xffff  }
0x98: {  	v12 =	vadd.f32 v17, v60;
	v17 =	vld.idx.msk [tilespmem:v21+s16+$0x0], $0xffff  }
0x99: {  	v63 =	vadd.s32 v34, v8;
	v7 =	vadd.f32 v7, v19  }
0x9a: {  	v40 =	vor.u32 v61, v63;
	v19 =	vadd.s32 v53, v10  }
0x9b: {  	v62 =	vadd.s32 v53, v8;
	v19 =	vor.u32 v61, v19;
	v12 =	vsub.f32 v12, v7  }
0x9c: {  	v60 =	vadd.s32 v34, v10;
	v19 =	vor.u32 v30, v19;
	v21 =	vor.u32 v61, v62  }
0x9d: {  	v12 =	vmul.f32 v12, v0;
	v18 =	vsub.f32 v18, v13;
	v17 =	vsub.f32 v17, v14  }
0x9e: {  	[tilespmem:$0x1FBD0] =	vst v34;
	v20 =	vor.u32 v61, v60;
	v34 =	vor.u32 v30, v21;
	v21 =	vor.u32 v26, v40  }
0x9f: {  	[tilespmem:$0x1FBE0] =	vst v30;
	v7 =	vadd.f32 v12, v7;
	v18 =	vmul.f32 v18, v28;
	v17 =	vmul.f32 v17, v28  }
0xa0: {  	v24 =	vshll.u32 v1, $0x3;
	v57 =	vadd.s32 $0x1, v1;
	[tilespmem:$0x1FBF0] =	vst v26;
	v20 =	vor.u32 v26, v20  }
0xa1: {  	v25 =	vshll.u32 v57, $0x3;
	[tilespmem:s14+$0x10] =	vst v7;
	v13 =	vadd.f32 v18, v13;
	v14 =	vadd.f32 v17, v14  }
0xa2: {  	v4 =	vand.u32 $0xFFFFFC00, v24;
	v1 =	vand.u32 $0x7F, v1;
	v29 =	vand.u32 $0xFFFFFC00, v25;
	v19 =	vld.idx.msk [tilespmem:v19+s16+$0x0], $0xffff  }
0xa3: {  	v60 =	vadd.s32 v4, v58;
	v18 =	vadd.s32 v4, v5;
	v12 =	vld.idx.msk [tilespmem:v34+s16+$0x0], $0xffff;
	v14 =	vsub.f32 v14, v13  }
0xa4: {  	v59 =	vadd.s32 v29, v5;
	v7 =	vand.u32 $0x7F, v57;
	v21 =	vld.idx.msk [tilespmem:v21+s16+$0x0], $0xffff;
	v18 =	vor.u32 v2, v18  }
0xa5: {  	v17 =	vld.idx.msk [tilespmem:v20+s16+$0x0], $0xffff;
	v20 =	vor.u32 v2, v59;
	v18 =	vor.u32 v1, v18;
	v14 =	vmul.f32 v14, v0  }
0xa6: {  	v22 =	vor.u32 v2, v60;
	v24 =	vadd.s32 v29, v58;
	v20 =	vor.u32 v7, v20  }
0xa7: {  	v62 =	vor.u32 v1, v22;
	v63 =	vor.u32 v2, v24;
	v13 =	vadd.f32 v14, v13  }
0xa8: {  	v22 =	vor.u32 v7, v63  }
0xa9: {  	v21 =	vsub.f32 v21, v12;
	[tilespmem:s0+$0x30] =	vst v13  }
0xaa: {  	v17 =	vsub.f32 v17, v19;
	v13 =	vld.idx.msk [tilespmem:v18+s16+$0x0], $0xffff;
	[tilespmem:$0x1FC00] =	vst v27  }
0xab: {  	v18 =	vmul.f32 v21, v27;
	v20 =	vld.idx.msk [tilespmem:v20+s16+$0x0], $0xffff  }
0xac: {  	v17 =	vmul.f32 v17, v27;
	v14 =	vld.idx.msk [tilespmem:v62+s16+$0x0], $0xffff  }
0xad: {  	v12 =	vadd.f32 v18, v12;
	v18 =	vld.idx.msk [tilespmem:v22+s16+$0x0], $0xffff  }
0xae: {  	v40 =	vadd.s32 v39, v8;
	v17 =	vadd.f32 v17, v19  }
0xaf: {  	v60 =	vadd.s32 $0x1, v11;
	v24 =	vadd.s32 v38, v8;
	v19 =	vadd.s32 v39, v10  }
0xb0: {  	v34 =	vadd.s32 v38, v10;
	v19 =	vor.u32 v61, v19;
	v12 =	vsub.f32 v12, v17  }
0xb1: {  	v57 =	vor.u32 v61, v40;
	v21 =	vor.u32 v61, v34;
	v19 =	vor.u32 v36, v19  }
0xb2: {  	[tilespmem:$0x1FC10] =	vst v39;
	v12 =	vmul.f32 v12, v0;
	v20 =	vsub.f32 v20, v13;
	v18 =	vsub.f32 v18, v14  }
0xb3: {  	v59 =	vor.u32 v61, v24;
	v24 =	vor.u32 v36, v57;
	v25 =	vor.u32 v37, v21;
	[tilespmem:$0x1FC20] =	vst v38  }
0xb4: {  	[tilespmem:$0x1FC30] =	vst v36;
	v12 =	vadd.f32 v12, v17;
	v20 =	vmul.f32 v20, v31;
	v18 =	vmul.f32 v18, v31  }
0xb5: {  	v63 =	vshll.u32 v60, $0x3;
	[tilespmem:$0x1FC40] =	vst v37;
	v17 =	vor.u32 v37, v59  }
0xb6: {  	v62 =	vshll.u32 v11, $0x3;
	[tilespmem:s14+$0x20] =	vst v12;
	v27 =	vadd.f32 v20, v13;
	v14 =	vadd.f32 v18, v14  }
0xb7: {  	v34 =	vand.u32 $0xFFFFFC00, v62;
	v13 =	vand.u32 $0x7F, v11;
	v20 =	vand.u32 $0xFFFFFC00, v63;
	v26 =	vld.idx.msk [tilespmem:v19+s16+$0x0], $0xffff  }
0xb8: {  	v36 =	vld.idx.msk [tilespmem:v24+s16+$0x0], $0xffff;
	v18 =	vadd.s32 v34, v5;
	v24 =	vadd.s32 v20, v5;
	v14 =	vsub.f32 v14, v27  }
0xb9: {  	v11 =	vld.idx.msk [tilespmem:v25+s16+$0x0], $0xffff;
	v19 =	vand.u32 $0x7F, v60;
	v18 =	vor.u32 v2, v18;
	v37 =	vor.u32 v2, v24  }
0xba: {  	v24 =	vadd.s32 v34, v58;
	v17 =	vld.idx.msk [tilespmem:v17+s16+$0x0], $0xffff;
	v18 =	vor.u32 v13, v18;
	v14 =	vmul.f32 v14, v0  }
0xbb: {  	v25 =	vadd.s32 v20, v58;
	v22 =	vor.u32 v19, v37;
	v24 =	vor.u32 v2, v24  }
0xbc: {  	v25 =	vor.u32 v2, v25;
	v24 =	vor.u32 v13, v24;
	v14 =	vadd.f32 v14, v27  }
0xbd: {  	v25 =	vor.u32 v19, v25  }
0xbe: {  	[tilespmem:s0+$0x40] =	vst v14  }
0xbf: {  	v11 =	vsub.f32 v11, v26;
	v38 =	vsub.f32 v17, v36;
	v17 =	vld.idx.msk [tilespmem:v18+s16+$0x0], $0xffff  }
0xc0: {  	v18 =	vld.idx.msk [tilespmem:v22+s16+$0x0], $0xffff;
	[tilespmem:$0x1FC50] =	vst v28  }
0xc1: {  	v11 =	vmul.f32 v11, v28;
	v14 =	vmul.f32 v38, v28;
	v39 =	vld.idx.msk [tilespmem:v24+s16+$0x0], $0xffff  }
0xc2: {  	v24 =	vld.idx.msk [tilespmem:v25+s16+$0x0], $0xffff  }
0xc3: {  	v11 =	vadd.f32 v11, v26;
	v12 =	vadd.f32 v14, v36  }
0xc4: {  	v40 =	vadd.s32 v4, v10;
	v27 =	vadd.s32 v29, v8;
	v26 =	vadd.s32 v4, v8  }
0xc5: {  	v25 =	vadd.s32 v29, v10;
	v14 =	vor.u32 v61, v40;
	v12 =	vsub.f32 v12, v11  }
0xc6: {  	v57 =	vor.u32 v61, v26;
	v25 =	vor.u32 v61, v25;
	v28 =	vor.u32 v1, v14  }
0xc7: {  	[tilespmem:$0x1FC60] =	vst v4;
	v18 =	vsub.f32 v18, v17;
	v12 =	vmul.f32 v12, v0;
	v24 =	vsub.f32 v24, v39  }
0xc8: {  	v59 =	vor.u32 v61, v27;
	[tilespmem:$0x1FC70] =	vst v29;
	v26 =	vor.u32 v1, v57;
	v25 =	vor.u32 v7, v25  }
0xc9: {  	[tilespmem:$0x1FC80] =	vst v1;
	v60 =	vmul.f32 v18, v33;
	v11 =	vadd.f32 v12, v11;
	v18 =	vmul.f32 v24, v33  }
0xca: {  	v27 =	vshll.u32 v9, $0x3;
	[tilespmem:$0x1FC90] =	vst v7;
	v29 =	vor.u32 v7, v59;
	v24 =	vadd.s32 $0x1, v9  }
0xcb: {  	v62 =	vshll.u32 v24, $0x3;
	v17 =	vadd.f32 v60, v17;
	[tilespmem:s14+$0x30] =	vst v11;
	v22 =	vadd.f32 v18, v39  }
0xcc: {  	v63 =	vand.u32 $0xFFFFFC00, v27;
	v1 =	vand.u32 $0x7F, v9;
	v11 =	vand.u32 $0xFFFFFC00, v62;
	v9 =	vld.idx.msk [tilespmem:v28+s16+$0x0], $0xffff  }
0xcd: {  	v27 =	vadd.s32 v63, v5;
	v25 =	vld.idx.msk [tilespmem:v25+s16+$0x0], $0xffff;
	v28 =	vadd.s32 v11, v5;
	v22 =	vsub.f32 v22, v17  }
0xce: {  	v6 =	vand.u32 $0x7F, v24;
	v24 =	vld.idx.msk [tilespmem:v26+s16+$0x0], $0xffff;
	v26 =	vor.u32 v2, v27;
	v27 =	vor.u32 v2, v28  }
0xcf: {  	v28 =	vld.idx.msk [tilespmem:v29+s16+$0x0], $0xffff;
	v26 =	vor.u32 v1, v26;
	v29 =	vadd.s32 v63, v58;
	v22 =	vmul.f32 v22, v0  }
0xd0: {  	v30 =	vadd.s32 v11, v58;
	v27 =	vor.u32 v6, v27;
	v29 =	vor.u32 v2, v29  }
0xd1: {  	v36 =	vor.u32 v1, v29;
	v29 =	vor.u32 v2, v30;
	v17 =	vadd.f32 v22, v17  }
0xd2: {  	v29 =	vor.u32 v6, v29  }
0xd3: {  	[tilespmem:s0+$0x50] =	vst v17  }
0xd4: {  	v17 =	vsub.f32 v25, v9;
	v25 =	vsub.f32 v28, v24;
	v26 =	vld.idx.msk [tilespmem:v26+s16+$0x0], $0xffff  }
0xd5: {  	v27 =	vld.idx.msk [tilespmem:v27+s16+$0x0], $0xffff;
	[tilespmem:$0x1FCA0] =	vst v31  }
0xd6: {  	v17 =	vmul.f32 v17, v31;
	v25 =	vmul.f32 v25, v31;
	v22 =	vld.idx.msk [tilespmem:v36+s16+$0x0], $0xffff  }
0xd7: {  	v28 =	vld.idx.msk [tilespmem:v29+s16+$0x0], $0xffff  }
0xd8: {  	v9 =	vadd.f32 v17, v9;
	v17 =	vadd.f32 v25, v24  }
0xd9: {  	v18 =	vand.u32 $0x7F, v3  }
0xda: {  	v29 =	vshll.u32 v3, $0x3;
	v24 =	vadd.s32 v34, v10;
	v17 =	vsub.f32 v17, v9  }
0xdb: {  	v24 =	vor.u32 v61, v24;
	v25 =	vsub.f32 v27, v26;
	v27 =	vadd.s32 v20, v10  }
0xdc: {  	v28 =	vsub.f32 v28, v22;
	v27 =	vor.u32 v61, v27;
	v17 =	vmul.f32 v17, v0  }
0xdd: {  	v24 =	vor.u32 v13, v24;
	v25 =	vmul.f32 v25, v32;
	v27 =	vor.u32 v19, v27  }
0xde: {  	[tilespmem:$0x1FCB0] =	vst v34;
	v28 =	vmul.f32 v28, v32;
	v9 =	vadd.f32 v17, v9;
	v17 =	vadd.s32 v34, v8  }
0xdf: {  	[tilespmem:$0x1FCC0] =	vst v20;
	v25 =	vadd.f32 v25, v26;
	v26 =	vadd.s32 v20, v8;
	v17 =	vor.u32 v61, v17  }
0xe0: {  	[tilespmem:$0x1FCD0] =	vst v13;
	v4 =	vand.u32 $0xFFFFFC00, v29;
	v26 =	vor.u32 v61, v26;
	v17 =	vor.u32 v13, v17  }
0xe1: {  	[tilespmem:$0x1FCE0] =	vst v19;
	v22 =	vadd.f32 v28, v22;
	v28 =	vadd.s32 $0x1, v3;
	v26 =	vor.u32 v19, v26  }
0xe2: {  	v29 =	vadd.s32 v4, v5;
	v30 =	vshll.u32 v28, $0x3;
	[tilespmem:s14+$0x40] =	vst v9;
	v19 =	vand.u32 $0x7F, v28  }
0xe3: {  	v28 =	vor.u32 v2, v29;
	v37 =	vand.u32 $0xFFFFFC00, v30;
	v24 =	vld.idx.msk [tilespmem:v24+s16+$0x0], $0xffff;
	v22 =	vsub.f32 v22, v25  }
0xe4: {  	v27 =	vld.idx.msk [tilespmem:v27+s16+$0x0], $0xffff;
	v28 =	vor.u32 v18, v28;
	v30 =	vadd.s32 v37, v5  }
0xe5: {  	v29 =	vor.u32 v2, v30;
	v22 =	vmul.f32 v22, v0;
	v30 =	vadd.s32 v4, v58;
	v17 =	vld.idx.msk [tilespmem:v17+s16+$0x0], $0xffff  }
0xe6: {  	v31 =	vadd.s32 v37, v58;
	v29 =	vor.u32 v19, v29;
	v30 =	vor.u32 v2, v30;
	v26 =	vld.idx.msk [tilespmem:v26+s16+$0x0], $0xffff  }
0xe7: {  	v22 =	vadd.f32 v22, v25;
	v25 =	vor.u32 v18, v30;
	v30 =	vor.u32 v2, v31  }
0xe8: {  	v30 =	vor.u32 v19, v30  }
0xe9: {  	[tilespmem:s0+$0x60] =	vst v22  }
0xea: {  	v22 =	vld.idx.msk [tilespmem:v28+s16+$0x0], $0xffff  }
0xeb: {  	v27 =	vsub.f32 v27, v24;
	v28 =	vld.idx.msk [tilespmem:v29+s16+$0x0], $0xffff;
	v26 =	vsub.f32 v26, v17  }
0xec: {  	v25 =	vld.idx.msk [tilespmem:v25+s16+$0x0], $0xffff;
	[tilespmem:$0x1FCF0] =	vst v33  }
0xed: {  	v27 =	vmul.f32 v27, v33;
	v29 =	vld.idx.msk [tilespmem:v30+s16+$0x0], $0xffff;
	v26 =	vmul.f32 v26, v33;
	_ =	sdelay $0x1  }
0xee: {  	v24 =	vadd.f32 v27, v24;
	v17 =	vadd.f32 v26, v17  }
0xef: {  	v26 =	vsub.f32 v28, v22  }
0xf0: {  	v17 =	vsub.f32 v17, v24  }
0xf1: {  	v27 =	vsub.f32 v29, v25;
	v26 =	vmul.f32 v26, v42  }
0xf2: {  	v17 =	vmul.f32 v17, v0  }
0xf3: {  	v27 =	vmul.f32 v27, v42;
	v22 =	vadd.f32 v26, v22;
	v26 =	vadd.s32 v63, v8  }
0xf4: {  	v9 =	vand.u32 $0x7F, v16;
	v26 =	vor.u32 v61, v26  }
0xf5: {  	v17 =	vadd.f32 v17, v24;
	v24 =	vadd.s32 $0x1, v16;
	v25 =	vadd.f32 v27, v25  }
0xf6: {  	v16 =	vshll.u32 v16, $0x3;
	v27 =	vadd.s32 v11, v8;
	v26 =	vor.u32 v1, v26  }
0xf7: {  	v13 =	vand.u32 $0xFFFFFC00, v16;
	v7 =	vand.u32 $0x7F, v24;
	v16 =	vshll.u32 v24, $0x3  }
0xf8: {  	[tilespmem:$0x1FD00] =	vst v63;
	v24 =	vadd.s32 v11, v10;
	v27 =	vor.u32 v61, v27;
	v14 =	vand.u32 $0xFFFFFC00, v16  }
0xf9: {  	[tilespmem:$0x1FD10] =	vst v11;
	v16 =	vadd.s32 v63, v10;
	v24 =	vor.u32 v61, v24;
	v25 =	vsub.f32 v25, v22  }
0xfa: {  	[tilespmem:$0x1FD20] =	vst v1;
	v28 =	vadd.s32 v13, v5;
	v27 =	vor.u32 v6, v27;
	v24 =	vor.u32 v6, v24  }
0xfb: {  	[tilespmem:$0x1FD30] =	vst v6;
	v16 =	vor.u32 v61, v16;
	v29 =	vadd.s32 v14, v5;
	v28 =	vor.u32 v2, v28  }
0xfc: {  	[tilespmem:s14+$0x50] =	vst v17;
	v30 =	vadd.s32 v14, v58;
	v16 =	vor.u32 v1, v16;
	v17 =	vmul.f32 v25, v0  }
0xfd: {  	v29 =	vor.u32 v2, v29;
	v25 =	vor.u32 v9, v28;
	v28 =	vadd.s32 v13, v58  }
0xfe: {  	v29 =	vor.u32 v7, v29;
	v28 =	vor.u32 v2, v28;
	v26 =	vld.idx.msk [tilespmem:v26+s16+$0x0], $0xffff;
	v17 =	vadd.f32 v17, v22  }
0xff: {  	v38 =	vld.idx.msk [tilespmem:v24+s16+$0x0], $0xffff;
	v24 =	vor.u32 v9, v28;
	v28 =	vor.u32 v2, v30  }
0x100: {  	[tilespmem:s0+$0x70] =	vst v17;
	v17 =	vld.idx.msk [tilespmem:v27+s16+$0x0], $0xffff;
	v28 =	vor.u32 v7, v28  }
0x101: {  	v16 =	vld.idx.msk [tilespmem:v16+s16+$0x0], $0xffff  }
0x102: {  	v25 =	vld.idx.msk [tilespmem:v25+s16+$0x0], $0xffff  }
0x103: {  	v27 =	vld.idx.msk [tilespmem:v29+s16+$0x0], $0xffff  }
0x104: {  	v24 =	vld.idx.msk [tilespmem:v24+s16+$0x0], $0xffff  }
0x105: {  	v17 =	vsub.f32 v17, v26;
	v28 =	vld.idx.msk [tilespmem:v28+s16+$0x0], $0xffff  }
0x106: {  	v22 =	vsub.f32 v38, v16  }
0x107: {  	v17 =	vmul.f32 v17, v32  }
0x108: {  	s9 =	simm.s32 $0x3;
	v22 =	vmul.f32 v22, v32  }
0x109: {  	v57 =	vmov s9;
	v27 =	vsub.f32 v27, v25;
	v17 =	vadd.f32 v17, v26  }
0x10a: {  	v59 =	vshll.u32 v57, $0x7;
	v16 =	vadd.f32 v22, v16;
	v28 =	vsub.f32 v28, v24  }
0x10b: {  	v3 =	vand.u32 $0x7F, v15;
	v30 =	vadd.s32 v37, v8;
	v27 =	vmul.f32 v27, v47  }
0x10c: {  	v29 =	vadd.s32 v4, v8;
	v17 =	vsub.f32 v17, v16;
	v28 =	vmul.f32 v28, v47  }
0x10d: {  	v29 =	vor.u32 v61, v29;
	v39 =	vadd.f32 v27, v25;
	v27 =	vadd.s32 v4, v10  }
0x10e: {  	v27 =	vor.u32 v61, v27;
	v17 =	vmul.f32 v17, v0;
	v24 =	vadd.f32 v28, v24  }
0x10f: {  	v29 =	vor.u32 v18, v29;
	v27 =	vor.u32 v18, v27;
	v28 =	vadd.s32 v37, v10  }
0x110: {  	s8 =	simm.s32 $0x2;
	v25 =	vadd.f32 v17, v16;
	v16 =	vadd.s32 $0x1, v15;
	v24 =	vsub.f32 v24, v39  }
0x111: {  	[tilespmem:$0x1FD40] =	vst v32;
	v15 =	vshll.u32 v15, $0x3;
	v17 =	vmov s8;
	v28 =	vor.u32 v61, v28  }
0x112: {  	[tilespmem:$0x1FD50] =	vst v4;
	v11 =	vand.u32 $0xFFFFFC00, v15;
	v1 =	vand.u32 $0x7F, v16;
	v24 =	vmul.f32 v24, v0  }
0x113: {  	[tilespmem:$0x1FD60] =	vst v37;
	v15 =	vshrl.u32 v17, $0x3;
	v16 =	vshll.u32 v16, $0x3;
	v28 =	vor.u32 v19, v28  }
0x114: {  	[tilespmem:$0x1FD70] =	vst v18;
	v22 =	vadd.f32 v24, v39;
	v24 =	vshll.u32 v17, $0x7;
	v17 =	vmul.u32 $0xC00, v15  }
0x115: {  	[tilespmem:$0x1FD80] =	vst v19;
	v32 =	vshrl.u32 v57, $0x3;
	v12 =	vand.u32 $0xFFFFFC00, v16;
	v20 =	vadd.s32 v11, v5  }
0x116: {  	[tilespmem:s14+$0x60] =	vst v25;
	v21 =	vadd.s32 v12, v5;
	v16 =	vand.u32 $0x300, v24;
	v26 =	vadd.s32 v44, v17  }
0x117: {  	v34 =	vld.idx.msk [tilespmem:v27+s16+$0x0], $0xffff;
	v27 =	vmul.u32 $0xC00, v32;
	v37 =	vor.u32 v2, v21;
	v26 =	vor.u32 v16, v26  }
0x118: {  	v15 =	vadd.s32 $0x6, v15;
	v31 =	vor.u32 v48, v26;
	v26 =	vor.u32 v61, v30  }
0x119: {  	v62 =	vmul.u32 $0xC00, v15;
	v63 =	vld.idx.msk [tilespmem:v28+s16+$0x0], $0xffff;
	v24 =	vadd.s32 v41, v17;
	v30 =	vor.u32 v19, v26  }
0x11a: {  	v57 =	vadd.s32 v12, v58;
	v37 =	vor.u32 v1, v37;
	v24 =	vor.u32 v16, v24  }
0x11b: {  	v28 =	vadd.s32 $0x6, v32;
	v24 =	vor.u32 v43, v24;
	v26 =	vadd.s32 v41, v62  }
0x11c: {  	v32 =	vor.u32 v2, v20;
	v40 =	vadd.s32 v44, v62;
	v25 =	vor.u32 v16, v26  }
0x11d: {  	v29 =	vld.idx.msk [tilespmem:v29+s16+$0x0], $0xffff;
	v26 =	vor.u32 v16, v40;
	v40 =	vadd.s32 v11, v58;
	v25 =	vor.u32 v43, v25  }
0x11e: {  	v33 =	vsub.f32 v63, v34;
	v60 =	vor.u32 v48, v26;
	v30 =	vld.idx.msk [tilespmem:v30+s16+$0x0], $0xffff;
	[tilespmem:$0x1FD90] =	vst v3  }
0x11f: {  	v39 =	vor.u32 v2, v57;
	v32 =	vor.u32 v3, v32;
	v38 =	vor.u32 v2, v40;
	[tilespmem:s0+$0x400] =	vst v22  }
0x120: {  	v26 =	vand.u32 $0x380, v59;
	v40 =	vadd.s32 v44, v27;
	v33 =	vmul.f32 v33, v42;
	v22 =	vld.idx.msk [tilespmem:v24+s16+$0x0], $0xffff;
	[tilespmem:$0x1FDA0] =	vst v1  }
0x121: {  	v59 =	vadd.s32 v41, v27;
	v38 =	vor.u32 v3, v38;
	v40 =	vor.u32 v26, v40;
	v31 =	vld.idx.msk [tilespmem:v31+s16+$0x0], $0xffff  }
0x122: {  	v28 =	vmul.u32 $0xC00, v28;
	v40 =	vor.u32 v48, v40;
	v33 =	vadd.f32 v33, v34;
	v25 =	vld.idx.msk [tilespmem:v25+s16+$0x0], $0xffff;
	[tilespmem:$0x1FDB0] =	vst v41  }
0x123: {  	v24 =	vor.u32 v1, v39;
	v39 =	vor.u32 v26, v59;
	v36 =	vld.idx.msk [tilespmem:v60+s16+$0x0], $0xffff;
	v30 =	vsub.f32 v30, v29  }
0x124: {  	v39 =	vor.u32 v43, v39;
	v41 =	vadd.s32 v41, v28;
	v32 =	vld.idx.msk [tilespmem:v32+s16+$0x0], $0xffff;
	[tilespmem:$0x1FDC0] =	vst v42  }
0x125: {  	v41 =	vor.u32 v26, v41;
	[tilespmem:$0x1FDD0] =	vst v44;
	v60 =	vadd.s32 v44, v28;
	v30 =	vmul.f32 v30, v42  }
0x126: {  	v37 =	vld.idx.msk [tilespmem:v37+s16+$0x0], $0xffff;
	[tilespmem:$0x1FDE0] =	vst v43;
	v41 =	vor.u32 v43, v41;
	v42 =	vor.u32 v26, v60  }
0x127: {  	v63 =	vor.u32 v48, v42;
	v29 =	vadd.f32 v30, v29;
	v30 =	vld.idx.msk [tilespmem:v38+s16+$0x0], $0xffff;
	[tilespmem:$0x1FDF0] =	vst v48  }
0x128: {  	v21 =	vadd.s32 v14, v10;
	v57 =	vadd.s32 v14, v8;
	v20 =	vadd.s32 v13, v10;
	v24 =	vld.idx.msk [tilespmem:v24+s16+$0x0], $0xffff  }
0x129: {  	v59 =	vor.u32 v61, v57;
	v42 =	vor.u32 v61, v21;
	v38 =	vld.idx.msk [tilespmem:v39+s16+$0x0], $0xffff;
	v29 =	vsub.f32 v29, v33  }
0x12a: {  	v31 =	vsub.f32 v31, v22;
	v48 =	vadd.s32 v13, v8;
	v39 =	vor.u32 v61, v20;
	v40 =	vld.idx.msk [tilespmem:v40+s16+$0x0], $0xffff  }
0x12b: {  	v41 =	vld.idx.msk [tilespmem:v41+s16+$0x0], $0xffff;
	[tilespmem:$0x1FE00] =	vst v13;
	v39 =	vor.u32 v9, v39;
	v29 =	vmul.f32 v29, v0  }
0x12c: {  	v4 =	vand.u32 $0x7F, v23;
	v42 =	vor.u32 v7, v42;
	v43 =	vor.u32 v61, v48;
	v34 =	vld.idx.msk [tilespmem:v63+s16+$0x0], $0xffff;
	[tilespmem:$0x1FE10] =	vst v14  }
0x12d: {  	v31 =	vmul.f32 v31, v49;
	v43 =	vor.u32 v9, v43;
	[tilespmem:$0x1FE20] =	vst v9;
	v29 =	vadd.f32 v29, v33  }
0x12e: {  	v60 =	vsub.f32 v37, v32;
	[tilespmem:$0x1FE30] =	vst v7;
	v33 =	vor.u32 v7, v59;
	v24 =	vsub.f32 v24, v30  }
0x12f: {  	v20 =	vadd.s32 v51, v27;
	v22 =	vadd.f32 v31, v22;
	[tilespmem:s14+$0x70] =	vst v29;
	v29 =	vsub.f32 v36, v25  }
0x130: {  	v31 =	vmul.f32 v60, v46;
	v13 =	vsub.f32 v40, v38;
	v24 =	vmul.f32 v24, v46;
	v63 =	vld.idx.msk [tilespmem:v39+s16+$0x0], $0xffff  }
0x131: {  	v1 =	vand.u32 $0x7F, v35;
	v34 =	vsub.f32 v34, v41;
	v14 =	vld.idx.msk [tilespmem:v42+s16+$0x0], $0xffff;
	[tilespmem:$0x1FE40] =	vst v46;
	v29 =	vmul.f32 v29, v49  }
0x132: {  	v48 =	vshll.u32 v56, $0x3;
	v31 =	vadd.f32 v31, v32;
	v21 =	vld.idx.msk [tilespmem:v43+s16+$0x0], $0xffff;
	[tilespmem:$0x1FE50] =	vst v49;
	v24 =	vadd.f32 v24, v30  }
0x133: {  	v34 =	vmul.f32 v34, v49;
	v33 =	vld.idx.msk [tilespmem:v33+s16+$0x0], $0xffff;
	v25 =	vadd.f32 v29, v25;
	v29 =	vmul.f32 v13, v49  }
0x134: {  	v46 =	vadd.s32 $0x1, v35;
	v35 =	vshll.u32 v35, $0x3;
	v24 =	vsub.f32 v24, v31  }
0x135: {  	v32 =	vshll.u32 v46, $0x3;
	v30 =	vadd.f32 v34, v41;
	v29 =	vadd.f32 v29, v38  }
0x136: {  	v7 =	vand.u32 $0xFFFFFC00, v35;
	[tilespmem:$0x1FE70] =	vst v1;
	v1 =	vand.u32 $0x7F, v46;
	v3 =	vand.u32 $0xFFFFFC00, v32  }
0x137: {  	[tilespmem:$0x1FE80] =	vst v1;
	v1 =	vand.u32 $0x7F, v56;
	v24 =	vmul.f32 v24, v0;
	v30 =	vsub.f32 v30, v29  }
0x138: {  	[tilespmem:$0x1FE60] =	vst v47;
	v13 =	vand.u32 $0x7F, v55;
	v41 =	vsub.f32 v14, v63;
	v33 =	vsub.f32 v33, v21  }
0x139: {  	[tilespmem:$0x1FE90] =	vst v1;
	v1 =	vand.u32 $0xFFFFFC00, v48;
	v31 =	vadd.f32 v24, v31;
	v30 =	vmul.f32 v30, v0  }
0x13a: {  	[tilespmem:$0x1FEE0] =	vst v4;
	v24 =	vmul.f32 v41, v47;
	v42 =	vmul.f32 v33, v47;
	v47 =	vadd.s32 $0x1, v56  }
0x13b: {  	[tilespmem:$0x1FEA0] =	vst v1;
	v49 =	vshll.u32 v47, $0x3;
	v1 =	vand.u32 $0x7F, v47;
	v30 =	vadd.f32 v30, v29  }
0x13c: {  	[tilespmem:$0x1FF00] =	vst v13;
	v29 =	vadd.f32 v24, v63;
	v24 =	vadd.s32 $0x1, v23;
	v23 =	vshll.u32 v23, $0x3  }
0x13d: {  	[tilespmem:$0x1FEB0] =	vst v1;
	v1 =	vand.u32 $0xFFFFFC00, v49;
	v43 =	vshll.u32 v24, $0x3;
	v44 =	vand.u32 $0xFFFFFC00, v23  }
0x13e: {  	v14 =	vshll.u32 v55, $0x3;
	[tilespmem:$0x1FEC0] =	vst v1;
	v9 =	vand.u32 $0xFFFFFC00, v43;
	v56 =	vadd.s32 v44, v5  }
0x13f: {  	v6 =	vand.u32 $0x7F, v24;
	[tilespmem:$0x1FED0] =	vst v44;
	v32 =	vor.u32 v2, v56;
	v57 =	vadd.s32 v9, v5  }
0x140: {  	v59 =	vadd.s32 v44, v58;
	[tilespmem:$0x1FF10] =	vst v6;
	v35 =	vor.u32 v2, v57;
	v32 =	vor.u32 v4, v32  }
0x141: {  	v36 =	vor.u32 v2, v59;
	[tilespmem:$0x1FEF0] =	vst v9;
	v60 =	vadd.s32 v9, v58;
	v35 =	vor.u32 v6, v35  }
0x142: {  	v36 =	vor.u32 v4, v36;
	v37 =	vor.u32 v2, v60;
	[tilespmem:s0+$0x410] =	vst v31;
	v31 =	vand.u32 $0xFFFFFC00, v14  }
0x143: {  	s6 =	simm.s32 $0x200;
	v25 =	vsub.f32 v25, v22;
	v37 =	vor.u32 v6, v37;
	[tilespmem:$0x1FF20] =	vst v31;
	v31 =	vor.u32 v26, v20  }
0x144: {  	s7 =	simm.s32 $0x180;
	s8 =	sand.u32 $0x3800, s6;
	v40 =	vor.u32 v50, v31  }
0x145: {  	s15 =	sand.u32 $0x380, s7;
	s8 =	sadd.s32 $0x12580, s8;
	v25 =	vmul.f32 v25, v0;
	v34 =	vadd.f32 v42, v21;
	v21 =	vadd.s32 v52, v27;
	v31 =	vld.idx.msk [tilespmem:v32+s16+$0x0], $0xffff  }
0x146: {  	s17 =	sadd.s32 s15, s8;
	v46 =	vadd.s32 v52, v28;
	v48 =	vadd.s32 v51, v17;
	v39 =	vor.u32 v26, v21;
	v23 =	vld.idx.msk [tilespmem:v35+s16+$0x0], $0xffff  }
0x147: {  	v33 =	vadd.f32 v25, v22;
	v39 =	vor.u32 v54, v39;
	[tilespmem:s17+$0x0] =	vst v30;
	v35 =	vld.idx.msk [tilespmem:v36+s16+$0x0], $0xffff  }
0x148: {  	s10 =	simm.s32 $0x100;
	v22 =	vadd.s32 v51, v28;
	v47 =	vor.u32 v26, v46;
	v37 =	vld.idx.msk [tilespmem:v37+s16+$0x0], $0xffff;
	[tilespmem:$0x1FF30] =	vst v51  }
0x149: {  	s15 =	sand.u32 $0x300, s10;
	v63 =	vadd.s32 $0x1, v55;
	v42 =	vor.u32 v54, v47;
	v49 =	vadd.s32 v52, v17;
	v44 =	vld.idx.msk [tilespmem:v40+s16+$0x0], $0xffff;
	[tilespmem:$0x1FF40] =	vst v52  }
0x14a: {  	s15 =	sadd.s32 s15, s8;
	v55 =	vshll.u32 v63, $0x3;
	v30 =	vor.u32 v16, v49;
	v32 =	vor.u32 v26, v22;
	[tilespmem:$0x1FF50] =	vst v50  }
0x14b: {  	v56 =	vand.u32 $0x7F, v63;
	v30 =	vor.u32 v54, v30;
	v32 =	vor.u32 v50, v32;
	[tilespmem:s15+$0x0] =	vst v33  }
0x14c: {  	v1 =	vand.u32 $0xFFFFFC00, v55;
	v36 =	vor.u32 v16, v48;
	v51 =	vadd.s32 v51, v62;
	v48 =	vld.idx.msk [tilespmem:v39+s16+$0x0], $0xffff;
	[tilespmem:$0x1FF60] =	vst v56  }
0x14d: {  	v36 =	vor.u32 v50, v36;
	v43 =	vor.u32 v16, v51;
	[tilespmem:$0x1FF70] =	vst v1  }
0x14e: {  	v43 =	vor.u32 v50, v43;
	[tilespmem:$0x1FF80] =	vst v54  }
0x14f: {  	v52 =	vadd.s32 v52, v62;
	v49 =	vld.idx.msk [tilespmem:v42+s16+$0x0], $0xffff  }
0x150: {  	v40 =	vor.u32 v16, v52;
	v46 =	vld.idx.msk [tilespmem:v30+s16+$0x0], $0xffff  }
0x151: {  	v57 =	vor.u32 v54, v40;
	v47 =	vld.idx.msk [tilespmem:v32+s16+$0x0], $0xffff  }
0x152: {  	v42 =	vld.idx.msk [tilespmem:v36+s16+$0x0], $0xffff;
	[tilespmem:$0x1FF90] =	vst v45  }
0x153: {  	v38 =	vadd.s32 v7, v5;
	v43 =	vld.idx.msk [tilespmem:v43+s16+$0x0], $0xffff;
	[tilespmem:$0x1FFA0] =	vst v0  }
0x154: {  	v41 =	vadd.s32 v53, v17;
	v59 =	vsub.f32 v23, v31;
	v37 =	vsub.f32 v37, v35;
	[tilespmem:$0x1FFB0] =	vst v53  }
0x155: {  	v34 =	vsub.f32 v34, v29;
	v63 =	vadd.s32 v12, v10;
	v60 =	vadd.s32 v11, v10;
	[tilespmem:$0x1FFC0] =	vst v11  }
0x156: {  	v39 =	vmul.f32 v59, v45;
	v40 =	vmul.f32 v37, v45;
	v45 =	vld.idx.msk [tilespmem:v57+s16+$0x0], $0xffff;
	[tilespmem:$0x1FFD0] =	vst v12  }
0x157: {  	v33 =	vor.u32 v61, v63;
	v30 =	vadd.s32 v12, v8;
	v32 =	vor.u32 v61, v60;
	[tilespmem:$0x1FFE0] =	vst v7  }
0x158: {  	s8 =	simm.s32 $0x4;
	v36 =	vmul.f32 v34, v0;
	v34 =	vadd.s32 v11, v8;
	v37 =	vadd.s32 v3, v5;
	[tilespmem:$0x1FFF0] =	vst v3  }
.LBB2_3:
0x159: {  	v7 =	vld [tilespmem:$0x1FFB0]  }
0x15a: {  	v4 =	vld [tilespmem:$0x1FFE0]  }
0x15b: {  	v1 =	vld [tilespmem:$0x1FBC0]  }
0x15c: {  	v6 =	vld [tilespmem:$0x1FFF0]  }
0x15d: {  	v0 =	vld [tilespmem:$0x1FFA0]  }
0x15e: {  	v13 =	vld [tilespmem:$0x1FE70]  }
0x15f: {  	v60 =	vld [tilespmem:$0x1FE80]  }
0x160: {  	v3 =	vld [tilespmem:$0x1FBD0];
	v31 =	vadd.f32 v39, v31;
	v35 =	vadd.f32 v40, v35  }
0x161: {  	v38 =	vor.u32 v2, v38;
	v37 =	vor.u32 v2, v37;
	v56 =	vsub.f32 v49, v47  }
0x162: {  	v30 =	vor.u32 v61, v30;
	v35 =	vsub.f32 v35, v31;
	v55 =	vsub.f32 v48, v44  }
0x163: {  	v20 =	vld [tilespmem:$0x1FBE0];
	v50 =	vadd.s32 v7, v27;
	v57 =	vadd.s32 v4, v58;
	v40 =	vmul.f32 v56, v1  }
0x164: {  	v9 =	vld [tilespmem:$0x1FDA0];
	v59 =	vadd.s32 v6, v58;
	v35 =	vmul.f32 v35, v0;
	v39 =	vmul.f32 v55, v1  }
0x165: {  	v21 =	vld [tilespmem:$0x1FBF0];
	v38 =	vor.u32 v13, v38;
	v37 =	vor.u32 v60, v37;
	v23 =	vadd.s32 v3, v27  }
0x166: {  	v11 =	vld [tilespmem:$0x1FD90];
	v12 =	vor.u32 v2, v57;
	v40 =	vadd.f32 v40, v47;
	v39 =	vadd.f32 v39, v44  }
0x167: {  	v19 =	vld [tilespmem:$0x1FEB0];
	v22 =	vor.u32 v2, v59;
	v31 =	vadd.f32 v35, v31;
	v14 =	vor.u32 v13, v12  }
0x168: {  	v24 =	vld [tilespmem:$0x1FF20];
	v54 =	vadd.s32 v7, v28;
	v44 =	vor.u32 v60, v22;
	v40 =	vsub.f32 v40, v39  }
0x169: {  	v30 =	vor.u32 v9, v30;
	v52 =	vor.u32 v26, v50;
	v59 =	vor.u32 v9, v33;
	v9 =	vld [tilespmem:$0x1FEC0];
	[tilespmem:s0+$0x420] =	vst v31  }
0x16a: {  	v47 =	vor.u32 v26, v23;
	v53 =	vor.u32 v20, v52;
	v38 =	vld.idx.msk [tilespmem:v38+s16+$0x0], $0xffff;
	v31 =	vmul.f32 v40, v0  }
0x16b: {  	v29 =	vadd.f32 v36, v29;
	v48 =	vor.u32 v26, v54;
	v47 =	vor.u32 v21, v47;
	v37 =	vld.idx.msk [tilespmem:v37+s16+$0x0], $0xffff  }
0x16c: {  	v55 =	vadd.s32 v3, v28;
	v56 =	vor.u32 v20, v48;
	v35 =	vld.idx.msk [tilespmem:v14+s16+$0x0], $0xffff;
	v31 =	vadd.f32 v31, v39  }
0x16d: {  	v34 =	vor.u32 v61, v34;
	[tilespmem:s14+$0x400] =	vst v29;
	v57 =	vor.u32 v26, v55;
	v44 =	vld.idx.msk [tilespmem:v44+s16+$0x0], $0xffff  }
0x16e: {  	v29 =	vor.u32 v11, v34;
	v48 =	vor.u32 v21, v57;
	[tilespmem:s17+$0x10] =	vst v31;
	v31 =	vor.u32 v11, v32;
	v11 =	vld [tilespmem:$0x1FEA0]  }
0x16f: {  	v40 =	vld.idx.msk [tilespmem:v53+s16+$0x0], $0xffff  }
0x170: {  	v46 =	vsub.f32 v46, v42;
	v45 =	vsub.f32 v45, v43;
	v12 =	vld.idx.msk [tilespmem:v47+s16+$0x0], $0xffff  }
0x171: {  	v39 =	vld.idx.msk [tilespmem:v56+s16+$0x0], $0xffff  }
0x172: {  	v41 =	vor.u32 v16, v41;
	v46 =	vmul.f32 v46, v1;
	v63 =	vmul.f32 v45, v1;
	v53 =	vld [tilespmem:$0x1FB90]  }
0x173: {  	v41 =	vor.u32 v20, v41;
	v45 =	vadd.s32 v7, v62;
	v23 =	vld.idx.msk [tilespmem:v48+s16+$0x0], $0xffff  }
0x174: {  	v7 =	vld [tilespmem:$0x1FE90];
	v33 =	vadd.f32 v46, v42;
	v22 =	vadd.s32 v3, v17;
	v14 =	vadd.f32 v63, v43  }
0x175: {  	v50 =	vsub.f32 v44, v35;
	v46 =	vld.idx.msk [tilespmem:v31+s16+$0x0], $0xffff;
	v31 =	vsub.f32 v37, v38;
	v54 =	vadd.s32 v11, v5  }
0x176: {  	v36 =	vor.u32 v16, v22;
	v34 =	vsub.f32 v14, v33;
	v37 =	vor.u32 v2, v54;
	v54 =	vld [tilespmem:$0x1FC00]  }
0x177: {  	v36 =	vor.u32 v21, v36;
	v47 =	vld.idx.msk [tilespmem:v29+s16+$0x0], $0xffff;
	v29 =	vmul.f32 v31, v53;
	v31 =	vmul.f32 v50, v53  }
0x178: {  	v1 =	vld [tilespmem:$0x1FE40];
	v34 =	vmul.f32 v34, v0;
	v63 =	vsub.f32 v12, v40;
	v12 =	vsub.f32 v23, v39  }
0x179: {  	v57 =	vld [tilespmem:$0x1FC10];
	v55 =	vadd.s32 v9, v5;
	v29 =	vadd.f32 v29, v38;
	v31 =	vadd.f32 v31, v35  }
0x17a: {  	v30 =	vld.idx.msk [tilespmem:v30+s16+$0x0], $0xffff;
	v14 =	vor.u32 v2, v55;
	v44 =	vadd.s32 v3, v62;
	v33 =	vadd.f32 v34, v33  }
0x17b: {  	v55 =	vld [tilespmem:$0x1FC20];
	v31 =	vsub.f32 v31, v29;
	v35 =	vmul.f32 v63, v54;
	v38 =	vmul.f32 v12, v54  }
0x17c: {  	v32 =	vld.idx.msk [tilespmem:v59+s16+$0x0], $0xffff;
	v22 =	vadd.s32 v11, v58;
	v23 =	vadd.s32 v9, v58;
	v37 =	vor.u32 v7, v37  }
0x17d: {  	v3 =	vld [tilespmem:$0x1FED0];
	v31 =	vmul.f32 v31, v0;
	v35 =	vadd.f32 v35, v40;
	v38 =	vadd.f32 v38, v39  }
0x17e: {  	v42 =	vor.u32 v19, v14;
	[tilespmem:s15+$0x10] =	vst v33;
	v43 =	vor.u32 v2, v22;
	v22 =	vld [tilespmem:$0x1FC30];
	v50 =	vor.u32 v2, v23  }
0x17f: {  	v41 =	vld.idx.msk [tilespmem:v41+s16+$0x0], $0xffff;
	v39 =	vor.u32 v19, v50;
	v29 =	vadd.f32 v31, v29;
	v38 =	vsub.f32 v38, v35  }
0x180: {  	v23 =	vld [tilespmem:$0x1FC40];
	v31 =	vor.u32 v7, v43  }
0x181: {  	v59 =	vadd.s32 v57, v27;
	v36 =	vld.idx.msk [tilespmem:v36+s16+$0x0], $0xffff;
	[tilespmem:s0+$0x430] =	vst v29;
	v29 =	vmul.f32 v38, v0  }
0x182: {  	v52 =	vor.u32 v26, v59;
	v51 =	vadd.s32 v55, v27;
	v37 =	vld.idx.msk [tilespmem:v37+s16+$0x0], $0xffff  }
0x183: {  	v59 =	vadd.s32 v55, v28;
	v34 =	vor.u32 v22, v52;
	v42 =	vld.idx.msk [tilespmem:v42+s16+$0x0], $0xffff;
	v29 =	vadd.f32 v29, v35  }
0x184: {  	v56 =	vadd.s32 v57, v28;
	v12 =	vor.u32 v26, v59;
	v40 =	vor.u32 v26, v51;
	v52 =	vld.idx.msk [tilespmem:v39+s16+$0x0], $0xffff  }
0x185: {  	v40 =	vor.u32 v23, v40;
	v43 =	vld.idx.msk [tilespmem:v31+s16+$0x0], $0xffff;
	[tilespmem:s17+$0x20] =	vst v29;
	v29 =	vsub.f32 v30, v47  }
0x186: {  	v18 =	vld [tilespmem:$0x1FF70];
	v14 =	vor.u32 v23, v12;
	v38 =	vor.u32 v26, v56  }
0x187: {  	v25 =	vld [tilespmem:$0x1FC70];
	v32 =	vsub.f32 v32, v46;
	v63 =	vor.u32 v22, v38;
	v56 =	vmul.f32 v29, v1  }
0x188: {  	v45 =	vor.u32 v16, v45;
	v34 =	vld.idx.msk [tilespmem:v34+s16+$0x0], $0xffff  }
0x189: {  	v36 =	vsub.f32 v36, v41;
	v32 =	vmul.f32 v32, v1;
	v59 =	vadd.f32 v56, v47;
	v56 =	vld [tilespmem:$0x1FBA0]  }
0x18a: {  	v45 =	vor.u32 v20, v45;
	v49 =	vadd.s32 v3, v8;
	v51 =	vadd.s32 v24, v5;
	v40 =	vld.idx.msk [tilespmem:v40+s16+$0x0], $0xffff  }
0x18b: {  	v36 =	vmul.f32 v36, v54;
	v32 =	vadd.f32 v32, v46;
	v30 =	vor.u32 v16, v44;
	v33 =	vld.idx.msk [tilespmem:v14+s16+$0x0], $0xffff  }
0x18c: {  	v35 =	vld.idx.msk [tilespmem:v63+s16+$0x0], $0xffff;
	v1 =	vadd.s32 v18, v10;
	v42 =	vsub.f32 v42, v37;
	v38 =	vsub.f32 v52, v43  }
0x18d: {  	v36 =	vadd.f32 v36, v41;
	v44 =	vor.u32 v21, v30;
	v14 =	vor.u32 v2, v51;
	[tilespmem:$0x1FB80] =	vst v1;
	v1 =	vld [tilespmem:$0x1FEF0]  }
0x18e: {  	v21 =	vadd.s32 v24, v58;
	v29 =	vld [tilespmem:$0x1FF00];
	v42 =	vmul.f32 v42, v56;
	v38 =	vmul.f32 v38, v56  }
0x18f: {  	v63 =	vadd.s32 v3, v10;
	v3 =	vld [tilespmem:$0x1FF60];
	v21 =	vor.u32 v2, v21;
	v46 =	vsub.f32 v59, v32  }
0x190: {  	v52 =	vadd.s32 v18, v5;
	v59 =	vld [tilespmem:$0x1FC50];
	v37 =	vadd.f32 v42, v37;
	v38 =	vadd.f32 v38, v43  }
0x191: {  	v45 =	vld.idx.msk [tilespmem:v45+s16+$0x0], $0xffff;
	v47 =	vor.u32 v61, v63;
	v63 =	vadd.s32 v18, v58;
	v20 =	vor.u32 v2, v52  }
0x192: {  	v12 =	vadd.s32 v1, v10;
	v50 =	vadd.s32 v1, v8;
	v1 =	vld [tilespmem:$0x1FC60];
	v38 =	vsub.f32 v38, v37  }
0x193: {  	v58 =	vmovc v28;
	v40 =	vsub.f32 v40, v34;
	v33 =	vsub.f32 v33, v35;
	v46 =	vmul.f32 v46, v0  }
0x194: {  	v44 =	vld.idx.msk [tilespmem:v44+s16+$0x0], $0xffff;
	v48 =	vor.u32 v61, v12;
	v12 =	vor.u32 v29, v14;
	v28 =	vmul.f32 v38, v0  }
0x195: {  	v14 =	vor.u32 v3, v20;
	v20 =	vld [tilespmem:$0x1FC80];
	v40 =	vmul.f32 v40, v59;
	v33 =	vmul.f32 v33, v59  }
0x196: {  	v5 =	vmovc v27;
	v51 =	vadd.s32 v25, v58;
	v32 =	vadd.f32 v46, v32;
	v28 =	vadd.f32 v28, v37  }
0x197: {  	v27 =	vadd.s32 v1, v5;
	v34 =	vadd.f32 v40, v34;
	v33 =	vadd.f32 v33, v35  }
0x198: {  	v35 =	vor.u32 v29, v21;
	v40 =	vor.u32 v2, v63;
	v2 =	vmov v26;
	v21 =	vld [tilespmem:$0x1FC90];
	[tilespmem:s0+$0x440] =	vst v28  }
0x199: {  	v43 =	vadd.s32 v25, v5;
	v63 =	vsub.f32 v44, v45;
	v27 =	vor.u32 v2, v27;
	v38 =	vld.idx.msk [tilespmem:v12+s16+$0x0], $0xffff  }
0x19a: {  	v26 =	vsub.f32 v33, v34;
	v33 =	vor.u32 v2, v43;
	v27 =	vor.u32 v20, v27;
	v12 =	vld [tilespmem:$0x1FEE0]  }
0x19b: {  	v37 =	vor.u32 v3, v40;
	v3 =	vld [tilespmem:$0x1FF10];
	v40 =	vmul.f32 v63, v54;
	v54 =	vadd.s32 v57, v17  }
0x19c: {  	v26 =	vmul.f32 v26, v0;
	v63 =	vadd.s32 v55, v17;
	v41 =	vor.u32 v16, v54;
	v54 =	vld [tilespmem:$0x1FCA0]  }
0x19d: {  	v52 =	vor.u32 v2, v51;
	v33 =	vor.u32 v21, v33;
	v46 =	vor.u32 v16, v63;
	v63 =	vld [tilespmem:$0x1FCC0]  }
0x19e: {  	v26 =	vadd.f32 v26, v34;
	v34 =	vor.u32 v21, v52;
	v42 =	vld.idx.msk [tilespmem:v14+s16+$0x0], $0xffff  }
0x19f: {  	v28 =	vadd.s32 v1, v58;
	v35 =	vld.idx.msk [tilespmem:v35+s16+$0x0], $0xffff;
	v14 =	vor.u32 v12, v47  }
0x1a0: {  	v28 =	vor.u32 v2, v28;
	v37 =	vld.idx.msk [tilespmem:v37+s16+$0x0], $0xffff;
	[tilespmem:s17+$0x30] =	vst v26  }
0x1a1: {  	v31 =	vmov s8;
	v28 =	vor.u32 v20, v28;
	v27 =	vld.idx.msk [tilespmem:v27+s16+$0x0], $0xffff  }
0x1a2: {  	v39 =	vshll.u32 v31, $0x7;
	v40 =	vadd.f32 v40, v45;
	v33 =	vld.idx.msk [tilespmem:v33+s16+$0x0], $0xffff  }
0x1a3: {  	v31 =	vshrl.u32 v31, $0x3;
	[tilespmem:s14+$0x410] =	vst v32;
	v52 =	vor.u32 v61, v50;
	v44 =	vor.u32 v3, v48;
	v34 =	vld.idx.msk [tilespmem:v34+s16+$0x0], $0xffff  }
0x1a4: {  	v51 =	vor.u32 v61, v49;
	v40 =	vsub.f32 v40, v36;
	v45 =	vor.u32 v3, v52;
	v43 =	vld.idx.msk [tilespmem:v14+s16+$0x0], $0xffff  }
0x1a5: {  	v26 =	vand.u32 $0x300, v39;
	v39 =	vor.u32 v12, v51;
	v14 =	vadd.s32 v55, v62;
	v55 =	vld [tilespmem:$0x1FBB0]  }
0x1a6: {  	v30 =	vadd.s32 v24, v10;
	v32 =	vadd.s32 v11, v10;
	v41 =	vor.u32 v22, v41;
	v28 =	vld.idx.msk [tilespmem:v28+s16+$0x0], $0xffff  }
0x1a7: {  	v46 =	vor.u32 v23, v46;
	v3 =	vmovc v4;
	v40 =	vmul.f32 v40, v0;
	v12 =	vadd.s32 v57, v62;
	v57 =	vld [tilespmem:$0x1FF90]  }
0x1a8: {  	v52 =	vadd.s32 v63, v5;
	v42 =	vsub.f32 v42, v38;
	v37 =	vsub.f32 v37, v35;
	v44 =	vld.idx.msk [tilespmem:v44+s16+$0x0], $0xffff  }
0x1a9: {  	v36 =	vadd.f32 v40, v36;
	v47 =	vor.u32 v16, v12;
	v45 =	vld.idx.msk [tilespmem:v45+s16+$0x0], $0xffff;
	v33 =	vsub.f32 v33, v27  }
0x1aa: {  	v39 =	vld.idx.msk [tilespmem:v39+s16+$0x0], $0xffff;
	v48 =	vor.u32 v16, v14;
	v42 =	vmul.f32 v42, v55;
	v37 =	vmul.f32 v37, v55  }
0x1ab: {  	[tilespmem:s15+$0x20] =	vst v36;
	v36 =	vadd.s32 v4, v10;
	v4 =	vld [tilespmem:$0x1FCB0];
	v34 =	vsub.f32 v34, v28;
	v48 =	vor.u32 v23, v48  }
0x1ac: {  	v22 =	vor.u32 v22, v47;
	v38 =	vadd.f32 v42, v38;
	v35 =	vadd.f32 v37, v35  }
0x1ad: {  	v33 =	vmul.f32 v33, v54;
	v41 =	vld.idx.msk [tilespmem:v41+s16+$0x0], $0xffff;
	v14 =	vmul.u32 $0xC00, v31;
	v49 =	vmul.f32 v34, v54  }
0x1ae: {  	v36 =	vor.u32 v61, v36;
	v23 =	vld [tilespmem:$0x1FCD0];
	v44 =	vsub.f32 v44, v43;
	v35 =	vsub.f32 v35, v38  }
0x1af: {  	v27 =	vadd.f32 v33, v27;
	v34 =	vadd.s32 v9, v10;
	v28 =	vadd.f32 v49, v28;
	v42 =	vld.idx.msk [tilespmem:v46+s16+$0x0], $0xffff  }
0x1b0: {  	v51 =	vadd.s32 v4, v5;
	v33 =	vmul.f32 v44, v57;
	v40 =	vld.idx.msk [tilespmem:v48+s16+$0x0], $0xffff;
	v35 =	vmul.f32 v35, v0  }
0x1b1: {  	v44 =	vsub.f32 v45, v39;
	v45 =	vadd.s32 v6, v10;
	v28 =	vsub.f32 v28, v27;
	v10 =	vmovc v17;
	v17 =	vld [tilespmem:$0x1FCE0]  }
0x1b2: {  	v37 =	vor.u32 v2, v51;
	v51 =	vadd.s32 v4, v58;
	v50 =	vadd.f32 v35, v38;
	v35 =	vld.idx.msk [tilespmem:v22+s16+$0x0], $0xffff  }
0x1b3: {  	v37 =	vor.u32 v23, v37;
	v28 =	vmul.f32 v28, v0;
	v44 =	vmul.f32 v44, v57  }
0x1b4: {  	v15 =	vmovc v14;
	v47 =	vor.u32 v2, v51;
	v14 =	vadd.s32 v1, v10;
	v51 =	vadd.s32 v3, v8  }
0x1b5: {  	v27 =	vadd.f32 v28, v27;
	v28 =	vor.u32 v23, v47;
	v39 =	vadd.f32 v44, v39  }
0x1b6: {  	v42 =	vsub.f32 v42, v41;
	v38 =	vor.u32 v2, v52;
	v52 =	vadd.s32 v63, v58  }
0x1b7: {  	v38 =	vor.u32 v17, v38;
	v12 =	vor.u32 v2, v52;
	[tilespmem:s0+$0x450] =	vst v50;
	s0 =	smov.u32 s17;
	v40 =	vsub.f32 v40, v35  }
0x1b8: {  	v3 =	vld [tilespmem:$0x1FD00];
	v49 =	vmul.f32 v42, v59;
	v46 =	vor.u32 v17, v12;
	[tilespmem:s0+$0x40] =	vst v27;
	v27 =	vadd.f32 v33, v43  }
0x1b9: {  	v52 =	vor.u32 v16, v14;
	v14 =	vadd.s32 v6, v8;
	v6 =	vld [tilespmem:$0x1FD30];
	v40 =	vmul.f32 v40, v59  }
0x1ba: {  	v36 =	vor.u32 v13, v36;
	v33 =	vadd.f32 v49, v41;
	v41 =	vld.idx.msk [tilespmem:v28+s16+$0x0], $0xffff;
	v28 =	vsub.f32 v39, v27  }
0x1bb: {  	v47 =	vor.u32 v61, v51;
	v22 =	vadd.s32 v25, v10;
	v37 =	vld.idx.msk [tilespmem:v37+s16+$0x0], $0xffff;
	v35 =	vadd.f32 v40, v35  }
0x1bc: {  	v50 =	vor.u32 v61, v45;
	v48 =	vor.u32 v61, v14;
	v38 =	vld.idx.msk [tilespmem:v38+s16+$0x0], $0xffff;
	v28 =	vmul.f32 v28, v0  }
0x1bd: {  	v59 =	vor.u32 v16, v22;
	v12 =	vld.idx.msk [tilespmem:v46+s16+$0x0], $0xffff;
	v22 =	vor.u32 v60, v50;
	v35 =	vsub.f32 v35, v33  }
0x1be: {  	v49 =	vadd.s32 v1, v62;
	v1 =	vld [tilespmem:$0x1FD10];
	v27 =	vadd.f32 v28, v27;
	v28 =	vor.u32 v13, v47  }
0x1bf: {  	v43 =	vor.u32 v60, v48;
	v60 =	vld [tilespmem:$0x1FCF0];
	v35 =	vmul.f32 v35, v0  }
0x1c0: {  	v39 =	vor.u32 v20, v52;
	v50 =	vadd.s32 v25, v62;
	v44 =	vor.u32 v21, v59;
	v13 =	vld [tilespmem:$0x1FD20];
	[tilespmem:s14+$0x420] =	vst v27  }
0x1c1: {  	v27 =	vor.u32 v16, v49;
	v38 =	vsub.f32 v38, v37;
	v45 =	vld.idx.msk [tilespmem:v36+s16+$0x0], $0xffff;
	v33 =	vadd.f32 v35, v33  }
0x1c2: {  	v51 =	vsub.f32 v12, v41;
	v47 =	vor.u32 v20, v27;
	v27 =	vor.u32 v16, v50;
	v40 =	vld.idx.msk [tilespmem:v22+s16+$0x0], $0xffff  }
0x1c3: {  	v46 =	vor.u32 v21, v27;
	v42 =	vld.idx.msk [tilespmem:v28+s16+$0x0], $0xffff;
	[tilespmem:s15+$0x30] =	vst v33  }
0x1c4: {  	v48 =	vadd.s32 $0x6, v31;
	v52 =	vmul.f32 v38, v60;
	v59 =	vmul.f32 v51, v60;
	v31 =	vld.idx.msk [tilespmem:v43+s16+$0x0], $0xffff  }
0x1c5: {  	v30 =	vor.u32 v61, v30;
	v32 =	vor.u32 v61, v32;
	v39 =	vld.idx.msk [tilespmem:v39+s16+$0x0], $0xffff  }
0x1c6: {  	v34 =	vor.u32 v61, v34;
	v38 =	vadd.f32 v59, v41;
	v43 =	vadd.f32 v52, v37;
	v41 =	vld.idx.msk [tilespmem:v44+s16+$0x0], $0xffff  }
0x1c7: {  	v32 =	vor.u32 v7, v32;
	v34 =	vor.u32 v19, v34;
	v48 =	vmul.u32 $0xC00, v48;
	v44 =	vld.idx.msk [tilespmem:v47+s16+$0x0], $0xffff  }
0x1c8: {  	v22 =	vadd.s32 v3, v5;
	v59 =	vadd.s32 v3, v58;
	v46 =	vld.idx.msk [tilespmem:v46+s16+$0x0], $0xffff;
	v38 =	vsub.f32 v38, v43  }
0x1c9: {  	v40 =	vsub.f32 v40, v45;
	v50 =	vor.u32 v2, v59;
	v52 =	vadd.s32 v1, v5  }
0x1ca: {  	v14 =	vld [tilespmem:$0x1FD50];
	v47 =	vor.u32 v2, v22;
	v22 =	vadd.s32 v1, v58;
	v38 =	vmul.f32 v38, v0  }
0x1cb: {  	v49 =	vor.u32 v2, v52;
	v47 =	vor.u32 v13, v47;
	v52 =	vor.u32 v2, v22  }
0x1cc: {  	v49 =	vor.u32 v6, v49;
	v31 =	vsub.f32 v31, v42;
	v38 =	vadd.f32 v38, v43  }
0x1cd: {  	v25 =	vld [tilespmem:$0x1FD70];
	v41 =	vsub.f32 v41, v39;
	v59 =	vsub.f32 v46, v44;
	v43 =	vor.u32 v13, v50  }
0x1ce: {  	v20 =	vld [tilespmem:$0x1FE00];
	v50 =	vor.u32 v6, v52;
	[tilespmem:s0+$0x50] =	vst v38;
	v38 =	vmul.f32 v40, v53;
	v53 =	vmul.f32 v31, v53  }
0x1cf: {  	v36 =	vadd.s32 v3, v10;
	v12 =	vld [tilespmem:$0x1FD60];
	v27 =	vadd.s32 v14, v10;
	v40 =	vmul.f32 v41, v54  }
0x1d0: {  	v54 =	vmul.f32 v59, v54;
	v46 =	vld.idx.msk [tilespmem:v47+s16+$0x0], $0xffff;
	v38 =	vadd.f32 v38, v45;
	v42 =	vadd.f32 v53, v42  }
0x1d1: {  	v51 =	vadd.s32 v4, v10;
	v52 =	vadd.s32 v63, v10;
	v49 =	vld.idx.msk [tilespmem:v49+s16+$0x0], $0xffff;
	v39 =	vadd.f32 v40, v39  }
0x1d2: {  	v59 =	vadd.s32 v4, v62;
	v40 =	vadd.f32 v54, v44;
	v41 =	vld.idx.msk [tilespmem:v43+s16+$0x0], $0xffff;
	v42 =	vsub.f32 v42, v38  }
0x1d3: {  	v59 =	vor.u32 v16, v59;
	v43 =	vld.idx.msk [tilespmem:v50+s16+$0x0], $0xffff;
	v50 =	vor.u32 v16, v52;
	v52 =	vadd.s32 v63, v62  }
0x1d4: {  	v63 =	vor.u32 v23, v59;
	v59 =	vld [tilespmem:$0x1FD40];
	v40 =	vsub.f32 v40, v39;
	v42 =	vmul.f32 v42, v0  }
0x1d5: {  	v21 =	vld [tilespmem:$0x1FE10];
	v36 =	vor.u32 v16, v36;
	v45 =	vadd.s32 v11, v8;
	v44 =	vor.u32 v16, v51  }
0x1d6: {  	v22 =	vld [tilespmem:$0x1FF30];
	v44 =	vor.u32 v23, v44;
	v40 =	vmul.f32 v40, v0;
	v38 =	vadd.f32 v42, v38  }
0x1d7: {  	v4 =	vld [tilespmem:$0x1FB80];
	v50 =	vor.u32 v17, v50;
	v52 =	vor.u32 v16, v52;
	v49 =	vsub.f32 v49, v46  }
0x1d8: {  	v43 =	vsub.f32 v43, v41;
	v39 =	vadd.f32 v40, v39;
	[tilespmem:s14+$0x430] =	vst v38;
	v38 =	vor.u32 v17, v52;
	v17 =	vld [tilespmem:$0x1FD80]  }
0x1d9: {  	v36 =	vor.u32 v13, v36;
	v45 =	vor.u32 v61, v45;
	v53 =	vmul.f32 v49, v59;
	v49 =	vld.idx.msk [tilespmem:v32+s16+$0x0], $0xffff  }
0x1da: {  	v35 =	vadd.s32 v20, v10;
	v43 =	vmul.f32 v43, v59;
	[tilespmem:s15+$0x40] =	vst v39;
	v39 =	vor.u32 v7, v45;
	v7 =	vld [tilespmem:$0x1FDD0]  }
0x1db: {  	v33 =	vadd.s32 v12, v10;
	v37 =	vadd.s32 v1, v10;
	v47 =	vadd.s32 v9, v8;
	v34 =	vld.idx.msk [tilespmem:v34+s16+$0x0], $0xffff  }
0x1dc: {  	v54 =	vor.u32 v61, v47;
	v42 =	vadd.f32 v53, v46;
	v44 =	vld.idx.msk [tilespmem:v44+s16+$0x0], $0xffff;
	v41 =	vadd.f32 v43, v41  }
0x1dd: {  	v28 =	vadd.s32 v21, v10;
	v37 =	vor.u32 v16, v37;
	v43 =	vor.u32 v19, v54;
	v47 =	vld.idx.msk [tilespmem:v50+s16+$0x0], $0xffff  }
0x1de: {  	v37 =	vor.u32 v6, v37;
	v40 =	vld.idx.msk [tilespmem:v63+s16+$0x0], $0xffff;
	v63 =	vadd.s32 v14, v5;
	v41 =	vsub.f32 v41, v42  }
0x1df: {  	v31 =	vadd.s32 v22, v15;
	v19 =	vld [tilespmem:$0x1FDB0];
	v54 =	vadd.s32 v12, v5;
	v50 =	vor.u32 v2, v63  }
0x1e0: {  	v51 =	vor.u32 v2, v54;
	v50 =	vor.u32 v25, v50;
	v38 =	vld.idx.msk [tilespmem:v38+s16+$0x0], $0xffff;
	v41 =	vmul.f32 v41, v0  }
0x1e1: {  	v53 =	vadd.s32 v24, v8;
	v63 =	vadd.s32 v14, v58;
	v51 =	vor.u32 v17, v51;
	v39 =	vld.idx.msk [tilespmem:v39+s16+$0x0], $0xffff  }
0x1e2: {  	v52 =	vor.u32 v2, v63;
	v63 =	vadd.s32 v12, v58;
	v43 =	vld.idx.msk [tilespmem:v43+s16+$0x0], $0xffff;
	v41 =	vadd.f32 v41, v42  }
0x1e3: {  	v63 =	vor.u32 v2, v63;
	v47 =	vsub.f32 v47, v44;
	v42 =	vor.u32 v25, v52  }
0x1e4: {  	v54 =	vadd.s32 v18, v8;
	v46 =	vadd.s32 v7, v15;
	v52 =	vor.u32 v17, v63;
	[tilespmem:s0+$0x60] =	vst v41  }
0x1e5: {  	v45 =	vadd.s32 v19, v15;
	v8 =	vmul.f32 v47, v60;
	v38 =	vsub.f32 v38, v40;
	v47 =	vld.idx.msk [tilespmem:v50+s16+$0x0], $0xffff  }
0x1e6: {  	v34 =	vsub.f32 v34, v49;
	v41 =	vor.u32 v61, v4;
	v4 =	vor.u32 v16, v35;
	v35 =	vld.idx.msk [tilespmem:v51+s16+$0x0], $0xffff  }
0x1e7: {  	v50 =	vadd.s32 v1, v62;
	v1 =	vld [tilespmem:$0x1FDE0];
	v9 =	vmul.f32 v38, v60;
	v63 =	vsub.f32 v43, v39  }
0x1e8: {  	v46 =	vor.u32 v26, v46;
	v45 =	vor.u32 v26, v45;
	v34 =	vmul.f32 v34, v56;
	v38 =	vld.idx.msk [tilespmem:v42+s16+$0x0], $0xffff  }
0x1e9: {  	v44 =	vadd.f32 v8, v44;
	v51 =	vld.idx.msk [tilespmem:v52+s16+$0x0], $0xffff;
	v40 =	vadd.f32 v9, v40;
	v42 =	vmul.f32 v63, v56  }
0x1ea: {  	v34 =	vadd.f32 v34, v49;
	v49 =	vadd.s32 v19, v48;
	v43 =	vadd.s32 v3, v62  }
0x1eb: {  	v8 =	vmovc v62;
	v52 =	vor.u32 v29, v30;
	v56 =	vld [tilespmem:$0x1FDC0];
	v30 =	vsub.f32 v40, v44;
	v39 =	vadd.f32 v42, v39  }
0x1ec: {  	v3 =	vld [tilespmem:$0x1FF60];
	v62 =	vmovc v48;
	v48 =	vor.u32 v16, v50;
	v63 =	vor.u32 v16, v43;
	v60 =	vor.u32 v1, v45  }
0x1ed: {  	v43 =	vor.u32 v6, v48;
	v30 =	vmul.f32 v30, v0;
	v39 =	vsub.f32 v39, v34  }
0x1ee: {  	v6 =	vor.u32 v61, v54;
	v9 =	vld [tilespmem:$0x1FDF0];
	v35 =	vsub.f32 v35, v47;
	v50 =	vsub.f32 v51, v38  }
0x1ef: {  	v11 =	vld [tilespmem:$0x1FE30];
	v42 =	vor.u32 v13, v63;
	v44 =	vadd.f32 v30, v44;
	v39 =	vmul.f32 v39, v0  }
0x1f0: {  	v54 =	vadd.s32 v20, v5;
	v13 =	vld [tilespmem:$0x1FE20];
	v35 =	vmul.f32 v35, v56;
	v45 =	vmul.f32 v50, v56  }
0x1f1: {  	v40 =	vor.u32 v3, v41;
	v30 =	vld.idx.msk [tilespmem:v60+s16+$0x0], $0xffff;
	[tilespmem:s15+$0x50] =	vst v44;
	v34 =	vadd.f32 v39, v34  }
0x1f2: {  	v51 =	vor.u32 v61, v53;
	v35 =	vadd.f32 v35, v47;
	v38 =	vadd.f32 v45, v38;
	v36 =	vld.idx.msk [tilespmem:v36+s16+$0x0], $0xffff  }
0x1f3: {  	v61 =	vmov v16;
	v53 =	vor.u32 v29, v51;
	v63 =	vor.u32 v9, v46;
	v37 =	vld.idx.msk [tilespmem:v37+s16+$0x0], $0xffff;
	[tilespmem:s14+$0x440] =	vst v34  }
0x1f4: {  	v50 =	vadd.s32 v20, v58;
	v60 =	vadd.s32 v21, v5;
	v16 =	vsub.f32 v38, v35;
	v41 =	vld.idx.msk [tilespmem:v42+s16+$0x0], $0xffff  }
0x1f5: {  	v39 =	vor.u32 v3, v6;
	v45 =	vor.u32 v2, v50;
	v38 =	vor.u32 v2, v54;
	v43 =	vld.idx.msk [tilespmem:v43+s16+$0x0], $0xffff  }
0x1f6: {  	v42 =	vor.u32 v2, v60;
	v38 =	vor.u32 v13, v38;
	v46 =	vld.idx.msk [tilespmem:v52+s16+$0x0], $0xffff;
	v16 =	vmul.f32 v16, v0  }
0x1f7: {  	v51 =	vadd.s32 v21, v58;
	v45 =	vor.u32 v13, v45;
	v40 =	vld.idx.msk [tilespmem:v40+s16+$0x0], $0xffff;
	v42 =	vor.u32 v11, v42  }
0x1f8: {  	v52 =	vor.u32 v2, v51;
	v47 =	vld.idx.msk [tilespmem:v53+s16+$0x0], $0xffff;
	v53 =	vadd.s32 v7, v62;
	v3 =	vadd.f32 v16, v35  }
0x1f9: {  	v27 =	vor.u32 v61, v27;
	v44 =	vld.idx.msk [tilespmem:v63+s16+$0x0], $0xffff;
	v54 =	vor.u32 v11, v52;
	v34 =	vor.u32 v26, v53  }
0x1fa: {  	v29 =	vor.u32 v13, v4;
	v39 =	vld.idx.msk [tilespmem:v39+s16+$0x0], $0xffff;
	v63 =	vor.u32 v9, v34;
	[tilespmem:s0+$0x70] =	vst v3  }
0x1fb: {  	v60 =	vor.u32 v26, v49;
	v37 =	vsub.f32 v37, v36;
	v35 =	vor.u32 v61, v28;
	v38 =	vld.idx.msk [tilespmem:v38+s16+$0x0], $0xffff  }
0x1fc: {  	v16 =	vmov v26;
	v26 =	vor.u32 v1, v60;
	v43 =	vsub.f32 v43, v41;
	v28 =	vld.idx.msk [tilespmem:v42+s16+$0x0], $0xffff  }
0x1fd: {  	v52 =	vor.u32 v61, v33;
	v37 =	vmul.f32 v37, v59;
	v40 =	vsub.f32 v40, v46;
	v42 =	vld.idx.msk [tilespmem:v45+s16+$0x0], $0xffff  }
0x1fe: {  	v33 =	vadd.s32 v21, v8;
	v53 =	vld.idx.msk [tilespmem:v54+s16+$0x0], $0xffff;
	v54 =	vadd.s32 v12, v8;
	v51 =	vmul.f32 v43, v59  }
0x1ff: {  	s10 =	sadd.s32 $0x1, s8;
	v36 =	vadd.f32 v37, v36;
	v40 =	vmul.f32 v40, v55;
	v39 =	vsub.f32 v39, v47;
	v49 =	vld.idx.msk [tilespmem:v63+s16+$0x0], $0xffff  }
0x200: {  	v43 =	vor.u32 v17, v52;
	v63 =	vmov s10;
	v52 =	vld [tilespmem:$0x1FE60];
	v37 =	vadd.f32 v51, v41  }
0x201: {  	v39 =	vmul.f32 v39, v55;
	v41 =	vld.idx.msk [tilespmem:v26+s16+$0x0], $0xffff;
	v26 =	vor.u32 v25, v27;
	v27 =	vadd.s32 v14, v8  }
0x202: {  	v55 =	vor.u32 v61, v54;
	v54 =	vld [tilespmem:$0x1FFD0];
	v37 =	vsub.f32 v37, v36;
	v27 =	vor.u32 v61, v27  }
0x203: {  	v40 =	vadd.f32 v40, v46;
	v39 =	vadd.f32 v39, v47;
	v59 =	vor.u32 v25, v27  }
0x204: {  	v27 =	vsub.f32 v28, v38;
	v28 =	vsub.f32 v53, v42;
	v37 =	vmul.f32 v37, v0  }
0x205: {  	v34 =	vadd.s32 v20, v8;
	v12 =	vshll.u32 v63, $0x7;
	v53 =	vld [tilespmem:$0x1FFC0];
	v39 =	vsub.f32 v39, v40  }
0x206: {  	v27 =	vmul.f32 v27, v52;
	v28 =	vmul.f32 v28, v52;
	v36 =	vadd.f32 v37, v36  }
0x207: {  	v6 =	vld [tilespmem:$0x1FD90];
	v20 =	vshrl.u32 v63, $0x3;
	v60 =	vor.u32 v17, v55;
	v51 =	vadd.s32 v54, v5  }
0x208: {  	v3 =	vld [tilespmem:$0x1FDA0];
	v14 =	vmul.f32 v39, v0;
	v38 =	vadd.f32 v27, v38;
	v28 =	vadd.f32 v28, v42;
	[tilespmem:s15+$0x60] =	vst v36  }
0x209: {  	v46 =	vsub.f32 v49, v41;
	v39 =	vadd.s32 $0x6, v20;
	v47 =	vor.u32 v2, v51;
	v45 =	vld.idx.msk [tilespmem:v26+s16+$0x0], $0xffff  }
0x20a: {  	v36 =	vadd.f32 v14, v40;
	v50 =	vadd.s32 v53, v5;
	v21 =	vld.idx.msk [tilespmem:v43+s16+$0x0], $0xffff;
	v28 =	vsub.f32 v28, v38  }
0x20b: {  	v51 =	vor.u32 v16, v31;
	v55 =	vadd.s32 v53, v58;
	v40 =	vld.idx.msk [tilespmem:v59+s16+$0x0], $0xffff;
	v43 =	vor.u32 v2, v50  }
0x20c: {  	v27 =	vmul.u32 $0xC00, v20;
	v37 =	vld.idx.msk [tilespmem:v60+s16+$0x0], $0xffff;
	[tilespmem:s14+$0x450] =	vst v36;
	v36 =	vor.u32 v6, v43;
	v28 =	vmul.f32 v28, v0  }
0x20d: {  	v47 =	vor.u32 v3, v47;
	v59 =	vadd.s32 v54, v58;
	v43 =	vor.u32 v2, v55  }
0x20e: {  	v48 =	vor.u32 v2, v59;
	v43 =	vor.u32 v6, v43;
	v38 =	vadd.f32 v28, v38  }
0x20f: {  	v26 =	vand.u32 $0x380, v12;
	v60 =	vadd.s32 v19, v27;
	v63 =	vor.u32 v3, v48  }
0x210: {  	v4 =	vld [tilespmem:$0x1FED0];
	v14 =	vadd.s32 v7, v27;
	v12 =	vor.u32 v26, v60;
	v28 =	vmul.u32 $0xC00, v39;
	[tilespmem:s0+$0x400] =	vst v38  }
0x211: {  	v20 =	vor.u32 v1, v12;
	v42 =	vsub.f32 v21, v45;
	v21 =	vor.u32 v26, v14;
	v36 =	vld.idx.msk [tilespmem:v36+s16+$0x0], $0xffff  }
0x212: {  	v37 =	vsub.f32 v37, v40;
	v55 =	vadd.s32 v19, v28;
	v59 =	vadd.s32 v7, v28;
	v47 =	vld.idx.msk [tilespmem:v47+s16+$0x0], $0xffff  }
0x213: {  	v48 =	vor.u32 v9, v21;
	v49 =	vor.u32 v26, v55;
	v50 =	vor.u32 v26, v59;
	v43 =	vld.idx.msk [tilespmem:v43+s16+$0x0], $0xffff  }
0x214: {  	v42 =	vmul.f32 v42, v56;
	v39 =	vld.idx.msk [tilespmem:v63+s16+$0x0], $0xffff;
	v31 =	vmul.f32 v37, v56;
	v49 =	vor.u32 v1, v49  }
0x215: {  	v3 =	vld [tilespmem:$0x1FE40];
	v50 =	vor.u32 v9, v50  }
0x216: {  	v37 =	vld.idx.msk [tilespmem:v20+s16+$0x0], $0xffff;
	v60 =	vadd.f32 v42, v45;
	v31 =	vadd.f32 v31, v40  }
0x217: {  	v1 =	vld [tilespmem:$0x1FE50]  }
0x218: {  	v63 =	vld.idx.msk [tilespmem:v48+s16+$0x0], $0xffff;
	v31 =	vsub.f32 v31, v60  }
0x219: {  	v47 =	vsub.f32 v47, v36;
	v39 =	vsub.f32 v39, v43;
	v12 =	vld.idx.msk [tilespmem:v49+s16+$0x0], $0xffff  }
0x21a: {  	v44 =	vsub.f32 v44, v30;
	v14 =	vld.idx.msk [tilespmem:v50+s16+$0x0], $0xffff;
	v31 =	vmul.f32 v31, v0  }
0x21b: {  	v47 =	vmul.f32 v47, v3;
	v39 =	vmul.f32 v39, v3;
	v3 =	vld [tilespmem:$0x1FEF0]  }
0x21c: {  	v35 =	vor.u32 v11, v35;
	v44 =	vmul.f32 v44, v1;
	v31 =	vadd.f32 v31, v60  }
0x21d: {  	v33 =	vor.u32 v61, v33;
	v34 =	vor.u32 v61, v34;
	s14 =	smov.u32 s15;
	v46 =	vmul.f32 v46, v1  }
0x21e: {  	v23 =	vld [tilespmem:$0x1FF40];
	v33 =	vor.u32 v11, v33;
	v34 =	vor.u32 v13, v34;
	v30 =	vadd.f32 v44, v30;
	[tilespmem:s14+$0x70] =	vst v31  }
0x21f: {  	v20 =	vadd.s32 v4, v5;
	v41 =	vadd.f32 v46, v41;
	v50 =	vsub.f32 v63, v37;
	v29 =	vld.idx.msk [tilespmem:v29+s16+$0x0], $0xffff  }
0x220: {  	v55 =	vsub.f32 v14, v12;
	v21 =	vadd.s32 v3, v5;
	v63 =	vadd.s32 v3, v58;
	v3 =	vld [tilespmem:$0x1FEE0]  }
0x221: {  	v60 =	vadd.s32 v4, v58;
	v36 =	vadd.f32 v47, v36;
	v39 =	vadd.f32 v39, v43;
	v47 =	vld.idx.msk [tilespmem:v35+s16+$0x0], $0xffff  }
0x222: {  	v41 =	vsub.f32 v41, v30;
	v43 =	vmul.f32 v50, v1;
	v44 =	vmul.f32 v55, v1;
	v1 =	vld [tilespmem:$0x1FF10]  }
0x223: {  	v49 =	vadd.s32 v22, v27;
	v13 =	vor.u32 v2, v60;
	v56 =	vsub.f32 v39, v36;
	v34 =	vld.idx.msk [tilespmem:v34+s16+$0x0], $0xffff  }
0x224: {  	v31 =	vor.u32 v2, v20;
	v33 =	vld.idx.msk [tilespmem:v33+s16+$0x0], $0xffff;
	v41 =	vmul.f32 v41, v0;
	v59 =	vor.u32 v2, v21  }
0x225: {  	v38 =	vmul.f32 v56, v0;
	v31 =	vor.u32 v3, v31;
	v14 =	vor.u32 v3, v13;
	v3 =	vld [tilespmem:$0x1FF80]  }
0x226: {  	v37 =	vadd.f32 v43, v37;
	v35 =	vor.u32 v2, v63;
	v12 =	vadd.f32 v44, v12  }
0x227: {  	s6 =	sadd.s32 $0x200, s6;
	s7 =	sadd.s32 $0x100, s7;
	v30 =	vadd.f32 v41, v30;
	v36 =	vadd.f32 v38, v36;
	v39 =	vor.u32 v1, v59  }
0x228: {  	s9 =	sand.u32 $0x3800, s6;
	s10 =	sadd.s32 $0xFFFFFF80, s7;
	v43 =	vsub.f32 v12, v37;
	v21 =	vor.u32 v1, v35;
	v1 =	vld [tilespmem:$0x1FF50];
	v59 =	vadd.s32 v23, v28  }
0x229: {  	s10 =	sand.u32 $0x300, s10;
	s15 =	sadd.s32 $0x12580, s9;
	s9 =	sand.u32 $0x380, s7;
	v33 =	vsub.f32 v33, v34;
	v12 =	vsub.f32 v47, v29;
	v44 =	vor.u32 v26, v59  }
0x22a: {  	s17 =	sadd.s32 s9, s15;
	s15 =	sadd.s32 s10, s15;
	v56 =	vadd.s32 v22, v28;
	[tilespmem:s0+$0x410] =	vst v36;
	v50 =	vmul.f32 v43, v0;
	v63 =	vor.u32 v3, v44  }
0x22b: {  	[tilespmem:s15+$0x0] =	vst v30;
	v33 =	vmul.f32 v33, v52;
	v30 =	vmul.f32 v12, v52;
	v31 =	vld.idx.msk [tilespmem:v31+s16+$0x0], $0xffff  }
0x22c: {  	v20 =	vadd.s32 v23, v27;
	v35 =	vor.u32 v26, v56;
	v36 =	vadd.f32 v50, v37;
	v39 =	vld.idx.msk [tilespmem:v39+s16+$0x0], $0xffff  }
0x22d: {  	v29 =	vadd.f32 v30, v29;
	v30 =	vadd.f32 v33, v34;
	v60 =	vor.u32 v1, v35;
	v35 =	vld.idx.msk [tilespmem:v14+s16+$0x0], $0xffff  }
0x22e: {  	v48 =	vor.u32 v26, v49;
	v49 =	vor.u32 v26, v20;
	v45 =	vld.idx.msk [tilespmem:v21+s16+$0x0], $0xffff;
	[tilespmem:s17+$0x0] =	vst v36  }
0x22f: {  	v41 =	vor.u32 v3, v49;
	v49 =	vld.idx.msk [tilespmem:v63+s16+$0x0], $0xffff;
	v63 =	vsub.f32 v30, v29  }
0x230: {  	v55 =	vor.u32 v1, v48  }
0x231: {  	v42 =	vadd.s32 v22, v62;
	v36 =	vmul.f32 v63, v0;
	v0 =	vld [tilespmem:$0x1FFE0]  }
0x232: {  	v32 =	vadd.s32 v23, v15;
	v20 =	vor.u32 v16, v42  }
0x233: {  	v32 =	vor.u32 v16, v32;
	v13 =	vor.u32 v1, v51;
	v21 =	vor.u32 v1, v20;
	v1 =	vld [tilespmem:$0x1FFB0]  }
0x234: {  	v40 =	vadd.s32 v23, v62;
	v14 =	vor.u32 v3, v32;
	v48 =	vld.idx.msk [tilespmem:v41+s16+$0x0], $0xffff  }
0x235: {  	v22 =	vor.u32 v16, v40;
	v44 =	vld.idx.msk [tilespmem:v55+s16+$0x0], $0xffff  }
0x236: {  	p1 =	slt.u32 s8, $0x2E;
	v23 =	vor.u32 v3, v22;
	v38 =	vadd.s32 v0, v5;
	v0 =	vld [tilespmem:$0x1FFF0]  }
.Ltmp0:
0x237: {  	v56 =	vadd.s32 v54, v10;
	v47 =	vld.idx.msk [tilespmem:v60+s16+$0x0], $0xffff;
	(pc) =	sbr.rel @p1 .LBB2_3-.Ltmp0, $4  }
0x238: {  	v17 =	vmov v15;
	v33 =	vor.u32 v61, v56;
	v34 =	vadd.s32 v53, v8;
	v42 =	vld.idx.msk [tilespmem:v13+s16+$0x0], $0xffff  }
0x239: {  	v55 =	vadd.s32 v53, v10;
	v59 =	vsub.f32 v39, v31;
	v60 =	vsub.f32 v45, v35;
	v46 =	vld.idx.msk [tilespmem:v14+s16+$0x0], $0xffff  }
0x23a: {  	v30 =	vadd.s32 v54, v8;
	v41 =	vadd.s32 v1, v15;
	v43 =	vld.idx.msk [tilespmem:v21+s16+$0x0], $0xffff;
	v32 =	vor.u32 v61, v55  }
0x23b: {  	s8 =	sadd.s32 $0x2, s8;
	v45 =	vld.idx.msk [tilespmem:v23+s16+$0x0], $0xffff;
	v39 =	vmul.f32 v59, v57;
	v40 =	vmul.f32 v60, v57;
	v37 =	vadd.s32 v0, v5  }
0x23c: {  	v1 =	vld [tilespmem:$0x1FBC0];
	_ =	sdelay $0x2  }
0x23d: {  	v48 =	vsub.f32 v48, v44;
	v49 =	vsub.f32 v49, v47;
	v11 =	vld [tilespmem:$0x1FFB0]  }
0x23e: {  	v9 =	vld [tilespmem:$0x1FBD0]  }
0x23f: {  	v0 =	vld [tilespmem:$0x1FFA0];
	v48 =	vmul.f32 v48, v1;
	v49 =	vmul.f32 v49, v1  }
0x240: {  	v3 =	vld [tilespmem:$0x1FBE0]  }
0x241: {  	v7 =	vld [tilespmem:$0x1FBF0];
	v13 =	vadd.f32 v48, v44;
	v14 =	vadd.f32 v49, v47;
	_ =	sdelay $0x1  }
0x242: {  	v15 =	vadd.s32 v11, v27;
	v47 =	vsub.f32 v14, v13  }
0x243: {  	v21 =	vadd.s32 v9, v27;
	v48 =	vor.u32 v26, v15  }
0x244: {  	v49 =	vor.u32 v26, v21;
	v48 =	vor.u32 v3, v48;
	v47 =	vmul.f32 v47, v0  }
0x245: {  	v50 =	vadd.s32 v11, v28;
	v49 =	vor.u32 v7, v49  }
0x246: {  	v51 =	vadd.s32 v9, v28;
	v50 =	vor.u32 v26, v50;
	v44 =	vadd.f32 v47, v13  }
0x247: {  	v23 =	vor.u32 v26, v51;
	v22 =	vor.u32 v3, v50  }
0x248: {  	v50 =	vor.u32 v7, v23;
	[tilespmem:s17+$0x10] =	vst v44  }
0x249: {  	v44 =	vld.idx.msk [tilespmem:v48+s16+$0x0], $0xffff  }
0x24a: {  	v52 =	vld.idx.msk [tilespmem:v49+s16+$0x0], $0xffff;
	_ =	sdelay $0x1  }
0x24b: {  	v47 =	vld.idx.msk [tilespmem:v22+s16+$0x0], $0xffff  }
0x24c: {  	v46 =	vsub.f32 v46, v42;
	v45 =	vsub.f32 v45, v43;
	v53 =	vld.idx.msk [tilespmem:v50+s16+$0x0], $0xffff;
	_ =	sdelay $0x1  }
0x24d: {  	v46 =	vmul.f32 v46, v1;
	v45 =	vmul.f32 v45, v1;
	v48 =	vsub.f32 v52, v44;
	v52 =	vld [tilespmem:$0x1FC00];
	_ =	sdelay $0x1  }
0x24e: {  	v42 =	vadd.f32 v46, v42;
	v57 =	vadd.f32 v45, v43  }
0x24f: {  	v14 =	vld [tilespmem:$0x1FC10];
	v49 =	vsub.f32 v53, v47  }
0x250: {  	v43 =	vsub.f32 v57, v42;
	v13 =	vld [tilespmem:$0x1FC20]  }
0x251: {  	v48 =	vmul.f32 v48, v52;
	v49 =	vmul.f32 v49, v52  }
0x252: {  	v41 =	vor.u32 v16, v41;
	v43 =	vmul.f32 v43, v0;
	v1 =	vld [tilespmem:$0x1FC30]  }
0x253: {  	v41 =	vor.u32 v3, v41;
	v12 =	vld [tilespmem:$0x1FC40];
	v44 =	vadd.f32 v48, v44;
	v47 =	vadd.f32 v49, v47  }
0x254: {  	v42 =	vadd.f32 v43, v42;
	v55 =	vadd.s32 v14, v27;
	v53 =	vadd.s32 v11, v62  }
0x255: {  	v56 =	vadd.s32 v13, v27;
	v49 =	vor.u32 v16, v53;
	v54 =	vsub.f32 v47, v44  }
0x256: {  	v63 =	vadd.s32 v14, v28;
	v59 =	vor.u32 v26, v55;
	v55 =	vor.u32 v3, v49  }
0x257: {  	v60 =	vor.u32 v26, v56;
	v45 =	vor.u32 v1, v59;
	v46 =	vmul.f32 v54, v0  }
0x258: {  	v21 =	vadd.s32 v13, v28;
	v48 =	vor.u32 v26, v63;
	v47 =	vor.u32 v12, v60  }
0x259: {  	[tilespmem:s15+$0x10] =	vst v42;
	v23 =	vor.u32 v26, v21;
	v22 =	vor.u32 v1, v48;
	v44 =	vadd.f32 v46, v44  }
0x25a: {  	v41 =	vld.idx.msk [tilespmem:v41+s16+$0x0], $0xffff;
	v48 =	vor.u32 v12, v23  }
0x25b: {  	v43 =	vld.idx.msk [tilespmem:v55+s16+$0x0], $0xffff;
	[tilespmem:s17+$0x20] =	vst v44  }
0x25c: {  	v54 =	vadd.s32 v9, v62;
	v45 =	vld.idx.msk [tilespmem:v45+s16+$0x0], $0xffff  }
0x25d: {  	v51 =	vadd.s32 v9, v17;
	v56 =	vor.u32 v16, v54;
	v47 =	vld.idx.msk [tilespmem:v47+s16+$0x0], $0xffff  }
0x25e: {  	v49 =	vor.u32 v7, v56;
	v44 =	vor.u32 v16, v51;
	v46 =	vld.idx.msk [tilespmem:v22+s16+$0x0], $0xffff  }
0x25f: {  	v44 =	vor.u32 v7, v44;
	v48 =	vld.idx.msk [tilespmem:v48+s16+$0x0], $0xffff  }
0x260: {  	v51 =	vld [tilespmem:$0x1FC50]  }
0x261: {  	v4 =	vld [tilespmem:$0x1FC60]  }
0x262: {  	v11 =	vld [tilespmem:$0x1FC70]  }
0x263: {  	v60 =	vld.idx.msk [tilespmem:v49+s16+$0x0], $0xffff  }
0x264: {  	v42 =	vld.idx.msk [tilespmem:v44+s16+$0x0], $0xffff;
	v57 =	vsub.f32 v47, v45  }
0x265: {  	v59 =	vsub.f32 v48, v46  }
0x266: {  	v3 =	vld [tilespmem:$0x1FC80];
	v44 =	vmul.f32 v57, v51  }
0x267: {  	v9 =	vld [tilespmem:$0x1FC90];
	v47 =	vmul.f32 v59, v51  }
0x268: {  	v21 =	vadd.s32 v4, v27;
	v15 =	vsub.f32 v60, v43;
	v44 =	vadd.f32 v44, v45  }
0x269: {  	v22 =	vadd.s32 v11, v27;
	v63 =	vadd.f32 v47, v46;
	v42 =	vsub.f32 v42, v41  }
0x26a: {  	v23 =	vadd.s32 v4, v28;
	v48 =	vor.u32 v26, v22;
	v46 =	vmul.f32 v15, v52  }
0x26b: {  	v47 =	vor.u32 v26, v21;
	v45 =	vsub.f32 v63, v44;
	v42 =	vmul.f32 v42, v52  }
0x26c: {  	v49 =	vor.u32 v26, v23;
	v48 =	vor.u32 v9, v48;
	v47 =	vor.u32 v3, v47  }
0x26d: {  	v55 =	vadd.f32 v46, v43;
	v45 =	vmul.f32 v45, v0;
	v41 =	vadd.f32 v42, v41  }
0x26e: {  	v53 =	vor.u32 v3, v49;
	v57 =	vadd.s32 v14, v17;
	v52 =	vadd.s32 v11, v28  }
0x26f: {  	v54 =	vor.u32 v26, v52;
	v44 =	vadd.f32 v45, v44;
	v42 =	vsub.f32 v55, v41  }
0x270: {  	v60 =	vadd.s32 v14, v62;
	v46 =	vor.u32 v16, v57;
	v56 =	vor.u32 v9, v54  }
0x271: {  	v49 =	vor.u32 v16, v60;
	v46 =	vor.u32 v1, v46;
	[tilespmem:s17+$0x30] =	vst v44;
	v42 =	vmul.f32 v42, v0  }
0x272: {  	v49 =	vor.u32 v1, v49;
	v44 =	vld.idx.msk [tilespmem:v47+s16+$0x0], $0xffff  }
0x273: {  	v59 =	vadd.s32 v13, v17;
	v48 =	vld.idx.msk [tilespmem:v48+s16+$0x0], $0xffff;
	v41 =	vadd.f32 v42, v41  }
0x274: {  	v63 =	vadd.s32 v13, v62;
	v47 =	vor.u32 v16, v59;
	v45 =	vld.idx.msk [tilespmem:v53+s16+$0x0], $0xffff  }
0x275: {  	v13 =	vor.u32 v16, v63;
	v43 =	vld.idx.msk [tilespmem:v56+s16+$0x0], $0xffff;
	v47 =	vor.u32 v12, v47;
	[tilespmem:s15+$0x20] =	vst v41  }
0x276: {  	v42 =	vor.u32 v12, v13;
	v41 =	vld.idx.msk [tilespmem:v46+s16+$0x0], $0xffff  }
0x277: {  	v15 =	vld.idx.msk [tilespmem:v49+s16+$0x0], $0xffff  }
0x278: {  	v50 =	vld [tilespmem:$0x1FCA0]  }
0x279: {  	v22 =	vld [tilespmem:$0x1FCB0]  }
0x27a: {  	v47 =	vld.idx.msk [tilespmem:v47+s16+$0x0], $0xffff  }
0x27b: {  	v14 =	vsub.f32 v48, v44;
	v42 =	vld.idx.msk [tilespmem:v42+s16+$0x0], $0xffff  }
0x27c: {  	v13 =	vld [tilespmem:$0x1FCC0];
	v43 =	vsub.f32 v43, v45  }
0x27d: {  	v46 =	vmul.f32 v14, v50  }
0x27e: {  	v7 =	vadd.s32 v4, v62;
	v43 =	vmul.f32 v43, v50  }
0x27f: {  	v52 =	vadd.s32 v4, v17;
	v12 =	vld [tilespmem:$0x1FCE0];
	v21 =	vsub.f32 v47, v41;
	v44 =	vadd.f32 v46, v44  }
0x280: {  	v6 =	vld [tilespmem:$0x1FCD0];
	v49 =	vadd.s32 v22, v28;
	v43 =	vadd.f32 v43, v45;
	v42 =	vsub.f32 v42, v15  }
0x281: {  	v48 =	vadd.s32 v13, v27;
	v46 =	vor.u32 v26, v49;
	v45 =	vmul.f32 v21, v51  }
0x282: {  	v43 =	vsub.f32 v43, v44;
	v42 =	vmul.f32 v42, v51;
	v51 =	vadd.s32 v13, v28  }
0x283: {  	v41 =	vadd.f32 v45, v41;
	v45 =	vor.u32 v26, v48;
	v47 =	vor.u32 v26, v51  }
0x284: {  	v43 =	vmul.f32 v43, v0;
	v42 =	vadd.f32 v42, v15;
	v45 =	vor.u32 v12, v45  }
0x285: {  	v23 =	vadd.s32 v22, v27;
	v46 =	vor.u32 v6, v46;
	v47 =	vor.u32 v12, v47  }
0x286: {  	v43 =	vadd.f32 v43, v44;
	v44 =	vor.u32 v26, v23;
	v42 =	vsub.f32 v42, v41  }
0x287: {  	v53 =	vadd.s32 v11, v17;
	v48 =	vor.u32 v16, v52;
	v44 =	vor.u32 v6, v44  }
0x288: {  	v49 =	vor.u32 v16, v53;
	v54 =	vor.u32 v3, v48;
	[tilespmem:s17+$0x40] =	vst v43;
	v42 =	vmul.f32 v42, v0  }
0x289: {  	v7 =	vor.u32 v16, v7;
	v1 =	vadd.s32 v11, v62;
	v55 =	vor.u32 v9, v49;
	v56 =	vld.idx.msk [tilespmem:v45+s16+$0x0], $0xffff  }
0x28a: {  	v7 =	vor.u32 v3, v7;
	v1 =	vor.u32 v16, v1;
	v57 =	vld.idx.msk [tilespmem:v46+s16+$0x0], $0xffff;
	v41 =	vadd.f32 v42, v41  }
0x28b: {  	v1 =	vor.u32 v9, v1;
	v59 =	vld.idx.msk [tilespmem:v47+s16+$0x0], $0xffff  }
0x28c: {  	v44 =	vld.idx.msk [tilespmem:v44+s16+$0x0], $0xffff;
	[tilespmem:s15+$0x30] =	vst v41  }
0x28d: {  	v43 =	vld.idx.msk [tilespmem:v54+s16+$0x0], $0xffff  }
0x28e: {  	v60 =	vld.idx.msk [tilespmem:v55+s16+$0x0], $0xffff  }
0x28f: {  	v7 =	vld.idx.msk [tilespmem:v7+s16+$0x0], $0xffff  }
0x290: {  	v1 =	vld.idx.msk [tilespmem:v1+s16+$0x0], $0xffff  }
0x291: {  	v63 =	vld [tilespmem:$0x1FCF0];
	_ =	sdelay $0x2  }
0x292: {  	v41 =	vsub.f32 v59, v57;
	v42 =	vsub.f32 v56, v44  }
0x293: {  	v46 =	vsub.f32 v60, v43  }
0x294: {  	v9 =	vld [tilespmem:$0x1FD00];
	v1 =	vsub.f32 v1, v7;
	v41 =	vmul.f32 v41, v63;
	v42 =	vmul.f32 v42, v63  }
0x295: {  	v46 =	vmul.f32 v46, v50  }
0x296: {  	v3 =	vld [tilespmem:$0x1FD20];
	v1 =	vmul.f32 v1, v50;
	v41 =	vadd.f32 v41, v57;
	v42 =	vadd.f32 v42, v44  }
0x297: {  	v43 =	vadd.f32 v46, v43  }
0x298: {  	v1 =	vadd.f32 v1, v7;
	v7 =	vsub.f32 v41, v42  }
0x299: {  	v19 =	vadd.s32 v9, v28  }
0x29a: {  	v19 =	vor.u32 v26, v19;
	v1 =	vsub.f32 v1, v43;
	v7 =	vmul.f32 v7, v0  }
0x29b: {  	v20 =	vadd.s32 v13, v62;
	v50 =	vadd.s32 v13, v17;
	v19 =	vor.u32 v3, v19  }
0x29c: {  	v13 =	vor.u32 v16, v20;
	v1 =	vmul.f32 v1, v0;
	v7 =	vadd.f32 v7, v42  }
0x29d: {  	v49 =	vadd.s32 v22, v17;
	v21 =	vadd.s32 v22, v62;
	v13 =	vor.u32 v12, v13  }
0x29e: {  	v21 =	vor.u32 v16, v21;
	v42 =	vor.u32 v16, v49;
	v1 =	vadd.f32 v1, v43;
	[tilespmem:s17+$0x50] =	vst v7  }
0x29f: {  	v43 =	vor.u32 v16, v50;
	v42 =	vor.u32 v6, v42;
	v7 =	vor.u32 v6, v21;
	v6 =	vld [tilespmem:$0x1FD10]  }
0x2a0: {  	v43 =	vor.u32 v12, v43;
	[tilespmem:s15+$0x40] =	vst v1;
	v19 =	vld.idx.msk [tilespmem:v19+s16+$0x0], $0xffff  }
0x2a1: {  	v31 =	vadd.f32 v39, v31;
	v35 =	vadd.f32 v40, v35;
	v4 =	vld [tilespmem:$0x1FD30]  }
0x2a2: {  	v13 =	vld.idx.msk [tilespmem:v13+s16+$0x0], $0xffff  }
0x2a3: {  	v35 =	vsub.f32 v35, v31;
	v57 =	vld [tilespmem:$0x1FD40]  }
0x2a4: {  	v48 =	vadd.s32 v9, v27;
	v52 =	vld.idx.msk [tilespmem:v42+s16+$0x0], $0xffff  }
0x2a5: {  	v35 =	vmul.f32 v35, v0;
	v41 =	vor.u32 v26, v48;
	v53 =	vld.idx.msk [tilespmem:v43+s16+$0x0], $0xffff;
	v20 =	vadd.s32 v6, v27  }
0x2a6: {  	v41 =	vor.u32 v3, v41;
	v7 =	vld.idx.msk [tilespmem:v7+s16+$0x0], $0xffff;
	v51 =	vadd.s32 v6, v28;
	v1 =	vor.u32 v26, v20  }
0x2a7: {  	v31 =	vadd.f32 v35, v31;
	v44 =	vld [tilespmem:$0x1FE70];
	v21 =	vor.u32 v26, v51;
	v1 =	vor.u32 v4, v1  }
0x2a8: {  	v45 =	vld [tilespmem:$0x1FD90];
	v21 =	vor.u32 v4, v21  }
0x2a9: {  	v43 =	vld [tilespmem:$0x1FE80];
	[tilespmem:s0+$0x420] =	vst v31  }
0x2aa: {  	v40 =	vld [tilespmem:$0x1FDA0]  }
0x2ab: {  	v20 =	vld.idx.msk [tilespmem:v41+s16+$0x0], $0xffff;
	v54 =	vsub.f32 v53, v52;
	v13 =	vsub.f32 v13, v7  }
0x2ac: {  	v1 =	vld.idx.msk [tilespmem:v1+s16+$0x0], $0xffff  }
0x2ad: {  	v55 =	vmul.f32 v54, v63;
	v13 =	vmul.f32 v13, v63;
	v21 =	vld.idx.msk [tilespmem:v21+s16+$0x0], $0xffff  }
0x2ae: {  	v29 =	vadd.f32 v36, v29;
	v59 =	vor.u32 v2, v37;
	v18 =	vadd.s32 v9, v62  }
0x2af: {  	v18 =	vor.u32 v16, v18;
	v35 =	vadd.f32 v55, v52;
	v7 =	vadd.f32 v13, v7  }
0x2b0: {  	v56 =	vor.u32 v2, v38;
	v11 =	vor.u32 v3, v18;
	v32 =	vor.u32 v45, v32  }
0x2b1: {  	v31 =	vor.u32 v40, v33;
	v7 =	vsub.f32 v7, v35;
	v1 =	vsub.f32 v1, v20  }
0x2b2: {  	[tilespmem:s14+$0x400] =	vst v29;
	v36 =	vadd.s32 v6, v62;
	v13 =	vor.u32 v44, v56;
	v21 =	vsub.f32 v21, v19  }
0x2b3: {  	v47 =	vld [tilespmem:$0x1FFE0];
	v14 =	vor.u32 v16, v36;
	v7 =	vmul.f32 v7, v0;
	v1 =	vmul.f32 v1, v57  }
0x2b4: {  	v29 =	vadd.s32 v6, v17;
	v46 =	vld [tilespmem:$0x1FFF0];
	v37 =	vor.u32 v4, v14;
	v21 =	vmul.f32 v21, v57  }
0x2b5: {  	v32 =	vld.idx.msk [tilespmem:v32+s16+$0x0], $0xffff;
	v7 =	vadd.f32 v7, v35;
	v20 =	vadd.f32 v1, v20;
	v1 =	vor.u32 v61, v34  }
0x2b6: {  	v31 =	vld.idx.msk [tilespmem:v31+s16+$0x0], $0xffff;
	v35 =	vor.u32 v16, v29;
	v63 =	vor.u32 v45, v1;
	v1 =	vadd.s32 v9, v17  }
0x2b7: {  	[tilespmem:s15+$0x50] =	vst v7;
	v23 =	vor.u32 v16, v1;
	v1 =	vld.idx.msk [tilespmem:v13+s16+$0x0], $0xffff;
	v13 =	vor.u32 v4, v35  }
0x2b8: {  	v11 =	vld.idx.msk [tilespmem:v11+s16+$0x0], $0xffff;
	v29 =	vor.u32 v3, v23  }
0x2b9: {  	v18 =	vadd.s32 v47, v58;
	v19 =	vadd.f32 v21, v19;
	v12 =	vld.idx.msk [tilespmem:v37+s16+$0x0], $0xffff  }
0x2ba: {  	v30 =	vor.u32 v61, v30;
	v18 =	vor.u32 v2, v18;
	v22 =	vld [tilespmem:$0x1FD70]  }
0x2bb: {  	v30 =	vor.u32 v40, v30;
	v7 =	vor.u32 v44, v18;
	v18 =	vsub.f32 v19, v20;
	v4 =	vld [tilespmem:$0x1FD50]  }
0x2bc: {  	v13 =	vld.idx.msk [tilespmem:v13+s16+$0x0], $0xffff  }
0x2bd: {  	v18 =	vmul.f32 v18, v0;
	v19 =	vld.idx.msk [tilespmem:v29+s16+$0x0], $0xffff  }
0x2be: {  	v39 =	vadd.s32 v46, v58;
	v3 =	vld [tilespmem:$0x1FD60]  }
0x2bf: {  	v14 =	vor.u32 v2, v39;
	v33 =	vld.idx.msk [tilespmem:v63+s16+$0x0], $0xffff;
	v18 =	vadd.f32 v18, v20  }
0x2c0: {  	v50 =	vmov v17;
	v60 =	vor.u32 v43, v59;
	v14 =	vor.u32 v43, v14;
	v29 =	vld.idx.msk [tilespmem:v30+s16+$0x0], $0xffff  }
0x2c1: {  	v31 =	vsub.f32 v31, v32;
	v17 =	vld [tilespmem:$0x1FD80];
	v12 =	vsub.f32 v12, v11;
	v41 =	vadd.s32 v4, v28;
	[tilespmem:s17+$0x60] =	vst v18  }
0x2c2: {  	v9 =	vadd.s32 v4, v62;
	v30 =	vadd.s32 v4, v27;
	v38 =	vld [tilespmem:$0x1FE40];
	v13 =	vsub.f32 v13, v19  }
0x2c3: {  	v20 =	vadd.s32 v3, v27;
	v34 =	vor.u32 v26, v41;
	v42 =	vadd.s32 v3, v28  }
0x2c4: {  	v12 =	vmul.f32 v12, v57;
	v30 =	vor.u32 v26, v30;
	v13 =	vmul.f32 v13, v57  }
0x2c5: {  	v20 =	vor.u32 v26, v20;
	v34 =	vor.u32 v22, v34;
	v29 =	vsub.f32 v29, v33  }
0x2c6: {  	v14 =	vld.idx.msk [tilespmem:v14+s16+$0x0], $0xffff;
	v30 =	vor.u32 v22, v30;
	v11 =	vadd.f32 v12, v11;
	v13 =	vadd.f32 v13, v19  }
0x2c7: {  	v21 =	vld.idx.msk [tilespmem:v60+s16+$0x0], $0xffff;
	v35 =	vor.u32 v26, v42;
	v20 =	vor.u32 v17, v20;
	v29 =	vmul.f32 v29, v38  }
0x2c8: {  	v7 =	vld.idx.msk [tilespmem:v7+s16+$0x0], $0xffff;
	v9 =	vor.u32 v16, v9;
	v35 =	vor.u32 v17, v35;
	v11 =	vsub.f32 v11, v13  }
0x2c9: {  	v15 =	vld [tilespmem:$0x1FEF0];
	v48 =	vmul.f32 v31, v38;
	v19 =	vadd.f32 v29, v33;
	v29 =	vadd.s32 v4, v50  }
0x2ca: {  	v51 =	vld.idx.msk [tilespmem:v34+s16+$0x0], $0xffff;
	v31 =	vadd.s32 v3, v50;
	v29 =	vor.u32 v16, v29;
	v11 =	vmul.f32 v11, v0  }
0x2cb: {  	v30 =	vld.idx.msk [tilespmem:v30+s16+$0x0], $0xffff;
	v31 =	vor.u32 v16, v31;
	v49 =	vadd.f32 v48, v32;
	v29 =	vor.u32 v22, v29  }
0x2cc: {  	v3 =	vadd.s32 v3, v62;
	v20 =	vld.idx.msk [tilespmem:v20+s16+$0x0], $0xffff;
	v31 =	vor.u32 v17, v31;
	v11 =	vadd.f32 v11, v13  }
0x2cd: {  	v9 =	vor.u32 v22, v9;
	v52 =	vld.idx.msk [tilespmem:v35+s16+$0x0], $0xffff;
	v3 =	vor.u32 v16, v3;
	v19 =	vsub.f32 v19, v49  }
0x2ce: {  	v3 =	vor.u32 v17, v3;
	v17 =	vld [tilespmem:$0x1FED0];
	[tilespmem:s15+$0x60] =	vst v11  }
0x2cf: {  	v19 =	vmul.f32 v19, v0;
	v56 =	vld [tilespmem:$0x1FDC0]  }
0x2d0: {  	v29 =	vld.idx.msk [tilespmem:v29+s16+$0x0], $0xffff  }
0x2d1: {  	v12 =	vadd.f32 v19, v49;
	v19 =	vld.idx.msk [tilespmem:v31+s16+$0x0], $0xffff  }
0x2d2: {  	v9 =	vld.idx.msk [tilespmem:v9+s16+$0x0], $0xffff  }
0x2d3: {  	v4 =	vld [tilespmem:$0x1FEE0]  }
0x2d4: {  	v6 =	vld [tilespmem:$0x1FF10]  }
0x2d5: {  	v3 =	vld.idx.msk [tilespmem:v3+s16+$0x0], $0xffff  }
0x2d6: {  	v18 =	vsub.f32 v21, v1;
	v55 =	vadd.s32 v15, v10;
	v63 =	vld [tilespmem:$0x1FE00]  }
0x2d7: {  	v14 =	vsub.f32 v14, v7;
	v57 =	vor.u32 v61, v55;
	v53 =	vsub.f32 v20, v30;
	v49 =	vld [tilespmem:$0x1FE10]  }
0x2d8: {  	v20 =	vsub.f32 v52, v51;
	v54 =	vadd.s32 v17, v10;
	v31 =	vadd.s32 v15, v8  }
0x2d9: {  	v59 =	vadd.s32 v17, v8;
	v11 =	vor.u32 v61, v54;
	v31 =	vor.u32 v61, v31  }
0x2da: {  	v13 =	vmul.f32 v53, v56;
	v20 =	vmul.f32 v20, v56;
	v11 =	vor.u32 v4, v11  }
0x2db: {  	v60 =	vor.u32 v6, v57;
	v48 =	vadd.s32 v63, v27;
	v52 =	vadd.s32 v63, v28  }
0x2dc: {  	v54 =	vld [tilespmem:$0x1FE30];
	v55 =	vadd.s32 v49, v28;
	v19 =	vsub.f32 v19, v29;
	v3 =	vsub.f32 v3, v9  }
0x2dd: {  	v53 =	vld [tilespmem:$0x1FE20];
	[tilespmem:s14+$0x410] =	vst v12;
	v31 =	vor.u32 v6, v31;
	v32 =	vor.u32 v26, v48;
	v34 =	vor.u32 v26, v52  }
0x2de: {  	v12 =	vor.u32 v26, v55;
	v36 =	vld [tilespmem:$0x1FB90];
	v13 =	vadd.f32 v13, v30;
	v20 =	vadd.f32 v20, v51  }
0x2df: {  	v30 =	vor.u32 v61, v59;
	v51 =	vadd.s32 v49, v27;
	v19 =	vmul.f32 v19, v56  }
0x2e0: {  	v3 =	vmul.f32 v3, v56;
	v30 =	vor.u32 v4, v30;
	v20 =	vsub.f32 v20, v13  }
0x2e1: {  	v12 =	vor.u32 v54, v12;
	v33 =	vor.u32 v26, v51;
	v19 =	vadd.f32 v19, v29  }
0x2e2: {  	v3 =	vadd.f32 v3, v9;
	v32 =	vor.u32 v53, v32;
	v20 =	vmul.f32 v20, v0  }
0x2e3: {  	v33 =	vor.u32 v54, v33;
	v11 =	vld.idx.msk [tilespmem:v11+s16+$0x0], $0xffff;
	v18 =	vmul.f32 v18, v36;
	v9 =	vmul.f32 v14, v36  }
0x2e4: {  	v29 =	vadd.s32 v49, v50;
	v21 =	vld.idx.msk [tilespmem:v60+s16+$0x0], $0xffff;
	v3 =	vsub.f32 v3, v19;
	v13 =	vadd.f32 v20, v13  }
0x2e5: {  	v30 =	vld.idx.msk [tilespmem:v30+s16+$0x0], $0xffff;
	v1 =	vadd.f32 v18, v1;
	v18 =	vadd.s32 v63, v50;
	v7 =	vadd.f32 v9, v7  }
0x2e6: {  	v9 =	vor.u32 v16, v18;
	v18 =	vor.u32 v16, v29;
	v29 =	vld.idx.msk [tilespmem:v31+s16+$0x0], $0xffff;
	[tilespmem:s17+$0x70] =	vst v13  }
0x2e7: {  	v20 =	vor.u32 v53, v34;
	v13 =	vld.idx.msk [tilespmem:v32+s16+$0x0], $0xffff  }
0x2e8: {  	v3 =	vmul.f32 v3, v0;
	v56 =	vld.idx.msk [tilespmem:v33+s16+$0x0], $0xffff  }
0x2e9: {  	v12 =	vld.idx.msk [tilespmem:v12+s16+$0x0], $0xffff  }
0x2ea: {  	v3 =	vadd.f32 v3, v19;
	v42 =	vld [tilespmem:$0x1FEA0]  }
0x2eb: {  	v31 =	vadd.s32 v63, v62;
	v9 =	vor.u32 v53, v9;
	v41 =	vld [tilespmem:$0x1FEC0]  }
0x2ec: {  	v18 =	vor.u32 v54, v18;
	v31 =	vor.u32 v16, v31;
	[tilespmem:s15+$0x70] =	vst v3;
	v20 =	vld.idx.msk [tilespmem:v20+s16+$0x0], $0xffff  }
0x2ed: {  	v57 =	vadd.s32 v49, v62;
	v7 =	vsub.f32 v7, v1;
	v31 =	vor.u32 v53, v31;
	v63 =	vld [tilespmem:$0x1FE60]  }
0x2ee: {  	v32 =	vor.u32 v16, v57;
	v37 =	vld [tilespmem:$0x1FF90]  }
0x2ef: {  	v52 =	vadd.s32 v47, v10;
	v32 =	vor.u32 v54, v32;
	v7 =	vmul.f32 v7, v0;
	v55 =	vld [tilespmem:$0x1FFC0]  }
0x2f0: {  	v54 =	vor.u32 v61, v52;
	v60 =	vsub.f32 v29, v30;
	v9 =	vld.idx.msk [tilespmem:v9+s16+$0x0], $0xffff  }
0x2f1: {  	v1 =	vadd.f32 v7, v1;
	v18 =	vld.idx.msk [tilespmem:v18+s16+$0x0], $0xffff;
	v19 =	vadd.s32 v42, v5;
	v14 =	vsub.f32 v56, v13  }
0x2f2: {  	v59 =	vadd.s32 v41, v5;
	v31 =	vld.idx.msk [tilespmem:v31+s16+$0x0], $0xffff;
	v3 =	vor.u32 v2, v19;
	v12 =	vsub.f32 v12, v20  }
0x2f3: {  	v56 =	vld [tilespmem:$0x1FFD0];
	v19 =	vsub.f32 v21, v11;
	v29 =	vor.u32 v2, v59;
	v14 =	vmul.f32 v14, v63  }
0x2f4: {  	v53 =	vld.idx.msk [tilespmem:v32+s16+$0x0], $0xffff;
	v21 =	vmul.f32 v60, v37;
	v59 =	vadd.s32 v55, v28;
	v12 =	vmul.f32 v12, v63  }
0x2f5: {  	v51 =	vadd.s32 v55, v50;
	v19 =	vmul.f32 v19, v37;
	v13 =	vadd.f32 v14, v13  }
0x2f6: {  	v34 =	vor.u32 v26, v59;
	v18 =	vsub.f32 v18, v9;
	v12 =	vadd.f32 v12, v20  }
0x2f7: {  	v11 =	vadd.f32 v19, v11;
	v19 =	vadd.f32 v21, v30;
	v30 =	vadd.s32 v55, v27  }
0x2f8: {  	v57 =	vadd.s32 v56, v27;
	v60 =	vadd.s32 v56, v28;
	v12 =	vsub.f32 v12, v13  }
0x2f9: {  	v30 =	vor.u32 v26, v30;
	v32 =	vor.u32 v26, v57;
	v14 =	vsub.f32 v53, v31  }
0x2fa: {  	v18 =	vmul.f32 v18, v63;
	v30 =	vor.u32 v45, v30;
	v12 =	vmul.f32 v12, v0  }
0x2fb: {  	v39 =	vor.u32 v26, v60;
	v19 =	vsub.f32 v19, v11;
	v32 =	vor.u32 v40, v32  }
0x2fc: {  	v14 =	vmul.f32 v14, v63;
	v63 =	vor.u32 v45, v34;
	v12 =	vadd.f32 v12, v13  }
0x2fd: {  	v21 =	vor.u32 v16, v51;
	v34 =	vor.u32 v40, v39;
	v9 =	vadd.f32 v18, v9  }
0x2fe: {  	v18 =	vmul.f32 v19, v0;
	v19 =	vor.u32 v44, v54;
	v14 =	vadd.f32 v14, v31;
	[tilespmem:s17+$0x400] =	vst v12  }
0x2ff: {  	v33 =	vadd.s32 v42, v58;
	v20 =	vadd.s32 v46, v10;
	v21 =	vor.u32 v45, v21;
	v12 =	vld.idx.msk [tilespmem:v30+s16+$0x0], $0xffff  }
0x300: {  	v20 =	vor.u32 v61, v20;
	v11 =	vadd.f32 v18, v11;
	v14 =	vsub.f32 v14, v9;
	v18 =	vld.idx.msk [tilespmem:v32+s16+$0x0], $0xffff  }
0x301: {  	v53 =	vadd.s32 v56, v62;
	v20 =	vor.u32 v43, v20;
	v31 =	vadd.s32 v55, v62;
	v13 =	vld.idx.msk [tilespmem:v63+s16+$0x0], $0xffff  }
0x302: {  	v31 =	vor.u32 v16, v31;
	[tilespmem:s14+$0x420] =	vst v11;
	v14 =	vmul.f32 v14, v0;
	v52 =	vld.idx.msk [tilespmem:v34+s16+$0x0], $0xffff  }
0x303: {  	v54 =	vor.u32 v16, v53;
	v11 =	vor.u32 v45, v31;
	v19 =	vld.idx.msk [tilespmem:v19+s16+$0x0], $0xffff;
	v30 =	vadd.s32 v56, v50  }
0x304: {  	v39 =	vld [tilespmem:$0x1FEB0];
	v30 =	vor.u32 v16, v30;
	v9 =	vadd.f32 v14, v9;
	v14 =	vor.u32 v40, v54  }
0x305: {  	v59 =	vadd.s32 v17, v28;
	v60 =	vadd.s32 v15, v28;
	v30 =	vor.u32 v40, v30;
	v40 =	vld [tilespmem:$0x1FE90]  }
0x306: {  	v55 =	vadd.s32 v47, v8;
	v31 =	vadd.s32 v41, v58;
	v20 =	vld.idx.msk [tilespmem:v20+s16+$0x0], $0xffff;
	[tilespmem:s15+$0x400] =	vst v9  }
0x307: {  	v56 =	vadd.s32 v46, v8;
	v21 =	vld.idx.msk [tilespmem:v21+s16+$0x0], $0xffff;
	v18 =	vsub.f32 v18, v12;
	v32 =	vsub.f32 v52, v13  }
0x308: {  	v31 =	vor.u32 v2, v31;
	v34 =	vor.u32 v61, v56;
	v9 =	vor.u32 v2, v33;
	v11 =	vld.idx.msk [tilespmem:v11+s16+$0x0], $0xffff  }
0x309: {  	v33 =	vor.u32 v61, v55;
	v14 =	vld.idx.msk [tilespmem:v14+s16+$0x0], $0xffff;
	v18 =	vmul.f32 v18, v38;
	v32 =	vmul.f32 v32, v38  }
0x30a: {  	v33 =	vor.u32 v44, v33;
	v30 =	vld.idx.msk [tilespmem:v30+s16+$0x0], $0xffff;
	v7 =	vor.u32 v40, v9;
	v9 =	vor.u32 v39, v31  }
0x30b: {  	v31 =	vadd.s32 v17, v27;
	v12 =	vadd.f32 v18, v12;
	v13 =	vadd.f32 v32, v13  }
0x30c: {  	v34 =	vor.u32 v43, v34;
	v29 =	vor.u32 v39, v29;
	v31 =	vor.u32 v26, v31  }
0x30d: {  	v18 =	vsub.f32 v20, v19;
	v20 =	vadd.s32 v15, v27;
	v13 =	vsub.f32 v13, v12  }
0x30e: {  	v63 =	vor.u32 v4, v31;
	v31 =	vor.u32 v26, v59;
	v20 =	vor.u32 v26, v20  }
0x30f: {  	[tilespmem:s0+$0x430] =	vst v1;
	v14 =	vsub.f32 v14, v11;
	v30 =	vsub.f32 v30, v21;
	v1 =	vmul.f32 v13, v0  }
0x310: {  	v57 =	vld.idx.msk [tilespmem:v33+s16+$0x0], $0xffff;
	v33 =	vor.u32 v4, v31;
	v31 =	vor.u32 v26, v60;
	v20 =	vor.u32 v6, v20  }
0x311: {  	v34 =	vld.idx.msk [tilespmem:v34+s16+$0x0], $0xffff;
	v14 =	vmul.f32 v14, v38;
	v30 =	vmul.f32 v30, v38;
	v1 =	vadd.f32 v1, v12  }
0x312: {  	v3 =	vor.u32 v40, v3;
	v31 =	vor.u32 v6, v31  }
0x313: {  	v29 =	vld.idx.msk [tilespmem:v29+s16+$0x0], $0xffff;
	v11 =	vadd.f32 v14, v11;
	v21 =	vadd.f32 v30, v21;
	[tilespmem:s17+$0x410] =	vst v1  }
0x314: {  	v24 =	vadd.s32 v15, v62;
	v25 =	vadd.s32 v17, v62;
	v1 =	vld.idx.msk [tilespmem:v63+s16+$0x0], $0xffff  }
0x315: {  	v25 =	vor.u32 v16, v25;
	v38 =	vadd.s32 v17, v50;
	v11 =	vsub.f32 v11, v21;
	v20 =	vld.idx.msk [tilespmem:v20+s16+$0x0], $0xffff  }
0x316: {  	v35 =	vsub.f32 v34, v57;
	v13 =	vor.u32 v16, v38;
	v30 =	vadd.s32 v15, v50;
	v12 =	vld.idx.msk [tilespmem:v33+s16+$0x0], $0xffff  }
0x317: {  	v13 =	vor.u32 v4, v13;
	v30 =	vor.u32 v16, v30;
	v31 =	vld.idx.msk [tilespmem:v31+s16+$0x0], $0xffff;
	v11 =	vmul.f32 v11, v0  }
0x318: {  	v48 =	vor.u32 v16, v24;
	v18 =	vmul.f32 v18, v36;
	v3 =	vld.idx.msk [tilespmem:v3+s16+$0x0], $0xffff;
	v30 =	vor.u32 v6, v30  }
0x319: {  	v45 =	vor.u32 v4, v25;
	v7 =	vld.idx.msk [tilespmem:v7+s16+$0x0], $0xffff;
	v14 =	vmul.f32 v35, v36;
	v11 =	vadd.f32 v11, v21  }
0x31a: {  	v9 =	vld.idx.msk [tilespmem:v9+s16+$0x0], $0xffff;
	v18 =	vadd.f32 v18, v19;
	v19 =	vor.u32 v6, v48  }
0x31b: {  	v23 =	vadd.s32 v41, v10;
	v14 =	vadd.f32 v14, v57;
	[tilespmem:s15+$0x410] =	vst v11  }
0x31c: {  	v23 =	vor.u32 v61, v23;
	v20 =	vsub.f32 v20, v1;
	v24 =	vsub.f32 v31, v12;
	v13 =	vld.idx.msk [tilespmem:v13+s16+$0x0], $0xffff  }
0x31d: {  	v23 =	vor.u32 v39, v23;
	v14 =	vsub.f32 v14, v18;
	v25 =	vld.idx.msk [tilespmem:v30+s16+$0x0], $0xffff  }
0x31e: {  	v49 =	vsub.f32 v29, v3;
	v21 =	vld.idx.msk [tilespmem:v45+s16+$0x0], $0xffff;
	v20 =	vmul.f32 v20, v37;
	v24 =	vmul.f32 v24, v37  }
0x31f: {  	v9 =	vsub.f32 v9, v7;
	v29 =	vadd.s32 v42, v8;
	v14 =	vmul.f32 v14, v0;
	v19 =	vld.idx.msk [tilespmem:v19+s16+$0x0], $0xffff  }
0x320: {  	v29 =	vor.u32 v61, v29;
	v1 =	vadd.f32 v20, v1;
	v12 =	vadd.f32 v24, v12  }
0x321: {  	v31 =	vadd.s32 v47, v27;
	v11 =	vadd.s32 v42, v10;
	v14 =	vadd.f32 v14, v18  }
0x322: {  	v18 =	vadd.s32 v46, v27;
	v20 =	vor.u32 v26, v31;
	v12 =	vsub.f32 v12, v1  }
0x323: {  	v11 =	vor.u32 v61, v11;
	v24 =	vadd.s32 v47, v28;
	v20 =	vor.u32 v44, v20  }
0x324: {  	v25 =	vsub.f32 v25, v13;
	v19 =	vsub.f32 v19, v21;
	v12 =	vmul.f32 v12, v0  }
0x325: {  	v18 =	vor.u32 v26, v18;
	v11 =	vor.u32 v40, v11;
	v24 =	vor.u32 v26, v24  }
0x326: {  	[tilespmem:s14+$0x430] =	vst v14;
	v25 =	vmul.f32 v25, v37;
	v19 =	vmul.f32 v19, v37;
	v1 =	vadd.f32 v12, v1  }
0x327: {  	v18 =	vor.u32 v43, v18;
	v31 =	vadd.s32 v46, v28;
	v23 =	vld.idx.msk [tilespmem:v23+s16+$0x0], $0xffff;
	v51 =	vor.u32 v44, v24  }
0x328: {  	v24 =	vor.u32 v26, v31;
	v13 =	vadd.f32 v25, v13;
	v19 =	vadd.f32 v19, v21;
	[tilespmem:s17+$0x420] =	vst v1  }
0x329: {  	v53 =	vor.u32 v40, v29;
	v29 =	vadd.s32 v47, v62;
	v52 =	vor.u32 v43, v24;
	v1 =	vld.idx.msk [tilespmem:v20+s16+$0x0], $0xffff  }
0x32a: {  	v29 =	vor.u32 v16, v29;
	v20 =	vadd.s32 v47, v50;
	v19 =	vsub.f32 v19, v13;
	v54 =	vld [tilespmem:$0x1FBA0]  }
0x32b: {  	v30 =	vadd.s32 v41, v8;
	v11 =	vld.idx.msk [tilespmem:v11+s16+$0x0], $0xffff;
	v25 =	vadd.s32 v46, v50;
	v20 =	vor.u32 v16, v20  }
0x32c: {  	v25 =	vor.u32 v16, v25;
	v18 =	vld.idx.msk [tilespmem:v18+s16+$0x0], $0xffff;
	v19 =	vmul.f32 v19, v0;
	v20 =	vor.u32 v44, v20  }
0x32d: {  	v24 =	vor.u32 v61, v30;
	v30 =	vadd.s32 v46, v62;
	v12 =	vld.idx.msk [tilespmem:v51+s16+$0x0], $0xffff;
	v25 =	vor.u32 v43, v25  }
0x32e: {  	v30 =	vor.u32 v16, v30;
	v14 =	vld.idx.msk [tilespmem:v52+s16+$0x0], $0xffff;
	v13 =	vadd.f32 v19, v13;
	v19 =	vor.u32 v44, v29  }
0x32f: {  	v55 =	vld [tilespmem:$0x1FF20];
	v29 =	vor.u32 v43, v30;
	v9 =	vmul.f32 v9, v54  }
0x330: {  	v24 =	vor.u32 v39, v24;
	v21 =	vld.idx.msk [tilespmem:v53+s16+$0x0], $0xffff;
	[tilespmem:s15+$0x420] =	vst v13  }
0x331: {  	v31 =	vadd.s32 v41, v28;
	v7 =	vadd.f32 v9, v7;
	v9 =	vld.idx.msk [tilespmem:v20+s16+$0x0], $0xffff  }
0x332: {  	v31 =	vor.u32 v26, v31;
	v37 =	vadd.s32 v42, v27;
	v20 =	vld.idx.msk [tilespmem:v25+s16+$0x0], $0xffff  }
0x333: {  	v23 =	vsub.f32 v23, v11;
	v43 =	vadd.s32 v42, v50;
	v22 =	vmul.f32 v49, v54;
	v19 =	vld.idx.msk [tilespmem:v19+s16+$0x0], $0xffff  }
0x334: {  	v30 =	vadd.s32 v55, v10;
	v18 =	vsub.f32 v18, v1;
	v14 =	vsub.f32 v14, v12;
	v59 =	vld.idx.msk [tilespmem:v29+s16+$0x0], $0xffff  }
0x335: {  	v24 =	vld.idx.msk [tilespmem:v24+s16+$0x0], $0xffff;
	v57 =	vadd.s32 v55, v5;
	v63 =	vmul.f32 v23, v54;
	v23 =	vor.u32 v26, v37  }
0x336: {  	v48 =	vadd.s32 v55, v8;
	v18 =	vmul.f32 v18, v36;
	v14 =	vmul.f32 v14, v36  }
0x337: {  	v13 =	vor.u32 v2, v57;
	v3 =	vadd.f32 v22, v3;
	v11 =	vadd.f32 v63, v11  }
0x338: {  	v23 =	vor.u32 v40, v23;
	v1 =	vadd.f32 v18, v1;
	v12 =	vadd.f32 v14, v12  }
0x339: {  	v25 =	vadd.s32 v55, v58;
	v20 =	vsub.f32 v20, v9;
	v22 =	vsub.f32 v59, v19  }
0x33a: {  	v18 =	vsub.f32 v24, v21;
	v24 =	vadd.s32 v41, v27;
	v12 =	vsub.f32 v12, v1  }
0x33b: {  	v29 =	vadd.s32 v42, v28;
	v20 =	vmul.f32 v20, v36;
	v22 =	vmul.f32 v22, v36  }
0x33c: {  	v24 =	vor.u32 v26, v24;
	v29 =	vor.u32 v26, v29;
	v12 =	vmul.f32 v12, v0  }
0x33d: {  	v24 =	vor.u32 v39, v24;
	v9 =	vadd.f32 v20, v9;
	v19 =	vadd.f32 v22, v19  }
0x33e: {  	v7 =	vsub.f32 v7, v3;
	v38 =	vor.u32 v40, v29;
	v1 =	vadd.f32 v12, v1  }
0x33f: {  	v56 =	vld [tilespmem:$0x1FF70];
	v29 =	vadd.s32 v41, v50;
	v20 =	vor.u32 v39, v31;
	v19 =	vsub.f32 v19, v9  }
0x340: {  	v60 =	vld [tilespmem:$0x1FF00];
	v18 =	vmul.f32 v18, v54;
	v44 =	vor.u32 v16, v29;
	[tilespmem:s17+$0x430] =	vst v1;
	v1 =	vor.u32 v16, v43  }
0x341: {  	v29 =	vadd.s32 v42, v62;
	v23 =	vld.idx.msk [tilespmem:v23+s16+$0x0], $0xffff;
	v1 =	vor.u32 v40, v1;
	v19 =	vmul.f32 v19, v0  }
0x342: {  	v29 =	vor.u32 v16, v29;
	v31 =	vadd.s32 v41, v62;
	v24 =	vld.idx.msk [tilespmem:v24+s16+$0x0], $0xffff;
	v22 =	vor.u32 v39, v44  }
0x343: {  	v12 =	vld.idx.msk [tilespmem:v38+s16+$0x0], $0xffff;
	v9 =	vadd.f32 v19, v9;
	v19 =	vor.u32 v40, v29;
	v29 =	vor.u32 v16, v31  }
0x344: {  	v46 =	vor.u32 v2, v25;
	v45 =	vadd.f32 v18, v21;
	v18 =	vld.idx.msk [tilespmem:v20+s16+$0x0], $0xffff;
	v20 =	vor.u32 v39, v29  }
0x345: {  	v7 =	vmul.f32 v7, v0;
	v5 =	vadd.s32 v56, v5;
	v4 =	vadd.s32 v56, v58;
	v29 =	vld [tilespmem:$0x1FF60];
	[tilespmem:s15+$0x430] =	vst v9  }
0x346: {  	v5 =	vor.u32 v2, v5;
	v2 =	vor.u32 v2, v4;
	v4 =	vsub.f32 v45, v11;
	v1 =	vld.idx.msk [tilespmem:v1+s16+$0x0], $0xffff  }
0x347: {  	v10 =	vadd.s32 v56, v10;
	v13 =	vor.u32 v60, v13;
	v8 =	vadd.s32 v56, v8;
	v47 =	vld.idx.msk [tilespmem:v22+s16+$0x0], $0xffff  }
0x348: {  	v17 =	vadd.s32 v56, v50;
	v51 =	vadd.s32 v56, v28;
	v4 =	vmul.f32 v4, v0;
	v19 =	vld.idx.msk [tilespmem:v19+s16+$0x0], $0xffff  }
0x349: {  	v3 =	vadd.f32 v7, v3;
	v7 =	vor.u32 v60, v46;
	v49 =	vsub.f32 v24, v23;
	v20 =	vld.idx.msk [tilespmem:v20+s16+$0x0], $0xffff  }
0x34a: {  	v10 =	vor.u32 v61, v10;
	v6 =	vor.u32 v61, v8;
	v4 =	vadd.f32 v4, v11  }
0x34b: {  	v11 =	vor.u32 v61, v48;
	v8 =	vmul.f32 v49, v54;
	[tilespmem:s0+$0x440] =	vst v3;
	v18 =	vsub.f32 v18, v12  }
0x34c: {  	v53 =	vor.u32 v26, v51;
	v3 =	vor.u32 v60, v11;
	[tilespmem:s14+$0x440] =	vst v4;
	v4 =	vadd.s32 v55, v28  }
0x34d: {  	v9 =	vor.u32 v61, v30;
	v8 =	vadd.f32 v8, v23;
	v18 =	vmul.f32 v18, v54  }
0x34e: {  	v9 =	vor.u32 v60, v9;
	v14 =	vsub.f32 v47, v1;
	v20 =	vsub.f32 v20, v19  }
0x34f: {  	v5 =	vor.u32 v29, v5;
	v2 =	vor.u32 v29, v2;
	v12 =	vadd.f32 v18, v12  }
0x350: {  	v13 =	vld.idx.msk [tilespmem:v13+s16+$0x0], $0xffff;
	v10 =	vor.u32 v29, v10;
	v14 =	vmul.f32 v14, v54;
	v20 =	vmul.f32 v20, v54  }
0x351: {  	v7 =	vld.idx.msk [tilespmem:v7+s16+$0x0], $0xffff;
	v6 =	vor.u32 v29, v6;
	v18 =	vadd.s32 v55, v27;
	v12 =	vsub.f32 v12, v8  }
0x352: {  	v3 =	vld.idx.msk [tilespmem:v3+s16+$0x0], $0xffff;
	v18 =	vor.u32 v26, v18;
	v1 =	vadd.f32 v14, v1;
	v52 =	vadd.f32 v20, v19  }
0x353: {  	v4 =	vor.u32 v26, v4;
	v9 =	vld.idx.msk [tilespmem:v9+s16+$0x0], $0xffff;
	v18 =	vor.u32 v60, v18;
	v12 =	vmul.f32 v12, v0  }
0x354: {  	v11 =	vadd.s32 v55, v50;
	v4 =	vor.u32 v60, v4;
	v5 =	vld.idx.msk [tilespmem:v5+s16+$0x0], $0xffff;
	v14 =	vsub.f32 v52, v1  }
0x355: {  	v50 =	vadd.s32 v56, v27;
	v2 =	vld.idx.msk [tilespmem:v2+s16+$0x0], $0xffff;
	v8 =	vadd.f32 v12, v8;
	v12 =	vor.u32 v29, v53  }
0x356: {  	v17 =	vor.u32 v16, v17;
	v21 =	vor.u32 v26, v50;
	v10 =	vld.idx.msk [tilespmem:v10+s16+$0x0], $0xffff;
	v14 =	vmul.f32 v14, v0  }
0x357: {  	v11 =	vor.u32 v16, v11;
	v6 =	vld.idx.msk [tilespmem:v6+s16+$0x0], $0xffff;
	[tilespmem:s17+$0x440] =	vst v8;
	v19 =	vor.u32 v29, v21  }
0x358: {  	v11 =	vor.u32 v60, v11;
	v8 =	vadd.s32 v55, v62;
	v18 =	vld.idx.msk [tilespmem:v18+s16+$0x0], $0xffff;
	v1 =	vadd.f32 v14, v1  }
0x359: {  	v17 =	vor.u32 v29, v17;
	v54 =	vadd.s32 v56, v62;
	v8 =	vor.u32 v16, v8;
	v4 =	vld.idx.msk [tilespmem:v4+s16+$0x0], $0xffff  }
0x35a: {  	v55 =	vor.u32 v16, v54;
	v8 =	vor.u32 v60, v8;
	v12 =	vld.idx.msk [tilespmem:v12+s16+$0x0], $0xffff;
	[tilespmem:s15+$0x440] =	vst v1  }
0x35b: {  	v14 =	vor.u32 v29, v55;
	v56 =	vld [tilespmem:$0x1FBB0]  }
0x35c: {  	v19 =	vld.idx.msk [tilespmem:v19+s16+$0x0], $0xffff  }
0x35d: {  	v1 =	vld.idx.msk [tilespmem:v11+s16+$0x0], $0xffff  }
0x35e: {  	v5 =	vsub.f32 v5, v13;
	v2 =	vsub.f32 v2, v7;
	v11 =	vld.idx.msk [tilespmem:v17+s16+$0x0], $0xffff  }
0x35f: {  	v10 =	vsub.f32 v10, v9;
	v6 =	vsub.f32 v6, v3;
	v8 =	vld.idx.msk [tilespmem:v8+s16+$0x0], $0xffff  }
0x360: {  	p1 =	seq.s32 s28, $0x1B;
	v14 =	vld.idx.msk [tilespmem:v14+s16+$0x0], $0xffff;
	v5 =	vmul.f32 v5, v56;
	v2 =	vmul.f32 v2, v56  }
0x361: {  	s3 =	sadd.s32 @!p1 s3, s11;
	v10 =	vmul.f32 v10, v56;
	v6 =	vmul.f32 v6, v56  }
0x362: {  	s6 =	sshrl.u32 @!p1 s3, $0x1;
	v5 =	vadd.f32 v5, v13;
	v2 =	vadd.f32 v2, v7  }
0x363: {  	s7 =	smulhi.u32 @!p1 $0x24924925, s6;
	v7 =	vadd.f32 v10, v9;
	v3 =	vadd.f32 v6, v3  }
0x364: {  	v6 =	vsub.f32 v19, v18;
	v9 =	vsub.f32 v12, v4  }
0x365: {  	s7 =	sshrl.u32 @!p1 s7, $0x5;
	v10 =	vsub.f32 v11, v1;
	v11 =	vsub.f32 v14, v8  }
0x366: {  	s7 =	smul.u32 @!p1 $0xE0, s7;
	v2 =	vsub.f32 v2, v5;
	v6 =	vmul.f32 v6, v56;
	v9 =	vmul.f32 v9, v56  }
0x367: {  	v3 =	vsub.f32 v3, v7;
	v10 =	vmul.f32 v10, v56;
	v11 =	vmul.f32 v11, v56  }
0x368: {  	s6 =	ssub.s32 @!p1 s6, s7;
	v6 =	vadd.f32 v6, v18;
	v4 =	vadd.f32 v9, v4  }
0x369: {  	s6 =	smul.u32 @!p1 $0x18, s6;
	v1 =	vadd.f32 v10, v1;
	v8 =	vadd.f32 v11, v8  }
0x36a: {  	v2 =	vmul.f32 v2, v0;
	v4 =	vsub.f32 v4, v6  }
0x36b: {  	s3 =	smulhi.u32 @!p1 $0x92492493, s3;
	s6 =	sor.u32 @!p1 $0x4, s6;
	v3 =	vmul.f32 v3, v0;
	v8 =	vsub.f32 v8, v1  }
0x36c: {  	s6 =	sand.u32 @!p1 $0xFFFC, s6;
	v2 =	vadd.f32 v2, v5;
	v4 =	vmul.f32 v4, v0  }
0x36d: {  	s3 =	sshrl.u32 @!p1 s3, $0x8;
	s6 =	smul.u32 @!p1 $0x2493, s6;
	v3 =	vadd.f32 v3, v7;
	v0 =	vmul.f32 v8, v0  }
0x36e: {  	[tilespmem:s0+$0x450] =	vst v2;
	s0 =	smul.u32 @!p1 $0x180, s3;
	v2 =	vadd.f32 v4, v6  }
0x36f: {  	s10 =	smul.u32 $0x600, s31;
	s6 =	sshrl.u32 @!p1 s6, $0x11;
	[tilespmem:s14+$0x450] =	vst v3;
	v0 =	vadd.f32 v0, v1  }
0x370: {  	s0 =	sadd.s32 @!p1 s6, s0;
	[tilespmem:s17+$0x450] =	vst v2  }
0x371: {  	s3 =	sadd.s32 s4, s10;
	s0 =	smul.u32 @!p1 $0x9000, s0;
	[tilespmem:s15+$0x450] =	vst v0  }
0x372: {  	[hbm4b:s3+s5] =	stream.linear.scatter [tilespmem:s21], [sflag:$0x3], $0x3000, $0x38;
	[tilespmem:$0x18580] =	vst v63  }
0x373: {  	s7 =	simm.s32 @!p1 $0x580;
	s3 =	sshrl.u32 @!p1 s0, $0x3;
	s0 =	sadd.s32 @!p1 $0x9000, s0  }
0x374: {  	s6 =	simm.s32 @!p1 $0x0;
	s3 =	sadd.s32 @!p1 s2, s3;
	s0 =	sshrl.u32 @!p1 s0, $0x3  }
0x375: {  	[tilespmem:s7], [sflag:$0x1] =	stream.linear.gather @!p1 [hbm4b:s3+s6], $0x4800, $0x38;
	[tilespmem:$0x18580] =	vst v63  }
0x376: {  	s0 =	sadd.s32 @!p1 s2, s0;
	s3 =	simm.s32 @!p1 $0x4D80  }
0x377: {  	[tilespmem:s3], [sflag:$0x1] =	stream.linear.gather @!p1 [hbm4b:s0+s6], $0x4800, $0x38;
	[tilespmem:$0x18580] =	vst v63  }
0x378: {  	_ =	swait.ge [sflag:s22], $0x4800  }
0x379: {  	[sflag:s22] =	ssyncset.done $0x0  }
0x37a: {  	[sflag:s22] =	ssyncadd.s32 $0xFFFFB800  }
0x37b: {  	_ =	swait.ge [sflag:s22], $0x4800  }
0x37c: {  	[sflag:s22] =	ssyncset.done $0x0  }
0x37d: {  	s0 =	simm.s32 @!p0 $0x4;
	[sflag:s22] =	ssyncadd.s32 $0xFFFFB800  }
0x37e: {  	_ =	swait.ge @!p0 [sflag:s0], $0x3000  }
0x37f: {  	[sflag:s0] =	ssyncset.done @!p0 $0x0  }
0x380: {  	[sflag:s0] =	ssyncadd.s32 @!p0 $0xFFFFD000  }
0x381: {  	v1 =	vld [tilespmem:$0x0];
	_ =	sdelay $0x1  }
0x382: {  	s14 =	sshll.u32 s30, $0x4;
	s15 =	simm.s32 $0x61  }
0x383: {  	v2 =	vmov s15;
	s0 =	sand.u32 $0x3FFFFFF0, s14  }
0x384: {  	v3 =	vshrl.u32 v2, $0x3;
	v0 =	vld [tilespmem:s0+$0x200]  }
0x385: {  	v6 =	vld [tilespmem:$0x10];
	v5 =	vadd.s32 $0x1, v1;
	v33 =	vand.u32 $0x7F, v1;
	v1 =	vshll.u32 v1, $0x3  }
0x386: {  	v4 =	vmul.u32 $0xC00, v3;
	v8 =	vld [tilespmem:$0x20];
	v34 =	vand.u32 $0xFFFFFC00, v1;
	v1 =	vshll.u32 v5, $0x3  }
0x387: {  	v3 =	vadd.s32 $0x6, v3;
	v17 =	vld [tilespmem:$0x30];
	v35 =	vand.u32 $0xFFFFFC00, v1;
	v1 =	vshll.u32 v2, $0x7  }
0x388: {  	v3 =	vmul.u32 $0xC00, v3;
	v16 =	vld [tilespmem:$0x40];
	v55 =	vand.u32 $0x380, v1;
	v1 =	vadd.s32 v34, v4  }
0x389: {  	v36 =	vand.u32 $0x7F, v5;
	v9 =	vadd.s32 v35, v4;
	v5 =	vor.u32 v55, v1;
	v1 =	vld [tilespmem:$0xB0]  }
0x38a: {  	v10 =	vld [tilespmem:$0x50];
	v57 =	vadd.s32 v34, v3;
	v9 =	vor.u32 v55, v9;
	v11 =	vor.u32 v33, v5  }
0x38b: {  	v7 =	vld [tilespmem:$0x60];
	v58 =	vadd.s32 v35, v3;
	v12 =	vor.u32 v55, v57;
	v9 =	vor.u32 v36, v9  }
0x38c: {  	v41 =	vld [tilespmem:$0x70];
	v13 =	vor.u32 v55, v58;
	v12 =	vor.u32 v33, v12  }
0x38d: {  	v15 =	vld [tilespmem:$0x90];
	v18 =	vor.u32 v36, v13  }
0x38e: {  	v40 =	vld [tilespmem:$0x100];
	[tilespmem:$0x1F900] =	vst v1  }
0x38f: {  	v19 =	vld.idx.msk [tilespmem:v11+s16+$0x0], $0xffff  }
0x390: {  	v9 =	vld.idx.msk [tilespmem:v9+s16+$0x0], $0xffff  }
0x391: {  	v20 =	vld.idx.msk [tilespmem:v12+s16+$0x0], $0xffff  }
0x392: {  	v18 =	vld.idx.msk [tilespmem:v18+s16+$0x0], $0xffff  }
0x393: {  	v2 =	vld [tilespmem:$0x180]  }
0x394: {  	v44 =	vld [tilespmem:$0x110]  }
0x395: {  	v32 =	vld [tilespmem:$0x130]  }
0x396: {  	v42 =	vld [tilespmem:$0x140]  }
0x397: {  	v1 =	vld [tilespmem:$0xC0];
	v9 =	vsub.f32 v9, v19;
	v18 =	vsub.f32 v18, v20  }
0x398: {  	[tilespmem:$0x1F9D0] =	vst v2;
	v2 =	vld [tilespmem:$0x190]  }
0x399: {  	v30 =	vld [tilespmem:$0x150];
	v9 =	vmul.f32 v9, v40;
	v18 =	vmul.f32 v18, v40  }
0x39a: {  	v63 =	vld [tilespmem:$0x1C0];
	v59 =	vadd.s32 $0x1, v6;
	v60 =	vshll.u32 v6, $0x3  }
0x39b: {  	v47 =	vand.u32 $0xFFFFFC00, v60;
	v12 =	vld [tilespmem:$0x1D0];
	v9 =	vadd.f32 v9, v19;
	v18 =	vadd.f32 v18, v20  }
0x39c: {  	v46 =	vand.u32 $0x7F, v6;
	v61 =	vshll.u32 v59, $0x3;
	v6 =	vadd.s32 v47, v4;
	[tilespmem:$0x1FA20] =	vst v1;
	v1 =	vld [tilespmem:$0xD0]  }
0x39d: {  	v48 =	vand.u32 $0xFFFFFC00, v61;
	v6 =	vor.u32 v55, v6;
	[tilespmem:$0x1F800] =	vst v2;
	v2 =	vld [tilespmem:$0x1B0];
	v18 =	vsub.f32 v18, v9  }
0x39e: {  	v29 =	vld [tilespmem:$0x160];
	v49 =	vand.u32 $0x7F, v59;
	v6 =	vor.u32 v46, v6;
	v19 =	vadd.s32 v48, v4  }
0x39f: {  	v39 =	vld [tilespmem:$0x170];
	[tilespmem:$0x1F6E0] =	vst v63;
	v20 =	vadd.s32 v47, v3;
	v19 =	vor.u32 v55, v19;
	v18 =	vmul.f32 v18, v0  }
0x3a0: {  	s17 =	simm.s32 $0x1880;
	s6 =	simm.s32 $0x3100;
	v62 =	vadd.s32 v48, v3;
	v57 =	vld [tilespmem:$0xA0];
	[tilespmem:$0x1F6F0] =	vst v12;
	v20 =	vor.u32 v55, v20;
	v19 =	vor.u32 v49, v19  }
0x3a1: {  	s3 =	sand.u32 $0x7800, s6;
	s0 =	sand.u32 $0x380, s17;
	v5 =	vld [tilespmem:$0x80];
	[tilespmem:$0x1FA30] =	vst v1;
	v9 =	vadd.f32 v18, v9;
	v18 =	vor.u32 v46, v20;
	v20 =	vor.u32 v55, v62  }
0x3a2: {  	s0 =	sor.u32 s0, s3;
	v13 =	vld [tilespmem:$0x1A0];
	[tilespmem:$0x1F9F0] =	vst v2;
	v20 =	vor.u32 v49, v20  }
0x3a3: {  	v1 =	vld [tilespmem:$0x120];
	[tilespmem:s0+$0x12580] =	vst v9  }
0x3a4: {  	v6 =	vld.idx.msk [tilespmem:v6+s16+$0x0], $0xffff  }
0x3a5: {  	v9 =	vld.idx.msk [tilespmem:v19+s16+$0x0], $0xffff  }
0x3a6: {  	v18 =	vld.idx.msk [tilespmem:v18+s16+$0x0], $0xffff  }
0x3a7: {  	v19 =	vld.idx.msk [tilespmem:v20+s16+$0x0], $0xffff;
	_ =	sdelay $0x4  }
0x3a8: {  	v9 =	vsub.f32 v9, v6;
	v19 =	vsub.f32 v19, v18;
	_ =	sdelay $0x1  }
0x3a9: {  	v14 =	vshll.u32 v8, $0x3;
	v9 =	vmul.f32 v9, v44;
	v19 =	vmul.f32 v19, v44  }
0x3aa: {  	v51 =	vand.u32 $0xFFFFFC00, v14  }
0x3ab: {  	v20 =	vadd.s32 $0x1, v8;
	v6 =	vadd.f32 v9, v6;
	v9 =	vadd.f32 v19, v18  }
0x3ac: {  	v50 =	vand.u32 $0x7F, v8;
	v8 =	vadd.s32 v51, v4;
	v37 =	vshll.u32 v20, $0x3  }
0x3ad: {  	v8 =	vor.u32 v55, v8;
	v53 =	vand.u32 $0xFFFFFC00, v37;
	v9 =	vsub.f32 v9, v6  }
0x3ae: {  	v52 =	vand.u32 $0x7F, v20;
	v8 =	vor.u32 v50, v8;
	v18 =	vadd.s32 v53, v4  }
0x3af: {  	v19 =	vadd.s32 v51, v3;
	v18 =	vor.u32 v55, v18;
	v9 =	vmul.f32 v9, v0  }
0x3b0: {  	v20 =	vadd.s32 v53, v3;
	v19 =	vor.u32 v55, v19;
	v18 =	vor.u32 v52, v18  }
0x3b1: {  	v6 =	vadd.f32 v9, v6;
	v9 =	vor.u32 v50, v19;
	v19 =	vor.u32 v55, v20  }
0x3b2: {  	s0 =	sadd.s32 $0x12580, s0;
	v19 =	vor.u32 v52, v19  }
0x3b3: {  	[tilespmem:s0+$0x10] =	vst v6  }
0x3b4: {  	s7 =	simm.s32 $0x60;
	v20 =	vld.idx.msk [tilespmem:v8+s16+$0x0], $0xffff  }
0x3b5: {  	v6 =	vmov s7;
	v18 =	vld.idx.msk [tilespmem:v18+s16+$0x0], $0xffff  }
0x3b6: {  	v38 =	vshrl.u32 v6, $0x3;
	v43 =	vld.idx.msk [tilespmem:v9+s16+$0x0], $0xffff  }
0x3b7: {  	v11 =	vmul.u32 $0xC00, v38;
	v9 =	vadd.s32 $0x6, v38;
	v19 =	vld.idx.msk [tilespmem:v19+s16+$0x0], $0xffff  }
0x3b8: {  	v45 =	vshll.u32 v6, $0x7;
	v6 =	vmul.u32 $0xC00, v9  }
0x3b9: {  	v9 =	vand.u32 $0x300, v45;
	v54 =	vadd.s32 v34, v11;
	v56 =	vadd.s32 v35, v11  }
0x3ba: {  	v21 =	vor.u32 v9, v54;
	v23 =	vor.u32 v9, v56;
	v24 =	vadd.s32 v34, v6  }
0x3bb: {  	v25 =	vadd.s32 v35, v6;
	v21 =	vor.u32 v33, v21;
	v23 =	vor.u32 v36, v23  }
0x3bc: {  	v18 =	vsub.f32 v18, v20;
	v24 =	vor.u32 v9, v24;
	v19 =	vsub.f32 v19, v43  }
0x3bd: {  	v25 =	vor.u32 v9, v25;
	v24 =	vor.u32 v33, v24  }
0x3be: {  	v25 =	vor.u32 v36, v25;
	v18 =	vmul.f32 v18, v1;
	v19 =	vmul.f32 v19, v1  }
0x3bf: {  	v26 =	vadd.s32 $0x1, v17;
	v27 =	vshll.u32 v17, $0x3  }
0x3c0: {  	v45 =	vand.u32 $0xFFFFFC00, v27;
	v18 =	vadd.f32 v18, v20;
	v21 =	vld.idx.msk [tilespmem:v21+s16+$0x0], $0xffff;
	v19 =	vadd.f32 v19, v43  }
0x3c1: {  	v28 =	vshll.u32 v26, $0x3;
	v54 =	vand.u32 $0x7F, v17;
	v58 =	vadd.s32 v45, v4;
	v17 =	vld.idx.msk [tilespmem:v23+s16+$0x0], $0xffff  }
0x3c2: {  	v56 =	vand.u32 $0xFFFFFC00, v28;
	v22 =	vor.u32 v55, v58;
	v20 =	vld.idx.msk [tilespmem:v24+s16+$0x0], $0xffff;
	v19 =	vsub.f32 v19, v18  }
0x3c3: {  	v2 =	vand.u32 $0x7F, v26;
	v59 =	vadd.s32 v56, v4;
	v22 =	vor.u32 v54, v22;
	v24 =	vld.idx.msk [tilespmem:v25+s16+$0x0], $0xffff  }
0x3c4: {  	v23 =	vor.u32 v55, v59;
	v25 =	vadd.s32 v45, v3;
	v19 =	vmul.f32 v19, v0  }
0x3c5: {  	v26 =	vadd.s32 v56, v3;
	v23 =	vor.u32 v2, v23;
	v25 =	vor.u32 v55, v25  }
0x3c6: {  	v18 =	vadd.f32 v19, v18;
	v19 =	vor.u32 v54, v25;
	v25 =	vor.u32 v55, v26  }
0x3c7: {  	v25 =	vor.u32 v2, v25  }
0x3c8: {  	v17 =	vsub.f32 v17, v21;
	v24 =	vsub.f32 v24, v20;
	[tilespmem:s0+$0x20] =	vst v18  }
0x3c9: {  	v18 =	vld.idx.msk [tilespmem:v22+s16+$0x0], $0xffff  }
0x3ca: {  	v17 =	vmul.f32 v17, v40;
	v60 =	vmul.f32 v24, v40;
	v23 =	vld.idx.msk [tilespmem:v23+s16+$0x0], $0xffff  }
0x3cb: {  	v19 =	vld.idx.msk [tilespmem:v19+s16+$0x0], $0xffff  }
0x3cc: {  	v17 =	vadd.f32 v17, v21;
	v20 =	vadd.f32 v60, v20;
	v61 =	vld.idx.msk [tilespmem:v25+s16+$0x0], $0xffff  }
0x3cd: {  	v24 =	vadd.s32 v48, v11  }
0x3ce: {  	v62 =	vadd.s32 v47, v11;
	v24 =	vor.u32 v9, v24;
	v20 =	vsub.f32 v20, v17  }
0x3cf: {  	v26 =	vadd.s32 v48, v6;
	v22 =	vor.u32 v9, v62;
	v24 =	vor.u32 v49, v24  }
0x3d0: {  	v22 =	vor.u32 v46, v22;
	v25 =	vadd.s32 v47, v6;
	v20 =	vmul.f32 v20, v0  }
0x3d1: {  	s8 =	simm.s32 $0x0;
	s9 =	simm.s32 $0x0;
	v25 =	vor.u32 v9, v25;
	v23 =	vsub.f32 v23, v18;
	v21 =	vsub.f32 v61, v19  }
0x3d2: {  	s6 =	sand.u32 $0x300, s9;
	s3 =	sand.u32 $0x3800, s8;
	v17 =	vadd.f32 v20, v17;
	v20 =	vor.u32 v46, v25;
	v25 =	vor.u32 v9, v26  }
0x3d3: {  	s3 =	sor.u32 s6, s3;
	v25 =	vor.u32 v49, v25;
	v23 =	vmul.f32 v23, v32;
	v21 =	vmul.f32 v21, v32  }
0x3d4: {  	v27 =	vshll.u32 v16, $0x3;
	v28 =	vand.u32 $0x7F, v16;
	[tilespmem:s3+$0x15580] =	vst v17  }
0x3d5: {  	v26 =	vadd.s32 $0x1, v16;
	v22 =	vld.idx.msk [tilespmem:v22+s16+$0x0], $0xffff;
	v18 =	vadd.f32 v23, v18;
	v19 =	vadd.f32 v21, v19  }
0x3d6: {  	v58 =	vand.u32 $0xFFFFFC00, v27;
	v27 =	vand.u32 $0x7F, v26;
	v17 =	vshll.u32 v26, $0x3;
	v16 =	vld.idx.msk [tilespmem:v24+s16+$0x0], $0xffff  }
0x3d7: {  	v37 =	vand.u32 $0xFFFFFC00, v17;
	v17 =	vld.idx.msk [tilespmem:v20+s16+$0x0], $0xffff;
	v20 =	vadd.s32 v58, v4;
	v19 =	vsub.f32 v19, v18  }
0x3d8: {  	v24 =	vadd.s32 v58, v3;
	v63 =	vadd.s32 v37, v4;
	v12 =	vld.idx.msk [tilespmem:v25+s16+$0x0], $0xffff;
	v20 =	vor.u32 v55, v20  }
0x3d9: {  	v21 =	vor.u32 v55, v63;
	v20 =	vor.u32 v28, v20;
	v19 =	vmul.f32 v19, v0  }
0x3da: {  	v24 =	vor.u32 v55, v24;
	v25 =	vadd.s32 v37, v3;
	v21 =	vor.u32 v27, v21  }
0x3db: {  	v18 =	vadd.f32 v19, v18;
	v19 =	vor.u32 v28, v24;
	v24 =	vor.u32 v55, v25  }
0x3dc: {  	v24 =	vor.u32 v27, v24  }
0x3dd: {  	v16 =	vsub.f32 v16, v22;
	v23 =	vsub.f32 v12, v17;
	[tilespmem:s0+$0x30] =	vst v18  }
0x3de: {  	v18 =	vld.idx.msk [tilespmem:v20+s16+$0x0], $0xffff  }
0x3df: {  	v16 =	vmul.f32 v16, v44;
	v20 =	vmul.f32 v23, v44;
	v21 =	vld.idx.msk [tilespmem:v21+s16+$0x0], $0xffff  }
0x3e0: {  	v19 =	vld.idx.msk [tilespmem:v19+s16+$0x0], $0xffff  }
0x3e1: {  	v16 =	vadd.f32 v16, v22;
	v17 =	vadd.f32 v20, v17;
	v20 =	vld.idx.msk [tilespmem:v24+s16+$0x0], $0xffff  }
0x3e2: {  	v14 =	vadd.s32 v51, v11  }
0x3e3: {  	v38 =	vadd.s32 v53, v11;
	v22 =	vor.u32 v9, v14;
	v17 =	vsub.f32 v17, v16  }
0x3e4: {  	v26 =	vshll.u32 v10, $0x3;
	v25 =	vadd.s32 v53, v6;
	v22 =	vor.u32 v50, v22  }
0x3e5: {  	v23 =	vor.u32 v9, v38;
	v24 =	vadd.s32 v51, v6;
	v17 =	vmul.f32 v17, v0  }
0x3e6: {  	v24 =	vor.u32 v9, v24;
	v21 =	vsub.f32 v21, v18;
	v20 =	vsub.f32 v20, v19  }
0x3e7: {  	v16 =	vadd.f32 v17, v16;
	v17 =	vor.u32 v50, v24;
	v24 =	vor.u32 v9, v25  }
0x3e8: {  	v21 =	vmul.f32 v21, v42;
	v24 =	vor.u32 v52, v24;
	v20 =	vmul.f32 v20, v42  }
0x3e9: {  	s6 =	sadd.s32 $0x15580, s3;
	v60 =	vand.u32 $0xFFFFFC00, v26;
	v23 =	vor.u32 v52, v23  }
0x3ea: {  	v25 =	vadd.s32 $0x1, v10;
	v18 =	vadd.f32 v21, v18;
	[tilespmem:s6+$0x10] =	vst v16;
	v19 =	vadd.f32 v20, v19  }
0x3eb: {  	v59 =	vand.u32 $0x7F, v10;
	v62 =	vadd.s32 v60, v3;
	v16 =	vshll.u32 v25, $0x3;
	v22 =	vld.idx.msk [tilespmem:v22+s16+$0x0], $0xffff  }
0x3ec: {  	v61 =	vand.u32 $0xFFFFFC00, v16;
	v16 =	vld.idx.msk [tilespmem:v17+s16+$0x0], $0xffff;
	v17 =	vsub.f32 v19, v18;
	v19 =	vadd.s32 v60, v4  }
0x3ed: {  	v26 =	vand.u32 $0x7F, v25;
	v20 =	vadd.s32 v61, v4;
	v43 =	vld.idx.msk [tilespmem:v24+s16+$0x0], $0xffff;
	v19 =	vor.u32 v55, v19  }
0x3ee: {  	v10 =	vld.idx.msk [tilespmem:v23+s16+$0x0], $0xffff;
	v20 =	vor.u32 v55, v20;
	v17 =	vmul.f32 v17, v0;
	v19 =	vor.u32 v59, v19  }
0x3ef: {  	v23 =	vor.u32 v55, v62;
	v20 =	vor.u32 v26, v20;
	v24 =	vadd.s32 v61, v3  }
0x3f0: {  	v63 =	vor.u32 v55, v24;
	v17 =	vadd.f32 v17, v18;
	v18 =	vor.u32 v59, v23  }
0x3f1: {  	v23 =	vor.u32 v26, v63  }
0x3f2: {  	v21 =	vsub.f32 v43, v16;
	[tilespmem:s0+$0x40] =	vst v17  }
0x3f3: {  	v10 =	vsub.f32 v10, v22;
	v17 =	vld.idx.msk [tilespmem:v19+s16+$0x0], $0xffff;
	[tilespmem:$0x1FA00] =	vst v1  }
0x3f4: {  	v19 =	vmul.f32 v21, v1;
	v20 =	vld.idx.msk [tilespmem:v20+s16+$0x0], $0xffff  }
0x3f5: {  	v10 =	vmul.f32 v10, v1;
	v18 =	vld.idx.msk [tilespmem:v18+s16+$0x0], $0xffff  }
0x3f6: {  	v16 =	vadd.f32 v19, v16;
	v19 =	vld.idx.msk [tilespmem:v23+s16+$0x0], $0xffff  }
0x3f7: {  	v12 =	vadd.s32 v45, v11;
	v10 =	vadd.f32 v10, v22  }
0x3f8: {  	v14 =	vadd.s32 v56, v11;
	v38 =	vadd.s32 v45, v6;
	v25 =	vshll.u32 v7, $0x3  }
0x3f9: {  	v24 =	vadd.s32 v56, v6;
	v21 =	vor.u32 v9, v12;
	v16 =	vsub.f32 v16, v10  }
0x3fa: {  	v22 =	vor.u32 v9, v14;
	v21 =	vor.u32 v54, v21;
	v23 =	vor.u32 v9, v38  }
0x3fb: {  	v16 =	vmul.f32 v16, v0;
	v20 =	vsub.f32 v20, v17;
	v19 =	vsub.f32 v19, v18  }
0x3fc: {  	v24 =	vor.u32 v9, v24;
	v22 =	vor.u32 v2, v22;
	v23 =	vor.u32 v54, v23  }
0x3fd: {  	v10 =	vadd.f32 v16, v10;
	v16 =	vmul.f32 v20, v30;
	v19 =	vmul.f32 v19, v30  }
0x3fe: {  	v24 =	vor.u32 v2, v24;
	v14 =	vand.u32 $0xFFFFFC00, v25  }
0x3ff: {  	v20 =	vadd.s32 $0x1, v7;
	[tilespmem:s6+$0x20] =	vst v10;
	v16 =	vadd.f32 v16, v17;
	v17 =	vadd.f32 v19, v18  }
0x400: {  	v62 =	vand.u32 $0x7F, v7;
	v43 =	vadd.s32 v14, v3;
	v10 =	vshll.u32 v20, $0x3;
	v7 =	vld.idx.msk [tilespmem:v21+s16+$0x0], $0xffff  }
0x401: {  	v1 =	vand.u32 $0xFFFFFC00, v10;
	v10 =	vld.idx.msk [tilespmem:v22+s16+$0x0], $0xffff;
	v18 =	vadd.s32 v14, v4;
	v17 =	vsub.f32 v17, v16  }
0x402: {  	v63 =	vand.u32 $0x7F, v20;
	v20 =	vld.idx.msk [tilespmem:v23+s16+$0x0], $0xffff;
	v19 =	vadd.s32 v1, v4;
	v18 =	vor.u32 v55, v18  }
0x403: {  	v21 =	vld.idx.msk [tilespmem:v24+s16+$0x0], $0xffff;
	v19 =	vor.u32 v55, v19;
	v18 =	vor.u32 v62, v18;
	v17 =	vmul.f32 v17, v0  }
0x404: {  	v22 =	vor.u32 v55, v43;
	v12 =	vadd.s32 v1, v3;
	v19 =	vor.u32 v63, v19  }
0x405: {  	v38 =	vor.u32 v55, v12;
	v16 =	vadd.f32 v17, v16;
	v17 =	vor.u32 v62, v22  }
0x406: {  	v22 =	vor.u32 v63, v38  }
0x407: {  	[tilespmem:s0+$0x50] =	vst v16  }
0x408: {  	v10 =	vsub.f32 v10, v7;
	v16 =	vsub.f32 v21, v20;
	v18 =	vld.idx.msk [tilespmem:v18+s16+$0x0], $0xffff  }
0x409: {  	v19 =	vld.idx.msk [tilespmem:v19+s16+$0x0], $0xffff;
	[tilespmem:$0x1F700] =	vst v32  }
0x40a: {  	v10 =	vmul.f32 v10, v32;
	v16 =	vmul.f32 v16, v32;
	v17 =	vld.idx.msk [tilespmem:v17+s16+$0x0], $0xffff  }
0x40b: {  	v43 =	vld.idx.msk [tilespmem:v22+s16+$0x0], $0xffff  }
0x40c: {  	v7 =	vadd.f32 v10, v7;
	v10 =	vadd.f32 v16, v20;
	_ =	sdelay $0x1  }
0x40d: {  	v16 =	vadd.s32 v58, v11;
	v10 =	vsub.f32 v10, v7  }
0x40e: {  	v20 =	vadd.s32 v37, v11;
	v16 =	vor.u32 v9, v16;
	v19 =	vsub.f32 v19, v18  }
0x40f: {  	v20 =	vor.u32 v9, v20;
	v10 =	vmul.f32 v10, v0;
	v21 =	vsub.f32 v43, v17  }
0x410: {  	v16 =	vor.u32 v28, v16;
	v20 =	vor.u32 v27, v20;
	v19 =	vmul.f32 v19, v29  }
0x411: {  	v7 =	vadd.f32 v10, v7;
	v10 =	vadd.s32 v58, v6;
	v21 =	vmul.f32 v21, v29  }
0x412: {  	[tilespmem:$0x1F710] =	vst v58;
	v18 =	vadd.f32 v19, v18;
	v19 =	vadd.s32 v37, v6;
	v10 =	vor.u32 v9, v10  }
0x413: {  	[tilespmem:$0x1F720] =	vst v37;
	v17 =	vadd.f32 v21, v17;
	v22 =	vor.u32 v28, v10;
	v10 =	vor.u32 v9, v19  }
0x414: {  	[tilespmem:$0x1F730] =	vst v28;
	v21 =	vadd.s32 $0x1, v41;
	v19 =	vor.u32 v27, v10;
	v10 =	vshll.u32 v41, $0x3  }
0x415: {  	v32 =	vand.u32 $0x7F, v41;
	[tilespmem:$0x1F740] =	vst v27;
	v12 =	vshll.u32 v21, $0x3;
	v38 =	vand.u32 $0xFFFFFC00, v10  }
0x416: {  	[tilespmem:s6+$0x30] =	vst v7;
	v58 =	vand.u32 $0xFFFFFC00, v12;
	v17 =	vsub.f32 v17, v18;
	v43 =	vadd.s32 v38, v4  }
0x417: {  	v16 =	vld.idx.msk [tilespmem:v16+s16+$0x0], $0xffff;
	v31 =	vand.u32 $0x7F, v21;
	v24 =	vadd.s32 v58, v4;
	v12 =	vor.u32 v55, v43  }
0x418: {  	v20 =	vld.idx.msk [tilespmem:v20+s16+$0x0], $0xffff;
	v37 =	vor.u32 v55, v24;
	v17 =	vmul.f32 v17, v0;
	v21 =	vor.u32 v32, v12  }
0x419: {  	v24 =	vadd.s32 v38, v3;
	v22 =	vld.idx.msk [tilespmem:v22+s16+$0x0], $0xffff;
	v23 =	vor.u32 v31, v37  }
0x41a: {  	v25 =	vadd.s32 v58, v3;
	v24 =	vor.u32 v55, v24;
	v19 =	vld.idx.msk [tilespmem:v19+s16+$0x0], $0xffff;
	v17 =	vadd.f32 v17, v18  }
0x41b: {  	v18 =	vor.u32 v32, v24;
	v24 =	vor.u32 v55, v25  }
0x41c: {  	v24 =	vor.u32 v31, v24;
	[tilespmem:s0+$0x60] =	vst v17  }
0x41d: {  	v17 =	vld.idx.msk [tilespmem:v21+s16+$0x0], $0xffff  }
0x41e: {  	v20 =	vsub.f32 v20, v16;
	v41 =	vld.idx.msk [tilespmem:v23+s16+$0x0], $0xffff  }
0x41f: {  	v19 =	vsub.f32 v19, v22  }
0x420: {  	v20 =	vmul.f32 v20, v42;
	v18 =	vld.idx.msk [tilespmem:v18+s16+$0x0], $0xffff;
	[tilespmem:$0x1F750] =	vst v42  }
0x421: {  	v19 =	vmul.f32 v19, v42;
	v42 =	vld.idx.msk [tilespmem:v24+s16+$0x0], $0xffff  }
0x422: {  	v16 =	vadd.f32 v20, v16  }
0x423: {  	v19 =	vadd.f32 v19, v22;
	v20 =	vsub.f32 v41, v17;
	_ =	sdelay $0x1  }
0x424: {  	v19 =	vsub.f32 v19, v16;
	v20 =	vmul.f32 v20, v39  }
0x425: {  	v43 =	vsub.f32 v42, v18  }
0x426: {  	v8 =	vand.u32 $0x7F, v5;
	v19 =	vmul.f32 v19, v0;
	v17 =	vadd.f32 v20, v17  }
0x427: {  	[tilespmem:$0x1F770] =	vst v61;
	v20 =	vadd.s32 v61, v11;
	v61 =	vadd.s32 v61, v6;
	v21 =	vmul.f32 v43, v39  }
0x428: {  	v20 =	vor.u32 v9, v20;
	v22 =	vor.u32 v9, v61;
	v16 =	vadd.f32 v19, v16  }
0x429: {  	v19 =	vadd.s32 $0x1, v5;
	v5 =	vshll.u32 v5, $0x3;
	v20 =	vor.u32 v26, v20  }
0x42a: {  	v18 =	vadd.f32 v21, v18;
	v12 =	vand.u32 $0x7F, v19;
	v19 =	vshll.u32 v19, $0x3  }
0x42b: {  	v43 =	vand.u32 $0xFFFFFC00, v5;
	v5 =	vand.u32 $0xFFFFFC00, v19;
	v19 =	vadd.s32 v60, v11  }
0x42c: {  	[tilespmem:$0x1F760] =	vst v60;
	v22 =	vor.u32 v26, v22;
	v60 =	vadd.s32 v60, v6;
	v19 =	vor.u32 v9, v19  }
0x42d: {  	[tilespmem:$0x1F780] =	vst v59;
	v21 =	vor.u32 v9, v60;
	v18 =	vsub.f32 v18, v17;
	v19 =	vor.u32 v59, v19  }
0x42e: {  	[tilespmem:$0x1F790] =	vst v26;
	v37 =	vadd.s32 v43, v4;
	v41 =	vadd.s32 v43, v3;
	v21 =	vor.u32 v59, v21  }
0x42f: {  	[tilespmem:s6+$0x40] =	vst v16;
	v24 =	vadd.s32 v5, v4;
	v23 =	vor.u32 v55, v37;
	v16 =	vmul.f32 v18, v0  }
0x430: {  	v25 =	vadd.s32 v5, v3;
	v24 =	vor.u32 v55, v24;
	v18 =	vor.u32 v8, v23  }
0x431: {  	v24 =	vor.u32 v12, v24;
	v23 =	vor.u32 v55, v41;
	v16 =	vadd.f32 v16, v17;
	v17 =	vld.idx.msk [tilespmem:v20+s16+$0x0], $0xffff  }
0x432: {  	v42 =	vor.u32 v55, v25;
	v20 =	vor.u32 v8, v23;
	v19 =	vld.idx.msk [tilespmem:v19+s16+$0x0], $0xffff  }
0x433: {  	v23 =	vor.u32 v12, v42;
	v21 =	vld.idx.msk [tilespmem:v21+s16+$0x0], $0xffff  }
0x434: {  	[tilespmem:s0+$0x70] =	vst v16;
	v16 =	vld.idx.msk [tilespmem:v22+s16+$0x0], $0xffff  }
0x435: {  	v18 =	vld.idx.msk [tilespmem:v18+s16+$0x0], $0xffff  }
0x436: {  	v59 =	vld.idx.msk [tilespmem:v24+s16+$0x0], $0xffff  }
0x437: {  	v20 =	vld.idx.msk [tilespmem:v20+s16+$0x0], $0xffff  }
0x438: {  	v23 =	vld.idx.msk [tilespmem:v23+s16+$0x0], $0xffff;
	_ =	sdelay $0x1  }
0x439: {  	v7 =	vld [tilespmem:$0x1F9D0];
	_ =	sdelay $0x1  }
0x43a: {  	v17 =	vsub.f32 v17, v19;
	v16 =	vsub.f32 v16, v21  }
0x43b: {  	v22 =	vsub.f32 v59, v18;
	v23 =	vsub.f32 v23, v20  }
0x43c: {  	v17 =	vmul.f32 v17, v30;
	v16 =	vmul.f32 v16, v30  }
0x43d: {  	v22 =	vmul.f32 v22, v7;
	v23 =	vmul.f32 v23, v7  }
0x43e: {  	v17 =	vadd.f32 v17, v19;
	v16 =	vadd.f32 v16, v21  }
0x43f: {  	v18 =	vadd.f32 v22, v18;
	v19 =	vadd.f32 v23, v20;
	_ =	sdelay $0x1  }
0x440: {  	v16 =	vsub.f32 v16, v17;
	v19 =	vsub.f32 v19, v18;
	_ =	sdelay $0x1  }
0x441: {  	v20 =	vadd.s32 v1, v6;
	v16 =	vmul.f32 v16, v0;
	v19 =	vmul.f32 v19, v0  }
0x442: {  	v42 =	vand.u32 $0x7F, v15;
	v20 =	vor.u32 v9, v20  }
0x443: {  	v16 =	vadd.f32 v16, v17;
	v17 =	vadd.f32 v19, v18;
	v19 =	vshll.u32 v15, $0x3  }
0x444: {  	[tilespmem:$0x1F7A0] =	vst v30;
	v20 =	vor.u32 v63, v20;
	v18 =	vadd.s32 $0x1, v15;
	v41 =	vand.u32 $0xFFFFFC00, v19  }
0x445: {  	[tilespmem:$0x1F7B0] =	vst v14;
	v59 =	vand.u32 $0x7F, v18;
	v60 =	vshll.u32 v18, $0x3;
	v18 =	vadd.s32 v14, v11  }
0x446: {  	[tilespmem:$0x1F7C0] =	vst v1;
	v19 =	vadd.s32 v1, v11;
	v60 =	vand.u32 $0xFFFFFC00, v60;
	v61 =	vor.u32 v9, v18  }
0x447: {  	[tilespmem:$0x1F7D0] =	vst v62;
	v18 =	vor.u32 v9, v19;
	v19 =	vadd.s32 v14, v6;
	v15 =	vor.u32 v62, v61  }
0x448: {  	[tilespmem:$0x1F7E0] =	vst v63;
	v14 =	vadd.s32 v41, v4;
	v18 =	vor.u32 v63, v18;
	v19 =	vor.u32 v9, v19  }
0x449: {  	[tilespmem:s6+$0x50] =	vst v16;
	v37 =	vadd.s32 v60, v4;
	v21 =	vor.u32 v55, v14;
	v19 =	vor.u32 v62, v19  }
0x44a: {  	[tilespmem:s0+$0x400] =	vst v17;
	v24 =	vadd.s32 v60, v3;
	v22 =	vor.u32 v55, v37;
	v16 =	vor.u32 v42, v21  }
0x44b: {  	v17 =	vld.idx.msk [tilespmem:v20+s16+$0x0], $0xffff;
	v62 =	vadd.s32 v41, v3;
	v24 =	vor.u32 v55, v24;
	v61 =	vor.u32 v59, v22  }
0x44c: {  	v22 =	vor.u32 v55, v62;
	v24 =	vor.u32 v59, v24;
	v15 =	vld.idx.msk [tilespmem:v15+s16+$0x0], $0xffff  }
0x44d: {  	v22 =	vor.u32 v42, v22;
	v18 =	vld.idx.msk [tilespmem:v18+s16+$0x0], $0xffff  }
0x44e: {  	v19 =	vld.idx.msk [tilespmem:v19+s16+$0x0], $0xffff  }
0x44f: {  	v16 =	vld.idx.msk [tilespmem:v16+s16+$0x0], $0xffff  }
0x450: {  	s10 =	simm.s32 $0x63;
	v21 =	vld.idx.msk [tilespmem:v61+s16+$0x0], $0xffff  }
0x451: {  	v63 =	vmov s10;
	v24 =	vld.idx.msk [tilespmem:v24+s16+$0x0], $0xffff  }
0x452: {  	v25 =	vshrl.u32 v63, $0x3;
	v22 =	vld.idx.msk [tilespmem:v22+s16+$0x0], $0xffff  }
0x453: {  	v27 =	vmul.u32 $0xC00, v25  }
0x454: {  	v20 =	vshll.u32 v63, $0x7;
	v62 =	vld [tilespmem:$0x1F800];
	v18 =	vsub.f32 v18, v15;
	v17 =	vsub.f32 v17, v19  }
0x455: {  	v26 =	vand.u32 $0x380, v20;
	v20 =	vadd.s32 v34, v27  }
0x456: {  	v14 =	vadd.s32 v35, v27;
	v18 =	vmul.f32 v18, v29;
	v17 =	vmul.f32 v17, v29  }
0x457: {  	v20 =	vor.u32 v26, v20;
	v21 =	vsub.f32 v21, v16;
	v24 =	vsub.f32 v24, v22  }
0x458: {  	v23 =	vor.u32 v26, v14;
	v15 =	vadd.f32 v18, v15;
	v17 =	vadd.f32 v17, v19  }
0x459: {  	v20 =	vor.u32 v33, v20;
	v21 =	vmul.f32 v21, v62;
	v24 =	vmul.f32 v24, v62  }
0x45a: {  	v23 =	vor.u32 v36, v23;
	v17 =	vsub.f32 v17, v15  }
0x45b: {  	v16 =	vadd.f32 v21, v16;
	v18 =	vadd.f32 v24, v22  }
0x45c: {  	v17 =	vmul.f32 v17, v0  }
0x45d: {  	v18 =	vsub.f32 v18, v16  }
0x45e: {  	v20 =	vld.idx.msk [tilespmem:v20+s16+$0x0], $0xffff;
	v15 =	vadd.f32 v17, v15;
	v17 =	vadd.s32 $0x6, v25  }
0x45f: {  	v23 =	vld.idx.msk [tilespmem:v23+s16+$0x0], $0xffff;
	v18 =	vmul.f32 v18, v0;
	v28 =	vmul.u32 $0xC00, v17  }
0x460: {  	v10 =	vand.u32 $0x7F, v57;
	v17 =	vshll.u32 v57, $0x3  }
0x461: {  	v16 =	vadd.f32 v18, v16;
	v37 =	vand.u32 $0xFFFFFC00, v17;
	v17 =	vadd.s32 v34, v28  }
0x462: {  	v18 =	vadd.s32 $0x1, v57;
	v57 =	vor.u32 v26, v17;
	v17 =	vadd.s32 v35, v28  }
0x463: {  	[tilespmem:$0x1F7F0] =	vst v29;
	v29 =	vadd.s32 v58, v6;
	v14 =	vor.u32 v33, v57;
	v17 =	vor.u32 v26, v17  }
0x464: {  	v19 =	vsub.f32 v23, v20;
	v21 =	vadd.s32 v38, v11;
	v22 =	vor.u32 v36, v17  }
0x465: {  	v29 =	vor.u32 v9, v29;
	v21 =	vor.u32 v9, v21  }
0x466: {  	s14 =	simm.s32 $0x62;
	v29 =	vor.u32 v31, v29;
	v19 =	vmul.f32 v19, v40;
	v21 =	vor.u32 v32, v21  }
0x467: {  	v7 =	vand.u32 $0x7F, v18;
	v23 =	vshll.u32 v18, $0x3;
	v18 =	vmov s14  }
0x468: {  	v20 =	vadd.f32 v19, v20;
	v25 =	vadd.s32 v38, v6;
	v19 =	vshll.u32 v18, $0x7;
	v14 =	vld.idx.msk [tilespmem:v14+s16+$0x0], $0xffff;
	[tilespmem:$0x1F810] =	vst v38  }
0x469: {  	v25 =	vor.u32 v9, v25;
	v63 =	vshrl.u32 v18, $0x3;
	v18 =	vand.u32 $0x300, v19;
	v22 =	vld.idx.msk [tilespmem:v22+s16+$0x0], $0xffff;
	[tilespmem:$0x1F820] =	vst v58  }
0x46a: {  	v57 =	vmul.u32 $0xC00, v63;
	v19 =	vadd.s32 $0x6, v63;
	v63 =	vadd.s32 v58, v11;
	[tilespmem:$0x1F830] =	vst v32  }
0x46b: {  	v25 =	vor.u32 v32, v25;
	v61 =	vand.u32 $0xFFFFFC00, v23;
	v23 =	vor.u32 v9, v63;
	[tilespmem:$0x1F840] =	vst v31  }
0x46c: {  	v1 =	vmul.u32 $0xC00, v19;
	v23 =	vor.u32 v31, v23;
	v30 =	vadd.s32 v35, v57;
	[tilespmem:$0x1F850] =	vst v34  }
0x46d: {  	v63 =	vadd.s32 v37, v4;
	v24 =	vadd.s32 v34, v57;
	v30 =	vor.u32 v18, v30;
	[tilespmem:s6+$0x60] =	vst v15  }
0x46e: {  	v24 =	vor.u32 v18, v24;
	v30 =	vor.u32 v36, v30;
	v38 =	vadd.s32 v61, v4;
	[tilespmem:$0x1F860] =	vst v35  }
0x46f: {  	v31 =	vadd.s32 v34, v1;
	v32 =	vor.u32 v55, v63;
	v15 =	vor.u32 v33, v24;
	[tilespmem:$0x1F870] =	vst v33  }
0x470: {  	v58 =	vadd.s32 v37, v3;
	v63 =	vadd.s32 v61, v3;
	v24 =	vor.u32 v18, v31;
	v21 =	vld.idx.msk [tilespmem:v21+s16+$0x0], $0xffff  }
0x471: {  	v31 =	vadd.s32 v35, v1;
	v23 =	vld.idx.msk [tilespmem:v23+s16+$0x0], $0xffff;
	[tilespmem:$0x1F880] =	vst v36;
	v22 =	vsub.f32 v22, v14  }
0x472: {  	v32 =	vor.u32 v10, v32;
	v31 =	vor.u32 v18, v31;
	v24 =	vor.u32 v33, v24;
	v25 =	vld.idx.msk [tilespmem:v25+s16+$0x0], $0xffff  }
0x473: {  	v31 =	vor.u32 v36, v31;
	v29 =	vld.idx.msk [tilespmem:v29+s16+$0x0], $0xffff;
	[tilespmem:$0x1F890] =	vst v37;
	v22 =	vmul.f32 v22, v40  }
0x474: {  	v34 =	vor.u32 v55, v58;
	v33 =	vor.u32 v55, v38;
	v15 =	vld.idx.msk [tilespmem:v15+s16+$0x0], $0xffff;
	[tilespmem:$0x1F8A0] =	vst v61  }
0x475: {  	v33 =	vor.u32 v7, v33;
	v14 =	vadd.f32 v22, v14;
	v22 =	vld.idx.msk [tilespmem:v30+s16+$0x0], $0xffff;
	[tilespmem:$0x1F8B0] =	vst v10  }
0x476: {  	v38 =	vadd.s32 v48, v27;
	v36 =	vor.u32 v55, v63;
	v37 =	vadd.s32 v47, v27;
	[tilespmem:s0+$0x410] =	vst v16  }
0x477: {  	v30 =	vor.u32 v10, v34;
	v16 =	vld.idx.msk [tilespmem:v24+s16+$0x0], $0xffff;
	[tilespmem:$0x1F8C0] =	vst v7;
	v14 =	vsub.f32 v14, v20  }
0x478: {  	v35 =	vor.u32 v26, v38;
	v34 =	vor.u32 v26, v37;
	v24 =	vor.u32 v7, v36;
	v31 =	vld.idx.msk [tilespmem:v31+s16+$0x0], $0xffff  }
0x479: {  	v61 =	vadd.s32 v48, v28;
	v34 =	vor.u32 v46, v34;
	v32 =	vld.idx.msk [tilespmem:v32+s16+$0x0], $0xffff;
	v14 =	vmul.f32 v14, v0  }
0x47a: {  	s31 =	simm.s32 $0x3300;
	s30 =	simm.s32 $0x1980;
	v58 =	vadd.s32 v47, v28;
	v35 =	vor.u32 v49, v35;
	v63 =	vor.u32 v26, v61;
	v33 =	vld.idx.msk [tilespmem:v33+s16+$0x0], $0xffff  }
0x47b: {  	s15 =	sand.u32 $0x7800, s31;
	s8 =	sand.u32 $0x380, s30;
	v36 =	vor.u32 v26, v58;
	v58 =	vsub.f32 v29, v25;
	v14 =	vadd.f32 v14, v20  }
0x47c: {  	s7 =	sor.u32 s8, s15;
	v38 =	vsub.f32 v23, v21;
	v37 =	vadd.s32 v43, v11;
	v30 =	vld.idx.msk [tilespmem:v30+s16+$0x0], $0xffff;
	v22 =	vsub.f32 v22, v15  }
0x47d: {  	v23 =	vmul.f32 v58, v39;
	v20 =	vor.u32 v46, v36;
	v24 =	vld.idx.msk [tilespmem:v24+s16+$0x0], $0xffff;
	[tilespmem:s7+$0x12580] =	vst v14  }
0x47e: {  	v36 =	vor.u32 v49, v63;
	v22 =	vmul.f32 v22, v40;
	v31 =	vsub.f32 v31, v16;
	v29 =	vld.idx.msk [tilespmem:v34+s16+$0x0], $0xffff  }
0x47f: {  	v23 =	vadd.f32 v23, v25;
	v14 =	vmul.f32 v38, v39;
	v33 =	vsub.f32 v33, v32;
	v61 =	vld.idx.msk [tilespmem:v35+s16+$0x0], $0xffff  }
0x480: {  	v38 =	vadd.s32 v5, v6;
	v15 =	vadd.f32 v22, v15;
	v10 =	vld [tilespmem:$0x1F900];
	v63 =	vmul.f32 v31, v40  }
0x481: {  	[tilespmem:$0x1F8D0] =	vst v39;
	v39 =	vor.u32 v9, v38;
	v14 =	vadd.f32 v14, v21;
	v33 =	vmul.f32 v33, v13  }
0x482: {  	v20 =	vld.idx.msk [tilespmem:v20+s16+$0x0], $0xffff;
	v24 =	vsub.f32 v24, v30;
	[tilespmem:$0x1F8E0] =	vst v40;
	v16 =	vadd.f32 v63, v16  }
0x483: {  	v21 =	vadd.s32 v51, v27;
	v40 =	vadd.s32 v48, v57;
	v31 =	vld.idx.msk [tilespmem:v36+s16+$0x0], $0xffff;
	v23 =	vsub.f32 v23, v14  }
0x484: {  	[tilespmem:$0x1F8F0] =	vst v13;
	v32 =	vadd.f32 v33, v32;
	v13 =	vmul.f32 v24, v13;
	v16 =	vsub.f32 v16, v15  }
0x485: {  	v24 =	vsub.f32 v61, v29;
	v23 =	vmul.f32 v23, v0;
	v7 =	vand.u32 $0x7F, v10  }
0x486: {  	v34 =	vshll.u32 v10, $0x3;
	v22 =	vadd.f32 v13, v30;
	v13 =	vor.u32 v9, v37  }
0x487: {  	v30 =	vadd.s32 v47, v57;
	v16 =	vmul.f32 v16, v0;
	v24 =	vmul.f32 v24, v44  }
0x488: {  	[tilespmem:$0x1F910] =	vst v43;
	v14 =	vadd.f32 v23, v14;
	v30 =	vor.u32 v18, v30;
	v25 =	vsub.f32 v31, v20  }
0x489: {  	s9 =	simm.s32 $0x100;
	s17 =	simm.s32 $0x200;
	[tilespmem:$0x1F920] =	vst v5;
	v13 =	vor.u32 v8, v13;
	v22 =	vsub.f32 v22, v32;
	v31 =	vadd.s32 v43, v6  }
0x48a: {  	s9 =	sand.u32 $0x300, s9;
	s8 =	sand.u32 $0x3800, s17;
	v43 =	vadd.s32 v47, v1;
	[tilespmem:s6+$0x70] =	vst v14;
	v33 =	vmul.f32 v25, v44;
	v25 =	vadd.f32 v16, v15  }
0x48b: {  	s15 =	sor.u32 s9, s8;
	v24 =	vadd.f32 v24, v29;
	v29 =	vadd.s32 v5, v11;
	v22 =	vmul.f32 v22, v0;
	[tilespmem:$0x1F930] =	vst v8  }
0x48c: {  	v31 =	vor.u32 v9, v31;
	v14 =	vor.u32 v12, v39;
	v29 =	vor.u32 v9, v29;
	[tilespmem:s15+$0x15580] =	vst v25  }
0x48d: {  	v16 =	vand.u32 $0xFFFFFC00, v34;
	v29 =	vor.u32 v12, v29;
	v22 =	vadd.f32 v22, v32;
	[tilespmem:$0x1F940] =	vst v12  }
0x48e: {  	v31 =	vor.u32 v8, v31;
	v58 =	vadd.s32 v16, v4;
	v63 =	vadd.s32 v16, v3;
	[tilespmem:$0x1F950] =	vst v47  }
0x48f: {  	v23 =	vadd.f32 v33, v20;
	v25 =	vor.u32 v18, v40;
	v33 =	vor.u32 v55, v58;
	[tilespmem:s0+$0x420] =	vst v22  }
0x490: {  	v47 =	vor.u32 v46, v30;
	v30 =	vor.u32 v18, v43;
	v25 =	vor.u32 v49, v25;
	[tilespmem:$0x1F960] =	vst v48  }
0x491: {  	v20 =	vadd.s32 $0x1, v10;
	v33 =	vor.u32 v7, v33;
	v48 =	vadd.s32 v48, v1;
	v13 =	vld.idx.msk [tilespmem:v13+s16+$0x0], $0xffff;
	[tilespmem:$0x1F970] =	vst v46  }
0x492: {  	v35 =	vshll.u32 v20, $0x3;
	v30 =	vor.u32 v46, v30;
	v32 =	vor.u32 v18, v48;
	v29 =	vld.idx.msk [tilespmem:v29+s16+$0x0], $0xffff;
	[tilespmem:$0x1F980] =	vst v49  }
0x493: {  	v36 =	vand.u32 $0xFFFFFC00, v35;
	v23 =	vsub.f32 v23, v24;
	v32 =	vor.u32 v49, v32;
	v31 =	vld.idx.msk [tilespmem:v31+s16+$0x0], $0xffff;
	[tilespmem:$0x1F990] =	vst v16  }
0x494: {  	v35 =	vor.u32 v55, v63;
	v61 =	vadd.s32 v36, v4;
	v14 =	vld.idx.msk [tilespmem:v14+s16+$0x0], $0xffff;
	[tilespmem:$0x1F9A0] =	vst v36  }
0x495: {  	v10 =	vand.u32 $0x7F, v20;
	v34 =	vor.u32 v55, v61;
	v23 =	vmul.f32 v23, v0;
	v22 =	vld.idx.msk [tilespmem:v47+s16+$0x0], $0xffff;
	[tilespmem:$0x1F9B0] =	vst v7  }
0x496: {  	v15 =	vadd.s32 v36, v3;
	v35 =	vor.u32 v7, v35;
	v34 =	vor.u32 v10, v34;
	v25 =	vld.idx.msk [tilespmem:v25+s16+$0x0], $0xffff  }
0x497: {  	v23 =	vadd.f32 v23, v24;
	v36 =	vor.u32 v55, v15;
	v30 =	vld.idx.msk [tilespmem:v30+s16+$0x0], $0xffff;
	[tilespmem:$0x1F9C0] =	vst v10  }
0x498: {  	v37 =	vor.u32 v26, v21;
	s6 =	sadd.s32 $0x12580, s7;
	v36 =	vor.u32 v10, v36;
	v32 =	vld.idx.msk [tilespmem:v32+s16+$0x0], $0xffff  }
0x499: {  	v37 =	vor.u32 v50, v37;
	v40 =	vadd.s32 v53, v27;
	v33 =	vld.idx.msk [tilespmem:v33+s16+$0x0], $0xffff;
	[tilespmem:s6+$0x10] =	vst v23  }
0x49a: {  	v38 =	vor.u32 v26, v40;
	v43 =	vadd.s32 v51, v28;
	v5 =	vld [tilespmem:$0x1F9D0]  }
0x49b: {  	v38 =	vor.u32 v52, v38;
	v39 =	vor.u32 v26, v43;
	v46 =	vadd.s32 v53, v28;
	v24 =	vld.idx.msk [tilespmem:v34+s16+$0x0], $0xffff  }
0x49c: {  	v48 =	vor.u32 v26, v46;
	v47 =	vor.u32 v50, v39;
	v35 =	vld.idx.msk [tilespmem:v35+s16+$0x0], $0xffff  }
0x49d: {  	v39 =	vor.u32 v52, v48;
	v29 =	vsub.f32 v29, v13;
	v14 =	vsub.f32 v14, v31;
	v49 =	vld.idx.msk [tilespmem:v36+s16+$0x0], $0xffff  }
0x49e: {  	v58 =	vld.idx.msk [tilespmem:v37+s16+$0x0], $0xffff  }
0x49f: {  	v29 =	vmul.f32 v29, v5;
	v14 =	vmul.f32 v14, v5;
	v5 =	vld [tilespmem:$0x1F9F0]  }
0x4a0: {  	v61 =	vld.idx.msk [tilespmem:v38+s16+$0x0], $0xffff  }
0x4a1: {  	v34 =	vld.idx.msk [tilespmem:v47+s16+$0x0], $0xffff  }
0x4a2: {  	v63 =	vld.idx.msk [tilespmem:v39+s16+$0x0], $0xffff;
	v24 =	vsub.f32 v24, v33;
	v23 =	vsub.f32 v49, v35;
	_ =	sdelay $0x1  }
0x4a3: {  	v25 =	vsub.f32 v25, v22;
	v24 =	vmul.f32 v24, v5;
	v23 =	vmul.f32 v23, v5;
	v5 =	vld [tilespmem:$0x1FA00]  }
0x4a4: {  	v13 =	vadd.f32 v29, v13;
	v29 =	vsub.f32 v32, v30  }
0x4a5: {  	v25 =	vmul.f32 v25, v44;
	v14 =	vadd.f32 v14, v31  }
0x4a6: {  	v31 =	vsub.f32 v61, v58;
	v39 =	vsub.f32 v63, v34;
	v29 =	vmul.f32 v29, v44  }
0x4a7: {  	v22 =	vadd.f32 v25, v22  }
0x4a8: {  	v25 =	vadd.f32 v29, v30;
	v29 =	vmul.f32 v31, v5;
	v30 =	vmul.f32 v39, v5  }
0x4a9: {  	v24 =	vadd.f32 v24, v33;
	v23 =	vadd.f32 v23, v35  }
0x4aa: {  	v29 =	vadd.f32 v29, v58;
	v30 =	vadd.f32 v30, v34  }
0x4ab: {  	v14 =	vsub.f32 v14, v13;
	v25 =	vsub.f32 v25, v22  }
0x4ac: {  	v23 =	vsub.f32 v23, v24;
	v30 =	vsub.f32 v30, v29  }
0x4ad: {  	v10 =	vld [tilespmem:$0x1FA30];
	v14 =	vmul.f32 v14, v0;
	v25 =	vmul.f32 v25, v0  }
0x4ae: {  	[tilespmem:$0x1FA10] =	vst v0;
	v23 =	vmul.f32 v23, v0;
	v30 =	vmul.f32 v30, v0;
	v0 =	vld [tilespmem:$0x1FA20];
	_ =	sdelay $0x3  }
0x4af: {  	[tilespmem:$0x1F9E0] =	vst v44  }
0x4b0: {  	[tilespmem:$0x1FA80] =	vst v41;
	v48 =	vshll.u32 v10, $0x3;
	v40 =	vadd.f32 v23, v24;
	v44 =	vadd.s32 $0x1, v0  }
0x4b1: {  	[tilespmem:$0x1FA90] =	vst v60;
	v24 =	vmovc v1;
	v7 =	vand.u32 $0x7F, v0;
	v1 =	vshll.u32 v0, $0x3;
	v0 =	vand.u32 $0x7F, v10  }
0x4b2: {  	v47 =	vadd.s32 $0x1, v10;
	v61 =	vadd.s32 v60, v6;
	[tilespmem:$0x1FA40] =	vst v0;
	v0 =	vand.u32 $0xFFFFFC00, v48  }
0x4b3: {  	v31 =	vadd.f32 v14, v13;
	v14 =	vshll.u32 v47, $0x3;
	[tilespmem:$0x1FA50] =	vst v0;
	v0 =	vand.u32 $0x7F, v47  }
0x4b4: {  	v12 =	vor.u32 v9, v61;
	[tilespmem:$0x1FA60] =	vst v0;
	v0 =	vand.u32 $0xFFFFFC00, v14  }
0x4b5: {  	v49 =	vadd.s32 v60, v11;
	v13 =	vor.u32 v59, v12;
	v43 =	vadd.f32 v25, v22;
	[tilespmem:$0x1FA70] =	vst v0  }
0x4b6: {  	v58 =	vadd.s32 v41, v6;
	v29 =	vadd.f32 v30, v29;
	v30 =	vadd.s32 v41, v11;
	[tilespmem:s3+$0x15980] =	vst v31  }
0x4b7: {  	v34 =	vor.u32 v9, v49;
	v35 =	vor.u32 v9, v58;
	v30 =	vor.u32 v9, v30;
	[tilespmem:$0x1FAA0] =	vst v42  }
0x4b8: {  	v63 =	vor.u32 v42, v35;
	v30 =	vor.u32 v42, v30;
	v46 =	vshll.u32 v44, $0x3;
	[tilespmem:s0+$0x430] =	vst v40  }
0x4b9: {  	s17 =	sadd.s32 $0x15580, s15;
	v8 =	vand.u32 $0xFFFFFC00, v1;
	v1 =	vand.u32 $0x7F, v44;
	v31 =	vor.u32 v59, v34;
	[tilespmem:$0x1FAB0] =	vst v59  }
0x4ba: {  	v5 =	vand.u32 $0xFFFFFC00, v46;
	v15 =	vadd.s32 v8, v4;
	v44 =	vadd.s32 v8, v3;
	[tilespmem:s17+$0x10] =	vst v43  }
0x4bb: {  	v14 =	vadd.s32 v51, v57;
	v21 =	vor.u32 v55, v15;
	v22 =	vadd.s32 v5, v4;
	[tilespmem:s6+$0x20] =	vst v29  }
0x4bc: {  	v46 =	vadd.s32 v5, v3;
	v23 =	vor.u32 v7, v21;
	v29 =	vor.u32 v55, v22;
	[tilespmem:$0x1FAC0] =	vst v8  }
0x4bd: {  	v33 =	vld.idx.msk [tilespmem:v30+s16+$0x0], $0xffff;
	v30 =	vor.u32 v1, v29;
	v29 =	vor.u32 v55, v44;
	[tilespmem:$0x1FAD0] =	vst v5  }
0x4be: {  	v35 =	vor.u32 v18, v14;
	v47 =	vld.idx.msk [tilespmem:v31+s16+$0x0], $0xffff;
	[tilespmem:$0x1FAE0] =	vst v7;
	v48 =	vor.u32 v7, v29  }
0x4bf: {  	v29 =	vor.u32 v55, v46;
	v31 =	vadd.s32 v53, v57;
	v34 =	vld.idx.msk [tilespmem:v63+s16+$0x0], $0xffff;
	[tilespmem:$0x1FAF0] =	vst v1  }
0x4c0: {  	v31 =	vor.u32 v18, v31;
	v37 =	vor.u32 v1, v29;
	v29 =	vadd.s32 v45, v27;
	[tilespmem:$0x1FB00] =	vst v52  }
0x4c1: {  	v35 =	vor.u32 v50, v35;
	v38 =	vor.u32 v52, v31;
	v49 =	vld.idx.msk [tilespmem:v13+s16+$0x0], $0xffff;
	v29 =	vor.u32 v26, v29  }
0x4c2: {  	v31 =	vadd.s32 v56, v27;
	v0 =	vor.u32 v54, v29;
	v29 =	vld.idx.msk [tilespmem:v23+s16+$0x0], $0xffff;
	[tilespmem:$0x1FB10] =	vst v45  }
0x4c3: {  	v61 =	vadd.s32 v51, v24;
	v58 =	vor.u32 v26, v31;
	v31 =	vld.idx.msk [tilespmem:v30+s16+$0x0], $0xffff;
	[tilespmem:$0x1FB20] =	vst v56  }
0x4c4: {  	v39 =	vor.u32 v18, v61;
	v52 =	vadd.s32 v45, v28;
	v30 =	vadd.s32 v56, v28;
	[tilespmem:$0x1FB30] =	vst v54  }
0x4c5: {  	v32 =	vor.u32 v26, v52;
	v59 =	vor.u32 v26, v30;
	v30 =	vld.idx.msk [tilespmem:v48+s16+$0x0], $0xffff;
	[tilespmem:$0x1FB40] =	vst v2  }
0x4c6: {  	v63 =	vadd.s32 v53, v24;
	v41 =	vor.u32 v54, v32;
	v32 =	vld.idx.msk [tilespmem:v37+s16+$0x0], $0xffff;
	[tilespmem:$0x1FB50] =	vst v51  }
0x4c7: {  	v40 =	vor.u32 v2, v58;
	v60 =	vsub.f32 v47, v33;
	v37 =	vld.idx.msk [tilespmem:v35+s16+$0x0], $0xffff;
	[tilespmem:$0x1FB60] =	vst v53  }
0x4c8: {  	v43 =	vor.u32 v50, v39;
	v44 =	vor.u32 v18, v63;
	[tilespmem:$0x1FB70] =	vst v50  }
0x4c9: {  	s14 =	sadd.s32 $0x15980, s15;
	s7 =	simm.s32 $0x2;
	s3 =	sadd.s32 $0x15980, s3;
	v42 =	vor.u32 v2, v59;
	v35 =	vsub.f32 v49, v34;
	v36 =	vmul.f32 v60, v62;
	v39 =	vld.idx.msk [tilespmem:v0+s16+$0x0], $0xffff  }
.LBB2_5:
0x4ca: {  	_ = 	snop  }
0x4cb: {  	v0 =	vld [tilespmem:$0x1FB00]  }
0x4cc: {  	v40 =	vld.idx.msk [tilespmem:v40+s16+$0x0], $0xffff  }
0x4cd: {  	v41 =	vld.idx.msk [tilespmem:v41+s16+$0x0], $0xffff  }
0x4ce: {  	v23 =	vld.idx.msk [tilespmem:v42+s16+$0x0], $0xffff  }
0x4cf: {  	v1 =	vld [tilespmem:$0x1F890]  }
0x4d0: {  	v38 =	vld.idx.msk [tilespmem:v38+s16+$0x0], $0xffff  }
0x4d1: {  	v44 =	vor.u32 v0, v44;
	v0 =	vld [tilespmem:$0x1F800]  }
0x4d2: {  	v43 =	vld.idx.msk [tilespmem:v43+s16+$0x0], $0xffff  }
0x4d3: {  	v19 =	vld [tilespmem:$0x1FA50]  }
0x4d4: {  	v12 =	vld [tilespmem:$0x1FA70]  }
0x4d5: {  	v52 =	vld [tilespmem:$0x1F710]  }
0x4d6: {  	v51 =	vld [tilespmem:$0x1F700];
	v35 =	vmul.f32 v35, v0  }
0x4d7: {  	v33 =	vadd.f32 v36, v33;
	v56 =	vadd.s32 v1, v11;
	v0 =	vld [tilespmem:$0x1F8A0]  }
0x4d8: {  	v31 =	vsub.f32 v31, v29;
	v34 =	vadd.f32 v35, v34;
	v35 =	vor.u32 v9, v56;
	v56 =	vld [tilespmem:$0x1F6E0]  }
0x4d9: {  	v15 =	vld [tilespmem:$0x1FA60];
	v32 =	vsub.f32 v32, v30;
	v46 =	vadd.s32 v1, v6;
	v48 =	vadd.s32 v19, v4  }
0x4da: {  	v49 =	vadd.s32 v12, v4;
	v59 =	vsub.f32 v23, v41;
	v62 =	vadd.s32 v19, v3;
	v1 =	vld [tilespmem:$0x1FB10]  }
0x4db: {  	v4 =	vmovc v27;
	v63 =	vadd.s32 v12, v3;
	v38 =	vsub.f32 v38, v37;
	v60 =	vor.u32 v55, v48;
	v48 =	vld [tilespmem:$0x1F720]  }
0x4dc: {  	v27 =	vadd.s32 v52, v4;
	v61 =	vor.u32 v55, v49;
	v44 =	vld.idx.msk [tilespmem:v44+s16+$0x0], $0xffff;
	v58 =	vadd.s32 v0, v11  }
0x4dd: {  	v47 =	vadd.s32 v0, v6;
	v0 =	vld [tilespmem:$0x1FA00];
	v31 =	vmul.f32 v31, v56;
	v32 =	vmul.f32 v32, v56  }
0x4de: {  	v17 =	vld [tilespmem:$0x1FA10];
	v22 =	vor.u32 v55, v62;
	v23 =	vor.u32 v55, v63;
	v55 =	vmovc v26;
	v21 =	vor.u32 v15, v61  }
0x4df: {  	v14 =	vld [tilespmem:$0x1FA40];
	v27 =	vor.u32 v55, v27;
	v29 =	vadd.f32 v31, v29;
	v30 =	vadd.f32 v32, v30  }
0x4e0: {  	v5 =	vld [tilespmem:$0x1F730];
	v13 =	vadd.s32 v1, v57;
	v42 =	vor.u32 v9, v58;
	v31 =	vsub.f32 v40, v39  }
0x4e1: {  	v7 =	vld [tilespmem:$0x1F740];
	v58 =	vsub.f32 v44, v43;
	v32 =	vmul.f32 v59, v51;
	v30 =	vsub.f32 v30, v29  }
0x4e2: {  	v2 =	vld [tilespmem:$0x1F8B0];
	v53 =	vadd.s32 v48, v4;
	v38 =	vmul.f32 v38, v0;
	v31 =	vmul.f32 v31, v51  }
0x4e3: {  	v3 =	vmovc v28;
	v62 =	vmul.f32 v58, v0;
	v0 =	vld [tilespmem:$0x1FB20];
	v32 =	vadd.f32 v32, v41;
	v28 =	vmul.f32 v30, v17  }
0x4e4: {  	v8 =	vld [tilespmem:$0x1F8C0];
	v41 =	vor.u32 v18, v13;
	v31 =	vadd.f32 v31, v39;
	v39 =	vor.u32 v15, v23  }
0x4e5: {  	v13 =	vld [tilespmem:$0x1F6F0];
	v61 =	vadd.f32 v38, v37;
	v28 =	vadd.f32 v28, v29;
	v29 =	vor.u32 v14, v22  }
0x4e6: {  	v37 =	vadd.f32 v62, v43;
	v62 =	vld [tilespmem:$0x1F770];
	v30 =	vor.u32 v14, v60;
	v26 =	vsub.f32 v32, v31  }
0x4e7: {  	v27 =	vor.u32 v5, v27;
	v23 =	vadd.s32 v1, v24;
	v1 =	vld [tilespmem:$0x1FB30];
	v32 =	vor.u32 v55, v53  }
0x4e8: {  	v22 =	vadd.s32 v0, v57;
	v49 =	vadd.s32 v0, v24;
	v0 =	vld [tilespmem:$0x1FB40];
	[tilespmem:s0+$0x440] =	vst v28;
	v26 =	vmul.f32 v26, v17  }
0x4e9: {  	v34 =	vsub.f32 v34, v33;
	v32 =	vor.u32 v7, v32;
	v28 =	vadd.s32 v52, v3;
	v39 =	vld.idx.msk [tilespmem:v39+s16+$0x0], $0xffff  }
0x4ea: {  	v54 =	vadd.s32 v48, v3;
	v28 =	vor.u32 v55, v28;
	v26 =	vadd.f32 v26, v31;
	v29 =	vld.idx.msk [tilespmem:v29+s16+$0x0], $0xffff  }
0x4eb: {  	v34 =	vmul.f32 v34, v17;
	v30 =	vld.idx.msk [tilespmem:v30+s16+$0x0], $0xffff;
	v28 =	vor.u32 v5, v28;
	v31 =	vor.u32 v55, v54  }
0x4ec: {  	v36 =	vld.idx.msk [tilespmem:v21+s16+$0x0], $0xffff;
	v31 =	vor.u32 v7, v31;
	[tilespmem:s6+$0x30] =	vst v26  }
0x4ed: {  	v59 =	vor.u32 v2, v35;
	v26 =	vadd.f32 v34, v33;
	v63 =	vld.idx.msk [tilespmem:v27+s16+$0x0], $0xffff  }
0x4ee: {  	v27 =	vor.u32 v9, v46;
	v32 =	vld.idx.msk [tilespmem:v32+s16+$0x0], $0xffff  }
0x4ef: {  	[tilespmem:s3+$0x10] =	vst v26;
	v26 =	vor.u32 v2, v27;
	v2 =	vld [tilespmem:$0x1F8F0];
	v39 =	vsub.f32 v39, v29  }
0x4f0: {  	v60 =	vor.u32 v8, v42;
	v21 =	vld.idx.msk [tilespmem:v28+s16+$0x0], $0xffff  }
0x4f1: {  	v37 =	vsub.f32 v37, v61;
	v27 =	vor.u32 v9, v47;
	v31 =	vld.idx.msk [tilespmem:v31+s16+$0x0], $0xffff;
	v50 =	vmul.f32 v39, v13  }
0x4f2: {  	v36 =	vsub.f32 v36, v30;
	v27 =	vor.u32 v8, v27;
	v33 =	vld.idx.msk [tilespmem:v59+s16+$0x0], $0xffff  }
0x4f3: {  	v37 =	vmul.f32 v37, v17;
	v29 =	vadd.f32 v50, v29;
	v50 =	vld [tilespmem:$0x1F750]  }
0x4f4: {  	v43 =	vor.u32 v18, v22;
	v41 =	vor.u32 v1, v41;
	v46 =	vld.idx.msk [tilespmem:v26+s16+$0x0], $0xffff;
	v26 =	vmul.f32 v36, v13  }
0x4f5: {  	v35 =	vadd.f32 v37, v61;
	v54 =	vor.u32 v18, v23;
	v34 =	vld.idx.msk [tilespmem:v60+s16+$0x0], $0xffff;
	v32 =	vsub.f32 v32, v63  }
0x4f6: {  	s8 =	sadd.s32 $0x62, s7;
	v53 =	vor.u32 v0, v43;
	v60 =	vld [tilespmem:$0x1F760];
	v26 =	vadd.f32 v26, v30;
	v31 =	vsub.f32 v31, v21  }
0x4f7: {  	v45 =	vmov s8;
	v58 =	vld.idx.msk [tilespmem:v27+s16+$0x0], $0xffff;
	v27 =	vor.u32 v18, v49;
	v30 =	vor.u32 v1, v54  }
0x4f8: {  	[tilespmem:s17+$0x20] =	vst v35;
	v1 =	vld [tilespmem:$0x1F990];
	v29 =	vsub.f32 v29, v26;
	v32 =	vmul.f32 v32, v50;
	v31 =	vmul.f32 v31, v50  }
0x4f9: {  	v40 =	vshll.u32 v45, $0x7;
	v59 =	vor.u32 v0, v27;
	v37 =	vld.idx.msk [tilespmem:v41+s16+$0x0], $0xffff  }
0x4fa: {  	v0 =	vld [tilespmem:$0x1F9A0];
	v29 =	vmul.f32 v29, v17;
	v32 =	vadd.f32 v32, v63;
	v31 =	vadd.f32 v31, v21  }
0x4fb: {  	v23 =	vadd.s32 v62, v4;
	v28 =	vshrl.u32 v45, $0x3;
	v34 =	vsub.f32 v34, v33;
	v38 =	vld.idx.msk [tilespmem:v53+s16+$0x0], $0xffff  }
0x4fc: {  	v22 =	vadd.s32 v60, v4;
	v53 =	vld [tilespmem:$0x1F780];
	v29 =	vadd.f32 v29, v26;
	v31 =	vsub.f32 v31, v32  }
0x4fd: {  	v49 =	vadd.s32 v60, v3;
	v45 =	vor.u32 v55, v22;
	v54 =	vld [tilespmem:$0x1F790];
	v34 =	vmul.f32 v34, v2  }
0x4fe: {  	v30 =	vld.idx.msk [tilespmem:v30+s16+$0x0], $0xffff;
	v21 =	vsub.f32 v58, v46;
	[tilespmem:s0+$0x450] =	vst v29;
	v29 =	vmul.f32 v31, v17  }
0x4ff: {  	v41 =	vadd.s32 v0, v11;
	v36 =	vld.idx.msk [tilespmem:v59+s16+$0x0], $0xffff;
	v26 =	vand.u32 $0x300, v40;
	v40 =	vor.u32 v55, v49  }
0x500: {  	v58 =	vadd.s32 v62, v3;
	v39 =	vmul.f32 v21, v2;
	v29 =	vadd.f32 v29, v32  }
0x501: {  	v59 =	vor.u32 v53, v40;
	v61 =	vor.u32 v55, v58;
	v58 =	vadd.s32 v0, v6;
	v0 =	vld [tilespmem:$0x1F9C0];
	s0 =	smov.u32 s6  }
0x502: {  	v31 =	vor.u32 v53, v45;
	v45 =	vadd.f32 v39, v46;
	[tilespmem:s0+$0x40] =	vst v29;
	v29 =	vadd.f32 v34, v33  }
0x503: {  	v10 =	vld [tilespmem:$0x1FAD0];
	v47 =	vor.u32 v55, v23;
	v35 =	vadd.s32 v1, v11  }
0x504: {  	v25 =	vld [tilespmem:$0x1F7B0];
	v42 =	vor.u32 v54, v47;
	v23 =	vsub.f32 v36, v30;
	v36 =	vsub.f32 v45, v29  }
0x505: {  	v47 =	vadd.s32 v1, v6;
	v1 =	vld [tilespmem:$0x1F9B0];
	v40 =	vor.u32 v54, v61;
	v46 =	vor.u32 v9, v41  }
0x506: {  	v38 =	vsub.f32 v38, v37;
	v61 =	vor.u32 v0, v46;
	v32 =	vld.idx.msk [tilespmem:v59+s16+$0x0], $0xffff;
	v59 =	vmul.f32 v36, v17  }
0x507: {  	v20 =	vld [tilespmem:$0x1F7D0];
	v63 =	vadd.s32 v52, v57;
	v35 =	vor.u32 v9, v35  }
0x508: {  	v22 =	vmul.f32 v38, v51;
	v34 =	vmul.f32 v23, v51;
	v31 =	vld.idx.msk [tilespmem:v31+s16+$0x0], $0xffff;
	v29 =	vadd.f32 v59, v29  }
0x509: {  	v49 =	vor.u32 v18, v63;
	v63 =	vor.u32 v9, v47;
	v21 =	vadd.s32 v48, v57;
	v38 =	vld.idx.msk [tilespmem:v42+s16+$0x0], $0xffff  }
0x50a: {  	v33 =	vadd.f32 v22, v37;
	v40 =	vld.idx.msk [tilespmem:v40+s16+$0x0], $0xffff;
	v30 =	vadd.f32 v34, v30;
	[tilespmem:s3+$0x20] =	vst v29  }
0x50b: {  	v35 =	vor.u32 v1, v35;
	v51 =	vor.u32 v18, v21;
	v21 =	vor.u32 v9, v58;
	v36 =	vld.idx.msk [tilespmem:v61+s16+$0x0], $0xffff  }
0x50c: {  	v22 =	vor.u32 v1, v63;
	v45 =	vadd.s32 v48, v24;
	v30 =	vsub.f32 v30, v33;
	v61 =	vld [tilespmem:$0x1F7A0]  }
0x50d: {  	v16 =	vld [tilespmem:$0x1F9F0];
	v23 =	vadd.s32 v52, v24;
	v41 =	vor.u32 v0, v21;
	v47 =	vor.u32 v18, v45  }
0x50e: {  	v42 =	vor.u32 v7, v51;
	v0 =	vld [tilespmem:$0x1F7C0];
	v48 =	vor.u32 v7, v47;
	v30 =	vmul.f32 v30, v17  }
0x50f: {  	v7 =	vld [tilespmem:$0x1FAC0];
	v38 =	vsub.f32 v38, v31;
	v46 =	vsub.f32 v40, v32;
	v29 =	vor.u32 v18, v23  }
0x510: {  	v27 =	vadd.s32 v19, v11;
	v30 =	vadd.f32 v30, v33;
	v23 =	vld [tilespmem:$0x1F7E0];
	v29 =	vor.u32 v5, v29  }
0x511: {  	v37 =	vor.u32 v5, v49;
	v35 =	vld.idx.msk [tilespmem:v35+s16+$0x0], $0xffff;
	v38 =	vmul.f32 v38, v61;
	v39 =	vmul.f32 v46, v61  }
0x512: {  	v27 =	vor.u32 v9, v27;
	v43 =	vld.idx.msk [tilespmem:v22+s16+$0x0], $0xffff;
	[tilespmem:s17+$0x30] =	vst v30  }
0x513: {  	v49 =	vadd.s32 v25, v4;
	v41 =	vld.idx.msk [tilespmem:v41+s16+$0x0], $0xffff;
	v38 =	vadd.f32 v38, v31;
	v39 =	vadd.f32 v39, v32  }
0x514: {  	v63 =	vadd.s32 v25, v3;
	v45 =	vadd.s32 v10, v11;
	v51 =	vadd.s32 v0, v4;
	v40 =	vld.idx.msk [tilespmem:v48+s16+$0x0], $0xffff  }
0x515: {  	v34 =	vmul.u32 $0xC00, v28;
	v33 =	vadd.s32 v12, v11;
	v59 =	vmovc v57;
	v29 =	vld.idx.msk [tilespmem:v29+s16+$0x0], $0xffff;
	v8 =	vsub.f32 v39, v38  }
0x516: {  	v44 =	vadd.s32 v7, v11;
	v22 =	vadd.s32 v0, v3;
	v37 =	vld.idx.msk [tilespmem:v37+s16+$0x0], $0xffff;
	v39 =	vor.u32 v55, v49  }
0x517: {  	v42 =	vld.idx.msk [tilespmem:v42+s16+$0x0], $0xffff;
	v46 =	vor.u32 v55, v51;
	v39 =	vor.u32 v20, v39;
	v52 =	vmul.f32 v8, v17  }
0x518: {  	v21 =	vadd.s32 v60, v59;
	v36 =	vsub.f32 v36, v35;
	v46 =	vor.u32 v23, v46  }
0x519: {  	v48 =	vor.u32 v55, v63;
	v41 =	vsub.f32 v41, v43;
	v38 =	vadd.f32 v52, v38  }
0x51a: {  	v2 =	vld [tilespmem:$0x1F920];
	v47 =	vor.u32 v20, v48;
	v40 =	vsub.f32 v40, v29;
	v52 =	vor.u32 v55, v22  }
0x51b: {  	v5 =	vld [tilespmem:$0x1F810];
	v36 =	vmul.f32 v36, v16;
	v41 =	vmul.f32 v41, v16;
	v63 =	vor.u32 v23, v52;
	[tilespmem:s0+$0x50] =	vst v38  }
0x51c: {  	v60 =	vadd.s32 v60, v24;
	v42 =	vsub.f32 v42, v37;
	v52 =	vmul.f32 v40, v50;
	v39 =	vld.idx.msk [tilespmem:v39+s16+$0x0], $0xffff  }
0x51d: {  	v51 =	vadd.s32 v62, v59;
	v35 =	vadd.f32 v36, v35;
	v41 =	vadd.f32 v41, v43;
	v46 =	vld.idx.msk [tilespmem:v46+s16+$0x0], $0xffff  }
0x51e: {  	v22 =	vmul.f32 v42, v50;
	v29 =	vadd.f32 v52, v29;
	v52 =	vor.u32 v18, v21;
	v21 =	vld [tilespmem:$0x1FAE0]  }
0x51f: {  	v62 =	vadd.s32 v62, v24;
	v36 =	vor.u32 v9, v44;
	v41 =	vsub.f32 v41, v35;
	v40 =	vld.idx.msk [tilespmem:v47+s16+$0x0], $0xffff  }
0x520: {  	v44 =	vor.u32 v9, v45;
	v42 =	vor.u32 v18, v51;
	v37 =	vadd.f32 v22, v37;
	v43 =	vld.idx.msk [tilespmem:v63+s16+$0x0], $0xffff  }
0x521: {  	v58 =	vld [tilespmem:$0x1F910];
	v42 =	vor.u32 v54, v42;
	v41 =	vmul.f32 v41, v17;
	v63 =	vadd.s32 v7, v6  }
0x522: {  	v29 =	vsub.f32 v29, v37;
	v45 =	vor.u32 v9, v63;
	v63 =	vor.u32 v18, v60;
	v60 =	vld [tilespmem:$0x1F7F0]  }
0x523: {  	v50 =	vor.u32 v18, v62;
	v62 =	vadd.s32 v5, v3;
	v22 =	vld [tilespmem:$0x1FAF0];
	v36 =	vor.u32 v21, v36  }
0x524: {  	v1 =	vld [tilespmem:$0x1F820];
	v38 =	vor.u32 v53, v52;
	v35 =	vadd.f32 v41, v35;
	v29 =	vmul.f32 v29, v17  }
0x525: {  	v11 =	vld [tilespmem:$0x1F840];
	v47 =	vadd.s32 v10, v6;
	v46 =	vsub.f32 v46, v39;
	v43 =	vsub.f32 v43, v40  }
0x526: {  	v8 =	vld [tilespmem:$0x1F830];
	[tilespmem:s3+$0x30] =	vst v35;
	v35 =	vor.u32 v54, v50;
	v48 =	vor.u32 v53, v63;
	v29 =	vadd.f32 v29, v37  }
0x527: {  	v50 =	vor.u32 v55, v62;
	v62 =	vld [tilespmem:$0x1F850];
	v51 =	vmul.f32 v46, v60;
	v43 =	vmul.f32 v43, v60  }
0x528: {  	v44 =	vor.u32 v22, v44;
	v45 =	vor.u32 v21, v45;
	v46 =	vadd.s32 $0x6, v28;
	v36 =	vld.idx.msk [tilespmem:v36+s16+$0x0], $0xffff;
	[tilespmem:s17+$0x40] =	vst v29  }
0x529: {  	v28 =	vor.u32 v9, v47;
	v38 =	vld.idx.msk [tilespmem:v38+s16+$0x0], $0xffff;
	v39 =	vadd.f32 v51, v39;
	v29 =	vadd.f32 v43, v40  }
0x52a: {  	v27 =	vor.u32 v14, v27;
	v30 =	vadd.s32 v5, v57;
	v41 =	vld.idx.msk [tilespmem:v42+s16+$0x0], $0xffff;
	v40 =	vor.u32 v22, v28  }
0x52b: {  	v31 =	vadd.s32 v58, v57;
	v32 =	vadd.s32 v2, v57;
	v37 =	vld.idx.msk [tilespmem:v48+s16+$0x0], $0xffff;
	v52 =	vsub.f32 v29, v39  }
0x52c: {  	v57 =	vmov v34;
	v34 =	vadd.s32 v1, v59;
	v31 =	vor.u32 v18, v31;
	v35 =	vld.idx.msk [tilespmem:v35+s16+$0x0], $0xffff  }
0x52d: {  	v34 =	vor.u32 v18, v34;
	v54 =	vadd.s32 v1, v4;
	v44 =	vld.idx.msk [tilespmem:v44+s16+$0x0], $0xffff;
	v47 =	vmul.f32 v52, v17  }
0x52e: {  	v32 =	vor.u32 v18, v32;
	v34 =	vor.u32 v11, v34;
	v49 =	vor.u32 v55, v54;
	v45 =	vld.idx.msk [tilespmem:v45+s16+$0x0], $0xffff  }
0x52f: {  	v53 =	vadd.s32 v5, v4;
	v40 =	vld.idx.msk [tilespmem:v40+s16+$0x0], $0xffff;
	v39 =	vadd.f32 v47, v39;
	v47 =	vor.u32 v8, v50  }
0x530: {  	v10 =	vld [tilespmem:$0x1F950];
	v49 =	vor.u32 v11, v49;
	v63 =	vadd.s32 v1, v3;
	v48 =	vor.u32 v55, v53  }
0x531: {  	v48 =	vor.u32 v8, v48;
	v41 =	vsub.f32 v41, v38;
	v35 =	vsub.f32 v35, v37  }
0x532: {  	v54 =	vor.u32 v55, v63;
	v42 =	vadd.s32 v25, v59;
	v51 =	vadd.s32 v62, v57  }
0x533: {  	v50 =	vor.u32 v11, v54;
	[tilespmem:s0+$0x60] =	vst v39;
	v39 =	vmul.f32 v41, v61;
	v61 =	vmul.f32 v35, v61  }
0x534: {  	v53 =	vadd.s32 v19, v6;
	v44 =	vsub.f32 v44, v36;
	v35 =	vld.idx.msk [tilespmem:v47+s16+$0x0], $0xffff;
	v47 =	vsub.f32 v40, v45  }
0x535: {  	v28 =	vadd.s32 v10, v57;
	v38 =	vadd.f32 v39, v38;
	v37 =	vadd.f32 v61, v37  }
0x536: {  	v19 =	vor.u32 v18, v42;
	v44 =	vmul.f32 v44, v56;
	v41 =	vld.idx.msk [tilespmem:v48+s16+$0x0], $0xffff;
	v39 =	vmul.f32 v47, v56  }
0x537: {  	v43 =	vadd.s32 v0, v59;
	v19 =	vor.u32 v20, v19;
	v48 =	vld.idx.msk [tilespmem:v49+s16+$0x0], $0xffff;
	v37 =	vsub.f32 v37, v38  }
0x538: {  	v36 =	vadd.f32 v44, v36;
	v40 =	vld.idx.msk [tilespmem:v50+s16+$0x0], $0xffff;
	v56 =	vor.u32 v18, v43;
	v39 =	vadd.f32 v39, v45  }
0x539: {  	v54 =	vadd.s32 v12, v6;
	v6 =	vmovc v24;
	v42 =	vor.u32 v23, v56;
	v37 =	vmul.f32 v37, v17;
	v56 =	vld [tilespmem:$0x1F8D0]  }
0x53a: {  	v63 =	vld [tilespmem:$0x1F860];
	v12 =	vadd.s32 v0, v6;
	v61 =	vadd.s32 v25, v6;
	v39 =	vsub.f32 v39, v36  }
0x53b: {  	v44 =	vor.u32 v18, v12;
	v43 =	vor.u32 v18, v61;
	v37 =	vadd.f32 v37, v38  }
0x53c: {  	v50 =	vsub.f32 v48, v41;
	v61 =	vor.u32 v20, v43;
	v39 =	vmul.f32 v39, v17  }
0x53d: {  	v49 =	vor.u32 v9, v33;
	v12 =	vor.u32 v23, v44;
	v23 =	vor.u32 v9, v53;
	[tilespmem:s17+$0x50] =	vst v37  }
0x53e: {  	v40 =	vsub.f32 v40, v35;
	v48 =	vmul.f32 v50, v56;
	v45 =	vld.idx.msk [tilespmem:v19+s16+$0x0], $0xffff;
	v36 =	vadd.f32 v39, v36  }
0x53f: {  	v52 =	vadd.s32 v63, v57;
	v50 =	vor.u32 v15, v49;
	v49 =	vor.u32 v14, v23;
	v23 =	vld [tilespmem:$0x1F930]  }
0x540: {  	v40 =	vmul.f32 v40, v56;
	v41 =	vadd.f32 v48, v41;
	v48 =	vld.idx.msk [tilespmem:v42+s16+$0x0], $0xffff;
	[tilespmem:s3+$0x40] =	vst v36  }
0x541: {  	v33 =	vadd.s32 v58, v24;
	v24 =	vmul.u32 $0xC00, v46;
	v9 =	vor.u32 v9, v54;
	v38 =	vld.idx.msk [tilespmem:v61+s16+$0x0], $0xffff  }
0x542: {  	v54 =	vadd.s32 v58, v4;
	v9 =	vor.u32 v15, v9;
	v35 =	vadd.f32 v40, v35;
	v43 =	vld.idx.msk [tilespmem:v12+s16+$0x0], $0xffff  }
0x543: {  	v14 =	vadd.s32 v2, v3;
	v42 =	vor.u32 v55, v54;
	v61 =	vadd.s32 v2, v4;
	v27 =	vld.idx.msk [tilespmem:v27+s16+$0x0], $0xffff  }
0x544: {  	v53 =	vsub.f32 v35, v41;
	v35 =	vadd.s32 v2, v6;
	v44 =	vor.u32 v55, v61;
	v61 =	vld [tilespmem:$0x1F940]  }
0x545: {  	v42 =	vor.u32 v23, v42;
	v12 =	vadd.s32 v58, v3;
	v37 =	vld.idx.msk [tilespmem:v50+s16+$0x0], $0xffff;
	v50 =	vor.u32 v55, v14  }
0x546: {  	v36 =	vld.idx.msk [tilespmem:v49+s16+$0x0], $0xffff;
	v49 =	vadd.s32 v1, v6;
	v39 =	vmul.f32 v53, v17;
	v46 =	vor.u32 v55, v12  }
0x547: {  	v58 =	vor.u32 v26, v51;
	v14 =	vadd.s32 v62, v24;
	v51 =	vld [tilespmem:$0x1F870];
	v15 =	vor.u32 v23, v46  }
0x548: {  	v9 =	vld.idx.msk [tilespmem:v9+s16+$0x0], $0xffff;
	v53 =	vor.u32 v18, v30;
	v40 =	vsub.f32 v48, v45;
	v39 =	vadd.f32 v39, v41  }
0x549: {  	v30 =	vor.u32 v26, v28;
	v54 =	vsub.f32 v43, v38;
	v44 =	vor.u32 v61, v44  }
0x54a: {  	v20 =	vld [tilespmem:$0x1FA80];
	v12 =	vor.u32 v26, v52;
	v28 =	vmul.f32 v40, v60;
	[tilespmem:s0+$0x70] =	vst v39;
	v46 =	vor.u32 v61, v50  }
0x54b: {  	v48 =	vadd.s32 v5, v6;
	v47 =	vor.u32 v8, v53;
	v40 =	vld.idx.msk [tilespmem:v42+s16+$0x0], $0xffff;
	v39 =	vmul.f32 v54, v60  }
0x54c: {  	v37 =	vsub.f32 v37, v27;
	v28 =	vadd.f32 v28, v45;
	v42 =	vor.u32 v51, v58;
	v41 =	vld.idx.msk [tilespmem:v15+s16+$0x0], $0xffff  }
0x54d: {  	v53 =	vld [tilespmem:$0x1F880];
	v15 =	vadd.s32 v63, v24;
	v54 =	vsub.f32 v9, v36;
	v9 =	vmovc v18;
	v38 =	vadd.f32 v39, v38  }
0x54e: {  	v37 =	vmul.f32 v37, v13;
	v18 =	vmov v26;
	v48 =	vor.u32 v9, v48;
	v44 =	vld.idx.msk [tilespmem:v44+s16+$0x0], $0xffff  }
0x54f: {  	v49 =	vor.u32 v9, v49;
	v58 =	vor.u32 v18, v14;
	v46 =	vld.idx.msk [tilespmem:v46+s16+$0x0], $0xffff;
	v26 =	vsub.f32 v38, v28  }
0x550: {  	v60 =	vor.u32 v18, v15;
	v37 =	vadd.f32 v37, v27;
	v27 =	vmul.f32 v54, v13  }
0x551: {  	v52 =	vld [tilespmem:$0x1F9D0];
	v13 =	vor.u32 v11, v49;
	v54 =	vadd.s32 v20, v4;
	v26 =	vmul.f32 v26, v17  }
0x552: {  	v39 =	vor.u32 v51, v58;
	v43 =	vor.u32 v53, v60;
	v60 =	vld [tilespmem:$0x1FA90];
	v45 =	vor.u32 v55, v54  }
0x553: {  	s10 =	sadd.s32 $0x63, s7;
	v7 =	vld [tilespmem:$0x1F960];
	v38 =	vor.u32 v53, v12;
	v27 =	vadd.f32 v27, v36;
	v26 =	vadd.f32 v26, v28  }
0x554: {  	v0 =	vld [tilespmem:$0x1FAA0];
	v28 =	vmov s10;
	v44 =	vsub.f32 v44, v40;
	v46 =	vsub.f32 v46, v41  }
0x555: {  	v1 =	vld [tilespmem:$0x1F800];
	v12 =	vor.u32 v8, v48;
	v27 =	vsub.f32 v27, v37;
	v14 =	vshll.u32 v28, $0x7  }
0x556: {  	v2 =	vld [tilespmem:$0x1F8A0];
	v28 =	vshrl.u32 v28, $0x3;
	v44 =	vmul.f32 v44, v52;
	v46 =	vmul.f32 v46, v52  }
0x557: {  	v54 =	vld [tilespmem:$0x1FAB0];
	v58 =	vadd.s32 v60, v4;
	v15 =	vmul.f32 v27, v17;
	[tilespmem:s17+$0x60] =	vst v26;
	v27 =	vmul.u32 $0xC00, v28  }
0x558: {  	v26 =	vand.u32 $0x380, v14;
	v47 =	vld.idx.msk [tilespmem:v47+s16+$0x0], $0xffff;
	v40 =	vadd.f32 v44, v40;
	v41 =	vadd.f32 v46, v41  }
0x559: {  	v37 =	vadd.f32 v15, v37;
	v28 =	vadd.s32 $0x6, v28;
	v36 =	vld.idx.msk [tilespmem:v13+s16+$0x0], $0xffff;
	v13 =	vadd.s32 v60, v3  }
0x55a: {  	v34 =	vld.idx.msk [tilespmem:v34+s16+$0x0], $0xffff;
	v14 =	vor.u32 v55, v13;
	v15 =	vadd.s32 v62, v27;
	v41 =	vsub.f32 v41, v40  }
0x55b: {  	v28 =	vmul.u32 $0xC00, v28;
	v44 =	vld.idx.msk [tilespmem:v12+s16+$0x0], $0xffff;
	v46 =	vor.u32 v55, v58;
	[tilespmem:s3+$0x50] =	vst v37;
	v12 =	vadd.s32 v20, v3  }
0x55c: {  	v48 =	vor.u32 v26, v15;
	v37 =	vld.idx.msk [tilespmem:v42+s16+$0x0], $0xffff;
	v42 =	vor.u32 v0, v45;
	v41 =	vmul.f32 v41, v17  }
0x55d: {  	v58 =	vadd.s32 v63, v27;
	v38 =	vld.idx.msk [tilespmem:v38+s16+$0x0], $0xffff;
	v46 =	vor.u32 v54, v46;
	v45 =	vor.u32 v55, v12  }
0x55e: {  	v15 =	vadd.s32 v63, v28;
	v39 =	vld.idx.msk [tilespmem:v39+s16+$0x0], $0xffff;
	v40 =	vadd.f32 v41, v40;
	v41 =	vor.u32 v0, v45  }
0x55f: {  	v43 =	vld.idx.msk [tilespmem:v43+s16+$0x0], $0xffff;
	v13 =	vor.u32 v26, v58;
	v50 =	vor.u32 v26, v15;
	v45 =	vor.u32 v54, v14  }
0x560: {  	v12 =	vor.u32 v51, v48;
	v48 =	vor.u32 v53, v13;
	v50 =	vor.u32 v53, v50;
	v53 =	vld [tilespmem:$0x1F8E0];
	[tilespmem:s0+$0x400] =	vst v40  }
0x561: {  	v42 =	vld.idx.msk [tilespmem:v42+s16+$0x0], $0xffff  }
0x562: {  	v29 =	vadd.s32 v7, v57;
	v46 =	vld.idx.msk [tilespmem:v46+s16+$0x0], $0xffff  }
0x563: {  	v31 =	vor.u32 v23, v31;
	v32 =	vor.u32 v61, v32;
	v33 =	vor.u32 v9, v33;
	v41 =	vld.idx.msk [tilespmem:v41+s16+$0x0], $0xffff  }
0x564: {  	v34 =	vsub.f32 v34, v47;
	v36 =	vsub.f32 v36, v44;
	v14 =	vadd.s32 v62, v28;
	v45 =	vld.idx.msk [tilespmem:v45+s16+$0x0], $0xffff  }
0x565: {  	v5 =	vld [tilespmem:$0x1F890];
	v35 =	vor.u32 v9, v35;
	v33 =	vor.u32 v23, v33;
	v49 =	vor.u32 v26, v14  }
0x566: {  	v34 =	vmul.f32 v34, v56;
	v36 =	vmul.f32 v36, v56;
	v49 =	vor.u32 v51, v49;
	v40 =	vld.idx.msk [tilespmem:v12+s16+$0x0], $0xffff  }
0x567: {  	v35 =	vor.u32 v61, v35;
	v38 =	vsub.f32 v38, v37;
	v43 =	vsub.f32 v43, v39;
	v48 =	vld.idx.msk [tilespmem:v48+s16+$0x0], $0xffff  }
0x568: {  	v63 =	vadd.s32 v2, v4;
	v34 =	vadd.f32 v34, v47;
	v36 =	vadd.f32 v36, v44  }
0x569: {  	v38 =	vmul.f32 v38, v53;
	v58 =	vsub.f32 v46, v42;
	v45 =	vsub.f32 v45, v41  }
0x56a: {  	v62 =	vadd.s32 v5, v4;
	v43 =	vmul.f32 v43, v53;
	v56 =	vld.idx.msk [tilespmem:v50+s16+$0x0], $0xffff;
	v36 =	vsub.f32 v36, v34  }
0x56b: {  	v37 =	vadd.f32 v38, v37;
	v38 =	vld.idx.msk [tilespmem:v49+s16+$0x0], $0xffff;
	v44 =	vmul.f32 v58, v1;
	v45 =	vmul.f32 v45, v1  }
0x56c: {  	v36 =	vmul.f32 v36, v17;
	v13 =	vsub.f32 v48, v40;
	v48 =	vadd.s32 v5, v3;
	v5 =	vld [tilespmem:$0x1F8B0]  }
0x56d: {  	v50 =	vadd.s32 v2, v3;
	v2 =	vld [tilespmem:$0x1F8C0];
	v42 =	vadd.f32 v44, v42;
	v41 =	vadd.f32 v45, v41  }
0x56e: {  	v23 =	vor.u32 v55, v63;
	v39 =	vadd.f32 v43, v39;
	v34 =	vadd.f32 v36, v34  }
0x56f: {  	v14 =	vor.u32 v55, v62;
	v12 =	vadd.s32 v10, v27;
	v15 =	vsub.f32 v41, v42  }
0x570: {  	v62 =	vor.u32 v26, v12;
	v12 =	vld [tilespmem:$0x1F970];
	v39 =	vsub.f32 v39, v37;
	[tilespmem:s17+$0x70] =	vst v34;
	v43 =	vsub.f32 v56, v38  }
0x571: {  	v31 =	vld.idx.msk [tilespmem:v31+s16+$0x0], $0xffff;
	v44 =	vmul.f32 v13, v53;
	v34 =	vor.u32 v5, v14;
	v36 =	vmul.f32 v15, v17  }
0x572: {  	v32 =	vld.idx.msk [tilespmem:v32+s16+$0x0], $0xffff;
	v43 =	vmul.f32 v43, v53;
	v53 =	vor.u32 v55, v48;
	v41 =	vor.u32 v2, v23  }
0x573: {  	v58 =	vor.u32 v55, v50;
	v33 =	vld.idx.msk [tilespmem:v33+s16+$0x0], $0xffff;
	v56 =	vor.u32 v5, v53;
	v36 =	vadd.f32 v36, v42  }
0x574: {  	v39 =	vmul.f32 v39, v17;
	v35 =	vld.idx.msk [tilespmem:v35+s16+$0x0], $0xffff;
	v38 =	vadd.f32 v43, v38;
	v43 =	vor.u32 v2, v58  }
0x575: {  	v29 =	vor.u32 v18, v29;
	v61 =	vadd.s32 v7, v27;
	v40 =	vadd.f32 v44, v40;
	v5 =	vld [tilespmem:$0x1F980];
	[tilespmem:s0+$0x410] =	vst v36  }
0x576: {  	v47 =	vadd.s32 v7, v24;
	v51 =	vadd.s32 v10, v24;
	v37 =	vadd.f32 v39, v37;
	v34 =	vld.idx.msk [tilespmem:v34+s16+$0x0], $0xffff  }
0x577: {  	s30 =	sadd.s32 $0x100, s30;
	v50 =	vor.u32 v18, v51;
	v14 =	vadd.s32 v10, v28;
	v38 =	vsub.f32 v38, v40;
	v41 =	vld.idx.msk [tilespmem:v41+s16+$0x0], $0xffff  }
0x578: {  	s31 =	sadd.s32 $0x200, s31;
	s9 =	sand.u32 $0x380, s30;
	s6 =	sadd.s32 $0xFFFFE780, s30;
	v51 =	vor.u32 v18, v47;
	v13 =	vor.u32 v12, v62;
	v45 =	vor.u32 v26, v14;
	v42 =	vld.idx.msk [tilespmem:v56+s16+$0x0], $0xffff  }
0x579: {  	s3 =	smov.u32 s14;
	s14 =	sadd.s32 $0xFFFFCF00, s31;
	s17 =	sand.u32 $0x7800, s31;
	v44 =	vor.u32 v26, v61;
	v23 =	vor.u32 v12, v45;
	v63 =	vmul.f32 v38, v17;
	v43 =	vld.idx.msk [tilespmem:v43+s16+$0x0], $0xffff  }
0x57a: {  	s10 =	sand.u32 $0x3800, s14;
	s9 =	sor.u32 s9, s17;
	s17 =	sand.u32 $0x300, s6;
	v2 =	vld [tilespmem:$0x1F8F0];
	v32 =	vsub.f32 v32, v31;
	v15 =	vadd.s32 v7, v28;
	v44 =	vor.u32 v5, v44  }
0x57b: {  	s8 =	sor.u32 s17, s10;
	v35 =	vsub.f32 v35, v33;
	v7 =	vld [tilespmem:$0x1FB50];
	v49 =	vor.u32 v26, v15;
	v36 =	vadd.f32 v63, v40  }
0x57c: {  	[tilespmem:s8+$0x15580] =	vst v37;
	v45 =	vor.u32 v5, v49;
	v29 =	vor.u32 v5, v29;
	v37 =	vor.u32 v5, v51;
	v5 =	vld [tilespmem:$0x1F9A0]  }
0x57d: {  	v32 =	vmul.f32 v32, v52;
	v51 =	vld [tilespmem:$0x1F9E0];
	[tilespmem:s9+$0x12580] =	vst v36  }
0x57e: {  	v35 =	vmul.f32 v35, v52;
	v38 =	vld.idx.msk [tilespmem:v13+s16+$0x0], $0xffff;
	v41 =	vsub.f32 v41, v34;
	v43 =	vsub.f32 v43, v42  }
0x57f: {  	v46 =	vadd.s32 v20, v6;
	v30 =	vor.u32 v12, v30;
	v31 =	vadd.f32 v32, v31;
	v52 =	vld.idx.msk [tilespmem:v44+s16+$0x0], $0xffff  }
0x580: {  	v53 =	vadd.f32 v35, v33;
	v41 =	vmul.f32 v41, v2;
	v43 =	vmul.f32 v43, v2;
	v2 =	vld [tilespmem:$0x1F990]  }
0x581: {  	v47 =	vadd.s32 v60, v6;
	v61 =	vadd.s32 v60, v59;
	v58 =	vadd.s32 v20, v59;
	v40 =	vld.idx.msk [tilespmem:v23+s16+$0x0], $0xffff  }
0x582: {  	v49 =	vor.u32 v9, v46;
	v32 =	vsub.f32 v53, v31;
	v36 =	vor.u32 v12, v50;
	v56 =	vld.idx.msk [tilespmem:v45+s16+$0x0], $0xffff  }
0x583: {  	v12 =	vadd.s32 v7, v27;
	v63 =	vadd.s32 v5, v4;
	v53 =	vadd.s32 v5, v3;
	v5 =	vld [tilespmem:$0x1F9B0]  }
0x584: {  	v44 =	vor.u32 v9, v58;
	v34 =	vadd.f32 v41, v34;
	v13 =	vadd.f32 v43, v42  }
0x585: {  	v39 =	vsub.f32 v52, v38;
	v62 =	vadd.s32 v2, v4;
	v23 =	vadd.s32 v2, v3;
	v2 =	vld [tilespmem:$0x1F9C0]  }
0x586: {  	v30 =	vld.idx.msk [tilespmem:v30+s16+$0x0], $0xffff;
	v32 =	vmul.f32 v32, v17;
	v15 =	vor.u32 v55, v63;
	v41 =	vsub.f32 v13, v34  }
0x587: {  	v29 =	vld.idx.msk [tilespmem:v29+s16+$0x0], $0xffff;
	v35 =	vsub.f32 v56, v40;
	v39 =	vmul.f32 v39, v51;
	v14 =	vor.u32 v55, v62  }
0x588: {  	v37 =	vld.idx.msk [tilespmem:v37+s16+$0x0], $0xffff;
	v41 =	vmul.f32 v41, v17;
	v56 =	vor.u32 v55, v23;
	v42 =	vor.u32 v5, v14  }
0x589: {  	v52 =	vld [tilespmem:$0x1FB60];
	v35 =	vmul.f32 v35, v51;
	v38 =	vadd.f32 v39, v38;
	v39 =	vor.u32 v5, v56  }
0x58a: {  	v58 =	vor.u32 v55, v53;
	v5 =	vld [tilespmem:$0x1FB70];
	v34 =	vadd.f32 v41, v34;
	v43 =	vor.u32 v2, v15  }
0x58b: {  	v45 =	vor.u32 v9, v61;
	v36 =	vld.idx.msk [tilespmem:v36+s16+$0x0], $0xffff;
	v35 =	vadd.f32 v35, v40;
	v40 =	vor.u32 v2, v58  }
0x58c: {  	v63 =	vadd.s32 v7, v28;
	v31 =	vadd.f32 v32, v31;
	v29 =	vsub.f32 v29, v30;
	[tilespmem:s0+$0x420] =	vst v34;
	v2 =	vld [tilespmem:$0x1FB00]  }
0x58d: {  	v60 =	vor.u32 v26, v12;
	v48 =	vor.u32 v26, v63;
	v35 =	vsub.f32 v35, v38;
	v42 =	vld.idx.msk [tilespmem:v42+s16+$0x0], $0xffff  }
0x58e: {  	v11 =	vmov v59;
	[tilespmem:s15+$0x15980] =	vst v31;
	v31 =	vor.u32 v0, v49;
	v29 =	vmul.f32 v29, v51;
	v39 =	vld.idx.msk [tilespmem:v39+s16+$0x0], $0xffff  }
0x58f: {  	v59 =	vadd.s32 v52, v27;
	v61 =	vmul.f32 v35, v17;
	v62 =	vor.u32 v5, v60;
	v43 =	vld.idx.msk [tilespmem:v43+s16+$0x0], $0xffff  }
0x590: {  	v12 =	vadd.s32 v52, v28;
	v41 =	vor.u32 v26, v59;
	v13 =	vor.u32 v5, v48;
	v40 =	vld.idx.msk [tilespmem:v40+s16+$0x0], $0xffff  }
0x591: {  	v14 =	vor.u32 v26, v12;
	v34 =	vadd.f32 v61, v38;
	v41 =	vor.u32 v2, v41  }
0x592: {  	s6 =	sadd.s32 $0x12580, s9;
	v37 =	vsub.f32 v37, v36;
	v15 =	vor.u32 v0, v44;
	v0 =	vld [tilespmem:$0x1FAC0];
	v48 =	vor.u32 v2, v14  }
0x593: {  	v33 =	vadd.s32 v7, v57;
	[tilespmem:s6+$0x10] =	vst v34;
	v34 =	vld.idx.msk [tilespmem:v31+s16+$0x0], $0xffff  }
0x594: {  	v46 =	vadd.s32 v7, v24;
	v29 =	vadd.f32 v29, v30;
	v30 =	vmul.f32 v37, v51;
	v35 =	vld.idx.msk [tilespmem:v62+s16+$0x0], $0xffff  }
0x595: {  	v50 =	vor.u32 v9, v47;
	v53 =	vld.idx.msk [tilespmem:v13+s16+$0x0], $0xffff;
	v59 =	vsub.f32 v43, v42;
	v40 =	vsub.f32 v40, v39  }
0x596: {  	v51 =	vadd.s32 v52, v57;
	v37 =	vor.u32 v54, v50;
	v30 =	vadd.f32 v30, v36;
	v41 =	vld.idx.msk [tilespmem:v41+s16+$0x0], $0xffff  }
0x597: {  	v36 =	vor.u32 v18, v51;
	v58 =	vld.idx.msk [tilespmem:v48+s16+$0x0], $0xffff;
	v31 =	vmul.f32 v59, v16;
	v60 =	vmul.f32 v40, v16  }
0x598: {  	v30 =	vsub.f32 v30, v29;
	v38 =	vor.u32 v2, v36;
	v61 =	vadd.s32 v0, v4;
	v2 =	vld [tilespmem:$0x1FAD0]  }
0x599: {  	v14 =	vadd.s32 v0, v3;
	v0 =	vld [tilespmem:$0x1FA00];
	v31 =	vadd.f32 v31, v42;
	v32 =	vadd.f32 v60, v39  }
0x59a: {  	v47 =	vadd.s32 v52, v24;
	v23 =	vor.u32 v54, v45;
	v56 =	vor.u32 v18, v33  }
0x59b: {  	v30 =	vmul.f32 v30, v17;
	v36 =	vld.idx.msk [tilespmem:v37+s16+$0x0], $0xffff;
	v37 =	vor.u32 v55, v61;
	v32 =	vsub.f32 v32, v31  }
0x59c: {  	v7 =	vld [tilespmem:$0x1FB10];
	v37 =	vor.u32 v21, v37;
	v12 =	vsub.f32 v41, v35;
	v13 =	vsub.f32 v58, v53  }
0x59d: {  	v33 =	vld.idx.msk [tilespmem:v15+s16+$0x0], $0xffff;
	v43 =	vor.u32 v5, v56;
	v62 =	vadd.s32 v2, v4;
	v32 =	vmul.f32 v32, v17  }
0x59e: {  	v15 =	vadd.s32 v2, v3;
	v2 =	vld [tilespmem:$0x1FB20];
	v39 =	vmul.f32 v12, v0;
	v41 =	vmul.f32 v13, v0  }
0x59f: {  	v56 =	vor.u32 v55, v15;
	v40 =	vor.u32 v55, v62;
	v0 =	vld [tilespmem:$0x1FB30];
	v31 =	vadd.f32 v32, v31  }
0x5a0: {  	v48 =	vld.idx.msk [tilespmem:v23+s16+$0x0], $0xffff;
	v59 =	vor.u32 v22, v56;
	v35 =	vadd.f32 v39, v35;
	v52 =	vadd.f32 v41, v53  }
0x5a1: {  	v63 =	vadd.s32 v7, v27;
	v23 =	vor.u32 v22, v40;
	[tilespmem:s0+$0x430] =	vst v31;
	v31 =	vadd.s32 v7, v28;
	v7 =	vld [tilespmem:$0x1FB40]  }
0x5a2: {  	v60 =	vadd.f32 v30, v29;
	v53 =	vor.u32 v55, v14;
	v39 =	vsub.f32 v52, v35  }
0x5a3: {  	s7 =	sadd.s32 $0x2, s7;
	v29 =	vor.u32 v26, v63;
	v58 =	vadd.s32 v2, v27;
	v54 =	vor.u32 v21, v53  }
0x5a4: {  	p0 =	slt.u32 s7, $0x2E;
	s17 =	sadd.s32 $0x15580, s8;
	v62 =	vadd.s32 v2, v28;
	v61 =	vor.u32 v0, v29;
	v39 =	vmul.f32 v39, v17;
	v29 =	vld.idx.msk [tilespmem:v37+s16+$0x0], $0xffff  }
.Ltmp1:
0x5a5: {  	v30 =	vor.u32 v26, v58;
	[tilespmem:s17+$0x10] =	vst v60;
	v37 =	vor.u32 v26, v62;
	v32 =	vld.idx.msk [tilespmem:v59+s16+$0x0], $0xffff;
	(pc) =	sbr.rel @p0 .LBB2_5-.Ltmp1, $4  }
0x5a6: {  	v35 =	vadd.f32 v39, v35;
	v40 =	vor.u32 v7, v30;
	v30 =	vor.u32 v26, v31;
	v31 =	vld.idx.msk [tilespmem:v23+s16+$0x0], $0xffff  }
0x5a7: {  	v44 =	vor.u32 v18, v47;
	v48 =	vsub.f32 v48, v33;
	v42 =	vor.u32 v7, v37;
	v37 =	vld.idx.msk [tilespmem:v43+s16+$0x0], $0xffff  }
0x5a8: {  	v63 =	vor.u32 v18, v46;
	v41 =	vor.u32 v0, v30;
	v30 =	vld.idx.msk [tilespmem:v54+s16+$0x0], $0xffff;
	[tilespmem:s6+$0x20] =	vst v35  }
0x5a9: {  	s14 =	sadd.s32 $0x15980, s8;
	s15 =	smov.u32 s8;
	v43 =	vor.u32 v5, v63;
	v35 =	vsub.f32 v36, v34;
	v36 =	vmul.f32 v48, v1;
	v39 =	vld.idx.msk [tilespmem:v61+s16+$0x0], $0xffff  }
0x5aa: {  	_ =	sdelay $0x3  }
0x5ab: {  	v40 =	vld.idx.msk [tilespmem:v40+s16+$0x0], $0xffff  }
0x5ac: {  	v41 =	vld.idx.msk [tilespmem:v41+s16+$0x0], $0xffff  }
0x5ad: {  	v42 =	vld.idx.msk [tilespmem:v42+s16+$0x0], $0xffff  }
0x5ae: {  	v1 =	vld [tilespmem:$0x1FB00];
	_ =	sdelay $0x1  }
0x5af: {  	v47 =	vld [tilespmem:$0x1F700];
	_ =	sdelay $0x2  }
0x5b0: {  	v38 =	vld.idx.msk [tilespmem:v38+s16+$0x0], $0xffff;
	v44 =	vor.u32 v1, v44;
	v40 =	vsub.f32 v40, v39;
	v42 =	vsub.f32 v42, v41  }
0x5b1: {  	v43 =	vld.idx.msk [tilespmem:v43+s16+$0x0], $0xffff  }
0x5b2: {  	v0 =	vld [tilespmem:$0x1FA10];
	v40 =	vmul.f32 v40, v47;
	v42 =	vmul.f32 v42, v47  }
0x5b3: {  	v62 =	vld [tilespmem:$0x1FA00]  }
0x5b4: {  	v12 =	vld [tilespmem:$0x1F710];
	v59 =	vadd.f32 v40, v39;
	v60 =	vadd.f32 v42, v41  }
0x5b5: {  	v44 =	vld.idx.msk [tilespmem:v44+s16+$0x0], $0xffff  }
0x5b6: {  	v8 =	vld [tilespmem:$0x1F720];
	v40 =	vsub.f32 v60, v59;
	_ =	sdelay $0x1  }
0x5b7: {  	v19 =	vld [tilespmem:$0x1FB10];
	v40 =	vmul.f32 v40, v0  }
0x5b8: {  	v7 =	vld [tilespmem:$0x1F730];
	v38 =	vsub.f32 v38, v37  }
0x5b9: {  	v5 =	vld [tilespmem:$0x1FB20];
	v61 =	vsub.f32 v44, v43;
	v39 =	vadd.f32 v40, v59  }
0x5ba: {  	v10 =	vld [tilespmem:$0x1F740];
	v14 =	vadd.s32 v12, v27;
	v15 =	vadd.s32 v8, v27;
	v38 =	vmul.f32 v38, v62  }
0x5bb: {  	v16 =	vadd.s32 v12, v28;
	v17 =	vadd.s32 v8, v28;
	v41 =	vmul.f32 v61, v62;
	[tilespmem:s6+$0x30] =	vst v39  }
0x5bc: {  	v20 =	vadd.s32 v19, v57;
	v63 =	vadd.f32 v38, v37;
	v42 =	vor.u32 v26, v16;
	v22 =	vld [tilespmem:$0x1FB30]  }
0x5bd: {  	v42 =	vor.u32 v7, v42;
	v40 =	vor.u32 v26, v14;
	v23 =	vld [tilespmem:$0x1FB40];
	v2 =	vadd.f32 v41, v43  }
0x5be: {  	v45 =	vadd.s32 v5, v57;
	v40 =	vor.u32 v7, v40;
	v41 =	vor.u32 v26, v15  }
0x5bf: {  	v43 =	vor.u32 v26, v17;
	v41 =	vor.u32 v10, v41;
	v38 =	vsub.f32 v2, v63  }
0x5c0: {  	v21 =	vadd.s32 v19, v24;
	v44 =	vor.u32 v18, v20;
	v43 =	vor.u32 v10, v43  }
0x5c1: {  	v45 =	vor.u32 v18, v45;
	v44 =	vor.u32 v22, v44;
	v38 =	vmul.f32 v38, v0  }
0x5c2: {  	v39 =	vor.u32 v18, v21;
	v42 =	vld.idx.msk [tilespmem:v42+s16+$0x0], $0xffff;
	v45 =	vor.u32 v23, v45  }
0x5c3: {  	v46 =	vadd.s32 v5, v24;
	v40 =	vld.idx.msk [tilespmem:v40+s16+$0x0], $0xffff;
	v39 =	vor.u32 v22, v39;
	v37 =	vadd.f32 v38, v63  }
0x5c4: {  	v48 =	vor.u32 v18, v46;
	v25 =	vld.idx.msk [tilespmem:v41+s16+$0x0], $0xffff  }
0x5c5: {  	v41 =	vor.u32 v23, v48;
	v49 =	vld.idx.msk [tilespmem:v43+s16+$0x0], $0xffff;
	[tilespmem:s17+$0x20] =	vst v37  }
0x5c6: {  	v50 =	vld.idx.msk [tilespmem:v44+s16+$0x0], $0xffff  }
0x5c7: {  	v51 =	vld.idx.msk [tilespmem:v45+s16+$0x0], $0xffff  }
0x5c8: {  	v39 =	vld.idx.msk [tilespmem:v39+s16+$0x0], $0xffff  }
0x5c9: {  	v52 =	vld [tilespmem:$0x1F750]  }
0x5ca: {  	v41 =	vld.idx.msk [tilespmem:v41+s16+$0x0], $0xffff;
	_ =	sdelay $0x2  }
0x5cb: {  	v38 =	vsub.f32 v25, v40;
	v37 =	vsub.f32 v49, v42  }
0x5cc: {  	v44 =	vsub.f32 v51, v50  }
0x5cd: {  	v38 =	vmul.f32 v38, v52;
	v37 =	vmul.f32 v37, v52;
	v41 =	vsub.f32 v41, v39  }
0x5ce: {  	v44 =	vmul.f32 v44, v47  }
0x5cf: {  	v38 =	vadd.f32 v38, v40;
	v37 =	vadd.f32 v37, v42;
	v41 =	vmul.f32 v41, v47  }
0x5d0: {  	v53 =	vadd.f32 v44, v50  }
0x5d1: {  	v37 =	vsub.f32 v37, v38;
	v39 =	vadd.f32 v41, v39  }
0x5d2: {  	v61 =	vadd.s32 v12, v57  }
0x5d3: {  	v62 =	vadd.s32 v8, v57;
	v14 =	vld [tilespmem:$0x1F770];
	v37 =	vmul.f32 v37, v0;
	v39 =	vsub.f32 v39, v53  }
0x5d4: {  	v43 =	vor.u32 v18, v62;
	v63 =	vadd.s32 v12, v24;
	v13 =	vld [tilespmem:$0x1F760];
	v42 =	vor.u32 v18, v61  }
0x5d5: {  	v60 =	vld [tilespmem:$0x1F790];
	v42 =	vor.u32 v7, v42;
	v37 =	vadd.f32 v37, v38;
	v39 =	vmul.f32 v39, v0  }
0x5d6: {  	v2 =	vadd.s32 v8, v24;
	v43 =	vor.u32 v10, v43;
	v58 =	vld [tilespmem:$0x1F780];
	v44 =	vor.u32 v18, v63  }
0x5d7: {  	v44 =	vor.u32 v7, v44;
	[tilespmem:s6+$0x40] =	vst v37;
	v37 =	vor.u32 v18, v2;
	v39 =	vadd.f32 v39, v53  }
0x5d8: {  	v56 =	vadd.s32 v14, v27;
	v37 =	vor.u32 v10, v37  }
0x5d9: {  	v54 =	vadd.s32 v13, v27;
	v40 =	vor.u32 v26, v56;
	[tilespmem:s17+$0x30] =	vst v39  }
0x5da: {  	v59 =	vadd.s32 v13, v28;
	v40 =	vor.u32 v60, v40;
	v38 =	vor.u32 v26, v54;
	v42 =	vld.idx.msk [tilespmem:v42+s16+$0x0], $0xffff  }
0x5db: {  	v8 =	vadd.s32 v14, v28;
	v41 =	vor.u32 v26, v59;
	v38 =	vor.u32 v58, v38;
	v43 =	vld.idx.msk [tilespmem:v43+s16+$0x0], $0xffff  }
0x5dc: {  	v45 =	vor.u32 v26, v8;
	v41 =	vor.u32 v58, v41;
	v44 =	vld.idx.msk [tilespmem:v44+s16+$0x0], $0xffff  }
0x5dd: {  	v12 =	vor.u32 v60, v45;
	v37 =	vld.idx.msk [tilespmem:v37+s16+$0x0], $0xffff;
	_ =	sdelay $0x1  }
0x5de: {  	v40 =	vld.idx.msk [tilespmem:v40+s16+$0x0], $0xffff  }
0x5df: {  	v38 =	vld.idx.msk [tilespmem:v38+s16+$0x0], $0xffff  }
0x5e0: {  	v41 =	vld.idx.msk [tilespmem:v41+s16+$0x0], $0xffff  }
0x5e1: {  	v39 =	vld.idx.msk [tilespmem:v12+s16+$0x0], $0xffff;
	v43 =	vsub.f32 v43, v42;
	v37 =	vsub.f32 v37, v44  }
0x5e2: {  	v15 =	vld [tilespmem:$0x1F7A0]  }
0x5e3: {  	v43 =	vmul.f32 v43, v52;
	v37 =	vmul.f32 v37, v52  }
0x5e4: {  	v40 =	vsub.f32 v40, v38  }
0x5e5: {  	v42 =	vadd.f32 v43, v42;
	v37 =	vadd.f32 v37, v44  }
0x5e6: {  	v16 =	vadd.s32 v13, v57;
	v39 =	vsub.f32 v39, v41  }
0x5e7: {  	v17 =	vadd.s32 v14, v57;
	v40 =	vmul.f32 v40, v15;
	v37 =	vsub.f32 v37, v42  }
0x5e8: {  	v19 =	vadd.s32 v13, v24;
	v20 =	vadd.s32 v14, v24;
	v39 =	vmul.f32 v39, v15  }
0x5e9: {  	v38 =	vadd.f32 v40, v38;
	v40 =	vor.u32 v18, v16;
	v37 =	vmul.f32 v37, v0  }
0x5ea: {  	v39 =	vadd.f32 v39, v41;
	v41 =	vor.u32 v18, v17;
	v40 =	vor.u32 v58, v40  }
0x5eb: {  	v41 =	vor.u32 v60, v41;
	v43 =	vor.u32 v18, v19;
	v37 =	vadd.f32 v37, v42  }
0x5ec: {  	v23 =	vld [tilespmem:$0x1F7B0];
	v44 =	vor.u32 v18, v20;
	v21 =	vor.u32 v58, v43  }
0x5ed: {  	v48 =	vld [tilespmem:$0x1F7C0];
	v22 =	vor.u32 v60, v44;
	[tilespmem:s17+$0x40] =	vst v37  }
0x5ee: {  	v52 =	vld [tilespmem:$0x1F7D0]  }
0x5ef: {  	v40 =	vld.idx.msk [tilespmem:v40+s16+$0x0], $0xffff  }
0x5f0: {  	v41 =	vld.idx.msk [tilespmem:v41+s16+$0x0], $0xffff  }
0x5f1: {  	v42 =	vld.idx.msk [tilespmem:v21+s16+$0x0], $0xffff  }
0x5f2: {  	v43 =	vld.idx.msk [tilespmem:v22+s16+$0x0], $0xffff;
	_ =	sdelay $0x1  }
0x5f3: {  	v25 =	vadd.s32 v23, v27;
	v49 =	vadd.s32 v48, v27;
	v39 =	vsub.f32 v39, v38;
	v54 =	vld [tilespmem:$0x1F7E0]  }
0x5f4: {  	v53 =	vadd.s32 v23, v28;
	v56 =	vadd.s32 v48, v28;
	v50 =	vor.u32 v26, v25  }
0x5f5: {  	v51 =	vor.u32 v26, v49;
	v45 =	vor.u32 v26, v53;
	v39 =	vmul.f32 v39, v0  }
0x5f6: {  	v37 =	vor.u32 v52, v50;
	v41 =	vsub.f32 v41, v40;
	v43 =	vsub.f32 v43, v42  }
0x5f7: {  	v59 =	vor.u32 v26, v56;
	v38 =	vadd.f32 v39, v38;
	v58 =	vor.u32 v52, v45  }
0x5f8: {  	v45 =	vor.u32 v54, v59;
	v41 =	vmul.f32 v41, v15;
	v43 =	vmul.f32 v43, v15  }
0x5f9: {  	v44 =	vor.u32 v54, v51  }
0x5fa: {  	[tilespmem:s6+$0x50] =	vst v38;
	v40 =	vadd.f32 v41, v40;
	v61 =	vadd.f32 v43, v42  }
0x5fb: {  	v37 =	vld.idx.msk [tilespmem:v37+s16+$0x0], $0xffff  }
0x5fc: {  	v2 =	vadd.s32 v23, v57;
	v39 =	vld.idx.msk [tilespmem:v58+s16+$0x0], $0xffff;
	v41 =	vsub.f32 v61, v40  }
0x5fd: {  	v8 =	vadd.s32 v48, v57;
	v10 =	vadd.s32 v23, v24;
	v43 =	vor.u32 v18, v2;
	v60 =	vld.idx.msk [tilespmem:v45+s16+$0x0], $0xffff  }
0x5fe: {  	v38 =	vld.idx.msk [tilespmem:v44+s16+$0x0], $0xffff;
	v44 =	vor.u32 v18, v8;
	v43 =	vor.u32 v52, v43;
	v41 =	vmul.f32 v41, v0  }
0x5ff: {  	v12 =	vadd.s32 v48, v24;
	v63 =	vld [tilespmem:$0x1F7F0];
	v45 =	vor.u32 v18, v10;
	v44 =	vor.u32 v54, v44  }
0x600: {  	v14 =	vor.u32 v18, v12;
	v13 =	vor.u32 v52, v45;
	v40 =	vadd.f32 v41, v40  }
0x601: {  	v16 =	vor.u32 v54, v14  }
0x602: {  	v62 =	vsub.f32 v60, v39;
	[tilespmem:s17+$0x50] =	vst v40  }
0x603: {  	v38 =	vsub.f32 v38, v37;
	v40 =	vld.idx.msk [tilespmem:v43+s16+$0x0], $0xffff  }
0x604: {  	v42 =	vmul.f32 v62, v63;
	v17 =	vld.idx.msk [tilespmem:v44+s16+$0x0], $0xffff  }
0x605: {  	v38 =	vmul.f32 v38, v63;
	v41 =	vld.idx.msk [tilespmem:v13+s16+$0x0], $0xffff  }
0x606: {  	v15 =	vadd.f32 v42, v39;
	v39 =	vld.idx.msk [tilespmem:v16+s16+$0x0], $0xffff  }
0x607: {  	v2 =	vld [tilespmem:$0x1F810];
	v37 =	vadd.f32 v38, v37;
	_ =	sdelay $0x1  }
0x608: {  	v20 =	vld [tilespmem:$0x1F820];
	v38 =	vsub.f32 v15, v37  }
0x609: {  	v23 =	vld [tilespmem:$0x1F830]  }
0x60a: {  	v38 =	vmul.f32 v38, v0;
	v42 =	vsub.f32 v17, v40;
	v39 =	vsub.f32 v39, v41  }
0x60b: {  	v25 =	vld [tilespmem:$0x1F840];
	v19 =	vadd.s32 v2, v27;
	v22 =	vadd.s32 v2, v28  }
0x60c: {  	v37 =	vadd.f32 v38, v37;
	v49 =	vmul.f32 v42, v63;
	v39 =	vmul.f32 v39, v63  }
0x60d: {  	v48 =	vadd.s32 v20, v28;
	v43 =	vor.u32 v26, v19;
	v44 =	vor.u32 v26, v22  }
0x60e: {  	v43 =	vor.u32 v23, v43;
	[tilespmem:s6+$0x60] =	vst v37;
	v37 =	vadd.f32 v49, v40;
	v39 =	vadd.f32 v39, v41  }
0x60f: {  	v21 =	vadd.s32 v20, v27;
	v45 =	vor.u32 v26, v48;
	v44 =	vor.u32 v23, v44  }
0x610: {  	v38 =	vor.u32 v26, v21;
	v45 =	vor.u32 v25, v45;
	v39 =	vsub.f32 v39, v37  }
0x611: {  	v52 =	vadd.s32 v2, v57;
	v38 =	vor.u32 v25, v38  }
0x612: {  	v53 =	vadd.s32 v20, v57;
	v41 =	vor.u32 v18, v52;
	v39 =	vmul.f32 v39, v0  }
0x613: {  	v41 =	vor.u32 v23, v41;
	v50 =	vld.idx.msk [tilespmem:v43+s16+$0x0], $0xffff;
	v43 =	vor.u32 v18, v53  }
0x614: {  	v51 =	vld.idx.msk [tilespmem:v44+s16+$0x0], $0xffff;
	v43 =	vor.u32 v25, v43;
	v37 =	vadd.f32 v39, v37  }
0x615: {  	v56 =	vadd.s32 v2, v24;
	v54 =	vld.idx.msk [tilespmem:v45+s16+$0x0], $0xffff  }
0x616: {  	v7 =	vadd.s32 v20, v24;
	v10 =	vor.u32 v18, v56;
	v38 =	vld.idx.msk [tilespmem:v38+s16+$0x0], $0xffff;
	[tilespmem:s17+$0x60] =	vst v37  }
0x617: {  	v7 =	vor.u32 v18, v7;
	v10 =	vor.u32 v23, v10;
	v60 =	vld [tilespmem:$0x1F8D0]  }
0x618: {  	v59 =	vor.u32 v25, v7;
	v63 =	vld.idx.msk [tilespmem:v41+s16+$0x0], $0xffff  }
0x619: {  	v16 =	vld.idx.msk [tilespmem:v43+s16+$0x0], $0xffff  }
0x61a: {  	v17 =	vld [tilespmem:$0x1F910]  }
0x61b: {  	v20 =	vld [tilespmem:$0x1F920]  }
0x61c: {  	v58 =	vsub.f32 v54, v51;
	v38 =	vsub.f32 v38, v50;
	v10 =	vld.idx.msk [tilespmem:v10+s16+$0x0], $0xffff  }
0x61d: {  	v1 =	vld.idx.msk [tilespmem:v59+s16+$0x0], $0xffff  }
0x61e: {  	v61 =	vmul.f32 v38, v60;
	v62 =	vmul.f32 v58, v60  }
0x61f: {  	v23 =	vld [tilespmem:$0x1F930];
	v19 =	vadd.s32 v17, v27  }
0x620: {  	v25 =	vld [tilespmem:$0x1F940];
	v21 =	vadd.s32 v20, v27;
	v7 =	vadd.f32 v61, v50;
	v37 =	vadd.f32 v62, v51  }
0x621: {  	v22 =	vadd.s32 v17, v28;
	v45 =	vadd.s32 v20, v28;
	v39 =	vsub.f32 v16, v63  }
0x622: {  	v1 =	vsub.f32 v1, v10;
	v40 =	vor.u32 v26, v19;
	v37 =	vsub.f32 v37, v7  }
0x623: {  	v41 =	vor.u32 v26, v21;
	v42 =	vor.u32 v26, v22;
	v39 =	vmul.f32 v39, v60  }
0x624: {  	v40 =	vor.u32 v23, v40;
	v1 =	vmul.f32 v1, v60;
	v37 =	vmul.f32 v37, v0  }
0x625: {  	v47 =	vor.u32 v26, v45;
	v41 =	vor.u32 v25, v41;
	v38 =	vadd.f32 v39, v63  }
0x626: {  	v46 =	vor.u32 v23, v42;
	v1 =	vadd.f32 v1, v10;
	v7 =	vadd.f32 v37, v7  }
0x627: {  	v42 =	vor.u32 v25, v47  }
0x628: {  	v49 =	vadd.s32 v17, v57;
	v1 =	vsub.f32 v1, v38;
	[tilespmem:s6+$0x70] =	vst v7  }
0x629: {  	v39 =	vor.u32 v18, v49;
	v7 =	vld.idx.msk [tilespmem:v40+s16+$0x0], $0xffff  }
0x62a: {  	v39 =	vor.u32 v23, v39;
	v1 =	vmul.f32 v1, v0;
	v48 =	vld.idx.msk [tilespmem:v41+s16+$0x0], $0xffff  }
0x62b: {  	v5 =	vadd.s32 v17, v24;
	v37 =	vld.idx.msk [tilespmem:v46+s16+$0x0], $0xffff  }
0x62c: {  	v5 =	vor.u32 v18, v5;
	v1 =	vadd.f32 v1, v38;
	v50 =	vld.idx.msk [tilespmem:v42+s16+$0x0], $0xffff  }
0x62d: {  	v51 =	vadd.s32 v20, v57;
	v5 =	vor.u32 v23, v5;
	v44 =	vld [tilespmem:$0x1F800]  }
0x62e: {  	v53 =	vadd.s32 v20, v24;
	v52 =	vor.u32 v18, v51;
	v56 =	vld [tilespmem:$0x1F9D0];
	[tilespmem:s17+$0x70] =	vst v1  }
0x62f: {  	v38 =	vor.u32 v25, v52;
	v41 =	vor.u32 v18, v53;
	v60 =	vld.idx.msk [tilespmem:v39+s16+$0x0], $0xffff  }
0x630: {  	v54 =	vor.u32 v25, v41;
	v15 =	vld [tilespmem:$0x1FA80]  }
0x631: {  	v16 =	vld [tilespmem:$0x1FA90];
	v10 =	vsub.f32 v48, v7;
	v40 =	vsub.f32 v50, v37  }
0x632: {  	v5 =	vld.idx.msk [tilespmem:v5+s16+$0x0], $0xffff;
	v35 =	vmul.f32 v35, v44  }
0x633: {  	v47 =	vld [tilespmem:$0x1FAA0];
	v10 =	vmul.f32 v10, v56;
	v58 =	vmul.f32 v40, v56  }
0x634: {  	v33 =	vadd.f32 v36, v33;
	v63 =	vld.idx.msk [tilespmem:v38+s16+$0x0], $0xffff;
	v34 =	vadd.f32 v35, v34  }
0x635: {  	v35 =	vld.idx.msk [tilespmem:v54+s16+$0x0], $0xffff;
	v7 =	vadd.f32 v10, v7;
	v62 =	vadd.f32 v58, v37  }
0x636: {  	v49 =	vld [tilespmem:$0x1FAB0];
	v45 =	vadd.s32 v15, v27;
	v46 =	vadd.s32 v16, v27;
	v59 =	vsub.f32 v34, v33  }
0x637: {  	v20 =	vld [tilespmem:$0x1F890];
	v48 =	vadd.s32 v15, v28;
	v50 =	vadd.s32 v16, v28;
	v10 =	vsub.f32 v62, v7  }
0x638: {  	v21 =	vld [tilespmem:$0x1F8A0];
	v38 =	vor.u32 v26, v45;
	v40 =	vor.u32 v26, v46;
	v1 =	vmul.f32 v59, v0  }
0x639: {  	v41 =	vor.u32 v26, v48;
	v36 =	vsub.f32 v63, v60;
	v10 =	vmul.f32 v10, v0  }
0x63a: {  	v38 =	vor.u32 v47, v38;
	v35 =	vsub.f32 v35, v5;
	v1 =	vadd.f32 v1, v33  }
0x63b: {  	v14 =	vld [tilespmem:$0x1F8B0];
	v40 =	vor.u32 v49, v40;
	v52 =	vor.u32 v47, v41;
	v7 =	vadd.f32 v10, v7  }
0x63c: {  	v54 =	vmul.f32 v36, v56;
	v35 =	vmul.f32 v35, v56;
	[tilespmem:s3+$0x10] =	vst v1;
	v10 =	vor.u32 v26, v50  }
0x63d: {  	v61 =	vadd.s32 v20, v11;
	v19 =	vadd.s32 v21, v11;
	v53 =	vor.u32 v49, v10;
	[tilespmem:s6+$0x400] =	vst v7  }
0x63e: {  	v23 =	vadd.s32 v20, v6;
	v10 =	vadd.f32 v54, v60;
	v5 =	vadd.f32 v35, v5;
	v13 =	vld [tilespmem:$0x1F8C0]  }
0x63f: {  	v22 =	vor.u32 v9, v61;
	v51 =	vor.u32 v9, v23;
	v61 =	vadd.s32 v15, v57;
	v38 =	vld.idx.msk [tilespmem:v38+s16+$0x0], $0xffff  }
0x640: {  	v25 =	vor.u32 v14, v22;
	v39 =	vor.u32 v18, v61;
	v59 =	vld.idx.msk [tilespmem:v40+s16+$0x0], $0xffff;
	v5 =	vsub.f32 v5, v10  }
0x641: {  	v63 =	vadd.s32 v15, v24;
	v62 =	vadd.s32 v16, v57;
	v1 =	vor.u32 v14, v51;
	v60 =	vld.idx.msk [tilespmem:v52+s16+$0x0], $0xffff  }
0x642: {  	v39 =	vor.u32 v47, v39;
	v40 =	vor.u32 v18, v62;
	v5 =	vmul.f32 v5, v0;
	v7 =	vld.idx.msk [tilespmem:v53+s16+$0x0], $0xffff  }
0x643: {  	v37 =	vor.u32 v9, v19;
	v41 =	vor.u32 v18, v63;
	v40 =	vor.u32 v49, v40  }
0x644: {  	v15 =	vor.u32 v47, v41;
	v56 =	vadd.s32 v21, v6;
	v5 =	vadd.f32 v5, v10  }
0x645: {  	v36 =	vor.u32 v9, v56;
	v33 =	vld.idx.msk [tilespmem:v25+s16+$0x0], $0xffff;
	v37 =	vor.u32 v13, v37  }
0x646: {  	v2 =	vadd.s32 v16, v24;
	v1 =	vld.idx.msk [tilespmem:v1+s16+$0x0], $0xffff;
	v58 =	vor.u32 v13, v36;
	[tilespmem:s15+$0x15980] =	vst v5  }
0x647: {  	v16 =	vor.u32 v18, v2;
	v17 =	vsub.f32 v59, v38;
	v19 =	vld.idx.msk [tilespmem:v39+s16+$0x0], $0xffff;
	v7 =	vsub.f32 v7, v60  }
0x648: {  	v41 =	vor.u32 v49, v16;
	v22 =	vld.idx.msk [tilespmem:v40+s16+$0x0], $0xffff  }
0x649: {  	v5 =	vmul.f32 v17, v44;
	v10 =	vld.idx.msk [tilespmem:v15+s16+$0x0], $0xffff;
	v7 =	vmul.f32 v7, v44  }
0x64a: {  	v37 =	vld.idx.msk [tilespmem:v37+s16+$0x0], $0xffff  }
0x64b: {  	v5 =	vadd.f32 v5, v38;
	v34 =	vld.idx.msk [tilespmem:v58+s16+$0x0], $0xffff;
	v7 =	vadd.f32 v7, v60  }
0x64c: {  	v48 =	vadd.s32 v20, v27;
	v61 =	vadd.s32 v21, v57;
	v63 =	vadd.s32 v21, v24;
	v43 =	vld [tilespmem:$0x1F8F0]  }
0x64d: {  	v50 =	vadd.s32 v20, v28;
	v49 =	vadd.s32 v21, v27;
	v23 =	vld.idx.msk [tilespmem:v41+s16+$0x0], $0xffff;
	v7 =	vsub.f32 v7, v5  }
0x64e: {  	v51 =	vadd.s32 v21, v28;
	v62 =	vadd.s32 v20, v24;
	v15 =	vld [tilespmem:$0x1F990];
	v40 =	vor.u32 v26, v49  }
0x64f: {  	v41 =	vor.u32 v26, v51;
	v40 =	vor.u32 v13, v40;
	v7 =	vmul.f32 v7, v0  }
0x650: {  	v12 =	vld [tilespmem:$0x1F9A0];
	v41 =	vor.u32 v13, v41;
	v37 =	vsub.f32 v37, v33;
	v34 =	vsub.f32 v34, v1  }
0x651: {  	v38 =	vor.u32 v26, v48;
	v39 =	vsub.f32 v22, v19;
	v5 =	vadd.f32 v7, v5  }
0x652: {  	v36 =	vsub.f32 v23, v10;
	v37 =	vmul.f32 v37, v43;
	v34 =	vmul.f32 v34, v43  }
0x653: {  	v38 =	vor.u32 v14, v38;
	v25 =	vadd.s32 v15, v11;
	v39 =	vmul.f32 v39, v44;
	[tilespmem:s6+$0x410] =	vst v5  }
0x654: {  	v36 =	vmul.f32 v36, v44;
	v33 =	vadd.f32 v37, v33;
	v1 =	vadd.f32 v34, v1;
	v56 =	vld [tilespmem:$0x1F9C0]  }
0x655: {  	v45 =	vadd.s32 v12, v11;
	v35 =	vadd.f32 v39, v19;
	v7 =	vor.u32 v26, v50  }
0x656: {  	v10 =	vadd.f32 v36, v10;
	v7 =	vor.u32 v14, v7;
	v1 =	vsub.f32 v1, v33;
	v54 =	vld [tilespmem:$0x1F9B0]  }
0x657: {  	v52 =	vadd.s32 v15, v6;
	v60 =	vadd.s32 v20, v57;
	v46 =	vor.u32 v9, v25  }
0x658: {  	v47 =	vor.u32 v9, v45;
	v10 =	vsub.f32 v10, v35;
	v38 =	vld.idx.msk [tilespmem:v38+s16+$0x0], $0xffff;
	v1 =	vmul.f32 v1, v0  }
0x659: {  	v39 =	vor.u32 v9, v52;
	v59 =	vld.idx.msk [tilespmem:v40+s16+$0x0], $0xffff;
	v40 =	vor.u32 v18, v61;
	v37 =	vor.u32 v56, v47  }
0x65a: {  	v10 =	vmul.f32 v10, v0;
	v41 =	vld.idx.msk [tilespmem:v41+s16+$0x0], $0xffff;
	v40 =	vor.u32 v13, v40;
	v1 =	vadd.f32 v1, v33  }
0x65b: {  	v7 =	vld.idx.msk [tilespmem:v7+s16+$0x0], $0xffff;
	v34 =	vor.u32 v54, v46;
	v58 =	vor.u32 v54, v39;
	v39 =	vor.u32 v18, v60  }
0x65c: {  	v10 =	vadd.f32 v10, v35;
	[tilespmem:s3+$0x20] =	vst v1;
	v39 =	vor.u32 v14, v39;
	v1 =	vor.u32 v18, v62  }
0x65d: {  	v16 =	vor.u32 v18, v63;
	v1 =	vor.u32 v14, v1  }
0x65e: {  	[tilespmem:s14+$0x10] =	vst v10;
	v14 =	vld.idx.msk [tilespmem:v37+s16+$0x0], $0xffff;
	v37 =	vor.u32 v13, v16  }
0x65f: {  	v40 =	vld.idx.msk [tilespmem:v40+s16+$0x0], $0xffff  }
0x660: {  	v17 =	vsub.f32 v59, v38;
	v19 =	vsub.f32 v41, v7;
	v34 =	vld.idx.msk [tilespmem:v34+s16+$0x0], $0xffff  }
0x661: {  	v39 =	vld.idx.msk [tilespmem:v39+s16+$0x0], $0xffff  }
0x662: {  	v10 =	vmul.f32 v17, v43;
	v36 =	vmul.f32 v19, v43;
	v1 =	vld.idx.msk [tilespmem:v1+s16+$0x0], $0xffff  }
0x663: {  	v20 =	vld.idx.msk [tilespmem:v37+s16+$0x0], $0xffff  }
0x664: {  	v41 =	vld [tilespmem:$0x1F9F0];
	v10 =	vadd.f32 v10, v38;
	v7 =	vadd.f32 v36, v7  }
0x665: {  	v53 =	vadd.s32 v12, v6;
	v22 =	vadd.s32 v15, v27;
	v23 =	vadd.s32 v12, v27  }
0x666: {  	v42 =	vadd.s32 v12, v28;
	v5 =	vor.u32 v9, v53;
	v7 =	vsub.f32 v7, v10  }
0x667: {  	v44 =	vor.u32 v26, v42;
	v5 =	vor.u32 v56, v5;
	v35 =	vsub.f32 v14, v34  }
0x668: {  	v7 =	vmul.f32 v7, v0;
	v21 =	vsub.f32 v40, v39;
	v36 =	vsub.f32 v20, v1  }
0x669: {  	v25 =	vadd.s32 v15, v28;
	v45 =	vor.u32 v56, v44;
	v35 =	vmul.f32 v35, v41  }
0x66a: {  	v7 =	vadd.f32 v7, v10;
	v37 =	vmul.f32 v21, v43;
	v36 =	vmul.f32 v36, v43  }
0x66b: {  	v33 =	vld.idx.msk [tilespmem:v58+s16+$0x0], $0xffff;
	v10 =	vor.u32 v26, v23;
	v34 =	vadd.f32 v35, v34;
	v35 =	vor.u32 v26, v22  }
0x66c: {  	v5 =	vld.idx.msk [tilespmem:v5+s16+$0x0], $0xffff;
	v10 =	vor.u32 v56, v10;
	v37 =	vadd.f32 v37, v39;
	v1 =	vadd.f32 v36, v1  }
0x66d: {  	v38 =	vor.u32 v26, v25;
	v35 =	vor.u32 v54, v35  }
0x66e: {  	v46 =	vadd.s32 v15, v57;
	v43 =	vor.u32 v54, v38;
	v1 =	vsub.f32 v1, v37  }
0x66f: {  	v48 =	vadd.s32 v15, v24;
	v47 =	vadd.s32 v12, v57;
	[tilespmem:s6+$0x420] =	vst v7;
	v7 =	vor.u32 v18, v46  }
0x670: {  	v7 =	vor.u32 v54, v7;
	v51 =	vld.idx.msk [tilespmem:v45+s16+$0x0], $0xffff;
	v38 =	vor.u32 v18, v47;
	v1 =	vmul.f32 v1, v0  }
0x671: {  	v5 =	vsub.f32 v5, v33;
	v21 =	vor.u32 v18, v48;
	v38 =	vor.u32 v56, v38;
	v10 =	vld.idx.msk [tilespmem:v10+s16+$0x0], $0xffff  }
0x672: {  	v50 =	vor.u32 v54, v21;
	v35 =	vld.idx.msk [tilespmem:v35+s16+$0x0], $0xffff;
	v1 =	vadd.f32 v1, v37  }
0x673: {  	v49 =	vadd.s32 v12, v24;
	v5 =	vmul.f32 v5, v41;
	v36 =	vld.idx.msk [tilespmem:v43+s16+$0x0], $0xffff  }
0x674: {  	v20 =	vor.u32 v18, v49;
	v37 =	vld [tilespmem:$0x1F6E0];
	[tilespmem:s14+$0x20] =	vst v1  }
0x675: {  	v5 =	vadd.f32 v5, v33;
	v52 =	vor.u32 v56, v20;
	v7 =	vld.idx.msk [tilespmem:v7+s16+$0x0], $0xffff  }
0x676: {  	v60 =	vld.idx.msk [tilespmem:v38+s16+$0x0], $0xffff  }
0x677: {  	v56 =	vsub.f32 v5, v34;
	v15 =	vld.idx.msk [tilespmem:v50+s16+$0x0], $0xffff  }
0x678: {  	v10 =	vsub.f32 v10, v35;
	v21 =	vsub.f32 v51, v36;
	v61 =	vld [tilespmem:$0x1FAC0]  }
0x679: {  	v31 =	vsub.f32 v31, v29;
	v32 =	vsub.f32 v32, v30;
	v1 =	vmul.f32 v56, v0;
	v63 =	vld [tilespmem:$0x1FAD0]  }
0x67a: {  	v10 =	vmul.f32 v10, v41;
	v16 =	vld.idx.msk [tilespmem:v52+s16+$0x0], $0xffff;
	v21 =	vmul.f32 v21, v41  }
0x67b: {  	v1 =	vadd.f32 v1, v34;
	v53 =	vmul.f32 v31, v37;
	v54 =	vmul.f32 v32, v37  }
0x67c: {  	v39 =	vld [tilespmem:$0x1FAE0];
	v10 =	vadd.f32 v10, v35;
	v21 =	vadd.f32 v21, v36  }
0x67d: {  	v40 =	vld [tilespmem:$0x1FAF0];
	v58 =	vadd.f32 v53, v29;
	v59 =	vadd.f32 v54, v30  }
0x67e: {  	v62 =	vadd.s32 v61, v11;
	v19 =	vadd.s32 v63, v11;
	v25 =	vadd.s32 v61, v6  }
0x67f: {  	v38 =	vadd.s32 v63, v6;
	v29 =	vsub.f32 v60, v7;
	v16 =	vsub.f32 v16, v15  }
0x680: {  	v21 =	vsub.f32 v21, v10;
	v42 =	vadd.s32 v61, v27;
	v30 =	vor.u32 v9, v62  }
0x681: {  	v43 =	vadd.s32 v63, v27;
	v31 =	vor.u32 v9, v19;
	v30 =	vor.u32 v39, v30  }
0x682: {  	v44 =	vadd.s32 v61, v28;
	v32 =	vor.u32 v9, v25;
	v31 =	vor.u32 v40, v31  }
0x683: {  	v46 =	vadd.s32 v63, v28;
	v33 =	vor.u32 v9, v38;
	v32 =	vor.u32 v39, v32  }
0x684: {  	v51 =	vmovc v24;
	v49 =	vadd.s32 v61, v57;
	v53 =	vadd.s32 v63, v57;
	v33 =	vor.u32 v40, v33  }
0x685: {  	[tilespmem:s3+$0x30] =	vst v1;
	v23 =	vadd.s32 v63, v51;
	v20 =	vsub.f32 v59, v58;
	v21 =	vmul.f32 v21, v0  }
0x686: {  	v34 =	vor.u32 v26, v42;
	v29 =	vmul.f32 v29, v41;
	v16 =	vmul.f32 v16, v41;
	v30 =	vld.idx.msk [tilespmem:v30+s16+$0x0], $0xffff  }
0x687: {  	v25 =	vadd.s32 v61, v24;
	v47 =	vor.u32 v39, v34;
	v45 =	vadd.f32 v21, v10;
	v31 =	vld.idx.msk [tilespmem:v31+s16+$0x0], $0xffff  }
0x688: {  	v7 =	vadd.f32 v29, v7;
	v29 =	vor.u32 v26, v43;
	v15 =	vadd.f32 v16, v15;
	v32 =	vld.idx.msk [tilespmem:v32+s16+$0x0], $0xffff  }
0x689: {  	v16 =	vor.u32 v26, v44;
	v29 =	vor.u32 v40, v29;
	[tilespmem:s6+$0x430] =	vst v45;
	v48 =	vld.idx.msk [tilespmem:v33+s16+$0x0], $0xffff  }
0x68a: {  	v23 =	vor.u32 v18, v23;
	v10 =	vor.u32 v26, v46;
	v16 =	vor.u32 v39, v16;
	v13 =	vld [tilespmem:$0x1FA50]  }
0x68b: {  	v25 =	vor.u32 v18, v25;
	v10 =	vor.u32 v40, v10;
	v15 =	vsub.f32 v15, v7;
	v19 =	vld [tilespmem:$0x1FA70]  }
0x68c: {  	v20 =	vmul.f32 v20, v0;
	v52 =	vor.u32 v39, v25;
	v21 =	vor.u32 v18, v49  }
0x68d: {  	v25 =	vor.u32 v18, v53;
	v21 =	vor.u32 v39, v21;
	v1 =	vld.idx.msk [tilespmem:v47+s16+$0x0], $0xffff;
	v15 =	vmul.f32 v15, v0  }
0x68e: {  	v22 =	vor.u32 v40, v23;
	v25 =	vor.u32 v40, v25;
	v29 =	vld.idx.msk [tilespmem:v29+s16+$0x0], $0xffff  }
0x68f: {  	v5 =	vadd.f32 v20, v58;
	v7 =	vadd.f32 v15, v7;
	v16 =	vld.idx.msk [tilespmem:v16+s16+$0x0], $0xffff;
	v50 =	vadd.s32 v13, v4  }
0x690: {  	v10 =	vld.idx.msk [tilespmem:v10+s16+$0x0], $0xffff;
	v54 =	vadd.s32 v19, v4;
	v31 =	vsub.f32 v31, v30;
	v20 =	vsub.f32 v48, v32  }
0x691: {  	v56 =	vadd.s32 v13, v3;
	[tilespmem:s14+$0x30] =	vst v7;
	v58 =	vadd.s32 v19, v3;
	v33 =	vadd.s32 v19, v6  }
0x692: {  	v42 =	vadd.s32 v13, v27;
	v44 =	vadd.s32 v19, v27;
	v45 =	vadd.s32 v13, v28;
	v21 =	vld.idx.msk [tilespmem:v21+s16+$0x0], $0xffff  }
0x693: {  	v46 =	vadd.s32 v19, v28;
	v15 =	vor.u32 v55, v50;
	v4 =	vor.u32 v55, v54;
	v63 =	vld.idx.msk [tilespmem:v25+s16+$0x0], $0xffff  }
0x694: {  	v23 =	vor.u32 v55, v56;
	v60 =	vor.u32 v55, v58;
	v17 =	vld [tilespmem:$0x1FA60];
	v59 =	vmul.f32 v31, v37  }
0x695: {  	v24 =	vld.idx.msk [tilespmem:v52+s16+$0x0], $0xffff;
	v20 =	vmul.f32 v20, v37;
	v31 =	vadd.s32 v19, v11;
	v29 =	vsub.f32 v29, v1  }
0x696: {  	v22 =	vld.idx.msk [tilespmem:v22+s16+$0x0], $0xffff;
	v10 =	vsub.f32 v10, v16;
	v8 =	vor.u32 v9, v31;
	v61 =	vadd.f32 v59, v30  }
0x697: {  	v62 =	vadd.f32 v20, v32;
	v30 =	vadd.s32 v13, v11;
	v32 =	vadd.s32 v13, v6  }
0x698: {  	v6 =	vor.u32 v9, v33;
	v29 =	vmul.f32 v29, v37;
	v10 =	vmul.f32 v10, v37  }
0x699: {  	v34 =	vor.u32 v9, v32;
	v4 =	vor.u32 v17, v4;
	v7 =	vsub.f32 v62, v61  }
0x69a: {  	v2 =	vor.u32 v17, v60;
	v1 =	vadd.f32 v29, v1;
	v10 =	vadd.f32 v10, v16  }
0x69b: {  	v20 =	vsub.f32 v63, v21;
	v39 =	vsub.f32 v22, v24;
	v8 =	vor.u32 v17, v8;
	v29 =	vld [tilespmem:$0x1FA40]  }
0x69c: {  	v6 =	vor.u32 v17, v6;
	v7 =	vmul.f32 v7, v0;
	v10 =	vsub.f32 v10, v1  }
0x69d: {  	v22 =	vor.u32 v26, v46;
	v36 =	vmul.f32 v20, v37;
	v20 =	vor.u32 v26, v44  }
0x69e: {  	[tilespmem:s0+$0x440] =	vst v5;
	v20 =	vor.u32 v17, v20;
	v3 =	vadd.f32 v7, v61;
	v35 =	vmul.f32 v10, v0  }
0x69f: {  	v16 =	vor.u32 v9, v30;
	v22 =	vor.u32 v17, v22;
	v9 =	vmul.f32 v39, v37;
	v4 =	vld.idx.msk [tilespmem:v4+s16+$0x0], $0xffff  }
0x6a0: {  	v2 =	vld.idx.msk [tilespmem:v2+s16+$0x0], $0xffff;
	v15 =	vor.u32 v29, v15;
	[tilespmem:s3+$0x40] =	vst v3;
	v1 =	vadd.f32 v35, v1  }
0x6a1: {  	v40 =	vadd.f32 v36, v21;
	v9 =	vadd.f32 v9, v24;
	v23 =	vor.u32 v29, v23;
	v8 =	vld.idx.msk [tilespmem:v8+s16+$0x0], $0xffff  }
0x6a2: {  	v48 =	vmov v18;
	v49 =	vadd.s32 v19, v57;
	v38 =	vor.u32 v29, v16;
	v6 =	vld.idx.msk [tilespmem:v6+s16+$0x0], $0xffff;
	[tilespmem:s6+$0x440] =	vst v1  }
0x6a3: {  	v21 =	vor.u32 v26, v45;
	v5 =	vor.u32 v29, v34;
	v9 =	vsub.f32 v9, v40;
	v52 =	vld.idx.msk [tilespmem:v20+s16+$0x0], $0xffff  }
0x6a4: {  	v47 =	vadd.s32 v13, v57;
	v18 =	vor.u32 v48, v49;
	v21 =	vor.u32 v29, v21;
	v54 =	vld.idx.msk [tilespmem:v22+s16+$0x0], $0xffff  }
0x6a5: {  	v13 =	vadd.s32 v13, v51;
	v18 =	vor.u32 v17, v18;
	v9 =	vmul.f32 v9, v0;
	v41 =	vld.idx.msk [tilespmem:v15+s16+$0x0], $0xffff  }
0x6a6: {  	v14 =	vadd.s32 v19, v51;
	v13 =	vor.u32 v48, v13;
	v43 =	vld.idx.msk [tilespmem:v23+s16+$0x0], $0xffff  }
0x6a7: {  	v51 =	vor.u32 v29, v13;
	v1 =	vor.u32 v48, v47;
	v7 =	vadd.f32 v9, v40;
	v3 =	vld.idx.msk [tilespmem:v38+s16+$0x0], $0xffff  }
0x6a8: {  	v1 =	vor.u32 v29, v1;
	v15 =	vor.u32 v26, v42;
	v5 =	vld.idx.msk [tilespmem:v5+s16+$0x0], $0xffff  }
0x6a9: {  	v50 =	vor.u32 v48, v14;
	v53 =	vld.idx.msk [tilespmem:v21+s16+$0x0], $0xffff;
	v15 =	vor.u32 v29, v15;
	[tilespmem:s14+$0x40] =	vst v7  }
0x6aa: {  	v9 =	vor.u32 v17, v50;
	v55 =	vld.idx.msk [tilespmem:v18+s16+$0x0], $0xffff  }
0x6ab: {  	v56 =	vld [tilespmem:$0x1F6F0]  }
0x6ac: {  	v11 =	vld.idx.msk [tilespmem:v51+s16+$0x0], $0xffff  }
0x6ad: {  	v1 =	vld.idx.msk [tilespmem:v1+s16+$0x0], $0xffff  }
0x6ae: {  	v4 =	vsub.f32 v4, v41;
	v2 =	vsub.f32 v2, v43;
	v15 =	vld.idx.msk [tilespmem:v15+s16+$0x0], $0xffff  }
0x6af: {  	v9 =	vld.idx.msk [tilespmem:v9+s16+$0x0], $0xffff;
	v8 =	vsub.f32 v8, v3  }
0x6b0: {  	v6 =	vsub.f32 v6, v5;
	v4 =	vmul.f32 v4, v56;
	v2 =	vmul.f32 v2, v56  }
0x6b1: {  	v7 =	vsub.f32 v54, v53;
	v8 =	vmul.f32 v8, v56  }
0x6b2: {  	v6 =	vmul.f32 v6, v56;
	v4 =	vadd.f32 v4, v41;
	v2 =	vadd.f32 v2, v43  }
0x6b3: {  	v7 =	vmul.f32 v7, v56;
	v58 =	vsub.f32 v55, v1;
	v57 =	vsub.f32 v52, v15  }
0x6b4: {  	v9 =	vsub.f32 v9, v11;
	v3 =	vadd.f32 v8, v3  }
0x6b5: {  	v5 =	vadd.f32 v6, v5;
	v7 =	vadd.f32 v7, v53;
	v10 =	vmul.f32 v57, v56  }
0x6b6: {  	v59 =	vmul.f32 v58, v56;
	v9 =	vmul.f32 v9, v56;
	v2 =	vsub.f32 v2, v4  }
0x6b7: {  	v5 =	vsub.f32 v5, v3;
	v60 =	vadd.f32 v10, v15  }
0x6b8: {  	v1 =	vadd.f32 v59, v1;
	v61 =	vadd.f32 v9, v11  }
0x6b9: {  	v2 =	vmul.f32 v2, v0;
	v7 =	vsub.f32 v7, v60  }
0x6ba: {  	v5 =	vmul.f32 v5, v0;
	v6 =	vsub.f32 v61, v1  }
0x6bb: {  	s28 =	sadd.s32 $0x1, s28;
	v2 =	vadd.f32 v2, v4;
	v62 =	vmul.f32 v7, v0  }
0x6bc: {  	p0 =	sne.s32 s28, $0x1C;
	v3 =	vadd.f32 v5, v3;
	v0 =	vmul.f32 v6, v0  }
.Ltmp2:
0x6bd: {  	[tilespmem:s0+$0x450] =	vst v2;
	v63 =	vadd.f32 v62, v60;
	(pc) =	sbr.rel @p0 .LBB2_2-.Ltmp2, $4  }
0x6be: {  	s31 =	smul.u32 $0x600, s29;
	[tilespmem:s3+$0x50] =	vst v3;
	v0 =	vadd.f32 v0, v1  }
0x6bf: {  	[tilespmem:s6+$0x450] =	vst v63  }
0x6c0: {  	s0 =	sadd.s32 s4, s31;
	[tilespmem:s14+$0x50] =	vst v0  }
0x6c1: {  	[hbm4b:s0+s5] =	stream.linear.scatter [tilespmem:s23], [sflag:$0x4], $0x3000, $0x38;
	[tilespmem:$0x18580] =	vst v63  }
0x6c2: {  	s26 =	sadd.s32 $0x1, s26  }
0x6c3: {  	_ =	swait.ge [sflag:s24], $0x3000;
	p0 =	sne.s32 s26, s12  }
.Ltmp3:
0x6c4: {  	[sflag:s24] =	ssyncset.done $0x0;
	(pc) =	sbr.rel @p0 .LBB2_1-.Ltmp3, $4  }
0x6c5: {  	[sflag:s24] =	ssyncadd.s32 $0xFFFFD000  }
0x6c6: {  	_ =	swait.ge [sflag:s25], $0x3000  }
0x6c7: {  	[sflag:s25] =	ssyncset.done $0x0  }
0x6c8: {  	[sflag:s25] =	ssyncadd.s32 $0xFFFFD000  }
0x6c9: {  	_ =	sfence.sel $0x180000  }
0x6ca: {  	[bflag:$0x0] =	sbarrier.arrive $0xFFFF  }
0x6cb: {  	_ =	strace $0x90000047  }
0x6cc: {  	s0 =	stileid.u32;
	[bflag:$0x2] =	sbarrier.arrive $0xFFFF  }
0x6cd: {  	p0 =	sne.s32 s0, $0x0;
	s0 =	rddreg [dreg:$0x3]  }
0x6ce: {  	s0 =	sadd.s32 @!p0 $0x100000, s0  }
0x6cf: {  	[sflag:s0] =	ssyncadd.tile.s32 @!p0 $0x1;
	_ =	shalt  }
.Lfunc_end2:
_tile_overlayer_lowered:
.L_overlay_start_2:
0x6d0: {  	(tag) =	ssettag $0x2  }
0x6d1: {  	s0 =	rddreg [dreg:$0x0];
	s2 =	stileid.u32  }
0x6d2: {  	s1 =	rddreg [dreg:$0x1];
	p0 =	sne.s32 s2, $0x0  }
0x6d3: {  	s3 =	rddreg [dreg:$0x2];
	[bflag:$0x3] =	sbarrier.arrive $0xFFFF;
	s2 =	simm.s32 @!p0 $0x1C05  }
0x6d4: {  	[timem:s3], [sflag:s2] =	dma.local @!p0 [hbm:s0], s1  }
0x6d5: {  	s0 =	simm.s32 @!p0 $0x5  }
0x6d6: {  	_ =	swait.ge @!p0 [sflag:s0], s1  }
0x6d7: {  	s1 =	ssub.s32 @!p0 $0x0, s1;
	[sflag:s0] =	ssyncset.done @!p0 $0x0  }
0x6d8: {  	[sflag:s0] =	ssyncadd.s32 @!p0 s1  }
0x6d9: {  	[bflag:$0x3] =	sbarrier.arrive $0xFFFF  }
0x6da: {  	_ =	shalt  }

</sc_bundles>
